<compile_context>
chip_gen: v7x
topology: tpu7x:2x2x1
jax: 0.10.2.dev20260603
libtpu: 0.0.44.dev20260713+nightly
codegen_flags: <defaults>
</compile_context>

<pallas_src>
import functools

import jax
import jax.numpy as jnp
from jax import lax
from jax.experimental import pallas as pl
from jax.experimental.pallas import tpu as pltpu
from jax.experimental.pallas import tpu_sc as plsc

EMB = 128
N = 10000
NB = 512000
NU = 100000
NE = NB // 2

CHUNK = 128
GB = 256
H = 131072
NU_P = 102400
NPAD = 10240

_vector_mesh = plsc.VectorSubcoreMesh(
    core_axis_name="core", subcore_axis_name="subcore")


def _sc_gather(table, idx2d):
    m = idx2d.shape[1]

    @functools.partial(
        pl.kernel,
        out_type=jax.ShapeDtypeStruct((m, EMB), jnp.float32),
        mesh=_vector_mesh,
        scratch_types=[pltpu.SemaphoreType.DMA,
                       pltpu.VMEM_SHARED((N, EMB), jnp.float32),
                       pltpu.VMEM((64, EMB), jnp.float32)],
    )
    def k(x_hbm, i_hbm, o_hbm, sem, table_sp, stage):
        sid = lax.axis_index("subcore")
        nfull = N // 64

        @pl.loop(0, 10)
        def _(j):
            c = sid + j * 16

            @pl.when(c < nfull)
            def _():
                off = pl.multiple_of(c * 64, 64)
                pltpu.sync_copy(x_hbm.at[pl.ds(off, 64)], stage)
                pltpu.sync_copy(stage, table_sp.at[pl.ds(off, 64)])

        @pl.when(sid == 15)
        def _():
            tail = nfull * 64
            pltpu.sync_copy(x_hbm.at[pl.ds(tail, N - tail)],
                            stage.at[pl.ds(0, N - tail)])
            pltpu.sync_copy(stage.at[pl.ds(0, N - tail)],
                            table_sp.at[pl.ds(tail, N - tail)])

        plsc.subcore_barrier()

        def body(i_vmem, o_vmem):
            pltpu.async_copy(table_sp.at[i_vmem.at[0]], o_vmem, sem).wait()

        pltpu.emit_pipeline(
            body,
            grid=(m // CHUNK,),
            in_specs=[pl.BlockSpec((1, CHUNK), index_map=lambda i: (0, i))],
            out_specs=[pl.BlockSpec((CHUNK, EMB), index_map=lambda i: (i, 0))],
            core_axis_name=("core", "subcore"),
            dimension_semantics=(pltpu.PARALLEL,),
        )(i_hbm, o_hbm)

    return k(table, idx2d)


def _sc_scatter_add(streams, zeros_init):
    nstream = len(streams)

    @functools.partial(
        pl.kernel,
        out_type=jax.ShapeDtypeStruct((2, NPAD, EMB), jnp.float32),
        mesh=_vector_mesh,
        scratch_types=[pltpu.VMEM_SHARED((NPAD, EMB), jnp.float32)],
    )
    def k(*args):
        refs = args[:2 * nstream]
        z_hbm = args[2 * nstream]
        out_hbm = args[2 * nstream + 1]
        acc = args[2 * nstream + 2]
        cid = lax.axis_index("core")
        sid = lax.axis_index("subcore")

        @pl.when(sid == 0)
        def _():
            pltpu.sync_copy(z_hbm, acc)

        plsc.subcore_barrier()

        def body(m_vmem, i_vmem):
            pltpu.sync_copy(m_vmem, acc.at[i_vmem.at[0]], add=True)

        for s in range(nstream):
            m_hbm, i_hbm = refs[s], refs[nstream + s]
            pltpu.emit_pipeline(
                body,
                grid=(m_hbm.shape[0] // CHUNK,),
                in_specs=[
                    pl.BlockSpec((CHUNK, EMB), index_map=lambda i: (i, 0)),
                    pl.BlockSpec((1, CHUNK), index_map=lambda i: (0, i)),
                ],
                out_specs=[],
                core_axis_name=("core", "subcore"),
                dimension_semantics=(pltpu.PARALLEL,),
            )(m_hbm, i_hbm)

        plsc.subcore_barrier()

        @pl.when(sid == 0)
        def _():
            pltpu.sync_copy(acc, out_hbm.at[cid])

    msgs = [s[0] for s in streams]
    idxs = [s[1] for s in streams]
    return k(*msgs, *idxs, zeros_init)


def _tc_binary_msgs(g, ebase, obase, w1a, w1b, b1, w2, b2, blk=2048):
    nblk = H // blk
    eb, ob = ebase // blk, obase // blk

    def body(ge_ref, go_ref, w1a_ref, w1b_ref, b1_ref, w2_ref, b2_ref,
             me_ref, mo_ref):
        ge = ge_ref[...]
        go = go_ref[...]
        h = jnp.dot(ge.astype(jnp.bfloat16), w1a_ref[...],
                    preferred_element_type=jnp.float32)
        h += jnp.dot(go.astype(jnp.bfloat16), w1b_ref[...],
                     preferred_element_type=jnp.float32)
        h = jnp.maximum(h + b1_ref[...], 0.0).astype(jnp.bfloat16)
        y = jnp.dot(h, w2_ref[...], preferred_element_type=jnp.float32)
        y += b2_ref[...]
        me_ref[...] = ge + y[:, :EMB]
        mo_ref[...] = go + y[:, EMB:]

    out_shape = [jax.ShapeDtypeStruct((H, EMB), jnp.float32)] * 2
    return pl.pallas_call(
        body,
        grid=(nblk,),
        in_specs=[
            pl.BlockSpec((blk, EMB), lambda i, b=eb: (i + b, 0)),
            pl.BlockSpec((blk, EMB), lambda i, b=ob: (i + b, 0)),
            pl.BlockSpec((EMB, 2 * EMB), lambda i: (0, 0)),
            pl.BlockSpec((EMB, 2 * EMB), lambda i: (0, 0)),
            pl.BlockSpec((1, 2 * EMB), lambda i: (0, 0)),
            pl.BlockSpec((2 * EMB, 2 * EMB), lambda i: (0, 0)),
            pl.BlockSpec((1, 2 * EMB), lambda i: (0, 0)),
        ],
        out_specs=[
            pl.BlockSpec((blk, EMB), lambda i: (i, 0)),
            pl.BlockSpec((blk, EMB), lambda i: (i, 0)),
        ],
        out_shape=out_shape,
    )(g, g, w1a, w1b, b1, w2, b2)


def _tc_unary_msgs(g, w1, b1, w2, b2, blk=2048):
    nblk = NU_P // blk

    def body(gu_ref, w1_ref, b1_ref, w2_ref, b2_ref, mu_ref):
        gu = gu_ref[...]
        h = jnp.dot(gu.astype(jnp.bfloat16), w1_ref[...],
                    preferred_element_type=jnp.float32)
        h = jnp.maximum(h + b1_ref[...], 0.0).astype(jnp.bfloat16)
        y = jnp.dot(h, w2_ref[...], preferred_element_type=jnp.float32)
        mu_ref[...] = gu + y + b2_ref[...]

    return pl.pallas_call(
        body,
        grid=(nblk,),
        in_specs=[
            pl.BlockSpec((blk, EMB), lambda i: (i, 0)),
            pl.BlockSpec((EMB, EMB), lambda i: (0, 0)),
            pl.BlockSpec((1, EMB), lambda i: (0, 0)),
            pl.BlockSpec((EMB, EMB), lambda i: (0, 0)),
            pl.BlockSpec((1, EMB), lambda i: (0, 0)),
        ],
        out_specs=pl.BlockSpec((blk, EMB), lambda i: (i, 0)),
        out_shape=jax.ShapeDtypeStruct((NU_P, EMB), jnp.float32),
    )(g, w1, b1, w2, b2)


def _tc_update(p1, p2, p3, node_emb, w1, b1, w2, b2, blk=1000):
    nblk = N // blk

    def body(a0, a1, b0, b1r, c0, c1, emb_ref, w1_ref, b1_ref, w2_ref,
             b2_ref, o_ref):
        s = a0[0] + a1[0] + b0[0] + b1r[0] + c0[0] + c1[0]
        x = jnp.concatenate([s, emb_ref[...]], axis=1).astype(jnp.bfloat16)
        h = jnp.dot(x, w1_ref[...], preferred_element_type=jnp.float32)
        h = jnp.maximum(h + b1_ref[...], 0.0).astype(jnp.bfloat16)
        y = jnp.dot(h, w2_ref[...], preferred_element_type=jnp.float32)
        o_ref[...] = y + b2_ref[...]

    part_spec0 = pl.BlockSpec((1, blk, EMB), lambda i: (0, i, 0))
    part_spec1 = pl.BlockSpec((1, blk, EMB), lambda i: (1, i, 0))
    return pl.pallas_call(
        body,
        grid=(nblk,),
        in_specs=[
            part_spec0, part_spec1,
            part_spec0, part_spec1,
            part_spec0, part_spec1,
            pl.BlockSpec((blk, EMB), lambda i: (i, 0)),
            pl.BlockSpec((2 * EMB, 2 * EMB), lambda i: (0, 0)),
            pl.BlockSpec((1, 2 * EMB), lambda i: (0, 0)),
            pl.BlockSpec((2 * EMB, EMB), lambda i: (0, 0)),
            pl.BlockSpec((1, EMB), lambda i: (0, 0)),
        ],
        out_specs=pl.BlockSpec((blk, EMB), lambda i: (i, 0)),
        out_shape=jax.ShapeDtypeStruct((N, EMB), jnp.float32),
    )(p1, p1, p2, p2, p3, p3, node_emb, w1, b1, w2, b2)


def kernel(node_embeddings, rel_binary, rel_unary,
           Wb1, bb1, Wb2, bb2,
           Wu1, bu1, Wu2, bu2,
           Wup1, bup1, Wup2, bup2):
    bf = jnp.bfloat16
    idx_be = rel_binary[0::2]
    idx_bo = rel_binary[1::2]

    pad_b = 2 * H - NE
    pad_u = NU_P - NU
    zero_b = jnp.zeros((pad_b,), jnp.int32)
    zero_u = jnp.zeros((pad_u,), jnp.int32)
    dummy_b = jnp.full((pad_b,), N, jnp.int32)
    dummy_u = jnp.full((pad_u,), N, jnp.int32)

    ig1 = jnp.concatenate([idx_be[:H], idx_bo[:H]]).reshape(1, 2 * H)
    ie1 = idx_be[:H].reshape(1, H)
    io1 = idx_bo[:H].reshape(1, H)
    ig2 = jnp.concatenate(
        [idx_be[H:], zero_b, idx_bo[H:], zero_b]).reshape(1, 2 * H)
    ie2 = jnp.concatenate([idx_be[H:], dummy_b]).reshape(1, H)
    io2 = jnp.concatenate([idx_bo[H:], dummy_b]).reshape(1, H)
    igu = jnp.concatenate([rel_unary, zero_u]).reshape(1, NU_P)
    iu = jnp.concatenate([rel_unary, dummy_u]).reshape(1, NU_P)

    gu = _sc_gather(node_embeddings, igu)
    g1 = _sc_gather(node_embeddings, ig1)
    g2 = _sc_gather(node_embeddings, ig2)

    w1a, w1b = Wb1[:EMB].astype(bf), Wb1[EMB:].astype(bf)
    bb1r, bb2r = bb1.reshape(1, -1), bb2.reshape(1, -1)
    wb2 = Wb2.astype(bf)
    mu = _tc_unary_msgs(
        gu, Wu1.astype(bf), bu1.reshape(1, -1), Wu2.astype(bf),
        bu2.reshape(1, -1))
    me1, mo1 = _tc_binary_msgs(g1, 0, H, w1a, w1b, bb1r, wb2, bb2r)
    me2, mo2 = _tc_binary_msgs(g2, 0, H, w1a, w1b, bb1r, wb2, bb2r)

    zeros_init = jnp.zeros((NPAD, EMB), jnp.float32)
    p3 = _sc_scatter_add(((mu, iu),), zeros_init)
    p1 = _sc_scatter_add(((me1, ie1), (mo1, io1)), zeros_init)
    p2 = _sc_scatter_add(((me2, ie2), (mo2, io2)), zeros_init)

    return _tc_update(
        p1, p2, p3, node_embeddings, Wup1.astype(bf), bup1.reshape(1, -1),
        Wup2.astype(bf), bup2.reshape(1, -1))

# --- scband reference (transcript-rebuilt; emitter-appended) ---
"""Pipeline reference for scband-relational-message-passing-module-3212635537901 (READ-ONLY COPY).

The authoritative reference and input builder live on the scoring server;
editing this copy changes nothing except your own understanding.
"""

import jax, jax.numpy as jnp
import numpy as np

EMB = 128
N = 10000
NB = 512000  # flat binary relation index length (256k facts, arity 2)
NU = 100000  # flat unary relation index length (100k facts, arity 1)


def _mlp(x, W1, b1, W2, b2):
    h = jax.nn.relu(x @ W1 + b1)
    return h @ W2 + b2


def setup_inputs(seed: int = 0) -> dict:
    key = jax.random.key(seed)
    ks = jax.random.split(key, 16)
    s = 0.05
    inp = {}
    inp['node_embeddings'] = jax.random.normal(ks[0], (N, EMB), dtype=jnp.float32)
    inp['rel_binary'] = jax.random.randint(ks[1], (NB,), 0, N, dtype=jnp.int32)
    inp['rel_unary'] = jax.random.randint(ks[2], (NU,), 0, N, dtype=jnp.int32)
    # predicate MLP for binary relation: input/output size = 2*EMB
    inp['Wb1'] = jax.random.normal(ks[3], (2 * EMB, 2 * EMB), dtype=jnp.float32) * s
    inp['bb1'] = jnp.zeros((2 * EMB,), jnp.float32)
    inp['Wb2'] = jax.random.normal(ks[4], (2 * EMB, 2 * EMB), dtype=jnp.float32) * s
    inp['bb2'] = jnp.zeros((2 * EMB,), jnp.float32)
    # predicate MLP for unary relation: input/output size = EMB
    inp['Wu1'] = jax.random.normal(ks[5], (EMB, EMB), dtype=jnp.float32) * s
    inp['bu1'] = jnp.zeros((EMB,), jnp.float32)
    inp['Wu2'] = jax.random.normal(ks[6], (EMB, EMB), dtype=jnp.float32) * s
    inp['bu2'] = jnp.zeros((EMB,), jnp.float32)
    # update MLP: 2*EMB -> EMB
    inp['Wup1'] = jax.random.normal(ks[7], (2 * EMB, 2 * EMB), dtype=jnp.float32) * s
    inp['bup1'] = jnp.zeros((2 * EMB,), jnp.float32)
    inp['Wup2'] = jax.random.normal(ks[8], (2 * EMB, EMB), dtype=jnp.float32) * s
    inp['bup2'] = jnp.zeros((EMB,), jnp.float32)
    return inp


def reference(node_embeddings, rel_binary, rel_unary,
              Wb1, bb1, Wb2, bb2,
              Wu1, bu1, Wu2, bu2,
              Wup1, bup1, Wup2, bup2):
    # binary relation (arity 2): gather, view to (n_facts, 2*EMB), residual predicate MLP
    inp_b = jnp.take(node_embeddings, rel_binary, axis=0).reshape(-1, 2 * EMB)
    msg_b = (inp_b + _mlp(inp_b, Wb1, bb1, Wb2, bb2)).reshape(-1, EMB)
    # unary relation (arity 1)
    inp_u = jnp.take(node_embeddings, rel_unary, axis=0).reshape(-1, EMB)
    msg_u = (inp_u + _mlp(inp_u, Wu1, bu1, Wu2, bu2)).reshape(-1, EMB)
    # concatenate messages and indices, sum-aggregate (AggregationFunction.Add)
    output_messages = jnp.concatenate([msg_b, msg_u], axis=0)
    output_indices = jnp.concatenate([rel_binary, rel_unary], axis=0)
    sum_msg = jnp.zeros((N, EMB), jnp.float32).at[output_indices].add(output_messages)
    # update MLP on [sum_msg, node_embeddings]
    return _mlp(jnp.concatenate([sum_msg, node_embeddings], axis=1), Wup1, bup1, Wup2, bup2)

if __name__ == "__main__":
    import jax
    _d = setup_inputs()
    print(jax.jit(kernel)(*tuple(_d.values())))

</pallas_src>

<mosaic_0001>
#map = affine_map<(d0, d1) -> (0, 0)>
module attributes {stable_mosaic.version = 14 : i64} {
  func.func @k(%arg0: i32, %arg1: i32, %arg2: memref<10000x128xf32, #tpu.memory_space<hbm>>, %arg3: memref<1x262144xi32, #tpu.memory_space<hbm>>, %arg4: memref<262144x128xf32, #tpu.memory_space<hbm>>, %arg5: memref<!tpu.dma_semaphore, #tpu.memory_space<semaphore_mem>>, %arg6: memref<10000x128xf32, #tpu.memory_space<vmem_shared>>, %arg7: memref<64x128xf32, #tpu.memory_space<vmem>>) attributes {dimension_semantics = [#tpu.dimension_semantics<core_parallel>, #tpu.dimension_semantics<subcore_parallel>], iteration_bounds = array<i64: 2, 16>, scalar_prefetch = 0 : i64, scratch_operands = 3 : i64, tpu.core_type = #tpu.core_type<sc_vector_subcore>, window_params = [{transform_indices = #map}, {transform_indices = #map}, {transform_indices = #map}]} {
    %scan3A = arith.constant 0 : i32
    %scan3A_0 = arith.constant 10 : i32
    %scan3A_1 = arith.addi %scan3A, %scan3A_0 : i32
    %scan3A_2 = arith.constant 1 : i32
    scf.for %scan3A_13 = %scan3A to %scan3A_1 step %scan3A_2  : i32 {
      %mul3A_14 = arith.constant 1 : i32
      %mul3A_15 = arith.muli %scan3A_13, %mul3A_14 : i32
      %add3A_16 = arith.constant 0 : i32
      %add3A_17 = arith.addi %add3A_16, %mul3A_15 : i32
      %mul3A_18 = arith.constant 16 : i32
      %mul3A_19 = arith.muli %add3A_17, %mul3A_18 : i32
      %add3A_20 = arith.addi %arg1, %mul3A_19 : i32
      %lt3A = arith.constant 156 : i32
      %lt3A_21 = arith.cmpi slt, %add3A_20, %lt3A : i32
      %convert_element_type3A_22 = arith.extui %lt3A_21 : i1 to i32
      %cond3A_23 = arith.constant 0 : i32
      %cond3A_24 = arith.cmpi ne, %convert_element_type3A_22, %cond3A_23 : i32
      scf.if %cond3A_24 {
        %mul3A_25 = arith.constant 64 : i32
        %mul3A_26 = arith.muli %add3A_20, %mul3A_25 : i32
        %multiple_of3A = tpu.assume_multiple %mul3A_26, 64 : i32
        "tpu.region"() ({
          %run_scoped3A = tpu.sem_alloc : memref<!tpu.dma_semaphore, #tpu.memory_space<semaphore_mem>>
          %dma_start3A = arith.constant 0 : i32
          %dma_start3A_27 = tpu.memref_slice %arg2[%multiple_of3A, %dma_start3A] : memref<10000x128xf32, #tpu.memory_space<hbm>> -> memref<64x128xf32, #tpu.memory_space<hbm>>
          %dma_start3A_28 = arith.constant 0 : i32
          %dma_start3A_29 = tpu.memref_slice %arg2[%multiple_of3A, %dma_start3A_28] : memref<10000x128xf32, #tpu.memory_space<hbm>> -> memref<64x128xf32, #tpu.memory_space<hbm>>
          tpu.enqueue_dma source(%dma_start3A_29 : memref<64x128xf32, #tpu.memory_space<hbm>>) target(%arg7 : memref<64x128xf32, #tpu.memory_space<vmem>>) target_semaphore(%run_scoped3A : memref<!tpu.dma_semaphore, #tpu.memory_space<semaphore_mem>>)
          %dma_wait3A = arith.constant 0 : i32
          %dma_wait3A_30 = tpu.memref_slice %arg2[%multiple_of3A, %dma_wait3A] : memref<10000x128xf32, #tpu.memory_space<hbm>> -> memref<64x128xf32, #tpu.memory_space<hbm>>
          %dma_wait3A_31 = arith.constant 0 : i32
          %dma_wait3A_32 = tpu.memref_slice %arg2[%multiple_of3A, %dma_wait3A_31] : memref<10000x128xf32, #tpu.memory_space<hbm>> -> memref<64x128xf32, #tpu.memory_space<hbm>>
          tpu.wait_dma2 semaphore(%run_scoped3A : memref<!tpu.dma_semaphore, #tpu.memory_space<semaphore_mem>>) src(%dma_wait3A_32 : memref<64x128xf32, #tpu.memory_space<hbm>>) dst(%arg7 : memref<64x128xf32, #tpu.memory_space<vmem>>)
          tpu.yield
        }) : () -> ()
        "tpu.region"() ({
          %run_scoped3A = tpu.sem_alloc : memref<!tpu.dma_semaphore, #tpu.memory_space<semaphore_mem>>
          %dma_start3A = arith.constant 0 : i32
          %dma_start3A_27 = tpu.memref_slice %arg6[%multiple_of3A, %dma_start3A] : memref<10000x128xf32, #tpu.memory_space<vmem_shared>> -> memref<64x128xf32, #tpu.memory_space<vmem_shared>>
          %dma_start3A_28 = arith.constant 0 : i32
          %dma_start3A_29 = tpu.memref_slice %arg6[%multiple_of3A, %dma_start3A_28] : memref<10000x128xf32, #tpu.memory_space<vmem_shared>> -> memref<64x128xf32, #tpu.memory_space<vmem_shared>>
          tpu.enqueue_dma source(%arg7 : memref<64x128xf32, #tpu.memory_space<vmem>>) target(%dma_start3A_29 : memref<64x128xf32, #tpu.memory_space<vmem_shared>>) target_semaphore(%run_scoped3A : memref<!tpu.dma_semaphore, #tpu.memory_space<semaphore_mem>>)
          %dma_wait3A = arith.constant 0 : i32
          %dma_wait3A_30 = tpu.memref_slice %arg6[%multiple_of3A, %dma_wait3A] : memref<10000x128xf32, #tpu.memory_space<vmem_shared>> -> memref<64x128xf32, #tpu.memory_space<vmem_shared>>
          %dma_wait3A_31 = arith.constant 0 : i32
          %dma_wait3A_32 = tpu.memref_slice %arg6[%multiple_of3A, %dma_wait3A_31] : memref<10000x128xf32, #tpu.memory_space<vmem_shared>> -> memref<64x128xf32, #tpu.memory_space<vmem_shared>>
          tpu.wait_dma2 semaphore(%run_scoped3A : memref<!tpu.dma_semaphore, #tpu.memory_space<semaphore_mem>>) src(%arg7 : memref<64x128xf32, #tpu.memory_space<vmem>>) dst(%dma_wait3A_32 : memref<64x128xf32, #tpu.memory_space<vmem_shared>>)
          tpu.yield
        }) : () -> ()
      } else {
      }
    }
    %scan3A_3 = arith.constant 10 : i32
    %eq3A = arith.constant 15 : i32
    %eq3A_4 = arith.cmpi eq, %arg1, %eq3A : i32
    %convert_element_type3A = arith.extui %eq3A_4 : i1 to i32
    %cond3A = arith.constant 0 : i32
    %cond3A_5 = arith.cmpi ne, %convert_element_type3A, %cond3A : i32
    scf.if %cond3A_5 {
      "tpu.region"() ({
        %run_scoped3A = tpu.sem_alloc : memref<!tpu.dma_semaphore, #tpu.memory_space<semaphore_mem>>
        %dma_start3A = arith.constant 0 : i32
        %dma_start3A_13 = arith.constant 0 : i32
        %dma_start3A_14 = tpu.memref_slice %arg7[%dma_start3A, %dma_start3A_13] : memref<64x128xf32, #tpu.memory_space<vmem>> -> memref<16x128xf32, #tpu.memory_space<vmem>>
        %dma_start3A_15 = arith.constant 9984 : i32
        %dma_start3A_16 = arith.constant 0 : i32
        %dma_start3A_17 = tpu.memref_slice %arg2[%dma_start3A_15, %dma_start3A_16] : memref<10000x128xf32, #tpu.memory_space<hbm>> -> memref<16x128xf32, #tpu.memory_space<hbm>>
        %dma_start3A_18 = arith.constant 0 : i32
        %dma_start3A_19 = arith.constant 0 : i32
        %dma_start3A_20 = tpu.memref_slice %arg7[%dma_start3A_18, %dma_start3A_19] : memref<64x128xf32, #tpu.memory_space<vmem>> -> memref<16x128xf32, #tpu.memory_space<vmem>>
        %dma_start3A_21 = arith.constant 9984 : i32
        %dma_start3A_22 = arith.constant 0 : i32
        %dma_start3A_23 = tpu.memref_slice %arg2[%dma_start3A_21, %dma_start3A_22] : memref<10000x128xf32, #tpu.memory_space<hbm>> -> memref<16x128xf32, #tpu.memory_space<hbm>>
        tpu.enqueue_dma source(%dma_start3A_23 : memref<16x128xf32, #tpu.memory_space<hbm>>) target(%dma_start3A_20 : memref<16x128xf32, #tpu.memory_space<vmem>>) target_semaphore(%run_scoped3A : memref<!tpu.dma_semaphore, #tpu.memory_space<semaphore_mem>>)
        %dma_wait3A = arith.constant 0 : i32
        %dma_wait3A_24 = arith.constant 0 : i32
        %dma_wait3A_25 = tpu.memref_slice %arg7[%dma_wait3A, %dma_wait3A_24] : memref<64x128xf32, #tpu.memory_space<vmem>> -> memref<16x128xf32, #tpu.memory_space<vmem>>
        %dma_wait3A_26 = arith.constant 9984 : i32
        %dma_wait3A_27 = arith.constant 0 : i32
        %dma_wait3A_28 = tpu.memref_slice %arg2[%dma_wait3A_26, %dma_wait3A_27] : memref<10000x128xf32, #tpu.memory_space<hbm>> -> memref<16x128xf32, #tpu.memory_space<hbm>>
        %dma_wait3A_29 = arith.constant 0 : i32
        %dma_wait3A_30 = arith.constant 0 : i32
        %dma_wait3A_31 = tpu.memref_slice %arg7[%dma_wait3A_29, %dma_wait3A_30] : memref<64x128xf32, #tpu.memory_space<vmem>> -> memref<16x128xf32, #tpu.memory_space<vmem>>
        %dma_wait3A_32 = arith.constant 9984 : i32
        %dma_wait3A_33 = arith.constant 0 : i32
        %dma_wait3A_34 = tpu.memref_slice %arg2[%dma_wait3A_32, %dma_wait3A_33] : memref<10000x128xf32, #tpu.memory_space<hbm>> -> memref<16x128xf32, #tpu.memory_space<hbm>>
        tpu.wait_dma2 semaphore(%run_scoped3A : memref<!tpu.dma_semaphore, #tpu.memory_space<semaphore_mem>>) src(%dma_wait3A_34 : memref<16x128xf32, #tpu.memory_space<hbm>>) dst(%dma_wait3A_31 : memref<16x128xf32, #tpu.memory_space<vmem>>)
        tpu.yield
      }) : () -> ()
      "tpu.region"() ({
        %run_scoped3A = tpu.sem_alloc : memref<!tpu.dma_semaphore, #tpu.memory_space<semaphore_mem>>
        %dma_start3A = arith.constant 0 : i32
        %dma_start3A_13 = arith.constant 0 : i32
        %dma_start3A_14 = tpu.memref_slice %arg7[%dma_start3A, %dma_start3A_13] : memref<64x128xf32, #tpu.memory_space<vmem>> -> memref<16x128xf32, #tpu.memory_space<vmem>>
        %dma_start3A_15 = arith.constant 9984 : i32
        %dma_start3A_16 = arith.constant 0 : i32
        %dma_start3A_17 = tpu.memref_slice %arg6[%dma_start3A_15, %dma_start3A_16] : memref<10000x128xf32, #tpu.memory_space<vmem_shared>> -> memref<16x128xf32, #tpu.memory_space<vmem_shared>>
        %dma_start3A_18 = arith.constant 9984 : i32
        %dma_start3A_19 = arith.constant 0 : i32
        %dma_start3A_20 = tpu.memref_slice %arg6[%dma_start3A_18, %dma_start3A_19] : memref<10000x128xf32, #tpu.memory_space<vmem_shared>> -> memref<16x128xf32, #tpu.memory_space<vmem_shared>>
        %dma_start3A_21 = arith.constant 0 : i32
        %dma_start3A_22 = arith.constant 0 : i32
        %dma_start3A_23 = tpu.memref_slice %arg7[%dma_start3A_21, %dma_start3A_22] : memref<64x128xf32, #tpu.memory_space<vmem>> -> memref<16x128xf32, #tpu.memory_space<vmem>>
        tpu.enqueue_dma source(%dma_start3A_23 : memref<16x128xf32, #tpu.memory_space<vmem>>) target(%dma_start3A_20 : memref<16x128xf32, #tpu.memory_space<vmem_shared>>) target_semaphore(%run_scoped3A : memref<!tpu.dma_semaphore, #tpu.memory_space<semaphore_mem>>)
        %dma_wait3A = arith.constant 0 : i32
        %dma_wait3A_24 = arith.constant 0 : i32
        %dma_wait3A_25 = tpu.memref_slice %arg7[%dma_wait3A, %dma_wait3A_24] : memref<64x128xf32, #tpu.memory_space<vmem>> -> memref<16x128xf32, #tpu.memory_space<vmem>>
        %dma_wait3A_26 = arith.constant 9984 : i32
        %dma_wait3A_27 = arith.constant 0 : i32
        %dma_wait3A_28 = tpu.memref_slice %arg6[%dma_wait3A_26, %dma_wait3A_27] : memref<10000x128xf32, #tpu.memory_space<vmem_shared>> -> memref<16x128xf32, #tpu.memory_space<vmem_shared>>
        %dma_wait3A_29 = arith.constant 9984 : i32
        %dma_wait3A_30 = arith.constant 0 : i32
        %dma_wait3A_31 = tpu.memref_slice %arg6[%dma_wait3A_29, %dma_wait3A_30] : memref<10000x128xf32, #tpu.memory_space<vmem_shared>> -> memref<16x128xf32, #tpu.memory_space<vmem_shared>>
        %dma_wait3A_32 = arith.constant 0 : i32
        %dma_wait3A_33 = arith.constant 0 : i32
        %dma_wait3A_34 = tpu.memref_slice %arg7[%dma_wait3A_32, %dma_wait3A_33] : memref<64x128xf32, #tpu.memory_space<vmem>> -> memref<16x128xf32, #tpu.memory_space<vmem>>
        tpu.wait_dma2 semaphore(%run_scoped3A : memref<!tpu.dma_semaphore, #tpu.memory_space<semaphore_mem>>) src(%dma_wait3A_34 : memref<16x128xf32, #tpu.memory_space<vmem>>) dst(%dma_wait3A_31 : memref<16x128xf32, #tpu.memory_space<vmem_shared>>)
        tpu.yield
      }) : () -> ()
    } else {
    }
    %barrier3A = arith.constant 0 : index
    tpu.barrier barrier_id(%barrier3A)
    %mul3A = arith.constant 1 : i32
    %mul3A_6 = arith.muli %arg1, %mul3A : i32
    %add3A = arith.constant 0 : i32
    %add3A_7 = arith.addi %add3A, %mul3A_6 : i32
    %mul3A_8 = arith.constant 16 : i32
    %mul3A_9 = arith.muli %arg0, %mul3A_8 : i32
    %add3A_10 = arith.addi %add3A_7, %mul3A_9 : i32
    %mul3A_11 = arith.constant 64 : i32
    %mul3A_12 = arith.muli %add3A_10, %mul3A_11 : i32
    "tpu.region"() ({
      %run_scoped3A = memref.alloca() : memref<2x1x128xi32, #tpu.memory_space<vmem>>
      %run_scoped3A_13 = tpu.sem_alloc : memref<2x!tpu.dma_semaphore, #tpu.memory_space<semaphore_mem>>
      %run_scoped3A_14 = memref.alloca() : memref<2x128x128xf32, #tpu.memory_space<vmem>>
      %run_scoped3A_15 = tpu.sem_alloc : memref<2x!tpu.dma_semaphore, #tpu.memory_space<semaphore_mem>>
      %add3A_16 = arith.constant 0 : i32
      %add3A_17 = arith.addi %add3A_16, %mul3A_12 : i32
      %select_n3A = arith.constant true
      %select_n3A_18 = arith.constant 0 : i32
      %select_n3A_19 = arith.constant -1 : i32
      %select_n3A_20 = arith.select %select_n3A, %select_n3A_19, %select_n3A_18 : i32
      %eq3A_21 = arith.constant -1 : i32
      %eq3A_22 = arith.cmpi eq, %select_n3A_20, %eq3A_21 : i32
      %select_n3A_23 = arith.constant 63 : i32
      %select_n3A_24 = arith.select %eq3A_22, %select_n3A_23, %select_n3A_20 : i32
      %add3A_25 = arith.addi %select_n3A_24, %mul3A_12 : i32
      %select_n3A_26 = arith.constant true
      %select_n3A_27 = arith.constant 0 : i32
      %select_n3A_28 = arith.constant 1 : i32
      %select_n3A_29 = arith.select %select_n3A_26, %select_n3A_28, %select_n3A_27 : i32
      %eq3A_30 = arith.constant 64 : i32
      %eq3A_31 = arith.cmpi eq, %select_n3A_29, %eq3A_30 : i32
      %select_n3A_32 = arith.constant 0 : i32
      %select_n3A_33 = arith.select %eq3A_31, %select_n3A_32, %select_n3A_29 : i32
      %add3A_34 = arith.addi %select_n3A_33, %mul3A_12 : i32
      %add3A_35 = arith.constant 1 : i32
      %add3A_36 = arith.addi %select_n3A_33, %add3A_35 : i32
      %select_n3A_37 = arith.constant true
      %select_n3A_38 = arith.select %select_n3A_37, %add3A_36, %select_n3A_33 : i32
      %eq3A_39 = arith.constant 64 : i32
      %eq3A_40 = arith.cmpi eq, %select_n3A_38, %eq3A_39 : i32
      %select_n3A_41 = arith.constant 0 : i32
      %select_n3A_42 = arith.select %eq3A_40, %select_n3A_41, %select_n3A_38 : i32
      %add3A_43 = arith.addi %select_n3A_42, %mul3A_12 : i32
      "tpu.trace_start"() <{level = 10 : i32, message = "ep_initialize_0"}> : () -> ()
      %rem3A = arith.constant 0 : i32
      %rem3A_44 = arith.constant 2 : i32
      %rem3A_45 = arith.remui %rem3A, %rem3A_44 : i32
      %mul3A_46 = arith.constant 128 : i32
      %mul3A_47 = arith.muli %mul3A_46, %add3A_17 : i32
      %dma_start3A = arith.constant 0 : i32
      %dma_start3A_48 = arith.constant 0 : i32
      %dma_start3A_49 = tpu.memref_slice %run_scoped3A[%rem3A_45, %dma_start3A, %dma_start3A_48] : memref<2x1x128xi32, #tpu.memory_space<vmem>> -> memref<1x1x128xi32, #tpu.memory_space<vmem>>
      %dma_start3A_50 = tpu.memref_squeeze %dma_start3A_49 : memref<1x1x128xi32, #tpu.memory_space<vmem>> -> memref<1x128xi32, #tpu.memory_space<vmem>>
      %dma_start3A_51 = arith.constant 0 : i32
      %dma_start3A_52 = tpu.memref_slice %arg3[%dma_start3A_51, %mul3A_47] : memref<1x262144xi32, #tpu.memory_space<hbm>> -> memref<1x128xi32, #tpu.memory_space<hbm>>
      %dma_start3A_53 = tpu.memref_slice %run_scoped3A_13[%rem3A_45] : memref<2x!tpu.dma_semaphore, #tpu.memory_space<semaphore_mem>> -> memref<1x!tpu.dma_semaphore, #tpu.memory_space<semaphore_mem>>
      %dma_start3A_54 = tpu.memref_squeeze %dma_start3A_53 : memref<1x!tpu.dma_semaphore, #tpu.memory_space<semaphore_mem>> -> memref<!tpu.dma_semaphore, #tpu.memory_space<semaphore_mem>>
      %dma_start3A_55 = arith.constant 0 : i32
      %dma_start3A_56 = arith.constant 0 : i32
      %dma_start3A_57 = tpu.memref_slice %run_scoped3A[%rem3A_45, %dma_start3A_55, %dma_start3A_56] : memref<2x1x128xi32, #tpu.memory_space<vmem>> -> memref<1x1x128xi32, #tpu.memory_space<vmem>>
      %dma_start3A_58 = tpu.memref_squeeze %dma_start3A_57 : memref<1x1x128xi32, #tpu.memory_space<vmem>> -> memref<1x128xi32, #tpu.memory_space<vmem>>
      %dma_start3A_59 = arith.constant 0 : i32
      %dma_start3A_60 = tpu.memref_slice %arg3[%dma_start3A_59, %mul3A_47] : memref<1x262144xi32, #tpu.memory_space<hbm>> -> memref<1x128xi32, #tpu.memory_space<hbm>>
      tpu.enqueue_dma source(%dma_start3A_60 : memref<1x128xi32, #tpu.memory_space<hbm>>) target(%dma_start3A_58 : memref<1x128xi32, #tpu.memory_space<vmem>>) target_semaphore(%dma_start3A_54 : memref<!tpu.dma_semaphore, #tpu.memory_space<semaphore_mem>>)
      %add3A_61 = arith.constant 0 : i32
      %add3A_62 = arith.constant 1 : i32
      %add3A_63 = arith.addi %add3A_61, %add3A_62 : i32
      %select_n3A_64 = arith.constant true
      %select_n3A_65 = arith.constant 0 : i32
      %select_n3A_66 = arith.select %select_n3A_64, %add3A_63, %select_n3A_65 : i32
      "tpu.trace_stop"() : () -> ()
      %scan3A_67 = arith.constant 0 : i32
      %scan3A_68 = arith.constant 0 : i32
      %scan3A_69 = arith.constant 0 : i32
      %scan3A_70 = arith.constant 0 : i32
      %scan3A_71 = arith.constant 0 : i32
      %scan3A_72 = arith.constant 64 : i32
      %scan3A_73 = arith.addi %scan3A_71, %scan3A_72 : i32
      %scan3A_74 = arith.constant 1 : i32
      %scan3A_75:5 = scf.for %scan3A_129 = %scan3A_71 to %scan3A_73 step %scan3A_74 iter_args(%scan3A_130 = %select_n3A_66, %scan3A_131 = %scan3A_67, %scan3A_132 = %scan3A_68, %scan3A_133 = %scan3A_69, %scan3A_134 = %scan3A_70) -> (i32, i32, i32, i32, i32)  : i32 {
        %eq3A_135 = arith.constant 0 : i32
        %eq3A_136 = arith.cmpi eq, %scan3A_129, %eq3A_135 : i32
        %eq3A_137 = arith.constant 63 : i32
        %eq3A_138 = arith.cmpi eq, %scan3A_129, %eq3A_137 : i32
        %add3A_139 = arith.addi %scan3A_134, %mul3A_12 : i32
        %sub3A_140 = arith.constant 1 : i32
        %sub3A_141 = arith.subi %scan3A_134, %sub3A_140 : i32
        %select_n3A_142 = arith.constant true
        %select_n3A_143 = arith.select %select_n3A_142, %sub3A_141, %scan3A_134 : i32
        %eq3A_144 = arith.constant -1 : i32
        %eq3A_145 = arith.cmpi eq, %select_n3A_143, %eq3A_144 : i32
        %select_n3A_146 = arith.constant 63 : i32
        %select_n3A_147 = arith.select %eq3A_145, %select_n3A_146, %select_n3A_143 : i32
        %add3A_148 = arith.addi %select_n3A_147, %mul3A_12 : i32
        %add3A_149 = arith.constant 1 : i32
        %add3A_150 = arith.addi %scan3A_134, %add3A_149 : i32
        %select_n3A_151 = arith.constant true
        %select_n3A_152 = arith.select %select_n3A_151, %add3A_150, %scan3A_134 : i32
        %eq3A_153 = arith.constant 64 : i32
        %eq3A_154 = arith.cmpi eq, %select_n3A_152, %eq3A_153 : i32
        %select_n3A_155 = arith.constant 0 : i32
        %select_n3A_156 = arith.select %eq3A_154, %select_n3A_155, %select_n3A_152 : i32
        %add3A_157 = arith.addi %select_n3A_156, %mul3A_12 : i32
        %add3A_158 = arith.constant 1 : i32
        %add3A_159 = arith.addi %select_n3A_156, %add3A_158 : i32
        %select_n3A_160 = arith.constant true
        %select_n3A_161 = arith.select %select_n3A_160, %add3A_159, %select_n3A_156 : i32
        %eq3A_162 = arith.constant 64 : i32
        %eq3A_163 = arith.cmpi eq, %select_n3A_161, %eq3A_162 : i32
        %select_n3A_164 = arith.constant 0 : i32
        %select_n3A_165 = arith.select %eq3A_163, %select_n3A_164, %select_n3A_161 : i32
        %add3A_166 = arith.addi %select_n3A_165, %mul3A_12 : i32
        %ne3A = arith.cmpi ne, %add3A_139, %add3A_157 : i32
        %or3A = arith.constant false
        %or3A_167 = arith.ori %or3A, %ne3A : i1
        %ge3A = arith.constant 63 : i32
        %ge3A_168 = arith.cmpi sge, %scan3A_129, %ge3A : i32
        %not3A = arith.constant true
        %not3A_169 = arith.xori %ge3A_168, %not3A : i1
        %and3A = arith.andi %or3A_167, %not3A_169 : i1
        %convert_element_type3A_170 = arith.extui %and3A : i1 to i32
        %cond3A_171 = arith.constant 0 : i32
        %cond3A_172 = arith.cmpi ne, %convert_element_type3A_170, %cond3A_171 : i32
        scf.if %cond3A_172 {
          "tpu.trace_start"() <{level = 10 : i32, message = "ep_copy_in"}> : () -> ()
          %rem3A_303 = arith.constant 2 : i32
          %rem3A_304 = arith.remui %scan3A_130, %rem3A_303 : i32
          %mul3A_305 = arith.constant 128 : i32
          %mul3A_306 = arith.muli %mul3A_305, %add3A_157 : i32
          %dma_start3A_307 = arith.constant 0 : i32
          %dma_start3A_308 = arith.constant 0 : i32
          %dma_start3A_309 = tpu.memref_slice %run_scoped3A[%rem3A_304, %dma_start3A_307, %dma_start3A_308] : memref<2x1x128xi32, #tpu.memory_space<vmem>> -> memref<1x1x128xi32, #tpu.memory_space<vmem>>
          %dma_start3A_310 = tpu.memref_squeeze %dma_start3A_309 : memref<1x1x128xi32, #tpu.memory_space<vmem>> -> memref<1x128xi32, #tpu.memory_space<vmem>>
          %dma_start3A_311 = arith.constant 0 : i32
          %dma_start3A_312 = tpu.memref_slice %arg3[%dma_start3A_311, %mul3A_306] : memref<1x262144xi32, #tpu.memory_space<hbm>> -> memref<1x128xi32, #tpu.memory_space<hbm>>
          %dma_start3A_313 = tpu.memref_slice %run_scoped3A_13[%rem3A_304] : memref<2x!tpu.dma_semaphore, #tpu.memory_space<semaphore_mem>> -> memref<1x!tpu.dma_semaphore, #tpu.memory_space<semaphore_mem>>
          %dma_start3A_314 = tpu.memref_squeeze %dma_start3A_313 : memref<1x!tpu.dma_semaphore, #tpu.memory_space<semaphore_mem>> -> memref<!tpu.dma_semaphore, #tpu.memory_space<semaphore_mem>>
          %dma_start3A_315 = arith.constant 0 : i32
          %dma_start3A_316 = arith.constant 0 : i32
          %dma_start3A_317 = tpu.memref_slice %run_scoped3A[%rem3A_304, %dma_start3A_315, %dma_start3A_316] : memref<2x1x128xi32, #tpu.memory_space<vmem>> -> memref<1x1x128xi32, #tpu.memory_space<vmem>>
          %dma_start3A_318 = tpu.memref_squeeze %dma_start3A_317 : memref<1x1x128xi32, #tpu.memory_space<vmem>> -> memref<1x128xi32, #tpu.memory_space<vmem>>
          %dma_start3A_319 = arith.constant 0 : i32
          %dma_start3A_320 = tpu.memref_slice %arg3[%dma_start3A_319, %mul3A_306] : memref<1x262144xi32, #tpu.memory_space<hbm>> -> memref<1x128xi32, #tpu.memory_space<hbm>>
          tpu.enqueue_dma source(%dma_start3A_320 : memref<1x128xi32, #tpu.memory_space<hbm>>) target(%dma_start3A_318 : memref<1x128xi32, #tpu.memory_space<vmem>>) target_semaphore(%dma_start3A_314 : memref<!tpu.dma_semaphore, #tpu.memory_space<semaphore_mem>>)
          "tpu.trace_stop"() : () -> ()
        } else {
        }
        %and3A_173 = arith.constant true
        %and3A_174 = arith.andi %and3A, %and3A_173 : i1
        %add3A_175 = arith.constant 1 : i32
        %add3A_176 = arith.addi %scan3A_130, %add3A_175 : i32
        %select_n3A_177 = arith.select %and3A_174, %add3A_176, %scan3A_130 : i32
        %ne3A_178 = arith.cmpi ne, %add3A_139, %add3A_157 : i32
        %or3A_179 = arith.constant false
        %or3A_180 = arith.ori %or3A_179, %ne3A_178 : i1
        %or3A_181 = arith.constant false
        %or3A_182 = arith.ori %or3A_180, %or3A_181 : i1
        %ge3A_183 = arith.constant 63 : i32
        %ge3A_184 = arith.cmpi sge, %scan3A_129, %ge3A_183 : i32
        %not3A_185 = arith.constant true
        %not3A_186 = arith.xori %ge3A_184, %not3A_185 : i1
        %and3A_187 = arith.andi %or3A_182, %not3A_186 : i1
        %ne3A_188 = arith.cmpi ne, %add3A_139, %add3A_148 : i32
        %or3A_189 = arith.constant false
        %or3A_190 = arith.ori %or3A_189, %ne3A_188 : i1
        %or3A_191 = arith.ori %or3A_190, %eq3A_136 : i1
        %convert_element_type3A_192 = arith.extui %or3A_191 : i1 to i32
        %cond3A_193 = arith.constant 0 : i32
        %cond3A_194 = arith.cmpi ne, %convert_element_type3A_192, %cond3A_193 : i32
        scf.if %cond3A_194 {
          "tpu.trace_start"() <{level = 10 : i32, message = "ep_wait_in"}> : () -> ()
          %mul3A_303 = arith.constant 128 : i32
          %mul3A_304 = arith.muli %mul3A_303, %add3A_139 : i32
          %rem3A_305 = arith.constant 2 : i32
          %rem3A_306 = arith.remui %scan3A_131, %rem3A_305 : i32
          %dma_wait3A_307 = arith.constant 0 : i32
          %dma_wait3A_308 = arith.constant 0 : i32
          %dma_wait3A_309 = tpu.memref_slice %run_scoped3A[%rem3A_306, %dma_wait3A_307, %dma_wait3A_308] : memref<2x1x128xi32, #tpu.memory_space<vmem>> -> memref<1x1x128xi32, #tpu.memory_space<vmem>>
          %dma_wait3A_310 = tpu.memref_squeeze %dma_wait3A_309 : memref<1x1x128xi32, #tpu.memory_space<vmem>> -> memref<1x128xi32, #tpu.memory_space<vmem>>
          %dma_wait3A_311 = arith.constant 0 : i32
          %dma_wait3A_312 = tpu.memref_slice %arg3[%dma_wait3A_311, %mul3A_304] : memref<1x262144xi32, #tpu.memory_space<hbm>> -> memref<1x128xi32, #tpu.memory_space<hbm>>
          %dma_wait3A_313 = tpu.memref_slice %run_scoped3A_13[%rem3A_306] : memref<2x!tpu.dma_semaphore, #tpu.memory_space<semaphore_mem>> -> memref<1x!tpu.dma_semaphore, #tpu.memory_space<semaphore_mem>>
          %dma_wait3A_314 = tpu.memref_squeeze %dma_wait3A_313 : memref<1x!tpu.dma_semaphore, #tpu.memory_space<semaphore_mem>> -> memref<!tpu.dma_semaphore, #tpu.memory_space<semaphore_mem>>
          %dma_wait3A_315 = arith.constant 0 : i32
          %dma_wait3A_316 = arith.constant 0 : i32
          %dma_wait3A_317 = tpu.memref_slice %run_scoped3A[%rem3A_306, %dma_wait3A_315, %dma_wait3A_316] : memref<2x1x128xi32, #tpu.memory_space<vmem>> -> memref<1x1x128xi32, #tpu.memory_space<vmem>>
          %dma_wait3A_318 = tpu.memref_squeeze %dma_wait3A_317 : memref<1x1x128xi32, #tpu.memory_space<vmem>> -> memref<1x128xi32, #tpu.memory_space<vmem>>
          %dma_wait3A_319 = arith.constant 0 : i32
          %dma_wait3A_320 = tpu.memref_slice %arg3[%dma_wait3A_319, %mul3A_304] : memref<1x262144xi32, #tpu.memory_space<hbm>> -> memref<1x128xi32, #tpu.memory_space<hbm>>
          tpu.wait_dma2 semaphore(%dma_wait3A_314 : memref<!tpu.dma_semaphore, #tpu.memory_space<semaphore_mem>>) src(%dma_wait3A_320 : memref<1x128xi32, #tpu.memory_space<hbm>>) dst(%dma_wait3A_318 : memref<1x128xi32, #tpu.memory_space<vmem>>)
          "tpu.trace_stop"() : () -> ()
        } else {
        }
        %ne3A_195 = arith.cmpi ne, %add3A_139, %add3A_148 : i32
        %or3A_196 = arith.constant false
        %or3A_197 = arith.ori %or3A_196, %ne3A_195 : i1
        %or3A_198 = arith.constant false
        %or3A_199 = arith.ori %or3A_197, %or3A_198 : i1
        %or3A_200 = arith.ori %or3A_199, %eq3A_136 : i1
        %convert_element_type3A_201 = arith.extui %or3A_200 : i1 to i32
        %cond3A_202 = arith.constant 0 : i32
        %cond3A_203 = arith.cmpi ne, %convert_element_type3A_201, %cond3A_202 : i32
        scf.if %cond3A_203 {
        } else {
        }
        %rem3A_204 = arith.constant 2 : i32
        %rem3A_205 = arith.remui %scan3A_131, %rem3A_204 : i32
        %rem3A_206 = arith.constant 2 : i32
        %rem3A_207 = arith.remui %scan3A_132, %rem3A_206 : i32
        %dma_start3A_208 = arith.constant 0 : i32
        "tpu.trace_start"() <{level = 10 : i32, message = "ep_run_kernel"}> : () -> ()
        %dma_start3A_209 = arith.constant 0 : i32
        %dma_start3A_210 = arith.constant 0 : i32
        %dma_start3A_211 = tpu.memref_slice %run_scoped3A_14[%rem3A_207, %dma_start3A_209, %dma_start3A_210] : memref<2x128x128xf32, #tpu.memory_space<vmem>> -> memref<1x128x128xf32, #tpu.memory_space<vmem>>
        %dma_start3A_212 = tpu.memref_squeeze %dma_start3A_211 : memref<1x128x128xf32, #tpu.memory_space<vmem>> -> memref<128x128xf32, #tpu.memory_space<vmem>>
        %dma_start3A_213 = arith.constant 0 : i32
        %dma_start3A_214 = arith.constant 0 : i32
        %dma_start3A_215 = tpu.memref_slice %run_scoped3A[%rem3A_205, %dma_start3A_213, %dma_start3A_214] : memref<2x1x128xi32, #tpu.memory_space<vmem>> -> memref<1x1x128xi32, #tpu.memory_space<vmem>>
        %dma_start3A_216 = tpu.memref_squeeze %dma_start3A_215 : memref<1x1x128xi32, #tpu.memory_space<vmem>> -> memref<1x128xi32, #tpu.memory_space<vmem>>
        %dma_start3A_217 = arith.constant 0 : i32
        %dma_start3A_218 = tpu.memref_slice %dma_start3A_216[%dma_start3A_208, %dma_start3A_217] : memref<1x128xi32, #tpu.memory_space<vmem>> -> memref<1x128xi32, #tpu.memory_space<vmem>>
        %dma_start3A_219 = tpu.memref_squeeze %dma_start3A_218 : memref<1x128xi32, #tpu.memory_space<vmem>> -> memref<128xi32, #tpu.memory_space<vmem>>
        %dma_start3A_220 = arith.constant 0 : i32
        %dma_start3A_221 = arith.constant 0 : i32
        %dma_start3A_222 = tpu.memref_slice %arg6[%dma_start3A_220, %dma_start3A_221] : memref<10000x128xf32, #tpu.memory_space<vmem_shared>> -> memref<10000x128xf32, #tpu.memory_space<vmem_shared>>
        tpu.enqueue_indirect_dma source(%dma_start3A_222 : memref<10000x128xf32, #tpu.memory_space<vmem_shared>>) target(%dma_start3A_212 : memref<128x128xf32, #tpu.memory_space<vmem>>) offsets(%dma_start3A_219 : memref<128xi32, #tpu.memory_space<vmem>>) semaphore(%arg5 : memref<!tpu.dma_semaphore, #tpu.memory_space<semaphore_mem>>)
        %dma_wait3A_223 = arith.constant 0 : i32
        %dma_wait3A_224 = arith.constant 0 : i32
        %dma_wait3A_225 = arith.constant 0 : i32
        %dma_wait3A_226 = tpu.memref_slice %run_scoped3A_14[%rem3A_207, %dma_wait3A_224, %dma_wait3A_225] : memref<2x128x128xf32, #tpu.memory_space<vmem>> -> memref<1x128x128xf32, #tpu.memory_space<vmem>>
        %dma_wait3A_227 = tpu.memref_squeeze %dma_wait3A_226 : memref<1x128x128xf32, #tpu.memory_space<vmem>> -> memref<128x128xf32, #tpu.memory_space<vmem>>
        %dma_wait3A_228 = arith.constant 0 : i32
        %dma_wait3A_229 = arith.constant 0 : i32
        %dma_wait3A_230 = tpu.memref_slice %run_scoped3A[%rem3A_205, %dma_wait3A_228, %dma_wait3A_229] : memref<2x1x128xi32, #tpu.memory_space<vmem>> -> memref<1x1x128xi32, #tpu.memory_space<vmem>>
        %dma_wait3A_231 = tpu.memref_squeeze %dma_wait3A_230 : memref<1x1x128xi32, #tpu.memory_space<vmem>> -> memref<1x128xi32, #tpu.memory_space<vmem>>
        %dma_wait3A_232 = arith.constant 0 : i32
        %dma_wait3A_233 = tpu.memref_slice %dma_wait3A_231[%dma_wait3A_223, %dma_wait3A_232] : memref<1x128xi32, #tpu.memory_space<vmem>> -> memref<1x128xi32, #tpu.memory_space<vmem>>
        %dma_wait3A_234 = tpu.memref_squeeze %dma_wait3A_233 : memref<1x128xi32, #tpu.memory_space<vmem>> -> memref<128xi32, #tpu.memory_space<vmem>>
        %dma_wait3A_235 = arith.constant 0 : i32
        %dma_wait3A_236 = arith.constant 0 : i32
        %dma_wait3A_237 = tpu.memref_slice %arg6[%dma_wait3A_235, %dma_wait3A_236] : memref<10000x128xf32, #tpu.memory_space<vmem_shared>> -> memref<10000x128xf32, #tpu.memory_space<vmem_shared>>
        tpu.wait_indirect_dma semaphore(%arg5 : memref<!tpu.dma_semaphore, #tpu.memory_space<semaphore_mem>>) src(%dma_wait3A_237 : memref<10000x128xf32, #tpu.memory_space<vmem_shared>>) dst(%dma_wait3A_227 : memref<128x128xf32, #tpu.memory_space<vmem>>)
        "tpu.trace_stop"() : () -> ()
        %ne3A_238 = arith.cmpi ne, %add3A_139, %add3A_157 : i32
        %or3A_239 = arith.constant false
        %or3A_240 = arith.ori %or3A_239, %ne3A_238 : i1
        %or3A_241 = arith.ori %or3A_240, %eq3A_138 : i1
        %convert_element_type3A_242 = arith.extui %or3A_241 : i1 to i32
        %cond3A_243 = arith.constant 0 : i32
        %cond3A_244 = arith.cmpi ne, %convert_element_type3A_242, %cond3A_243 : i32
        scf.if %cond3A_244 {
        } else {
        }
        %and3A_245 = arith.constant false
        %and3A_246 = arith.andi %or3A_241, %and3A_245 : i1
        %ne3A_247 = arith.cmpi ne, %add3A_139, %add3A_157 : i32
        %or3A_248 = arith.constant false
        %or3A_249 = arith.ori %or3A_248, %ne3A_247 : i1
        %or3A_250 = arith.constant false
        %or3A_251 = arith.ori %or3A_249, %or3A_250 : i1
        %or3A_252 = arith.ori %or3A_251, %eq3A_138 : i1
        %convert_element_type3A_253 = arith.extui %or3A_252 : i1 to i32
        %cond3A_254 = arith.constant 0 : i32
        %cond3A_255 = arith.cmpi ne, %convert_element_type3A_253, %cond3A_254 : i32
        scf.if %cond3A_255 {
          "tpu.trace_start"() <{level = 10 : i32, message = "ep_copy_out"}> : () -> ()
          %rem3A_303 = arith.constant 2 : i32
          %rem3A_304 = arith.remui %scan3A_132, %rem3A_303 : i32
          %mul3A_305 = arith.constant 128 : i32
          %mul3A_306 = arith.muli %mul3A_305, %add3A_139 : i32
          %dma_start3A_307 = arith.constant 0 : i32
          %dma_start3A_308 = arith.constant 0 : i32
          %dma_start3A_309 = tpu.memref_slice %run_scoped3A_14[%rem3A_304, %dma_start3A_307, %dma_start3A_308] : memref<2x128x128xf32, #tpu.memory_space<vmem>> -> memref<1x128x128xf32, #tpu.memory_space<vmem>>
          %dma_start3A_310 = tpu.memref_squeeze %dma_start3A_309 : memref<1x128x128xf32, #tpu.memory_space<vmem>> -> memref<128x128xf32, #tpu.memory_space<vmem>>
          %dma_start3A_311 = arith.constant 0 : i32
          %dma_start3A_312 = tpu.memref_slice %arg4[%mul3A_306, %dma_start3A_311] : memref<262144x128xf32, #tpu.memory_space<hbm>> -> memref<128x128xf32, #tpu.memory_space<hbm>>
          %dma_start3A_313 = tpu.memref_slice %run_scoped3A_15[%rem3A_304] : memref<2x!tpu.dma_semaphore, #tpu.memory_space<semaphore_mem>> -> memref<1x!tpu.dma_semaphore, #tpu.memory_space<semaphore_mem>>
          %dma_start3A_314 = tpu.memref_squeeze %dma_start3A_313 : memref<1x!tpu.dma_semaphore, #tpu.memory_space<semaphore_mem>> -> memref<!tpu.dma_semaphore, #tpu.memory_space<semaphore_mem>>
          %dma_start3A_315 = arith.constant 0 : i32
          %dma_start3A_316 = tpu.memref_slice %arg4[%mul3A_306, %dma_start3A_315] : memref<262144x128xf32, #tpu.memory_space<hbm>> -> memref<128x128xf32, #tpu.memory_space<hbm>>
          %dma_start3A_317 = arith.constant 0 : i32
          %dma_start3A_318 = arith.constant 0 : i32
          %dma_start3A_319 = tpu.memref_slice %run_scoped3A_14[%rem3A_304, %dma_start3A_317, %dma_start3A_318] : memref<2x128x128xf32, #tpu.memory_space<vmem>> -> memref<1x128x128xf32, #tpu.memory_space<vmem>>
          %dma_start3A_320 = tpu.memref_squeeze %dma_start3A_319 : memref<1x128x128xf32, #tpu.memory_space<vmem>> -> memref<128x128xf32, #tpu.memory_space<vmem>>
          tpu.enqueue_dma source(%dma_start3A_320 : memref<128x128xf32, #tpu.memory_space<vmem>>) target(%dma_start3A_316 : memref<128x128xf32, #tpu.memory_space<hbm>>) target_semaphore(%dma_start3A_314 : memref<!tpu.dma_semaphore, #tpu.memory_space<semaphore_mem>>)
          "tpu.trace_stop"() : () -> ()
        } else {
        }
        %and3A_256 = arith.constant true
        %and3A_257 = arith.andi %or3A_252, %and3A_256 : i1
        %add3A_258 = arith.constant 1 : i32
        %add3A_259 = arith.addi %scan3A_132, %add3A_258 : i32
        %select_n3A_260 = arith.select %and3A_257, %add3A_259, %scan3A_132 : i32
        %ne3A_261 = arith.cmpi ne, %add3A_139, %add3A_148 : i32
        %or3A_262 = arith.constant false
        %or3A_263 = arith.ori %or3A_262, %ne3A_261 : i1
        %not3A_264 = arith.constant true
        %not3A_265 = arith.xori %eq3A_136, %not3A_264 : i1
        %and3A_266 = arith.andi %or3A_263, %not3A_265 : i1
        %convert_element_type3A_267 = arith.extui %and3A_266 : i1 to i32
        %cond3A_268 = arith.constant 0 : i32
        %cond3A_269 = arith.cmpi ne, %convert_element_type3A_267, %cond3A_268 : i32
        scf.if %cond3A_269 {
        } else {
        }
        %and3A_270 = arith.constant false
        %and3A_271 = arith.andi %and3A_266, %and3A_270 : i1
        %ne3A_272 = arith.cmpi ne, %add3A_139, %add3A_148 : i32
        %or3A_273 = arith.constant false
        %or3A_274 = arith.ori %or3A_273, %ne3A_272 : i1
        %or3A_275 = arith.constant false
        %or3A_276 = arith.ori %or3A_274, %or3A_275 : i1
        %not3A_277 = arith.constant true
        %not3A_278 = arith.xori %eq3A_136, %not3A_277 : i1
        %and3A_279 = arith.andi %or3A_276, %not3A_278 : i1
        %convert_element_type3A_280 = arith.extui %and3A_279 : i1 to i32
        %cond3A_281 = arith.constant 0 : i32
        %cond3A_282 = arith.cmpi ne, %convert_element_type3A_280, %cond3A_281 : i32
        scf.if %cond3A_282 {
          "tpu.trace_start"() <{level = 10 : i32, message = "ep_wait_out"}> : () -> ()
          %rem3A_303 = arith.constant 2 : i32
          %rem3A_304 = arith.remui %scan3A_133, %rem3A_303 : i32
          %mul3A_305 = arith.constant 128 : i32
          %mul3A_306 = arith.muli %mul3A_305, %add3A_148 : i32
          %dma_wait3A_307 = arith.constant 0 : i32
          %dma_wait3A_308 = arith.constant 0 : i32
          %dma_wait3A_309 = tpu.memref_slice %run_scoped3A_14[%rem3A_304, %dma_wait3A_307, %dma_wait3A_308] : memref<2x128x128xf32, #tpu.memory_space<vmem>> -> memref<1x128x128xf32, #tpu.memory_space<vmem>>
          %dma_wait3A_310 = tpu.memref_squeeze %dma_wait3A_309 : memref<1x128x128xf32, #tpu.memory_space<vmem>> -> memref<128x128xf32, #tpu.memory_space<vmem>>
          %dma_wait3A_311 = arith.constant 0 : i32
          %dma_wait3A_312 = tpu.memref_slice %arg4[%mul3A_306, %dma_wait3A_311] : memref<262144x128xf32, #tpu.memory_space<hbm>> -> memref<128x128xf32, #tpu.memory_space<hbm>>
          %dma_wait3A_313 = tpu.memref_slice %run_scoped3A_15[%rem3A_304] : memref<2x!tpu.dma_semaphore, #tpu.memory_space<semaphore_mem>> -> memref<1x!tpu.dma_semaphore, #tpu.memory_space<semaphore_mem>>
          %dma_wait3A_314 = tpu.memref_squeeze %dma_wait3A_313 : memref<1x!tpu.dma_semaphore, #tpu.memory_space<semaphore_mem>> -> memref<!tpu.dma_semaphore, #tpu.memory_space<semaphore_mem>>
          %dma_wait3A_315 = arith.constant 0 : i32
          %dma_wait3A_316 = tpu.memref_slice %arg4[%mul3A_306, %dma_wait3A_315] : memref<262144x128xf32, #tpu.memory_space<hbm>> -> memref<128x128xf32, #tpu.memory_space<hbm>>
          %dma_wait3A_317 = arith.constant 0 : i32
          %dma_wait3A_318 = arith.constant 0 : i32
          %dma_wait3A_319 = tpu.memref_slice %run_scoped3A_14[%rem3A_304, %dma_wait3A_317, %dma_wait3A_318] : memref<2x128x128xf32, #tpu.memory_space<vmem>> -> memref<1x128x128xf32, #tpu.memory_space<vmem>>
          %dma_wait3A_320 = tpu.memref_squeeze %dma_wait3A_319 : memref<1x128x128xf32, #tpu.memory_space<vmem>> -> memref<128x128xf32, #tpu.memory_space<vmem>>
          tpu.wait_dma2 semaphore(%dma_wait3A_314 : memref<!tpu.dma_semaphore, #tpu.memory_space<semaphore_mem>>) src(%dma_wait3A_320 : memref<128x128xf32, #tpu.memory_space<vmem>>) dst(%dma_wait3A_316 : memref<128x128xf32, #tpu.memory_space<hbm>>)
          "tpu.trace_stop"() : () -> ()
        } else {
        }
        %and3A_283 = arith.constant true
        %and3A_284 = arith.andi %and3A_279, %and3A_283 : i1
        %add3A_285 = arith.constant 1 : i32
        %add3A_286 = arith.addi %scan3A_133, %add3A_285 : i32
        %select_n3A_287 = arith.select %and3A_284, %add3A_286, %scan3A_133 : i32
        %ne3A_288 = arith.cmpi ne, %add3A_139, %add3A_157 : i32
        %or3A_289 = arith.constant false
        %or3A_290 = arith.ori %or3A_289, %ne3A_288 : i1
        %or3A_291 = arith.ori %or3A_290, %eq3A_138 : i1
        %add3A_292 = arith.constant 1 : i32
        %add3A_293 = arith.addi %scan3A_131, %add3A_292 : i32
        %select_n3A_294 = arith.select %or3A_291, %add3A_293, %scan3A_131 : i32
        %add3A_295 = arith.constant 1 : i32
        %add3A_296 = arith.addi %scan3A_134, %add3A_295 : i32
        %select_n3A_297 = arith.constant true
        %select_n3A_298 = arith.select %select_n3A_297, %add3A_296, %scan3A_134 : i32
        %eq3A_299 = arith.constant 64 : i32
        %eq3A_300 = arith.cmpi eq, %select_n3A_298, %eq3A_299 : i32
        %select_n3A_301 = arith.constant 0 : i32
        %select_n3A_302 = arith.select %eq3A_300, %select_n3A_301, %select_n3A_298 : i32
        scf.yield %select_n3A_177, %select_n3A_294, %select_n3A_260, %select_n3A_287, %select_n3A_302 : i32, i32, i32, i32, i32
      }
      %scan3A_76 = arith.constant 64 : i32
      %sub3A = arith.constant 1 : i32
      %sub3A_77 = arith.subi %scan3A_75#4, %sub3A : i32
      %select_n3A_78 = arith.constant true
      %select_n3A_79 = arith.select %select_n3A_78, %sub3A_77, %scan3A_75#4 : i32
      %eq3A_80 = arith.constant -1 : i32
      %eq3A_81 = arith.cmpi eq, %select_n3A_79, %eq3A_80 : i32
      %select_n3A_82 = arith.constant 63 : i32
      %select_n3A_83 = arith.select %eq3A_81, %select_n3A_82, %select_n3A_79 : i32
      %add3A_84 = arith.addi %select_n3A_83, %mul3A_12 : i32
      %sub3A_85 = arith.constant 1 : i32
      %sub3A_86 = arith.subi %select_n3A_83, %sub3A_85 : i32
      %select_n3A_87 = arith.constant true
      %select_n3A_88 = arith.select %select_n3A_87, %sub3A_86, %select_n3A_83 : i32
      %eq3A_89 = arith.constant -1 : i32
      %eq3A_90 = arith.cmpi eq, %select_n3A_88, %eq3A_89 : i32
      %select_n3A_91 = arith.constant 63 : i32
      %select_n3A_92 = arith.select %eq3A_90, %select_n3A_91, %select_n3A_88 : i32
      %add3A_93 = arith.addi %select_n3A_92, %mul3A_12 : i32
      %add3A_94 = arith.constant 1 : i32
      %add3A_95 = arith.addi %select_n3A_83, %add3A_94 : i32
      %select_n3A_96 = arith.constant true
      %select_n3A_97 = arith.select %select_n3A_96, %add3A_95, %select_n3A_83 : i32
      %eq3A_98 = arith.constant 64 : i32
      %eq3A_99 = arith.cmpi eq, %select_n3A_97, %eq3A_98 : i32
      %select_n3A_100 = arith.constant 0 : i32
      %select_n3A_101 = arith.select %eq3A_99, %select_n3A_100, %select_n3A_97 : i32
      %add3A_102 = arith.addi %select_n3A_101, %mul3A_12 : i32
      %add3A_103 = arith.constant 1 : i32
      %add3A_104 = arith.addi %select_n3A_101, %add3A_103 : i32
      %select_n3A_105 = arith.constant true
      %select_n3A_106 = arith.select %select_n3A_105, %add3A_104, %select_n3A_101 : i32
      %eq3A_107 = arith.constant 64 : i32
      %eq3A_108 = arith.cmpi eq, %select_n3A_106, %eq3A_107 : i32
      %select_n3A_109 = arith.constant 0 : i32
      %select_n3A_110 = arith.select %eq3A_108, %select_n3A_109, %select_n3A_106 : i32
      %add3A_111 = arith.addi %select_n3A_110, %mul3A_12 : i32
      "tpu.trace_start"() <{level = 10 : i32, message = "ep_finalize"}> : () -> ()
      %rem3A_112 = arith.constant 2 : i32
      %rem3A_113 = arith.remui %scan3A_75#3, %rem3A_112 : i32
      %mul3A_114 = arith.constant 128 : i32
      %mul3A_115 = arith.muli %mul3A_114, %add3A_84 : i32
      %dma_wait3A = arith.constant 0 : i32
      %dma_wait3A_116 = arith.constant 0 : i32
      %dma_wait3A_117 = tpu.memref_slice %run_scoped3A_14[%rem3A_113, %dma_wait3A, %dma_wait3A_116] : memref<2x128x128xf32, #tpu.memory_space<vmem>> -> memref<1x128x128xf32, #tpu.memory_space<vmem>>
      %dma_wait3A_118 = tpu.memref_squeeze %dma_wait3A_117 : memref<1x128x128xf32, #tpu.memory_space<vmem>> -> memref<128x128xf32, #tpu.memory_space<vmem>>
      %dma_wait3A_119 = arith.constant 0 : i32
      %dma_wait3A_120 = tpu.memref_slice %arg4[%mul3A_115, %dma_wait3A_119] : memref<262144x128xf32, #tpu.memory_space<hbm>> -> memref<128x128xf32, #tpu.memory_space<hbm>>
      %dma_wait3A_121 = tpu.memref_slice %run_scoped3A_15[%rem3A_113] : memref<2x!tpu.dma_semaphore, #tpu.memory_space<semaphore_mem>> -> memref<1x!tpu.dma_semaphore, #tpu.memory_space<semaphore_mem>>
      %dma_wait3A_122 = tpu.memref_squeeze %dma_wait3A_121 : memref<1x!tpu.dma_semaphore, #tpu.memory_space<semaphore_mem>> -> memref<!tpu.dma_semaphore, #tpu.memory_space<semaphore_mem>>
      %dma_wait3A_123 = arith.constant 0 : i32
      %dma_wait3A_124 = tpu.memref_slice %arg4[%mul3A_115, %dma_wait3A_123] : memref<262144x128xf32, #tpu.memory_space<hbm>> -> memref<128x128xf32, #tpu.memory_space<hbm>>
      %dma_wait3A_125 = arith.constant 0 : i32
      %dma_wait3A_126 = arith.constant 0 : i32
      %dma_wait3A_127 = tpu.memref_slice %run_scoped3A_14[%rem3A_113, %dma_wait3A_125, %dma_wait3A_126] : memref<2x128x128xf32, #tpu.memory_space<vmem>> -> memref<1x128x128xf32, #tpu.memory_space<vmem>>
      %dma_wait3A_128 = tpu.memref_squeeze %dma_wait3A_127 : memref<1x128x128xf32, #tpu.memory_space<vmem>> -> memref<128x128xf32, #tpu.memory_space<vmem>>
      tpu.wait_dma2 semaphore(%dma_wait3A_122 : memref<!tpu.dma_semaphore, #tpu.memory_space<semaphore_mem>>) src(%dma_wait3A_128 : memref<128x128xf32, #tpu.memory_space<vmem>>) dst(%dma_wait3A_124 : memref<128x128xf32, #tpu.memory_space<hbm>>)
      "tpu.trace_stop"() : () -> ()
      tpu.yield
    }) : () -> ()
    return
  }
}

#map = affine_map<(d0, d1) -> (0, 0)>
module attributes {stable_mosaic.version = 14 : i64} {
  func.func @k(%arg0: i32, %arg1: i32, %arg2: memref<10000x128xf32, #tpu.memory_space<hbm>>, %arg3: memref<1x102400xi32, #tpu.memory_space<hbm>>, %arg4: memref<102400x128xf32, #tpu.memory_space<hbm>>, %arg5: memref<!tpu.dma_semaphore, #tpu.memory_space<semaphore_mem>>, %arg6: memref<10000x128xf32, #tpu.memory_space<vmem_shared>>, %arg7: memref<64x128xf32, #tpu.memory_space<vmem>>) attributes {dimension_semantics = [#tpu.dimension_semantics<core_parallel>, #tpu.dimension_semantics<subcore_parallel>], iteration_bounds = array<i64: 2, 16>, scalar_prefetch = 0 : i64, scratch_operands = 3 : i64, tpu.core_type = #tpu.core_type<sc_vector_subcore>, window_params = [{transform_indices = #map}, {transform_indices = #map}, {transform_indices = #map}]} {
    %scan3A = arith.constant 0 : i32
    %scan3A_0 = arith.constant 10 : i32
    %scan3A_1 = arith.addi %scan3A, %scan3A_0 : i32
    %scan3A_2 = arith.constant 1 : i32
    scf.for %scan3A_13 = %scan3A to %scan3A_1 step %scan3A_2  : i32 {
      %mul3A_14 = arith.constant 1 : i32
      %mul3A_15 = arith.muli %scan3A_13, %mul3A_14 : i32
      %add3A_16 = arith.constant 0 : i32
      %add3A_17 = arith.addi %add3A_16, %mul3A_15 : i32
      %mul3A_18 = arith.constant 16 : i32
      %mul3A_19 = arith.muli %add3A_17, %mul3A_18 : i32
      %add3A_20 = arith.addi %arg1, %mul3A_19 : i32
      %lt3A = arith.constant 156 : i32
      %lt3A_21 = arith.cmpi slt, %add3A_20, %lt3A : i32
      %convert_element_type3A_22 = arith.extui %lt3A_21 : i1 to i32
      %cond3A_23 = arith.constant 0 : i32
      %cond3A_24 = arith.cmpi ne, %convert_element_type3A_22, %cond3A_23 : i32
      scf.if %cond3A_24 {
        %mul3A_25 = arith.constant 64 : i32
        %mul3A_26 = arith.muli %add3A_20, %mul3A_25 : i32
        %multiple_of3A = tpu.assume_multiple %mul3A_26, 64 : i32
        "tpu.region"() ({
          %run_scoped3A = tpu.sem_alloc : memref<!tpu.dma_semaphore, #tpu.memory_space<semaphore_mem>>
          %dma_start3A = arith.constant 0 : i32
          %dma_start3A_27 = tpu.memref_slice %arg2[%multiple_of3A, %dma_start3A] : memref<10000x128xf32, #tpu.memory_space<hbm>> -> memref<64x128xf32, #tpu.memory_space<hbm>>
          %dma_start3A_28 = arith.constant 0 : i32
          %dma_start3A_29 = tpu.memref_slice %arg2[%multiple_of3A, %dma_start3A_28] : memref<10000x128xf32, #tpu.memory_space<hbm>> -> memref<64x128xf32, #tpu.memory_space<hbm>>
          tpu.enqueue_dma source(%dma_start3A_29 : memref<64x128xf32, #tpu.memory_space<hbm>>) target(%arg7 : memref<64x128xf32, #tpu.memory_space<vmem>>) target_semaphore(%run_scoped3A : memref<!tpu.dma_semaphore, #tpu.memory_space<semaphore_mem>>)
          %dma_wait3A = arith.constant 0 : i32
          %dma_wait3A_30 = tpu.memref_slice %arg2[%multiple_of3A, %dma_wait3A] : memref<10000x128xf32, #tpu.memory_space<hbm>> -> memref<64x128xf32, #tpu.memory_space<hbm>>
          %dma_wait3A_31 = arith.constant 0 : i32
          %dma_wait3A_32 = tpu.memref_slice %arg2[%multiple_of3A, %dma_wait3A_31] : memref<10000x128xf32, #tpu.memory_space<hbm>> -> memref<64x128xf32, #tpu.memory_space<hbm>>
          tpu.wait_dma2 semaphore(%run_scoped3A : memref<!tpu.dma_semaphore, #tpu.memory_space<semaphore_mem>>) src(%dma_wait3A_32 : memref<64x128xf32, #tpu.memory_space<hbm>>) dst(%arg7 : memref<64x128xf32, #tpu.memory_space<vmem>>)
          tpu.yield
        }) : () -> ()
        "tpu.region"() ({
          %run_scoped3A = tpu.sem_alloc : memref<!tpu.dma_semaphore, #tpu.memory_space<semaphore_mem>>
          %dma_start3A = arith.constant 0 : i32
          %dma_start3A_27 = tpu.memref_slice %arg6[%multiple_of3A, %dma_start3A] : memref<10000x128xf32, #tpu.memory_space<vmem_shared>> -> memref<64x128xf32, #tpu.memory_space<vmem_shared>>
          %dma_start3A_28 = arith.constant 0 : i32
          %dma_start3A_29 = tpu.memref_slice %arg6[%multiple_of3A, %dma_start3A_28] : memref<10000x128xf32, #tpu.memory_space<vmem_shared>> -> memref<64x128xf32, #tpu.memory_space<vmem_shared>>
          tpu.enqueue_dma source(%arg7 : memref<64x128xf32, #tpu.memory_space<vmem>>) target(%dma_start3A_29 : memref<64x128xf32, #tpu.memory_space<vmem_shared>>) target_semaphore(%run_scoped3A : memref<!tpu.dma_semaphore, #tpu.memory_space<semaphore_mem>>)
          %dma_wait3A = arith.constant 0 : i32
          %dma_wait3A_30 = tpu.memref_slice %arg6[%multiple_of3A, %dma_wait3A] : memref<10000x128xf32, #tpu.memory_space<vmem_shared>> -> memref<64x128xf32, #tpu.memory_space<vmem_shared>>
          %dma_wait3A_31 = arith.constant 0 : i32
          %dma_wait3A_32 = tpu.memref_slice %arg6[%multiple_of3A, %dma_wait3A_31] : memref<10000x128xf32, #tpu.memory_space<vmem_shared>> -> memref<64x128xf32, #tpu.memory_space<vmem_shared>>
          tpu.wait_dma2 semaphore(%run_scoped3A : memref<!tpu.dma_semaphore, #tpu.memory_space<semaphore_mem>>) src(%arg7 : memref<64x128xf32, #tpu.memory_space<vmem>>) dst(%dma_wait3A_32 : memref<64x128xf32, #tpu.memory_space<vmem_shared>>)
          tpu.yield
        }) : () -> ()
      } else {
      }
    }
    %scan3A_3 = arith.constant 10 : i32
    %eq3A = arith.constant 15 : i32
    %eq3A_4 = arith.cmpi eq, %arg1, %eq3A : i32
    %convert_element_type3A = arith.extui %eq3A_4 : i1 to i32
    %cond3A = arith.constant 0 : i32
    %cond3A_5 = arith.cmpi ne, %convert_element_type3A, %cond3A : i32
    scf.if %cond3A_5 {
      "tpu.region"() ({
        %run_scoped3A = tpu.sem_alloc : memref<!tpu.dma_semaphore, #tpu.memory_space<semaphore_mem>>
        %dma_start3A = arith.constant 0 : i32
        %dma_start3A_13 = arith.constant 0 : i32
        %dma_start3A_14 = tpu.memref_slice %arg7[%dma_start3A, %dma_start3A_13] : memref<64x128xf32, #tpu.memory_space<vmem>> -> memref<16x128xf32, #tpu.memory_space<vmem>>
        %dma_start3A_15 = arith.constant 9984 : i32
        %dma_start3A_16 = arith.constant 0 : i32
        %dma_start3A_17 = tpu.memref_slice %arg2[%dma_start3A_15, %dma_start3A_16] : memref<10000x128xf32, #tpu.memory_space<hbm>> -> memref<16x128xf32, #tpu.memory_space<hbm>>
        %dma_start3A_18 = arith.constant 0 : i32
        %dma_start3A_19 = arith.constant 0 : i32
        %dma_start3A_20 = tpu.memref_slice %arg7[%dma_start3A_18, %dma_start3A_19] : memref<64x128xf32, #tpu.memory_space<vmem>> -> memref<16x128xf32, #tpu.memory_space<vmem>>
        %dma_start3A_21 = arith.constant 9984 : i32
        %dma_start3A_22 = arith.constant 0 : i32
        %dma_start3A_23 = tpu.memref_slice %arg2[%dma_start3A_21, %dma_start3A_22] : memref<10000x128xf32, #tpu.memory_space<hbm>> -> memref<16x128xf32, #tpu.memory_space<hbm>>
        tpu.enqueue_dma source(%dma_start3A_23 : memref<16x128xf32, #tpu.memory_space<hbm>>) target(%dma_start3A_20 : memref<16x128xf32, #tpu.memory_space<vmem>>) target_semaphore(%run_scoped3A : memref<!tpu.dma_semaphore, #tpu.memory_space<semaphore_mem>>)
        %dma_wait3A = arith.constant 0 : i32
        %dma_wait3A_24 = arith.constant 0 : i32
        %dma_wait3A_25 = tpu.memref_slice %arg7[%dma_wait3A, %dma_wait3A_24] : memref<64x128xf32, #tpu.memory_space<vmem>> -> memref<16x128xf32, #tpu.memory_space<vmem>>
        %dma_wait3A_26 = arith.constant 9984 : i32
        %dma_wait3A_27 = arith.constant 0 : i32
        %dma_wait3A_28 = tpu.memref_slice %arg2[%dma_wait3A_26, %dma_wait3A_27] : memref<10000x128xf32, #tpu.memory_space<hbm>> -> memref<16x128xf32, #tpu.memory_space<hbm>>
        %dma_wait3A_29 = arith.constant 0 : i32
        %dma_wait3A_30 = arith.constant 0 : i32
        %dma_wait3A_31 = tpu.memref_slice %arg7[%dma_wait3A_29, %dma_wait3A_30] : memref<64x128xf32, #tpu.memory_space<vmem>> -> memref<16x128xf32, #tpu.memory_space<vmem>>
        %dma_wait3A_32 = arith.constant 9984 : i32
        %dma_wait3A_33 = arith.constant 0 : i32
        %dma_wait3A_34 = tpu.memref_slice %arg2[%dma_wait3A_32, %dma_wait3A_33] : memref<10000x128xf32, #tpu.memory_space<hbm>> -> memref<16x128xf32, #tpu.memory_space<hbm>>
        tpu.wait_dma2 semaphore(%run_scoped3A : memref<!tpu.dma_semaphore, #tpu.memory_space<semaphore_mem>>) src(%dma_wait3A_34 : memref<16x128xf32, #tpu.memory_space<hbm>>) dst(%dma_wait3A_31 : memref<16x128xf32, #tpu.memory_space<vmem>>)
        tpu.yield
      }) : () -> ()
      "tpu.region"() ({
        %run_scoped3A = tpu.sem_alloc : memref<!tpu.dma_semaphore, #tpu.memory_space<semaphore_mem>>
        %dma_start3A = arith.constant 0 : i32
        %dma_start3A_13 = arith.constant 0 : i32
        %dma_start3A_14 = tpu.memref_slice %arg7[%dma_start3A, %dma_start3A_13] : memref<64x128xf32, #tpu.memory_space<vmem>> -> memref<16x128xf32, #tpu.memory_space<vmem>>
        %dma_start3A_15 = arith.constant 9984 : i32
        %dma_start3A_16 = arith.constant 0 : i32
        %dma_start3A_17 = tpu.memref_slice %arg6[%dma_start3A_15, %dma_start3A_16] : memref<10000x128xf32, #tpu.memory_space<vmem_shared>> -> memref<16x128xf32, #tpu.memory_space<vmem_shared>>
        %dma_start3A_18 = arith.constant 9984 : i32
        %dma_start3A_19 = arith.constant 0 : i32
        %dma_start3A_20 = tpu.memref_slice %arg6[%dma_start3A_18, %dma_start3A_19] : memref<10000x128xf32, #tpu.memory_space<vmem_shared>> -> memref<16x128xf32, #tpu.memory_space<vmem_shared>>
        %dma_start3A_21 = arith.constant 0 : i32
        %dma_start3A_22 = arith.constant 0 : i32
        %dma_start3A_23 = tpu.memref_slice %arg7[%dma_start3A_21, %dma_start3A_22] : memref<64x128xf32, #tpu.memory_space<vmem>> -> memref<16x128xf32, #tpu.memory_space<vmem>>
        tpu.enqueue_dma source(%dma_start3A_23 : memref<16x128xf32, #tpu.memory_space<vmem>>) target(%dma_start3A_20 : memref<16x128xf32, #tpu.memory_space<vmem_shared>>) target_semaphore(%run_scoped3A : memref<!tpu.dma_semaphore, #tpu.memory_space<semaphore_mem>>)
        %dma_wait3A = arith.constant 0 : i32
        %dma_wait3A_24 = arith.constant 0 : i32
        %dma_wait3A_25 = tpu.memref_slice %arg7[%dma_wait3A, %dma_wait3A_24] : memref<64x128xf32, #tpu.memory_space<vmem>> -> memref<16x128xf32, #tpu.memory_space<vmem>>
        %dma_wait3A_26 = arith.constant 9984 : i32
        %dma_wait3A_27 = arith.constant 0 : i32
        %dma_wait3A_28 = tpu.memref_slice %arg6[%dma_wait3A_26, %dma_wait3A_27] : memref<10000x128xf32, #tpu.memory_space<vmem_shared>> -> memref<16x128xf32, #tpu.memory_space<vmem_shared>>
        %dma_wait3A_29 = arith.constant 9984 : i32
        %dma_wait3A_30 = arith.constant 0 : i32
        %dma_wait3A_31 = tpu.memref_slice %arg6[%dma_wait3A_29, %dma_wait3A_30] : memref<10000x128xf32, #tpu.memory_space<vmem_shared>> -> memref<16x128xf32, #tpu.memory_space<vmem_shared>>
        %dma_wait3A_32 = arith.constant 0 : i32
        %dma_wait3A_33 = arith.constant 0 : i32
        %dma_wait3A_34 = tpu.memref_slice %arg7[%dma_wait3A_32, %dma_wait3A_33] : memref<64x128xf32, #tpu.memory_space<vmem>> -> memref<16x128xf32, #tpu.memory_space<vmem>>
        tpu.wait_dma2 semaphore(%run_scoped3A : memref<!tpu.dma_semaphore, #tpu.memory_space<semaphore_mem>>) src(%dma_wait3A_34 : memref<16x128xf32, #tpu.memory_space<vmem>>) dst(%dma_wait3A_31 : memref<16x128xf32, #tpu.memory_space<vmem_shared>>)
        tpu.yield
      }) : () -> ()
    } else {
    }
    %barrier3A = arith.constant 0 : index
    tpu.barrier barrier_id(%barrier3A)
    %mul3A = arith.constant 1 : i32
    %mul3A_6 = arith.muli %arg1, %mul3A : i32
    %add3A = arith.constant 0 : i32
    %add3A_7 = arith.addi %add3A, %mul3A_6 : i32
    %mul3A_8 = arith.constant 16 : i32
    %mul3A_9 = arith.muli %arg0, %mul3A_8 : i32
    %add3A_10 = arith.addi %add3A_7, %mul3A_9 : i32
    %mul3A_11 = arith.constant 25 : i32
    %mul3A_12 = arith.muli %add3A_10, %mul3A_11 : i32
    "tpu.region"() ({
      %run_scoped3A = memref.alloca() : memref<2x1x128xi32, #tpu.memory_space<vmem>>
      %run_scoped3A_13 = tpu.sem_alloc : memref<2x!tpu.dma_semaphore, #tpu.memory_space<semaphore_mem>>
      %run_scoped3A_14 = memref.alloca() : memref<2x128x128xf32, #tpu.memory_space<vmem>>
      %run_scoped3A_15 = tpu.sem_alloc : memref<2x!tpu.dma_semaphore, #tpu.memory_space<semaphore_mem>>
      %add3A_16 = arith.constant 0 : i32
      %add3A_17 = arith.addi %add3A_16, %mul3A_12 : i32
      %select_n3A = arith.constant true
      %select_n3A_18 = arith.constant 0 : i32
      %select_n3A_19 = arith.constant -1 : i32
      %select_n3A_20 = arith.select %select_n3A, %select_n3A_19, %select_n3A_18 : i32
      %eq3A_21 = arith.constant -1 : i32
      %eq3A_22 = arith.cmpi eq, %select_n3A_20, %eq3A_21 : i32
      %select_n3A_23 = arith.constant 24 : i32
      %select_n3A_24 = arith.select %eq3A_22, %select_n3A_23, %select_n3A_20 : i32
      %add3A_25 = arith.addi %select_n3A_24, %mul3A_12 : i32
      %select_n3A_26 = arith.constant true
      %select_n3A_27 = arith.constant 0 : i32
      %select_n3A_28 = arith.constant 1 : i32
      %select_n3A_29 = arith.select %select_n3A_26, %select_n3A_28, %select_n3A_27 : i32
      %eq3A_30 = arith.constant 25 : i32
      %eq3A_31 = arith.cmpi eq, %select_n3A_29, %eq3A_30 : i32
      %select_n3A_32 = arith.constant 0 : i32
      %select_n3A_33 = arith.select %eq3A_31, %select_n3A_32, %select_n3A_29 : i32
      %add3A_34 = arith.addi %select_n3A_33, %mul3A_12 : i32
      %add3A_35 = arith.constant 1 : i32
      %add3A_36 = arith.addi %select_n3A_33, %add3A_35 : i32
      %select_n3A_37 = arith.constant true
      %select_n3A_38 = arith.select %select_n3A_37, %add3A_36, %select_n3A_33 : i32
      %eq3A_39 = arith.constant 25 : i32
      %eq3A_40 = arith.cmpi eq, %select_n3A_38, %eq3A_39 : i32
      %select_n3A_41 = arith.constant 0 : i32
      %select_n3A_42 = arith.select %eq3A_40, %select_n3A_41, %select_n3A_38 : i32
      %add3A_43 = arith.addi %select_n3A_42, %mul3A_12 : i32
      "tpu.trace_start"() <{level = 10 : i32, message = "ep_initialize_0"}> : () -> ()
      %rem3A = arith.constant 0 : i32
      %rem3A_44 = arith.constant 2 : i32
      %rem3A_45 = arith.remui %rem3A, %rem3A_44 : i32
      %mul3A_46 = arith.constant 128 : i32
      %mul3A_47 = arith.muli %mul3A_46, %add3A_17 : i32
      %dma_start3A = arith.constant 0 : i32
      %dma_start3A_48 = arith.constant 0 : i32
      %dma_start3A_49 = tpu.memref_slice %run_scoped3A[%rem3A_45, %dma_start3A, %dma_start3A_48] : memref<2x1x128xi32, #tpu.memory_space<vmem>> -> memref<1x1x128xi32, #tpu.memory_space<vmem>>
      %dma_start3A_50 = tpu.memref_squeeze %dma_start3A_49 : memref<1x1x128xi32, #tpu.memory_space<vmem>> -> memref<1x128xi32, #tpu.memory_space<vmem>>
      %dma_start3A_51 = arith.constant 0 : i32
      %dma_start3A_52 = tpu.memref_slice %arg3[%dma_start3A_51, %mul3A_47] : memref<1x102400xi32, #tpu.memory_space<hbm>> -> memref<1x128xi32, #tpu.memory_space<hbm>>
      %dma_start3A_53 = tpu.memref_slice %run_scoped3A_13[%rem3A_45] : memref<2x!tpu.dma_semaphore, #tpu.memory_space<semaphore_mem>> -> memref<1x!tpu.dma_semaphore, #tpu.memory_space<semaphore_mem>>
      %dma_start3A_54 = tpu.memref_squeeze %dma_start3A_53 : memref<1x!tpu.dma_semaphore, #tpu.memory_space<semaphore_mem>> -> memref<!tpu.dma_semaphore, #tpu.memory_space<semaphore_mem>>
      %dma_start3A_55 = arith.constant 0 : i32
      %dma_start3A_56 = arith.constant 0 : i32
      %dma_start3A_57 = tpu.memref_slice %run_scoped3A[%rem3A_45, %dma_start3A_55, %dma_start3A_56] : memref<2x1x128xi32, #tpu.memory_space<vmem>> -> memref<1x1x128xi32, #tpu.memory_space<vmem>>
      %dma_start3A_58 = tpu.memref_squeeze %dma_start3A_57 : memref<1x1x128xi32, #tpu.memory_space<vmem>> -> memref<1x128xi32, #tpu.memory_space<vmem>>
      %dma_start3A_59 = arith.constant 0 : i32
      %dma_start3A_60 = tpu.memref_slice %arg3[%dma_start3A_59, %mul3A_47] : memref<1x102400xi32, #tpu.memory_space<hbm>> -> memref<1x128xi32, #tpu.memory_space<hbm>>
      tpu.enqueue_dma source(%dma_start3A_60 : memref<1x128xi32, #tpu.memory_space<hbm>>) target(%dma_start3A_58 : memref<1x128xi32, #tpu.memory_space<vmem>>) target_semaphore(%dma_start3A_54 : memref<!tpu.dma_semaphore, #tpu.memory_space<semaphore_mem>>)
      %add3A_61 = arith.constant 0 : i32
      %add3A_62 = arith.constant 1 : i32
      %add3A_63 = arith.addi %add3A_61, %add3A_62 : i32
      %select_n3A_64 = arith.constant true
      %select_n3A_65 = arith.constant 0 : i32
      %select_n3A_66 = arith.select %select_n3A_64, %add3A_63, %select_n3A_65 : i32
      "tpu.trace_stop"() : () -> ()
      %scan3A_67 = arith.constant 0 : i32
      %scan3A_68 = arith.constant 0 : i32
      %scan3A_69 = arith.constant 0 : i32
      %scan3A_70 = arith.constant 0 : i32
      %scan3A_71 = arith.constant 0 : i32
      %scan3A_72 = arith.constant 25 : i32
      %scan3A_73 = arith.addi %scan3A_71, %scan3A_72 : i32
      %scan3A_74 = arith.constant 1 : i32
      %scan3A_75:5 = scf.for %scan3A_129 = %scan3A_71 to %scan3A_73 step %scan3A_74 iter_args(%scan3A_130 = %select_n3A_66, %scan3A_131 = %scan3A_67, %scan3A_132 = %scan3A_68, %scan3A_133 = %scan3A_69, %scan3A_134 = %scan3A_70) -> (i32, i32, i32, i32, i32)  : i32 {
        %eq3A_135 = arith.constant 0 : i32
        %eq3A_136 = arith.cmpi eq, %scan3A_129, %eq3A_135 : i32
        %eq3A_137 = arith.constant 24 : i32
        %eq3A_138 = arith.cmpi eq, %scan3A_129, %eq3A_137 : i32
        %add3A_139 = arith.addi %scan3A_134, %mul3A_12 : i32
        %sub3A_140 = arith.constant 1 : i32
        %sub3A_141 = arith.subi %scan3A_134, %sub3A_140 : i32
        %select_n3A_142 = arith.constant true
        %select_n3A_143 = arith.select %select_n3A_142, %sub3A_141, %scan3A_134 : i32
        %eq3A_144 = arith.constant -1 : i32
        %eq3A_145 = arith.cmpi eq, %select_n3A_143, %eq3A_144 : i32
        %select_n3A_146 = arith.constant 24 : i32
        %select_n3A_147 = arith.select %eq3A_145, %select_n3A_146, %select_n3A_143 : i32
        %add3A_148 = arith.addi %select_n3A_147, %mul3A_12 : i32
        %add3A_149 = arith.constant 1 : i32
        %add3A_150 = arith.addi %scan3A_134, %add3A_149 : i32
        %select_n3A_151 = arith.constant true
        %select_n3A_152 = arith.select %select_n3A_151, %add3A_150, %scan3A_134 : i32
        %eq3A_153 = arith.constant 25 : i32
        %eq3A_154 = arith.cmpi eq, %select_n3A_152, %eq3A_153 : i32
        %select_n3A_155 = arith.constant 0 : i32
        %select_n3A_156 = arith.select %eq3A_154, %select_n3A_155, %select_n3A_152 : i32
        %add3A_157 = arith.addi %select_n3A_156, %mul3A_12 : i32
        %add3A_158 = arith.constant 1 : i32
        %add3A_159 = arith.addi %select_n3A_156, %add3A_158 : i32
        %select_n3A_160 = arith.constant true
        %select_n3A_161 = arith.select %select_n3A_160, %add3A_159, %select_n3A_156 : i32
        %eq3A_162 = arith.constant 25 : i32
        %eq3A_163 = arith.cmpi eq, %select_n3A_161, %eq3A_162 : i32
        %select_n3A_164 = arith.constant 0 : i32
        %select_n3A_165 = arith.select %eq3A_163, %select_n3A_164, %select_n3A_161 : i32
        %add3A_166 = arith.addi %select_n3A_165, %mul3A_12 : i32
        %ne3A = arith.cmpi ne, %add3A_139, %add3A_157 : i32
        %or3A = arith.constant false
        %or3A_167 = arith.ori %or3A, %ne3A : i1
        %ge3A = arith.constant 24 : i32
        %ge3A_168 = arith.cmpi sge, %scan3A_129, %ge3A : i32
        %not3A = arith.constant true
        %not3A_169 = arith.xori %ge3A_168, %not3A : i1
        %and3A = arith.andi %or3A_167, %not3A_169 : i1
        %convert_element_type3A_170 = arith.extui %and3A : i1 to i32
        %cond3A_171 = arith.constant 0 : i32
        %cond3A_172 = arith.cmpi ne, %convert_element_type3A_170, %cond3A_171 : i32
        scf.if %cond3A_172 {
          "tpu.trace_start"() <{level = 10 : i32, message = "ep_copy_in"}> : () -> ()
          %rem3A_303 = arith.constant 2 : i32
          %rem3A_304 = arith.remui %scan3A_130, %rem3A_303 : i32
          %mul3A_305 = arith.constant 128 : i32
          %mul3A_306 = arith.muli %mul3A_305, %add3A_157 : i32
          %dma_start3A_307 = arith.constant 0 : i32
          %dma_start3A_308 = arith.constant 0 : i32
          %dma_start3A_309 = tpu.memref_slice %run_scoped3A[%rem3A_304, %dma_start3A_307, %dma_start3A_308] : memref<2x1x128xi32, #tpu.memory_space<vmem>> -> memref<1x1x128xi32, #tpu.memory_space<vmem>>
          %dma_start3A_310 = tpu.memref_squeeze %dma_start3A_309 : memref<1x1x128xi32, #tpu.memory_space<vmem>> -> memref<1x128xi32, #tpu.memory_space<vmem>>
          %dma_start3A_311 = arith.constant 0 : i32
          %dma_start3A_312 = tpu.memref_slice %arg3[%dma_start3A_311, %mul3A_306] : memref<1x102400xi32, #tpu.memory_space<hbm>> -> memref<1x128xi32, #tpu.memory_space<hbm>>
          %dma_start3A_313 = tpu.memref_slice %run_scoped3A_13[%rem3A_304] : memref<2x!tpu.dma_semaphore, #tpu.memory_space<semaphore_mem>> -> memref<1x!tpu.dma_semaphore, #tpu.memory_space<semaphore_mem>>
          %dma_start3A_314 = tpu.memref_squeeze %dma_start3A_313 : memref<1x!tpu.dma_semaphore, #tpu.memory_space<semaphore_mem>> -> memref<!tpu.dma_semaphore, #tpu.memory_space<semaphore_mem>>
          %dma_start3A_315 = arith.constant 0 : i32
          %dma_start3A_316 = arith.constant 0 : i32
          %dma_start3A_317 = tpu.memref_slice %run_scoped3A[%rem3A_304, %dma_start3A_315, %dma_start3A_316] : memref<2x1x128xi32, #tpu.memory_space<vmem>> -> memref<1x1x128xi32, #tpu.memory_space<vmem>>
          %dma_start3A_318 = tpu.memref_squeeze %dma_start3A_317 : memref<1x1x128xi32, #tpu.memory_space<vmem>> -> memref<1x128xi32, #tpu.memory_space<vmem>>
          %dma_start3A_319 = arith.constant 0 : i32
          %dma_start3A_320 = tpu.memref_slice %arg3[%dma_start3A_319, %mul3A_306] : memref<1x102400xi32, #tpu.memory_space<hbm>> -> memref<1x128xi32, #tpu.memory_space<hbm>>
          tpu.enqueue_dma source(%dma_start3A_320 : memref<1x128xi32, #tpu.memory_space<hbm>>) target(%dma_start3A_318 : memref<1x128xi32, #tpu.memory_space<vmem>>) target_semaphore(%dma_start3A_314 : memref<!tpu.dma_semaphore, #tpu.memory_space<semaphore_mem>>)
          "tpu.trace_stop"() : () -> ()
        } else {
        }
        %and3A_173 = arith.constant true
        %and3A_174 = arith.andi %and3A, %and3A_173 : i1
        %add3A_175 = arith.constant 1 : i32
        %add3A_176 = arith.addi %scan3A_130, %add3A_175 : i32
        %select_n3A_177 = arith.select %and3A_174, %add3A_176, %scan3A_130 : i32
        %ne3A_178 = arith.cmpi ne, %add3A_139, %add3A_157 : i32
        %or3A_179 = arith.constant false
        %or3A_180 = arith.ori %or3A_179, %ne3A_178 : i1
        %or3A_181 = arith.constant false
        %or3A_182 = arith.ori %or3A_180, %or3A_181 : i1
        %ge3A_183 = arith.constant 24 : i32
        %ge3A_184 = arith.cmpi sge, %scan3A_129, %ge3A_183 : i32
        %not3A_185 = arith.constant true
        %not3A_186 = arith.xori %ge3A_184, %not3A_185 : i1
        %and3A_187 = arith.andi %or3A_182, %not3A_186 : i1
        %ne3A_188 = arith.cmpi ne, %add3A_139, %add3A_148 : i32
        %or3A_189 = arith.constant false
        %or3A_190 = arith.ori %or3A_189, %ne3A_188 : i1
        %or3A_191 = arith.ori %or3A_190, %eq3A_136 : i1
        %convert_element_type3A_192 = arith.extui %or3A_191 : i1 to i32
        %cond3A_193 = arith.constant 0 : i32
        %cond3A_194 = arith.cmpi ne, %convert_element_type3A_192, %cond3A_193 : i32
        scf.if %cond3A_194 {
          "tpu.trace_start"() <{level = 10 : i32, message = "ep_wait_in"}> : () -> ()
          %mul3A_303 = arith.constant 128 : i32
          %mul3A_304 = arith.muli %mul3A_303, %add3A_139 : i32
          %rem3A_305 = arith.constant 2 : i32
          %rem3A_306 = arith.remui %scan3A_131, %rem3A_305 : i32
          %dma_wait3A_307 = arith.constant 0 : i32
          %dma_wait3A_308 = arith.constant 0 : i32
          %dma_wait3A_309 = tpu.memref_slice %run_scoped3A[%rem3A_306, %dma_wait3A_307, %dma_wait3A_308] : memref<2x1x128xi32, #tpu.memory_space<vmem>> -> memref<1x1x128xi32, #tpu.memory_space<vmem>>
          %dma_wait3A_310 = tpu.memref_squeeze %dma_wait3A_309 : memref<1x1x128xi32, #tpu.memory_space<vmem>> -> memref<1x128xi32, #tpu.memory_space<vmem>>
          %dma_wait3A_311 = arith.constant 0 : i32
          %dma_wait3A_312 = tpu.memref_slice %arg3[%dma_wait3A_311, %mul3A_304] : memref<1x102400xi32, #tpu.memory_space<hbm>> -> memref<1x128xi32, #tpu.memory_space<hbm>>
          %dma_wait3A_313 = tpu.memref_slice %run_scoped3A_13[%rem3A_306] : memref<2x!tpu.dma_semaphore, #tpu.memory_space<semaphore_mem>> -> memref<1x!tpu.dma_semaphore, #tpu.memory_space<semaphore_mem>>
          %dma_wait3A_314 = tpu.memref_squeeze %dma_wait3A_313 : memref<1x!tpu.dma_semaphore, #tpu.memory_space<semaphore_mem>> -> memref<!tpu.dma_semaphore, #tpu.memory_space<semaphore_mem>>
          %dma_wait3A_315 = arith.constant 0 : i32
          %dma_wait3A_316 = arith.constant 0 : i32
          %dma_wait3A_317 = tpu.memref_slice %run_scoped3A[%rem3A_306, %dma_wait3A_315, %dma_wait3A_316] : memref<2x1x128xi32, #tpu.memory_space<vmem>> -> memref<1x1x128xi32, #tpu.memory_space<vmem>>
          %dma_wait3A_318 = tpu.memref_squeeze %dma_wait3A_317 : memref<1x1x128xi32, #tpu.memory_space<vmem>> -> memref<1x128xi32, #tpu.memory_space<vmem>>
          %dma_wait3A_319 = arith.constant 0 : i32
          %dma_wait3A_320 = tpu.memref_slice %arg3[%dma_wait3A_319, %mul3A_304] : memref<1x102400xi32, #tpu.memory_space<hbm>> -> memref<1x128xi32, #tpu.memory_space<hbm>>
          tpu.wait_dma2 semaphore(%dma_wait3A_314 : memref<!tpu.dma_semaphore, #tpu.memory_space<semaphore_mem>>) src(%dma_wait3A_320 : memref<1x128xi32, #tpu.memory_space<hbm>>) dst(%dma_wait3A_318 : memref<1x128xi32, #tpu.memory_space<vmem>>)
          "tpu.trace_stop"() : () -> ()
        } else {
        }
        %ne3A_195 = arith.cmpi ne, %add3A_139, %add3A_148 : i32
        %or3A_196 = arith.constant false
        %or3A_197 = arith.ori %or3A_196, %ne3A_195 : i1
        %or3A_198 = arith.constant false
        %or3A_199 = arith.ori %or3A_197, %or3A_198 : i1
        %or3A_200 = arith.ori %or3A_199, %eq3A_136 : i1
        %convert_element_type3A_201 = arith.extui %or3A_200 : i1 to i32
        %cond3A_202 = arith.constant 0 : i32
        %cond3A_203 = arith.cmpi ne, %convert_element_type3A_201, %cond3A_202 : i32
        scf.if %cond3A_203 {
        } else {
        }
        %rem3A_204 = arith.constant 2 : i32
        %rem3A_205 = arith.remui %scan3A_131, %rem3A_204 : i32
        %rem3A_206 = arith.constant 2 : i32
        %rem3A_207 = arith.remui %scan3A_132, %rem3A_206 : i32
        %dma_start3A_208 = arith.constant 0 : i32
        "tpu.trace_start"() <{level = 10 : i32, message = "ep_run_kernel"}> : () -> ()
        %dma_start3A_209 = arith.constant 0 : i32
        %dma_start3A_210 = arith.constant 0 : i32
        %dma_start3A_211 = tpu.memref_slice %run_scoped3A_14[%rem3A_207, %dma_start3A_209, %dma_start3A_210] : memref<2x128x128xf32, #tpu.memory_space<vmem>> -> memref<1x128x128xf32, #tpu.memory_space<vmem>>
        %dma_start3A_212 = tpu.memref_squeeze %dma_start3A_211 : memref<1x128x128xf32, #tpu.memory_space<vmem>> -> memref<128x128xf32, #tpu.memory_space<vmem>>
        %dma_start3A_213 = arith.constant 0 : i32
        %dma_start3A_214 = arith.constant 0 : i32
        %dma_start3A_215 = tpu.memref_slice %run_scoped3A[%rem3A_205, %dma_start3A_213, %dma_start3A_214] : memref<2x1x128xi32, #tpu.memory_space<vmem>> -> memref<1x1x128xi32, #tpu.memory_space<vmem>>
        %dma_start3A_216 = tpu.memref_squeeze %dma_start3A_215 : memref<1x1x128xi32, #tpu.memory_space<vmem>> -> memref<1x128xi32, #tpu.memory_space<vmem>>
        %dma_start3A_217 = arith.constant 0 : i32
        %dma_start3A_218 = tpu.memref_slice %dma_start3A_216[%dma_start3A_208, %dma_start3A_217] : memref<1x128xi32, #tpu.memory_space<vmem>> -> memref<1x128xi32, #tpu.memory_space<vmem>>
        %dma_start3A_219 = tpu.memref_squeeze %dma_start3A_218 : memref<1x128xi32, #tpu.memory_space<vmem>> -> memref<128xi32, #tpu.memory_space<vmem>>
        %dma_start3A_220 = arith.constant 0 : i32
        %dma_start3A_221 = arith.constant 0 : i32
        %dma_start3A_222 = tpu.memref_slice %arg6[%dma_start3A_220, %dma_start3A_221] : memref<10000x128xf32, #tpu.memory_space<vmem_shared>> -> memref<10000x128xf32, #tpu.memory_space<vmem_shared>>
        tpu.enqueue_indirect_dma source(%dma_start3A_222 : memref<10000x128xf32, #tpu.memory_space<vmem_shared>>) target(%dma_start3A_212 : memref<128x128xf32, #tpu.memory_space<vmem>>) offsets(%dma_start3A_219 : memref<128xi32, #tpu.memory_space<vmem>>) semaphore(%arg5 : memref<!tpu.dma_semaphore, #tpu.memory_space<semaphore_mem>>)
        %dma_wait3A_223 = arith.constant 0 : i32
        %dma_wait3A_224 = arith.constant 0 : i32
        %dma_wait3A_225 = arith.constant 0 : i32
        %dma_wait3A_226 = tpu.memref_slice %run_scoped3A_14[%rem3A_207, %dma_wait3A_224, %dma_wait3A_225] : memref<2x128x128xf32, #tpu.memory_space<vmem>> -> memref<1x128x128xf32, #tpu.memory_space<vmem>>
        %dma_wait3A_227 = tpu.memref_squeeze %dma_wait3A_226 : memref<1x128x128xf32, #tpu.memory_space<vmem>> -> memref<128x128xf32, #tpu.memory_space<vmem>>
        %dma_wait3A_228 = arith.constant 0 : i32
        %dma_wait3A_229 = arith.constant 0 : i32
        %dma_wait3A_230 = tpu.memref_slice %run_scoped3A[%rem3A_205, %dma_wait3A_228, %dma_wait3A_229] : memref<2x1x128xi32, #tpu.memory_space<vmem>> -> memref<1x1x128xi32, #tpu.memory_space<vmem>>
        %dma_wait3A_231 = tpu.memref_squeeze %dma_wait3A_230 : memref<1x1x128xi32, #tpu.memory_space<vmem>> -> memref<1x128xi32, #tpu.memory_space<vmem>>
        %dma_wait3A_232 = arith.constant 0 : i32
        %dma_wait3A_233 = tpu.memref_slice %dma_wait3A_231[%dma_wait3A_223, %dma_wait3A_232] : memref<1x128xi32, #tpu.memory_space<vmem>> -> memref<1x128xi32, #tpu.memory_space<vmem>>
        %dma_wait3A_234 = tpu.memref_squeeze %dma_wait3A_233 : memref<1x128xi32, #tpu.memory_space<vmem>> -> memref<128xi32, #tpu.memory_space<vmem>>
        %dma_wait3A_235 = arith.constant 0 : i32
        %dma_wait3A_236 = arith.constant 0 : i32
        %dma_wait3A_237 = tpu.memref_slice %arg6[%dma_wait3A_235, %dma_wait3A_236] : memref<10000x128xf32, #tpu.memory_space<vmem_shared>> -> memref<10000x128xf32, #tpu.memory_space<vmem_shared>>
        tpu.wait_indirect_dma semaphore(%arg5 : memref<!tpu.dma_semaphore, #tpu.memory_space<semaphore_mem>>) src(%dma_wait3A_237 : memref<10000x128xf32, #tpu.memory_space<vmem_shared>>) dst(%dma_wait3A_227 : memref<128x128xf32, #tpu.memory_space<vmem>>)
        "tpu.trace_stop"() : () -> ()
        %ne3A_238 = arith.cmpi ne, %add3A_139, %add3A_157 : i32
        %or3A_239 = arith.constant false
        %or3A_240 = arith.ori %or3A_239, %ne3A_238 : i1
        %or3A_241 = arith.ori %or3A_240, %eq3A_138 : i1
        %convert_element_type3A_242 = arith.extui %or3A_241 : i1 to i32
        %cond3A_243 = arith.constant 0 : i32
        %cond3A_244 = arith.cmpi ne, %convert_element_type3A_242, %cond3A_243 : i32
        scf.if %cond3A_244 {
        } else {
        }
        %and3A_245 = arith.constant false
        %and3A_246 = arith.andi %or3A_241, %and3A_245 : i1
        %ne3A_247 = arith.cmpi ne, %add3A_139, %add3A_157 : i32
        %or3A_248 = arith.constant false
        %or3A_249 = arith.ori %or3A_248, %ne3A_247 : i1
        %or3A_250 = arith.constant false
        %or3A_251 = arith.ori %or3A_249, %or3A_250 : i1
        %or3A_252 = arith.ori %or3A_251, %eq3A_138 : i1
        %convert_element_type3A_253 = arith.extui %or3A_252 : i1 to i32
        %cond3A_254 = arith.constant 0 : i32
        %cond3A_255 = arith.cmpi ne, %convert_element_type3A_253, %cond3A_254 : i32
        scf.if %cond3A_255 {
          "tpu.trace_start"() <{level = 10 : i32, message = "ep_copy_out"}> : () -> ()
          %rem3A_303 = arith.constant 2 : i32
          %rem3A_304 = arith.remui %scan3A_132, %rem3A_303 : i32
          %mul3A_305 = arith.constant 128 : i32
          %mul3A_306 = arith.muli %mul3A_305, %add3A_139 : i32
          %dma_start3A_307 = arith.constant 0 : i32
          %dma_start3A_308 = arith.constant 0 : i32
          %dma_start3A_309 = tpu.memref_slice %run_scoped3A_14[%rem3A_304, %dma_start3A_307, %dma_start3A_308] : memref<2x128x128xf32, #tpu.memory_space<vmem>> -> memref<1x128x128xf32, #tpu.memory_space<vmem>>
          %dma_start3A_310 = tpu.memref_squeeze %dma_start3A_309 : memref<1x128x128xf32, #tpu.memory_space<vmem>> -> memref<128x128xf32, #tpu.memory_space<vmem>>
          %dma_start3A_311 = arith.constant 0 : i32
          %dma_start3A_312 = tpu.memref_slice %arg4[%mul3A_306, %dma_start3A_311] : memref<102400x128xf32, #tpu.memory_space<hbm>> -> memref<128x128xf32, #tpu.memory_space<hbm>>
          %dma_start3A_313 = tpu.memref_slice %run_scoped3A_15[%rem3A_304] : memref<2x!tpu.dma_semaphore, #tpu.memory_space<semaphore_mem>> -> memref<1x!tpu.dma_semaphore, #tpu.memory_space<semaphore_mem>>
          %dma_start3A_314 = tpu.memref_squeeze %dma_start3A_313 : memref<1x!tpu.dma_semaphore, #tpu.memory_space<semaphore_mem>> -> memref<!tpu.dma_semaphore, #tpu.memory_space<semaphore_mem>>
          %dma_start3A_315 = arith.constant 0 : i32
          %dma_start3A_316 = tpu.memref_slice %arg4[%mul3A_306, %dma_start3A_315] : memref<102400x128xf32, #tpu.memory_space<hbm>> -> memref<128x128xf32, #tpu.memory_space<hbm>>
          %dma_start3A_317 = arith.constant 0 : i32
          %dma_start3A_318 = arith.constant 0 : i32
          %dma_start3A_319 = tpu.memref_slice %run_scoped3A_14[%rem3A_304, %dma_start3A_317, %dma_start3A_318] : memref<2x128x128xf32, #tpu.memory_space<vmem>> -> memref<1x128x128xf32, #tpu.memory_space<vmem>>
          %dma_start3A_320 = tpu.memref_squeeze %dma_start3A_319 : memref<1x128x128xf32, #tpu.memory_space<vmem>> -> memref<128x128xf32, #tpu.memory_space<vmem>>
          tpu.enqueue_dma source(%dma_start3A_320 : memref<128x128xf32, #tpu.memory_space<vmem>>) target(%dma_start3A_316 : memref<128x128xf32, #tpu.memory_space<hbm>>) target_semaphore(%dma_start3A_314 : memref<!tpu.dma_semaphore, #tpu.memory_space<semaphore_mem>>)
          "tpu.trace_stop"() : () -> ()
        } else {
        }
        %and3A_256 = arith.constant true
        %and3A_257 = arith.andi %or3A_252, %and3A_256 : i1
        %add3A_258 = arith.constant 1 : i32
        %add3A_259 = arith.addi %scan3A_132, %add3A_258 : i32
        %select_n3A_260 = arith.select %and3A_257, %add3A_259, %scan3A_132 : i32
        %ne3A_261 = arith.cmpi ne, %add3A_139, %add3A_148 : i32
        %or3A_262 = arith.constant false
        %or3A_263 = arith.ori %or3A_262, %ne3A_261 : i1
        %not3A_264 = arith.constant true
        %not3A_265 = arith.xori %eq3A_136, %not3A_264 : i1
        %and3A_266 = arith.andi %or3A_263, %not3A_265 : i1
        %convert_element_type3A_267 = arith.extui %and3A_266 : i1 to i32
        %cond3A_268 = arith.constant 0 : i32
        %cond3A_269 = arith.cmpi ne, %convert_element_type3A_267, %cond3A_268 : i32
        scf.if %cond3A_269 {
        } else {
        }
        %and3A_270 = arith.constant false
        %and3A_271 = arith.andi %and3A_266, %and3A_270 : i1
        %ne3A_272 = arith.cmpi ne, %add3A_139, %add3A_148 : i32
        %or3A_273 = arith.constant false
        %or3A_274 = arith.ori %or3A_273, %ne3A_272 : i1
        %or3A_275 = arith.constant false
        %or3A_276 = arith.ori %or3A_274, %or3A_275 : i1
        %not3A_277 = arith.constant true
        %not3A_278 = arith.xori %eq3A_136, %not3A_277 : i1
        %and3A_279 = arith.andi %or3A_276, %not3A_278 : i1
        %convert_element_type3A_280 = arith.extui %and3A_279 : i1 to i32
        %cond3A_281 = arith.constant 0 : i32
        %cond3A_282 = arith.cmpi ne, %convert_element_type3A_280, %cond3A_281 : i32
        scf.if %cond3A_282 {
          "tpu.trace_start"() <{level = 10 : i32, message = "ep_wait_out"}> : () -> ()
          %rem3A_303 = arith.constant 2 : i32
          %rem3A_304 = arith.remui %scan3A_133, %rem3A_303 : i32
          %mul3A_305 = arith.constant 128 : i32
          %mul3A_306 = arith.muli %mul3A_305, %add3A_148 : i32
          %dma_wait3A_307 = arith.constant 0 : i32
          %dma_wait3A_308 = arith.constant 0 : i32
          %dma_wait3A_309 = tpu.memref_slice %run_scoped3A_14[%rem3A_304, %dma_wait3A_307, %dma_wait3A_308] : memref<2x128x128xf32, #tpu.memory_space<vmem>> -> memref<1x128x128xf32, #tpu.memory_space<vmem>>
          %dma_wait3A_310 = tpu.memref_squeeze %dma_wait3A_309 : memref<1x128x128xf32, #tpu.memory_space<vmem>> -> memref<128x128xf32, #tpu.memory_space<vmem>>
          %dma_wait3A_311 = arith.constant 0 : i32
          %dma_wait3A_312 = tpu.memref_slice %arg4[%mul3A_306, %dma_wait3A_311] : memref<102400x128xf32, #tpu.memory_space<hbm>> -> memref<128x128xf32, #tpu.memory_space<hbm>>
          %dma_wait3A_313 = tpu.memref_slice %run_scoped3A_15[%rem3A_304] : memref<2x!tpu.dma_semaphore, #tpu.memory_space<semaphore_mem>> -> memref<1x!tpu.dma_semaphore, #tpu.memory_space<semaphore_mem>>
          %dma_wait3A_314 = tpu.memref_squeeze %dma_wait3A_313 : memref<1x!tpu.dma_semaphore, #tpu.memory_space<semaphore_mem>> -> memref<!tpu.dma_semaphore, #tpu.memory_space<semaphore_mem>>
          %dma_wait3A_315 = arith.constant 0 : i32
          %dma_wait3A_316 = tpu.memref_slice %arg4[%mul3A_306, %dma_wait3A_315] : memref<102400x128xf32, #tpu.memory_space<hbm>> -> memref<128x128xf32, #tpu.memory_space<hbm>>
          %dma_wait3A_317 = arith.constant 0 : i32
          %dma_wait3A_318 = arith.constant 0 : i32
          %dma_wait3A_319 = tpu.memref_slice %run_scoped3A_14[%rem3A_304, %dma_wait3A_317, %dma_wait3A_318] : memref<2x128x128xf32, #tpu.memory_space<vmem>> -> memref<1x128x128xf32, #tpu.memory_space<vmem>>
          %dma_wait3A_320 = tpu.memref_squeeze %dma_wait3A_319 : memref<1x128x128xf32, #tpu.memory_space<vmem>> -> memref<128x128xf32, #tpu.memory_space<vmem>>
          tpu.wait_dma2 semaphore(%dma_wait3A_314 : memref<!tpu.dma_semaphore, #tpu.memory_space<semaphore_mem>>) src(%dma_wait3A_320 : memref<128x128xf32, #tpu.memory_space<vmem>>) dst(%dma_wait3A_316 : memref<128x128xf32, #tpu.memory_space<hbm>>)
          "tpu.trace_stop"() : () -> ()
        } else {
        }
        %and3A_283 = arith.constant true
        %and3A_284 = arith.andi %and3A_279, %and3A_283 : i1
        %add3A_285 = arith.constant 1 : i32
        %add3A_286 = arith.addi %scan3A_133, %add3A_285 : i32
        %select_n3A_287 = arith.select %and3A_284, %add3A_286, %scan3A_133 : i32
        %ne3A_288 = arith.cmpi ne, %add3A_139, %add3A_157 : i32
        %or3A_289 = arith.constant false
        %or3A_290 = arith.ori %or3A_289, %ne3A_288 : i1
        %or3A_291 = arith.ori %or3A_290, %eq3A_138 : i1
        %add3A_292 = arith.constant 1 : i32
        %add3A_293 = arith.addi %scan3A_131, %add3A_292 : i32
        %select_n3A_294 = arith.select %or3A_291, %add3A_293, %scan3A_131 : i32
        %add3A_295 = arith.constant 1 : i32
        %add3A_296 = arith.addi %scan3A_134, %add3A_295 : i32
        %select_n3A_297 = arith.constant true
        %select_n3A_298 = arith.select %select_n3A_297, %add3A_296, %scan3A_134 : i32
        %eq3A_299 = arith.constant 25 : i32
        %eq3A_300 = arith.cmpi eq, %select_n3A_298, %eq3A_299 : i32
        %select_n3A_301 = arith.constant 0 : i32
        %select_n3A_302 = arith.select %eq3A_300, %select_n3A_301, %select_n3A_298 : i32
        scf.yield %select_n3A_177, %select_n3A_294, %select_n3A_260, %select_n3A_287, %select_n3A_302 : i32, i32, i32, i32, i32
      }
      %scan3A_76 = arith.constant 25 : i32
      %sub3A = arith.constant 1 : i32
      %sub3A_77 = arith.subi %scan3A_75#4, %sub3A : i32
      %select_n3A_78 = arith.constant true
      %select_n3A_79 = arith.select %select_n3A_78, %sub3A_77, %scan3A_75#4 : i32
      %eq3A_80 = arith.constant -1 : i32
      %eq3A_81 = arith.cmpi eq, %select_n3A_79, %eq3A_80 : i32
      %select_n3A_82 = arith.constant 24 : i32
      %select_n3A_83 = arith.select %eq3A_81, %select_n3A_82, %select_n3A_79 : i32
      %add3A_84 = arith.addi %select_n3A_83, %mul3A_12 : i32
      %sub3A_85 = arith.constant 1 : i32
      %sub3A_86 = arith.subi %select_n3A_83, %sub3A_85 : i32
      %select_n3A_87 = arith.constant true
      %select_n3A_88 = arith.select %select_n3A_87, %sub3A_86, %select_n3A_83 : i32
      %eq3A_89 = arith.constant -1 : i32
      %eq3A_90 = arith.cmpi eq, %select_n3A_88, %eq3A_89 : i32
      %select_n3A_91 = arith.constant 24 : i32
      %select_n3A_92 = arith.select %eq3A_90, %select_n3A_91, %select_n3A_88 : i32
      %add3A_93 = arith.addi %select_n3A_92, %mul3A_12 : i32
      %add3A_94 = arith.constant 1 : i32
      %add3A_95 = arith.addi %select_n3A_83, %add3A_94 : i32
      %select_n3A_96 = arith.constant true
      %select_n3A_97 = arith.select %select_n3A_96, %add3A_95, %select_n3A_83 : i32
      %eq3A_98 = arith.constant 25 : i32
      %eq3A_99 = arith.cmpi eq, %select_n3A_97, %eq3A_98 : i32
      %select_n3A_100 = arith.constant 0 : i32
      %select_n3A_101 = arith.select %eq3A_99, %select_n3A_100, %select_n3A_97 : i32
      %add3A_102 = arith.addi %select_n3A_101, %mul3A_12 : i32
      %add3A_103 = arith.constant 1 : i32
      %add3A_104 = arith.addi %select_n3A_101, %add3A_103 : i32
      %select_n3A_105 = arith.constant true
      %select_n3A_106 = arith.select %select_n3A_105, %add3A_104, %select_n3A_101 : i32
      %eq3A_107 = arith.constant 25 : i32
      %eq3A_108 = arith.cmpi eq, %select_n3A_106, %eq3A_107 : i32
      %select_n3A_109 = arith.constant 0 : i32
      %select_n3A_110 = arith.select %eq3A_108, %select_n3A_109, %select_n3A_106 : i32
      %add3A_111 = arith.addi %select_n3A_110, %mul3A_12 : i32
      "tpu.trace_start"() <{level = 10 : i32, message = "ep_finalize"}> : () -> ()
      %rem3A_112 = arith.constant 2 : i32
      %rem3A_113 = arith.remui %scan3A_75#3, %rem3A_112 : i32
      %mul3A_114 = arith.constant 128 : i32
      %mul3A_115 = arith.muli %mul3A_114, %add3A_84 : i32
      %dma_wait3A = arith.constant 0 : i32
      %dma_wait3A_116 = arith.constant 0 : i32
      %dma_wait3A_117 = tpu.memref_slice %run_scoped3A_14[%rem3A_113, %dma_wait3A, %dma_wait3A_116] : memref<2x128x128xf32, #tpu.memory_space<vmem>> -> memref<1x128x128xf32, #tpu.memory_space<vmem>>
      %dma_wait3A_118 = tpu.memref_squeeze %dma_wait3A_117 : memref<1x128x128xf32, #tpu.memory_space<vmem>> -> memref<128x128xf32, #tpu.memory_space<vmem>>
      %dma_wait3A_119 = arith.constant 0 : i32
      %dma_wait3A_120 = tpu.memref_slice %arg4[%mul3A_115, %dma_wait3A_119] : memref<102400x128xf32, #tpu.memory_space<hbm>> -> memref<128x128xf32, #tpu.memory_space<hbm>>
      %dma_wait3A_121 = tpu.memref_slice %run_scoped3A_15[%rem3A_113] : memref<2x!tpu.dma_semaphore, #tpu.memory_space<semaphore_mem>> -> memref<1x!tpu.dma_semaphore, #tpu.memory_space<semaphore_mem>>
      %dma_wait3A_122 = tpu.memref_squeeze %dma_wait3A_121 : memref<1x!tpu.dma_semaphore, #tpu.memory_space<semaphore_mem>> -> memref<!tpu.dma_semaphore, #tpu.memory_space<semaphore_mem>>
      %dma_wait3A_123 = arith.constant 0 : i32
      %dma_wait3A_124 = tpu.memref_slice %arg4[%mul3A_115, %dma_wait3A_123] : memref<102400x128xf32, #tpu.memory_space<hbm>> -> memref<128x128xf32, #tpu.memory_space<hbm>>
      %dma_wait3A_125 = arith.constant 0 : i32
      %dma_wait3A_126 = arith.constant 0 : i32
      %dma_wait3A_127 = tpu.memref_slice %run_scoped3A_14[%rem3A_113, %dma_wait3A_125, %dma_wait3A_126] : memref<2x128x128xf32, #tpu.memory_space<vmem>> -> memref<1x128x128xf32, #tpu.memory_space<vmem>>
      %dma_wait3A_128 = tpu.memref_squeeze %dma_wait3A_127 : memref<1x128x128xf32, #tpu.memory_space<vmem>> -> memref<128x128xf32, #tpu.memory_space<vmem>>
      tpu.wait_dma2 semaphore(%dma_wait3A_122 : memref<!tpu.dma_semaphore, #tpu.memory_space<semaphore_mem>>) src(%dma_wait3A_128 : memref<128x128xf32, #tpu.memory_space<vmem>>) dst(%dma_wait3A_124 : memref<128x128xf32, #tpu.memory_space<hbm>>)
      "tpu.trace_stop"() : () -> ()
      tpu.yield
    }) : () -> ()
    return
  }
}

#map = affine_map<(d0, d1) -> (0, 0)>
module attributes {stable_mosaic.version = 14 : i64} {
  func.func @k(%arg0: i32, %arg1: i32, %arg2: memref<10000x128xf32, #tpu.memory_space<hbm>>, %arg3: memref<1x262144xi32, #tpu.memory_space<hbm>>, %arg4: memref<262144x128xf32, #tpu.memory_space<hbm>>, %arg5: memref<!tpu.dma_semaphore, #tpu.memory_space<semaphore_mem>>, %arg6: memref<10000x128xf32, #tpu.memory_space<vmem_shared>>, %arg7: memref<64x128xf32, #tpu.memory_space<vmem>>) attributes {dimension_semantics = [#tpu.dimension_semantics<core_parallel>, #tpu.dimension_semantics<subcore_parallel>], iteration_bounds = array<i64: 2, 16>, scalar_prefetch = 0 : i64, scratch_operands = 3 : i64, tpu.core_type = #tpu.core_type<sc_vector_subcore>, window_params = [{transform_indices = #map}, {transform_indices = #map}, {transform_indices = #map}]} {
    %scan3A = arith.constant 0 : i32
    %scan3A_0 = arith.constant 10 : i32
    %scan3A_1 = arith.addi %scan3A, %scan3A_0 : i32
    %scan3A_2 = arith.constant 1 : i32
    scf.for %scan3A_13 = %scan3A to %scan3A_1 step %scan3A_2  : i32 {
      %mul3A_14 = arith.constant 1 : i32
      %mul3A_15 = arith.muli %scan3A_13, %mul3A_14 : i32
      %add3A_16 = arith.constant 0 : i32
      %add3A_17 = arith.addi %add3A_16, %mul3A_15 : i32
      %mul3A_18 = arith.constant 16 : i32
      %mul3A_19 = arith.muli %add3A_17, %mul3A_18 : i32
      %add3A_20 = arith.addi %arg1, %mul3A_19 : i32
      %lt3A = arith.constant 156 : i32
      %lt3A_21 = arith.cmpi slt, %add3A_20, %lt3A : i32
      %convert_element_type3A_22 = arith.extui %lt3A_21 : i1 to i32
      %cond3A_23 = arith.constant 0 : i32
      %cond3A_24 = arith.cmpi ne, %convert_element_type3A_22, %cond3A_23 : i32
      scf.if %cond3A_24 {
        %mul3A_25 = arith.constant 64 : i32
        %mul3A_26 = arith.muli %add3A_20, %mul3A_25 : i32
        %multiple_of3A = tpu.assume_multiple %mul3A_26, 64 : i32
        "tpu.region"() ({
          %run_scoped3A = tpu.sem_alloc : memref<!tpu.dma_semaphore, #tpu.memory_space<semaphore_mem>>
          %dma_start3A = arith.constant 0 : i32
          %dma_start3A_27 = tpu.memref_slice %arg2[%multiple_of3A, %dma_start3A] : memref<10000x128xf32, #tpu.memory_space<hbm>> -> memref<64x128xf32, #tpu.memory_space<hbm>>
          %dma_start3A_28 = arith.constant 0 : i32
          %dma_start3A_29 = tpu.memref_slice %arg2[%multiple_of3A, %dma_start3A_28] : memref<10000x128xf32, #tpu.memory_space<hbm>> -> memref<64x128xf32, #tpu.memory_space<hbm>>
          tpu.enqueue_dma source(%dma_start3A_29 : memref<64x128xf32, #tpu.memory_space<hbm>>) target(%arg7 : memref<64x128xf32, #tpu.memory_space<vmem>>) target_semaphore(%run_scoped3A : memref<!tpu.dma_semaphore, #tpu.memory_space<semaphore_mem>>)
          %dma_wait3A = arith.constant 0 : i32
          %dma_wait3A_30 = tpu.memref_slice %arg2[%multiple_of3A, %dma_wait3A] : memref<10000x128xf32, #tpu.memory_space<hbm>> -> memref<64x128xf32, #tpu.memory_space<hbm>>
          %dma_wait3A_31 = arith.constant 0 : i32
          %dma_wait3A_32 = tpu.memref_slice %arg2[%multiple_of3A, %dma_wait3A_31] : memref<10000x128xf32, #tpu.memory_space<hbm>> -> memref<64x128xf32, #tpu.memory_space<hbm>>
          tpu.wait_dma2 semaphore(%run_scoped3A : memref<!tpu.dma_semaphore, #tpu.memory_space<semaphore_mem>>) src(%dma_wait3A_32 : memref<64x128xf32, #tpu.memory_space<hbm>>) dst(%arg7 : memref<64x128xf32, #tpu.memory_space<vmem>>)
          tpu.yield
        }) : () -> ()
        "tpu.region"() ({
          %run_scoped3A = tpu.sem_alloc : memref<!tpu.dma_semaphore, #tpu.memory_space<semaphore_mem>>
          %dma_start3A = arith.constant 0 : i32
          %dma_start3A_27 = tpu.memref_slice %arg6[%multiple_of3A, %dma_start3A] : memref<10000x128xf32, #tpu.memory_space<vmem_shared>> -> memref<64x128xf32, #tpu.memory_space<vmem_shared>>
          %dma_start3A_28 = arith.constant 0 : i32
          %dma_start3A_29 = tpu.memref_slice %arg6[%multiple_of3A, %dma_start3A_28] : memref<10000x128xf32, #tpu.memory_space<vmem_shared>> -> memref<64x128xf32, #tpu.memory_space<vmem_shared>>
          tpu.enqueue_dma source(%arg7 : memref<64x128xf32, #tpu.memory_space<vmem>>) target(%dma_start3A_29 : memref<64x128xf32, #tpu.memory_space<vmem_shared>>) target_semaphore(%run_scoped3A : memref<!tpu.dma_semaphore, #tpu.memory_space<semaphore_mem>>)
          %dma_wait3A = arith.constant 0 : i32
          %dma_wait3A_30 = tpu.memref_slice %arg6[%multiple_of3A, %dma_wait3A] : memref<10000x128xf32, #tpu.memory_space<vmem_shared>> -> memref<64x128xf32, #tpu.memory_space<vmem_shared>>
          %dma_wait3A_31 = arith.constant 0 : i32
          %dma_wait3A_32 = tpu.memref_slice %arg6[%multiple_of3A, %dma_wait3A_31] : memref<10000x128xf32, #tpu.memory_space<vmem_shared>> -> memref<64x128xf32, #tpu.memory_space<vmem_shared>>
          tpu.wait_dma2 semaphore(%run_scoped3A : memref<!tpu.dma_semaphore, #tpu.memory_space<semaphore_mem>>) src(%arg7 : memref<64x128xf32, #tpu.memory_space<vmem>>) dst(%dma_wait3A_32 : memref<64x128xf32, #tpu.memory_space<vmem_shared>>)
          tpu.yield
        }) : () -> ()
      } else {
      }
    }
    %scan3A_3 = arith.constant 10 : i32
    %eq3A = arith.constant 15 : i32
    %eq3A_4 = arith.cmpi eq, %arg1, %eq3A : i32
    %convert_element_type3A = arith.extui %eq3A_4 : i1 to i32
    %cond3A = arith.constant 0 : i32
    %cond3A_5 = arith.cmpi ne, %convert_element_type3A, %cond3A : i32
    scf.if %cond3A_5 {
      "tpu.region"() ({
        %run_scoped3A = tpu.sem_alloc : memref<!tpu.dma_semaphore, #tpu.memory_space<semaphore_mem>>
        %dma_start3A = arith.constant 0 : i32
        %dma_start3A_13 = arith.constant 0 : i32
        %dma_start3A_14 = tpu.memref_slice %arg7[%dma_start3A, %dma_start3A_13] : memref<64x128xf32, #tpu.memory_space<vmem>> -> memref<16x128xf32, #tpu.memory_space<vmem>>
        %dma_start3A_15 = arith.constant 9984 : i32
        %dma_start3A_16 = arith.constant 0 : i32
        %dma_start3A_17 = tpu.memref_slice %arg2[%dma_start3A_15, %dma_start3A_16] : memref<10000x128xf32, #tpu.memory_space<hbm>> -> memref<16x128xf32, #tpu.memory_space<hbm>>
        %dma_start3A_18 = arith.constant 0 : i32
        %dma_start3A_19 = arith.constant 0 : i32
        %dma_start3A_20 = tpu.memref_slice %arg7[%dma_start3A_18, %dma_start3A_19] : memref<64x128xf32, #tpu.memory_space<vmem>> -> memref<16x128xf32, #tpu.memory_space<vmem>>
        %dma_start3A_21 = arith.constant 9984 : i32
        %dma_start3A_22 = arith.constant 0 : i32
        %dma_start3A_23 = tpu.memref_slice %arg2[%dma_start3A_21, %dma_start3A_22] : memref<10000x128xf32, #tpu.memory_space<hbm>> -> memref<16x128xf32, #tpu.memory_space<hbm>>
        tpu.enqueue_dma source(%dma_start3A_23 : memref<16x128xf32, #tpu.memory_space<hbm>>) target(%dma_start3A_20 : memref<16x128xf32, #tpu.memory_space<vmem>>) target_semaphore(%run_scoped3A : memref<!tpu.dma_semaphore, #tpu.memory_space<semaphore_mem>>)
        %dma_wait3A = arith.constant 0 : i32
        %dma_wait3A_24 = arith.constant 0 : i32
        %dma_wait3A_25 = tpu.memref_slice %arg7[%dma_wait3A, %dma_wait3A_24] : memref<64x128xf32, #tpu.memory_space<vmem>> -> memref<16x128xf32, #tpu.memory_space<vmem>>
        %dma_wait3A_26 = arith.constant 9984 : i32
        %dma_wait3A_27 = arith.constant 0 : i32
        %dma_wait3A_28 = tpu.memref_slice %arg2[%dma_wait3A_26, %dma_wait3A_27] : memref<10000x128xf32, #tpu.memory_space<hbm>> -> memref<16x128xf32, #tpu.memory_space<hbm>>
        %dma_wait3A_29 = arith.constant 0 : i32
        %dma_wait3A_30 = arith.constant 0 : i32
        %dma_wait3A_31 = tpu.memref_slice %arg7[%dma_wait3A_29, %dma_wait3A_30] : memref<64x128xf32, #tpu.memory_space<vmem>> -> memref<16x128xf32, #tpu.memory_space<vmem>>
        %dma_wait3A_32 = arith.constant 9984 : i32
        %dma_wait3A_33 = arith.constant 0 : i32
        %dma_wait3A_34 = tpu.memref_slice %arg2[%dma_wait3A_32, %dma_wait3A_33] : memref<10000x128xf32, #tpu.memory_space<hbm>> -> memref<16x128xf32, #tpu.memory_space<hbm>>
        tpu.wait_dma2 semaphore(%run_scoped3A : memref<!tpu.dma_semaphore, #tpu.memory_space<semaphore_mem>>) src(%dma_wait3A_34 : memref<16x128xf32, #tpu.memory_space<hbm>>) dst(%dma_wait3A_31 : memref<16x128xf32, #tpu.memory_space<vmem>>)
        tpu.yield
      }) : () -> ()
      "tpu.region"() ({
        %run_scoped3A = tpu.sem_alloc : memref<!tpu.dma_semaphore, #tpu.memory_space<semaphore_mem>>
        %dma_start3A = arith.constant 0 : i32
        %dma_start3A_13 = arith.constant 0 : i32
        %dma_start3A_14 = tpu.memref_slice %arg7[%dma_start3A, %dma_start3A_13] : memref<64x128xf32, #tpu.memory_space<vmem>> -> memref<16x128xf32, #tpu.memory_space<vmem>>
        %dma_start3A_15 = arith.constant 9984 : i32
        %dma_start3A_16 = arith.constant 0 : i32
        %dma_start3A_17 = tpu.memref_slice %arg6[%dma_start3A_15, %dma_start3A_16] : memref<10000x128xf32, #tpu.memory_space<vmem_shared>> -> memref<16x128xf32, #tpu.memory_space<vmem_shared>>
        %dma_start3A_18 = arith.constant 9984 : i32
        %dma_start3A_19 = arith.constant 0 : i32
        %dma_start3A_20 = tpu.memref_slice %arg6[%dma_start3A_18, %dma_start3A_19] : memref<10000x128xf32, #tpu.memory_space<vmem_shared>> -> memref<16x128xf32, #tpu.memory_space<vmem_shared>>
        %dma_start3A_21 = arith.constant 0 : i32
        %dma_start3A_22 = arith.constant 0 : i32
        %dma_start3A_23 = tpu.memref_slice %arg7[%dma_start3A_21, %dma_start3A_22] : memref<64x128xf32, #tpu.memory_space<vmem>> -> memref<16x128xf32, #tpu.memory_space<vmem>>
        tpu.enqueue_dma source(%dma_start3A_23 : memref<16x128xf32, #tpu.memory_space<vmem>>) target(%dma_start3A_20 : memref<16x128xf32, #tpu.memory_space<vmem_shared>>) target_semaphore(%run_scoped3A : memref<!tpu.dma_semaphore, #tpu.memory_space<semaphore_mem>>)
        %dma_wait3A = arith.constant 0 : i32
        %dma_wait3A_24 = arith.constant 0 : i32
        %dma_wait3A_25 = tpu.memref_slice %arg7[%dma_wait3A, %dma_wait3A_24] : memref<64x128xf32, #tpu.memory_space<vmem>> -> memref<16x128xf32, #tpu.memory_space<vmem>>
        %dma_wait3A_26 = arith.constant 9984 : i32
        %dma_wait3A_27 = arith.constant 0 : i32
        %dma_wait3A_28 = tpu.memref_slice %arg6[%dma_wait3A_26, %dma_wait3A_27] : memref<10000x128xf32, #tpu.memory_space<vmem_shared>> -> memref<16x128xf32, #tpu.memory_space<vmem_shared>>
        %dma_wait3A_29 = arith.constant 9984 : i32
        %dma_wait3A_30 = arith.constant 0 : i32
        %dma_wait3A_31 = tpu.memref_slice %arg6[%dma_wait3A_29, %dma_wait3A_30] : memref<10000x128xf32, #tpu.memory_space<vmem_shared>> -> memref<16x128xf32, #tpu.memory_space<vmem_shared>>
        %dma_wait3A_32 = arith.constant 0 : i32
        %dma_wait3A_33 = arith.constant 0 : i32
        %dma_wait3A_34 = tpu.memref_slice %arg7[%dma_wait3A_32, %dma_wait3A_33] : memref<64x128xf32, #tpu.memory_space<vmem>> -> memref<16x128xf32, #tpu.memory_space<vmem>>
        tpu.wait_dma2 semaphore(%run_scoped3A : memref<!tpu.dma_semaphore, #tpu.memory_space<semaphore_mem>>) src(%dma_wait3A_34 : memref<16x128xf32, #tpu.memory_space<vmem>>) dst(%dma_wait3A_31 : memref<16x128xf32, #tpu.memory_space<vmem_shared>>)
        tpu.yield
      }) : () -> ()
    } else {
    }
    %barrier3A = arith.constant 0 : index
    tpu.barrier barrier_id(%barrier3A)
    %mul3A = arith.constant 1 : i32
    %mul3A_6 = arith.muli %arg1, %mul3A : i32
    %add3A = arith.constant 0 : i32
    %add3A_7 = arith.addi %add3A, %mul3A_6 : i32
    %mul3A_8 = arith.constant 16 : i32
    %mul3A_9 = arith.muli %arg0, %mul3A_8 : i32
    %add3A_10 = arith.addi %add3A_7, %mul3A_9 : i32
    %mul3A_11 = arith.constant 64 : i32
    %mul3A_12 = arith.muli %add3A_10, %mul3A_11 : i32
    "tpu.region"() ({
      %run_scoped3A = memref.alloca() : memref<2x1x128xi32, #tpu.memory_space<vmem>>
      %run_scoped3A_13 = tpu.sem_alloc : memref<2x!tpu.dma_semaphore, #tpu.memory_space<semaphore_mem>>
      %run_scoped3A_14 = memref.alloca() : memref<2x128x128xf32, #tpu.memory_space<vmem>>
      %run_scoped3A_15 = tpu.sem_alloc : memref<2x!tpu.dma_semaphore, #tpu.memory_space<semaphore_mem>>
      %add3A_16 = arith.constant 0 : i32
      %add3A_17 = arith.addi %add3A_16, %mul3A_12 : i32
      %select_n3A = arith.constant true
      %select_n3A_18 = arith.constant 0 : i32
      %select_n3A_19 = arith.constant -1 : i32
      %select_n3A_20 = arith.select %select_n3A, %select_n3A_19, %select_n3A_18 : i32
      %eq3A_21 = arith.constant -1 : i32
      %eq3A_22 = arith.cmpi eq, %select_n3A_20, %eq3A_21 : i32
      %select_n3A_23 = arith.constant 63 : i32
      %select_n3A_24 = arith.select %eq3A_22, %select_n3A_23, %select_n3A_20 : i32
      %add3A_25 = arith.addi %select_n3A_24, %mul3A_12 : i32
      %select_n3A_26 = arith.constant true
      %select_n3A_27 = arith.constant 0 : i32
      %select_n3A_28 = arith.constant 1 : i32
      %select_n3A_29 = arith.select %select_n3A_26, %select_n3A_28, %select_n3A_27 : i32
      %eq3A_30 = arith.constant 64 : i32
      %eq3A_31 = arith.cmpi eq, %select_n3A_29, %eq3A_30 : i32
      %select_n3A_32 = arith.constant 0 : i32
      %select_n3A_33 = arith.select %eq3A_31, %select_n3A_32, %select_n3A_29 : i32
      %add3A_34 = arith.addi %select_n3A_33, %mul3A_12 : i32
      %add3A_35 = arith.constant 1 : i32
      %add3A_36 = arith.addi %select_n3A_33, %add3A_35 : i32
      %select_n3A_37 = arith.constant true
      %select_n3A_38 = arith.select %select_n3A_37, %add3A_36, %select_n3A_33 : i32
      %eq3A_39 = arith.constant 64 : i32
      %eq3A_40 = arith.cmpi eq, %select_n3A_38, %eq3A_39 : i32
      %select_n3A_41 = arith.constant 0 : i32
      %select_n3A_42 = arith.select %eq3A_40, %select_n3A_41, %select_n3A_38 : i32
      %add3A_43 = arith.addi %select_n3A_42, %mul3A_12 : i32
      "tpu.trace_start"() <{level = 10 : i32, message = "ep_initialize_0"}> : () -> ()
      %rem3A = arith.constant 0 : i32
      %rem3A_44 = arith.constant 2 : i32
      %rem3A_45 = arith.remui %rem3A, %rem3A_44 : i32
      %mul3A_46 = arith.constant 128 : i32
      %mul3A_47 = arith.muli %mul3A_46, %add3A_17 : i32
      %dma_start3A = arith.constant 0 : i32
      %dma_start3A_48 = arith.constant 0 : i32
      %dma_start3A_49 = tpu.memref_slice %run_scoped3A[%rem3A_45, %dma_start3A, %dma_start3A_48] : memref<2x1x128xi32, #tpu.memory_space<vmem>> -> memref<1x1x128xi32, #tpu.memory_space<vmem>>
      %dma_start3A_50 = tpu.memref_squeeze %dma_start3A_49 : memref<1x1x128xi32, #tpu.memory_space<vmem>> -> memref<1x128xi32, #tpu.memory_space<vmem>>
      %dma_start3A_51 = arith.constant 0 : i32
      %dma_start3A_52 = tpu.memref_slice %arg3[%dma_start3A_51, %mul3A_47] : memref<1x262144xi32, #tpu.memory_space<hbm>> -> memref<1x128xi32, #tpu.memory_space<hbm>>
      %dma_start3A_53 = tpu.memref_slice %run_scoped3A_13[%rem3A_45] : memref<2x!tpu.dma_semaphore, #tpu.memory_space<semaphore_mem>> -> memref<1x!tpu.dma_semaphore, #tpu.memory_space<semaphore_mem>>
      %dma_start3A_54 = tpu.memref_squeeze %dma_start3A_53 : memref<1x!tpu.dma_semaphore, #tpu.memory_space<semaphore_mem>> -> memref<!tpu.dma_semaphore, #tpu.memory_space<semaphore_mem>>
      %dma_start3A_55 = arith.constant 0 : i32
      %dma_start3A_56 = arith.constant 0 : i32
      %dma_start3A_57 = tpu.memref_slice %run_scoped3A[%rem3A_45, %dma_start3A_55, %dma_start3A_56] : memref<2x1x128xi32, #tpu.memory_space<vmem>> -> memref<1x1x128xi32, #tpu.memory_space<vmem>>
      %dma_start3A_58 = tpu.memref_squeeze %dma_start3A_57 : memref<1x1x128xi32, #tpu.memory_space<vmem>> -> memref<1x128xi32, #tpu.memory_space<vmem>>
      %dma_start3A_59 = arith.constant 0 : i32
      %dma_start3A_60 = tpu.memref_slice %arg3[%dma_start3A_59, %mul3A_47] : memref<1x262144xi32, #tpu.memory_space<hbm>> -> memref<1x128xi32, #tpu.memory_space<hbm>>
      tpu.enqueue_dma source(%dma_start3A_60 : memref<1x128xi32, #tpu.memory_space<hbm>>) target(%dma_start3A_58 : memref<1x128xi32, #tpu.memory_space<vmem>>) target_semaphore(%dma_start3A_54 : memref<!tpu.dma_semaphore, #tpu.memory_space<semaphore_mem>>)
      %add3A_61 = arith.constant 0 : i32
      %add3A_62 = arith.constant 1 : i32
      %add3A_63 = arith.addi %add3A_61, %add3A_62 : i32
      %select_n3A_64 = arith.constant true
      %select_n3A_65 = arith.constant 0 : i32
      %select_n3A_66 = arith.select %select_n3A_64, %add3A_63, %select_n3A_65 : i32
      "tpu.trace_stop"() : () -> ()
      %scan3A_67 = arith.constant 0 : i32
      %scan3A_68 = arith.constant 0 : i32
      %scan3A_69 = arith.constant 0 : i32
      %scan3A_70 = arith.constant 0 : i32
      %scan3A_71 = arith.constant 0 : i32
      %scan3A_72 = arith.constant 64 : i32
      %scan3A_73 = arith.addi %scan3A_71, %scan3A_72 : i32
      %scan3A_74 = arith.constant 1 : i32
      %scan3A_75:5 = scf.for %scan3A_129 = %scan3A_71 to %scan3A_73 step %scan3A_74 iter_args(%scan3A_130 = %select_n3A_66, %scan3A_131 = %scan3A_67, %scan3A_132 = %scan3A_68, %scan3A_133 = %scan3A_69, %scan3A_134 = %scan3A_70) -> (i32, i32, i32, i32, i32)  : i32 {
        %eq3A_135 = arith.constant 0 : i32
        %eq3A_136 = arith.cmpi eq, %scan3A_129, %eq3A_135 : i32
        %eq3A_137 = arith.constant 63 : i32
        %eq3A_138 = arith.cmpi eq, %scan3A_129, %eq3A_137 : i32
        %add3A_139 = arith.addi %scan3A_134, %mul3A_12 : i32
        %sub3A_140 = arith.constant 1 : i32
        %sub3A_141 = arith.subi %scan3A_134, %sub3A_140 : i32
        %select_n3A_142 = arith.constant true
        %select_n3A_143 = arith.select %select_n3A_142, %sub3A_141, %scan3A_134 : i32
        %eq3A_144 = arith.constant -1 : i32
        %eq3A_145 = arith.cmpi eq, %select_n3A_143, %eq3A_144 : i32
        %select_n3A_146 = arith.constant 63 : i32
        %select_n3A_147 = arith.select %eq3A_145, %select_n3A_146, %select_n3A_143 : i32
        %add3A_148 = arith.addi %select_n3A_147, %mul3A_12 : i32
        %add3A_149 = arith.constant 1 : i32
        %add3A_150 = arith.addi %scan3A_134, %add3A_149 : i32
        %select_n3A_151 = arith.constant true
        %select_n3A_152 = arith.select %select_n3A_151, %add3A_150, %scan3A_134 : i32
        %eq3A_153 = arith.constant 64 : i32
        %eq3A_154 = arith.cmpi eq, %select_n3A_152, %eq3A_153 : i32
        %select_n3A_155 = arith.constant 0 : i32
        %select_n3A_156 = arith.select %eq3A_154, %select_n3A_155, %select_n3A_152 : i32
        %add3A_157 = arith.addi %select_n3A_156, %mul3A_12 : i32
        %add3A_158 = arith.constant 1 : i32
        %add3A_159 = arith.addi %select_n3A_156, %add3A_158 : i32
        %select_n3A_160 = arith.constant true
        %select_n3A_161 = arith.select %select_n3A_160, %add3A_159, %select_n3A_156 : i32
        %eq3A_162 = arith.constant 64 : i32
        %eq3A_163 = arith.cmpi eq, %select_n3A_161, %eq3A_162 : i32
        %select_n3A_164 = arith.constant 0 : i32
        %select_n3A_165 = arith.select %eq3A_163, %select_n3A_164, %select_n3A_161 : i32
        %add3A_166 = arith.addi %select_n3A_165, %mul3A_12 : i32
        %ne3A = arith.cmpi ne, %add3A_139, %add3A_157 : i32
        %or3A = arith.constant false
        %or3A_167 = arith.ori %or3A, %ne3A : i1
        %ge3A = arith.constant 63 : i32
        %ge3A_168 = arith.cmpi sge, %scan3A_129, %ge3A : i32
        %not3A = arith.constant true
        %not3A_169 = arith.xori %ge3A_168, %not3A : i1
        %and3A = arith.andi %or3A_167, %not3A_169 : i1
        %convert_element_type3A_170 = arith.extui %and3A : i1 to i32
        %cond3A_171 = arith.constant 0 : i32
        %cond3A_172 = arith.cmpi ne, %convert_element_type3A_170, %cond3A_171 : i32
        scf.if %cond3A_172 {
          "tpu.trace_start"() <{level = 10 : i32, message = "ep_copy_in"}> : () -> ()
          %rem3A_303 = arith.constant 2 : i32
          %rem3A_304 = arith.remui %scan3A_130, %rem3A_303 : i32
          %mul3A_305 = arith.constant 128 : i32
          %mul3A_306 = arith.muli %mul3A_305, %add3A_157 : i32
          %dma_start3A_307 = arith.constant 0 : i32
          %dma_start3A_308 = arith.constant 0 : i32
          %dma_start3A_309 = tpu.memref_slice %run_scoped3A[%rem3A_304, %dma_start3A_307, %dma_start3A_308] : memref<2x1x128xi32, #tpu.memory_space<vmem>> -> memref<1x1x128xi32, #tpu.memory_space<vmem>>
          %dma_start3A_310 = tpu.memref_squeeze %dma_start3A_309 : memref<1x1x128xi32, #tpu.memory_space<vmem>> -> memref<1x128xi32, #tpu.memory_space<vmem>>
          %dma_start3A_311 = arith.constant 0 : i32
          %dma_start3A_312 = tpu.memref_slice %arg3[%dma_start3A_311, %mul3A_306] : memref<1x262144xi32, #tpu.memory_space<hbm>> -> memref<1x128xi32, #tpu.memory_space<hbm>>
          %dma_start3A_313 = tpu.memref_slice %run_scoped3A_13[%rem3A_304] : memref<2x!tpu.dma_semaphore, #tpu.memory_space<semaphore_mem>> -> memref<1x!tpu.dma_semaphore, #tpu.memory_space<semaphore_mem>>
          %dma_start3A_314 = tpu.memref_squeeze %dma_start3A_313 : memref<1x!tpu.dma_semaphore, #tpu.memory_space<semaphore_mem>> -> memref<!tpu.dma_semaphore, #tpu.memory_space<semaphore_mem>>
          %dma_start3A_315 = arith.constant 0 : i32
          %dma_start3A_316 = arith.constant 0 : i32
          %dma_start3A_317 = tpu.memref_slice %run_scoped3A[%rem3A_304, %dma_start3A_315, %dma_start3A_316] : memref<2x1x128xi32, #tpu.memory_space<vmem>> -> memref<1x1x128xi32, #tpu.memory_space<vmem>>
          %dma_start3A_318 = tpu.memref_squeeze %dma_start3A_317 : memref<1x1x128xi32, #tpu.memory_space<vmem>> -> memref<1x128xi32, #tpu.memory_space<vmem>>
          %dma_start3A_319 = arith.constant 0 : i32
          %dma_start3A_320 = tpu.memref_slice %arg3[%dma_start3A_319, %mul3A_306] : memref<1x262144xi32, #tpu.memory_space<hbm>> -> memref<1x128xi32, #tpu.memory_space<hbm>>
          tpu.enqueue_dma source(%dma_start3A_320 : memref<1x128xi32, #tpu.memory_space<hbm>>) target(%dma_start3A_318 : memref<1x128xi32, #tpu.memory_space<vmem>>) target_semaphore(%dma_start3A_314 : memref<!tpu.dma_semaphore, #tpu.memory_space<semaphore_mem>>)
          "tpu.trace_stop"() : () -> ()
        } else {
        }
        %and3A_173 = arith.constant true
        %and3A_174 = arith.andi %and3A, %and3A_173 : i1
        %add3A_175 = arith.constant 1 : i32
        %add3A_176 = arith.addi %scan3A_130, %add3A_175 : i32
        %select_n3A_177 = arith.select %and3A_174, %add3A_176, %scan3A_130 : i32
        %ne3A_178 = arith.cmpi ne, %add3A_139, %add3A_157 : i32
        %or3A_179 = arith.constant false
        %or3A_180 = arith.ori %or3A_179, %ne3A_178 : i1
        %or3A_181 = arith.constant false
        %or3A_182 = arith.ori %or3A_180, %or3A_181 : i1
        %ge3A_183 = arith.constant 63 : i32
        %ge3A_184 = arith.cmpi sge, %scan3A_129, %ge3A_183 : i32
        %not3A_185 = arith.constant true
        %not3A_186 = arith.xori %ge3A_184, %not3A_185 : i1
        %and3A_187 = arith.andi %or3A_182, %not3A_186 : i1
        %ne3A_188 = arith.cmpi ne, %add3A_139, %add3A_148 : i32
        %or3A_189 = arith.constant false
        %or3A_190 = arith.ori %or3A_189, %ne3A_188 : i1
        %or3A_191 = arith.ori %or3A_190, %eq3A_136 : i1
        %convert_element_type3A_192 = arith.extui %or3A_191 : i1 to i32
        %cond3A_193 = arith.constant 0 : i32
        %cond3A_194 = arith.cmpi ne, %convert_element_type3A_192, %cond3A_193 : i32
        scf.if %cond3A_194 {
          "tpu.trace_start"() <{level = 10 : i32, message = "ep_wait_in"}> : () -> ()
          %mul3A_303 = arith.constant 128 : i32
          %mul3A_304 = arith.muli %mul3A_303, %add3A_139 : i32
          %rem3A_305 = arith.constant 2 : i32
          %rem3A_306 = arith.remui %scan3A_131, %rem3A_305 : i32
          %dma_wait3A_307 = arith.constant 0 : i32
          %dma_wait3A_308 = arith.constant 0 : i32
          %dma_wait3A_309 = tpu.memref_slice %run_scoped3A[%rem3A_306, %dma_wait3A_307, %dma_wait3A_308] : memref<2x1x128xi32, #tpu.memory_space<vmem>> -> memref<1x1x128xi32, #tpu.memory_space<vmem>>
          %dma_wait3A_310 = tpu.memref_squeeze %dma_wait3A_309 : memref<1x1x128xi32, #tpu.memory_space<vmem>> -> memref<1x128xi32, #tpu.memory_space<vmem>>
          %dma_wait3A_311 = arith.constant 0 : i32
          %dma_wait3A_312 = tpu.memref_slice %arg3[%dma_wait3A_311, %mul3A_304] : memref<1x262144xi32, #tpu.memory_space<hbm>> -> memref<1x128xi32, #tpu.memory_space<hbm>>
          %dma_wait3A_313 = tpu.memref_slice %run_scoped3A_13[%rem3A_306] : memref<2x!tpu.dma_semaphore, #tpu.memory_space<semaphore_mem>> -> memref<1x!tpu.dma_semaphore, #tpu.memory_space<semaphore_mem>>
          %dma_wait3A_314 = tpu.memref_squeeze %dma_wait3A_313 : memref<1x!tpu.dma_semaphore, #tpu.memory_space<semaphore_mem>> -> memref<!tpu.dma_semaphore, #tpu.memory_space<semaphore_mem>>
          %dma_wait3A_315 = arith.constant 0 : i32
          %dma_wait3A_316 = arith.constant 0 : i32
          %dma_wait3A_317 = tpu.memref_slice %run_scoped3A[%rem3A_306, %dma_wait3A_315, %dma_wait3A_316] : memref<2x1x128xi32, #tpu.memory_space<vmem>> -> memref<1x1x128xi32, #tpu.memory_space<vmem>>
          %dma_wait3A_318 = tpu.memref_squeeze %dma_wait3A_317 : memref<1x1x128xi32, #tpu.memory_space<vmem>> -> memref<1x128xi32, #tpu.memory_space<vmem>>
          %dma_wait3A_319 = arith.constant 0 : i32
          %dma_wait3A_320 = tpu.memref_slice %arg3[%dma_wait3A_319, %mul3A_304] : memref<1x262144xi32, #tpu.memory_space<hbm>> -> memref<1x128xi32, #tpu.memory_space<hbm>>
          tpu.wait_dma2 semaphore(%dma_wait3A_314 : memref<!tpu.dma_semaphore, #tpu.memory_space<semaphore_mem>>) src(%dma_wait3A_320 : memref<1x128xi32, #tpu.memory_space<hbm>>) dst(%dma_wait3A_318 : memref<1x128xi32, #tpu.memory_space<vmem>>)
          "tpu.trace_stop"() : () -> ()
        } else {
        }
        %ne3A_195 = arith.cmpi ne, %add3A_139, %add3A_148 : i32
        %or3A_196 = arith.constant false
        %or3A_197 = arith.ori %or3A_196, %ne3A_195 : i1
        %or3A_198 = arith.constant false
        %or3A_199 = arith.ori %or3A_197, %or3A_198 : i1
        %or3A_200 = arith.ori %or3A_199, %eq3A_136 : i1
        %convert_element_type3A_201 = arith.extui %or3A_200 : i1 to i32
        %cond3A_202 = arith.constant 0 : i32
        %cond3A_203 = arith.cmpi ne, %convert_element_type3A_201, %cond3A_202 : i32
        scf.if %cond3A_203 {
        } else {
        }
        %rem3A_204 = arith.constant 2 : i32
        %rem3A_205 = arith.remui %scan3A_131, %rem3A_204 : i32
        %rem3A_206 = arith.constant 2 : i32
        %rem3A_207 = arith.remui %scan3A_132, %rem3A_206 : i32
        %dma_start3A_208 = arith.constant 0 : i32
        "tpu.trace_start"() <{level = 10 : i32, message = "ep_run_kernel"}> : () -> ()
        %dma_start3A_209 = arith.constant 0 : i32
        %dma_start3A_210 = arith.constant 0 : i32
        %dma_start3A_211 = tpu.memref_slice %run_scoped3A_14[%rem3A_207, %dma_start3A_209, %dma_start3A_210] : memref<2x128x128xf32, #tpu.memory_space<vmem>> -> memref<1x128x128xf32, #tpu.memory_space<vmem>>
        %dma_start3A_212 = tpu.memref_squeeze %dma_start3A_211 : memref<1x128x128xf32, #tpu.memory_space<vmem>> -> memref<128x128xf32, #tpu.memory_space<vmem>>
        %dma_start3A_213 = arith.constant 0 : i32
        %dma_start3A_214 = arith.constant 0 : i32
        %dma_start3A_215 = tpu.memref_slice %run_scoped3A[%rem3A_205, %dma_start3A_213, %dma_start3A_214] : memref<2x1x128xi32, #tpu.memory_space<vmem>> -> memref<1x1x128xi32, #tpu.memory_space<vmem>>
        %dma_start3A_216 = tpu.memref_squeeze %dma_start3A_215 : memref<1x1x128xi32, #tpu.memory_space<vmem>> -> memref<1x128xi32, #tpu.memory_space<vmem>>
        %dma_start3A_217 = arith.constant 0 : i32
        %dma_start3A_218 = tpu.memref_slice %dma_start3A_216[%dma_start3A_208, %dma_start3A_217] : memref<1x128xi32, #tpu.memory_space<vmem>> -> memref<1x128xi32, #tpu.memory_space<vmem>>
        %dma_start3A_219 = tpu.memref_squeeze %dma_start3A_218 : memref<1x128xi32, #tpu.memory_space<vmem>> -> memref<128xi32, #tpu.memory_space<vmem>>
        %dma_start3A_220 = arith.constant 0 : i32
        %dma_start3A_221 = arith.constant 0 : i32
        %dma_start3A_222 = tpu.memref_slice %arg6[%dma_start3A_220, %dma_start3A_221] : memref<10000x128xf32, #tpu.memory_space<vmem_shared>> -> memref<10000x128xf32, #tpu.memory_space<vmem_shared>>
        tpu.enqueue_indirect_dma source(%dma_start3A_222 : memref<10000x128xf32, #tpu.memory_space<vmem_shared>>) target(%dma_start3A_212 : memref<128x128xf32, #tpu.memory_space<vmem>>) offsets(%dma_start3A_219 : memref<128xi32, #tpu.memory_space<vmem>>) semaphore(%arg5 : memref<!tpu.dma_semaphore, #tpu.memory_space<semaphore_mem>>)
        %dma_wait3A_223 = arith.constant 0 : i32
        %dma_wait3A_224 = arith.constant 0 : i32
        %dma_wait3A_225 = arith.constant 0 : i32
        %dma_wait3A_226 = tpu.memref_slice %run_scoped3A_14[%rem3A_207, %dma_wait3A_224, %dma_wait3A_225] : memref<2x128x128xf32, #tpu.memory_space<vmem>> -> memref<1x128x128xf32, #tpu.memory_space<vmem>>
        %dma_wait3A_227 = tpu.memref_squeeze %dma_wait3A_226 : memref<1x128x128xf32, #tpu.memory_space<vmem>> -> memref<128x128xf32, #tpu.memory_space<vmem>>
        %dma_wait3A_228 = arith.constant 0 : i32
        %dma_wait3A_229 = arith.constant 0 : i32
        %dma_wait3A_230 = tpu.memref_slice %run_scoped3A[%rem3A_205, %dma_wait3A_228, %dma_wait3A_229] : memref<2x1x128xi32, #tpu.memory_space<vmem>> -> memref<1x1x128xi32, #tpu.memory_space<vmem>>
        %dma_wait3A_231 = tpu.memref_squeeze %dma_wait3A_230 : memref<1x1x128xi32, #tpu.memory_space<vmem>> -> memref<1x128xi32, #tpu.memory_space<vmem>>
        %dma_wait3A_232 = arith.constant 0 : i32
        %dma_wait3A_233 = tpu.memref_slice %dma_wait3A_231[%dma_wait3A_223, %dma_wait3A_232] : memref<1x128xi32, #tpu.memory_space<vmem>> -> memref<1x128xi32, #tpu.memory_space<vmem>>
        %dma_wait3A_234 = tpu.memref_squeeze %dma_wait3A_233 : memref<1x128xi32, #tpu.memory_space<vmem>> -> memref<128xi32, #tpu.memory_space<vmem>>
        %dma_wait3A_235 = arith.constant 0 : i32
        %dma_wait3A_236 = arith.constant 0 : i32
        %dma_wait3A_237 = tpu.memref_slice %arg6[%dma_wait3A_235, %dma_wait3A_236] : memref<10000x128xf32, #tpu.memory_space<vmem_shared>> -> memref<10000x128xf32, #tpu.memory_space<vmem_shared>>
        tpu.wait_indirect_dma semaphore(%arg5 : memref<!tpu.dma_semaphore, #tpu.memory_space<semaphore_mem>>) src(%dma_wait3A_237 : memref<10000x128xf32, #tpu.memory_space<vmem_shared>>) dst(%dma_wait3A_227 : memref<128x128xf32, #tpu.memory_space<vmem>>)
        "tpu.trace_stop"() : () -> ()
        %ne3A_238 = arith.cmpi ne, %add3A_139, %add3A_157 : i32
        %or3A_239 = arith.constant false
        %or3A_240 = arith.ori %or3A_239, %ne3A_238 : i1
        %or3A_241 = arith.ori %or3A_240, %eq3A_138 : i1
        %convert_element_type3A_242 = arith.extui %or3A_241 : i1 to i32
        %cond3A_243 = arith.constant 0 : i32
        %cond3A_244 = arith.cmpi ne, %convert_element_type3A_242, %cond3A_243 : i32
        scf.if %cond3A_244 {
        } else {
        }
        %and3A_245 = arith.constant false
        %and3A_246 = arith.andi %or3A_241, %and3A_245 : i1
        %ne3A_247 = arith.cmpi ne, %add3A_139, %add3A_157 : i32
        %or3A_248 = arith.constant false
        %or3A_249 = arith.ori %or3A_248, %ne3A_247 : i1
        %or3A_250 = arith.constant false
        %or3A_251 = arith.ori %or3A_249, %or3A_250 : i1
        %or3A_252 = arith.ori %or3A_251, %eq3A_138 : i1
        %convert_element_type3A_253 = arith.extui %or3A_252 : i1 to i32
        %cond3A_254 = arith.constant 0 : i32
        %cond3A_255 = arith.cmpi ne, %convert_element_type3A_253, %cond3A_254 : i32
        scf.if %cond3A_255 {
          "tpu.trace_start"() <{level = 10 : i32, message = "ep_copy_out"}> : () -> ()
          %rem3A_303 = arith.constant 2 : i32
          %rem3A_304 = arith.remui %scan3A_132, %rem3A_303 : i32
          %mul3A_305 = arith.constant 128 : i32
          %mul3A_306 = arith.muli %mul3A_305, %add3A_139 : i32
          %dma_start3A_307 = arith.constant 0 : i32
          %dma_start3A_308 = arith.constant 0 : i32
          %dma_start3A_309 = tpu.memref_slice %run_scoped3A_14[%rem3A_304, %dma_start3A_307, %dma_start3A_308] : memref<2x128x128xf32, #tpu.memory_space<vmem>> -> memref<1x128x128xf32, #tpu.memory_space<vmem>>
          %dma_start3A_310 = tpu.memref_squeeze %dma_start3A_309 : memref<1x128x128xf32, #tpu.memory_space<vmem>> -> memref<128x128xf32, #tpu.memory_space<vmem>>
          %dma_start3A_311 = arith.constant 0 : i32
          %dma_start3A_312 = tpu.memref_slice %arg4[%mul3A_306, %dma_start3A_311] : memref<262144x128xf32, #tpu.memory_space<hbm>> -> memref<128x128xf32, #tpu.memory_space<hbm>>
          %dma_start3A_313 = tpu.memref_slice %run_scoped3A_15[%rem3A_304] : memref<2x!tpu.dma_semaphore, #tpu.memory_space<semaphore_mem>> -> memref<1x!tpu.dma_semaphore, #tpu.memory_space<semaphore_mem>>
          %dma_start3A_314 = tpu.memref_squeeze %dma_start3A_313 : memref<1x!tpu.dma_semaphore, #tpu.memory_space<semaphore_mem>> -> memref<!tpu.dma_semaphore, #tpu.memory_space<semaphore_mem>>
          %dma_start3A_315 = arith.constant 0 : i32
          %dma_start3A_316 = tpu.memref_slice %arg4[%mul3A_306, %dma_start3A_315] : memref<262144x128xf32, #tpu.memory_space<hbm>> -> memref<128x128xf32, #tpu.memory_space<hbm>>
          %dma_start3A_317 = arith.constant 0 : i32
          %dma_start3A_318 = arith.constant 0 : i32
          %dma_start3A_319 = tpu.memref_slice %run_scoped3A_14[%rem3A_304, %dma_start3A_317, %dma_start3A_318] : memref<2x128x128xf32, #tpu.memory_space<vmem>> -> memref<1x128x128xf32, #tpu.memory_space<vmem>>
          %dma_start3A_320 = tpu.memref_squeeze %dma_start3A_319 : memref<1x128x128xf32, #tpu.memory_space<vmem>> -> memref<128x128xf32, #tpu.memory_space<vmem>>
          tpu.enqueue_dma source(%dma_start3A_320 : memref<128x128xf32, #tpu.memory_space<vmem>>) target(%dma_start3A_316 : memref<128x128xf32, #tpu.memory_space<hbm>>) target_semaphore(%dma_start3A_314 : memref<!tpu.dma_semaphore, #tpu.memory_space<semaphore_mem>>)
          "tpu.trace_stop"() : () -> ()
        } else {
        }
        %and3A_256 = arith.constant true
        %and3A_257 = arith.andi %or3A_252, %and3A_256 : i1
        %add3A_258 = arith.constant 1 : i32
        %add3A_259 = arith.addi %scan3A_132, %add3A_258 : i32
        %select_n3A_260 = arith.select %and3A_257, %add3A_259, %scan3A_132 : i32
        %ne3A_261 = arith.cmpi ne, %add3A_139, %add3A_148 : i32
        %or3A_262 = arith.constant false
        %or3A_263 = arith.ori %or3A_262, %ne3A_261 : i1
        %not3A_264 = arith.constant true
        %not3A_265 = arith.xori %eq3A_136, %not3A_264 : i1
        %and3A_266 = arith.andi %or3A_263, %not3A_265 : i1
        %convert_element_type3A_267 = arith.extui %and3A_266 : i1 to i32
        %cond3A_268 = arith.constant 0 : i32
        %cond3A_269 = arith.cmpi ne, %convert_element_type3A_267, %cond3A_268 : i32
        scf.if %cond3A_269 {
        } else {
        }
        %and3A_270 = arith.constant false
        %and3A_271 = arith.andi %and3A_266, %and3A_270 : i1
        %ne3A_272 = arith.cmpi ne, %add3A_139, %add3A_148 : i32
        %or3A_273 = arith.constant false
        %or3A_274 = arith.ori %or3A_273, %ne3A_272 : i1
        %or3A_275 = arith.constant false
        %or3A_276 = arith.ori %or3A_274, %or3A_275 : i1
        %not3A_277 = arith.constant true
        %not3A_278 = arith.xori %eq3A_136, %not3A_277 : i1
        %and3A_279 = arith.andi %or3A_276, %not3A_278 : i1
        %convert_element_type3A_280 = arith.extui %and3A_279 : i1 to i32
        %cond3A_281 = arith.constant 0 : i32
        %cond3A_282 = arith.cmpi ne, %convert_element_type3A_280, %cond3A_281 : i32
        scf.if %cond3A_282 {
          "tpu.trace_start"() <{level = 10 : i32, message = "ep_wait_out"}> : () -> ()
          %rem3A_303 = arith.constant 2 : i32
          %rem3A_304 = arith.remui %scan3A_133, %rem3A_303 : i32
          %mul3A_305 = arith.constant 128 : i32
          %mul3A_306 = arith.muli %mul3A_305, %add3A_148 : i32
          %dma_wait3A_307 = arith.constant 0 : i32
          %dma_wait3A_308 = arith.constant 0 : i32
          %dma_wait3A_309 = tpu.memref_slice %run_scoped3A_14[%rem3A_304, %dma_wait3A_307, %dma_wait3A_308] : memref<2x128x128xf32, #tpu.memory_space<vmem>> -> memref<1x128x128xf32, #tpu.memory_space<vmem>>
          %dma_wait3A_310 = tpu.memref_squeeze %dma_wait3A_309 : memref<1x128x128xf32, #tpu.memory_space<vmem>> -> memref<128x128xf32, #tpu.memory_space<vmem>>
          %dma_wait3A_311 = arith.constant 0 : i32
          %dma_wait3A_312 = tpu.memref_slice %arg4[%mul3A_306, %dma_wait3A_311] : memref<262144x128xf32, #tpu.memory_space<hbm>> -> memref<128x128xf32, #tpu.memory_space<hbm>>
          %dma_wait3A_313 = tpu.memref_slice %run_scoped3A_15[%rem3A_304] : memref<2x!tpu.dma_semaphore, #tpu.memory_space<semaphore_mem>> -> memref<1x!tpu.dma_semaphore, #tpu.memory_space<semaphore_mem>>
          %dma_wait3A_314 = tpu.memref_squeeze %dma_wait3A_313 : memref<1x!tpu.dma_semaphore, #tpu.memory_space<semaphore_mem>> -> memref<!tpu.dma_semaphore, #tpu.memory_space<semaphore_mem>>
          %dma_wait3A_315 = arith.constant 0 : i32
          %dma_wait3A_316 = tpu.memref_slice %arg4[%mul3A_306, %dma_wait3A_315] : memref<262144x128xf32, #tpu.memory_space<hbm>> -> memref<128x128xf32, #tpu.memory_space<hbm>>
          %dma_wait3A_317 = arith.constant 0 : i32
          %dma_wait3A_318 = arith.constant 0 : i32
          %dma_wait3A_319 = tpu.memref_slice %run_scoped3A_14[%rem3A_304, %dma_wait3A_317, %dma_wait3A_318] : memref<2x128x128xf32, #tpu.memory_space<vmem>> -> memref<1x128x128xf32, #tpu.memory_space<vmem>>
          %dma_wait3A_320 = tpu.memref_squeeze %dma_wait3A_319 : memref<1x128x128xf32, #tpu.memory_space<vmem>> -> memref<128x128xf32, #tpu.memory_space<vmem>>
          tpu.wait_dma2 semaphore(%dma_wait3A_314 : memref<!tpu.dma_semaphore, #tpu.memory_space<semaphore_mem>>) src(%dma_wait3A_320 : memref<128x128xf32, #tpu.memory_space<vmem>>) dst(%dma_wait3A_316 : memref<128x128xf32, #tpu.memory_space<hbm>>)
          "tpu.trace_stop"() : () -> ()
        } else {
        }
        %and3A_283 = arith.constant true
        %and3A_284 = arith.andi %and3A_279, %and3A_283 : i1
        %add3A_285 = arith.constant 1 : i32
        %add3A_286 = arith.addi %scan3A_133, %add3A_285 : i32
        %select_n3A_287 = arith.select %and3A_284, %add3A_286, %scan3A_133 : i32
        %ne3A_288 = arith.cmpi ne, %add3A_139, %add3A_157 : i32
        %or3A_289 = arith.constant false
        %or3A_290 = arith.ori %or3A_289, %ne3A_288 : i1
        %or3A_291 = arith.ori %or3A_290, %eq3A_138 : i1
        %add3A_292 = arith.constant 1 : i32
        %add3A_293 = arith.addi %scan3A_131, %add3A_292 : i32
        %select_n3A_294 = arith.select %or3A_291, %add3A_293, %scan3A_131 : i32
        %add3A_295 = arith.constant 1 : i32
        %add3A_296 = arith.addi %scan3A_134, %add3A_295 : i32
        %select_n3A_297 = arith.constant true
        %select_n3A_298 = arith.select %select_n3A_297, %add3A_296, %scan3A_134 : i32
        %eq3A_299 = arith.constant 64 : i32
        %eq3A_300 = arith.cmpi eq, %select_n3A_298, %eq3A_299 : i32
        %select_n3A_301 = arith.constant 0 : i32
        %select_n3A_302 = arith.select %eq3A_300, %select_n3A_301, %select_n3A_298 : i32
        scf.yield %select_n3A_177, %select_n3A_294, %select_n3A_260, %select_n3A_287, %select_n3A_302 : i32, i32, i32, i32, i32
      }
      %scan3A_76 = arith.constant 64 : i32
      %sub3A = arith.constant 1 : i32
      %sub3A_77 = arith.subi %scan3A_75#4, %sub3A : i32
      %select_n3A_78 = arith.constant true
      %select_n3A_79 = arith.select %select_n3A_78, %sub3A_77, %scan3A_75#4 : i32
      %eq3A_80 = arith.constant -1 : i32
      %eq3A_81 = arith.cmpi eq, %select_n3A_79, %eq3A_80 : i32
      %select_n3A_82 = arith.constant 63 : i32
      %select_n3A_83 = arith.select %eq3A_81, %select_n3A_82, %select_n3A_79 : i32
      %add3A_84 = arith.addi %select_n3A_83, %mul3A_12 : i32
      %sub3A_85 = arith.constant 1 : i32
      %sub3A_86 = arith.subi %select_n3A_83, %sub3A_85 : i32
      %select_n3A_87 = arith.constant true
      %select_n3A_88 = arith.select %select_n3A_87, %sub3A_86, %select_n3A_83 : i32
      %eq3A_89 = arith.constant -1 : i32
      %eq3A_90 = arith.cmpi eq, %select_n3A_88, %eq3A_89 : i32
      %select_n3A_91 = arith.constant 63 : i32
      %select_n3A_92 = arith.select %eq3A_90, %select_n3A_91, %select_n3A_88 : i32
      %add3A_93 = arith.addi %select_n3A_92, %mul3A_12 : i32
      %add3A_94 = arith.constant 1 : i32
      %add3A_95 = arith.addi %select_n3A_83, %add3A_94 : i32
      %select_n3A_96 = arith.constant true
      %select_n3A_97 = arith.select %select_n3A_96, %add3A_95, %select_n3A_83 : i32
      %eq3A_98 = arith.constant 64 : i32
      %eq3A_99 = arith.cmpi eq, %select_n3A_97, %eq3A_98 : i32
      %select_n3A_100 = arith.constant 0 : i32
      %select_n3A_101 = arith.select %eq3A_99, %select_n3A_100, %select_n3A_97 : i32
      %add3A_102 = arith.addi %select_n3A_101, %mul3A_12 : i32
      %add3A_103 = arith.constant 1 : i32
      %add3A_104 = arith.addi %select_n3A_101, %add3A_103 : i32
      %select_n3A_105 = arith.constant true
      %select_n3A_106 = arith.select %select_n3A_105, %add3A_104, %select_n3A_101 : i32
      %eq3A_107 = arith.constant 64 : i32
      %eq3A_108 = arith.cmpi eq, %select_n3A_106, %eq3A_107 : i32
      %select_n3A_109 = arith.constant 0 : i32
      %select_n3A_110 = arith.select %eq3A_108, %select_n3A_109, %select_n3A_106 : i32
      %add3A_111 = arith.addi %select_n3A_110, %mul3A_12 : i32
      "tpu.trace_start"() <{level = 10 : i32, message = "ep_finalize"}> : () -> ()
      %rem3A_112 = arith.constant 2 : i32
      %rem3A_113 = arith.remui %scan3A_75#3, %rem3A_112 : i32
      %mul3A_114 = arith.constant 128 : i32
      %mul3A_115 = arith.muli %mul3A_114, %add3A_84 : i32
      %dma_wait3A = arith.constant 0 : i32
      %dma_wait3A_116 = arith.constant 0 : i32
      %dma_wait3A_117 = tpu.memref_slice %run_scoped3A_14[%rem3A_113, %dma_wait3A, %dma_wait3A_116] : memref<2x128x128xf32, #tpu.memory_space<vmem>> -> memref<1x128x128xf32, #tpu.memory_space<vmem>>
      %dma_wait3A_118 = tpu.memref_squeeze %dma_wait3A_117 : memref<1x128x128xf32, #tpu.memory_space<vmem>> -> memref<128x128xf32, #tpu.memory_space<vmem>>
      %dma_wait3A_119 = arith.constant 0 : i32
      %dma_wait3A_120 = tpu.memref_slice %arg4[%mul3A_115, %dma_wait3A_119] : memref<262144x128xf32, #tpu.memory_space<hbm>> -> memref<128x128xf32, #tpu.memory_space<hbm>>
      %dma_wait3A_121 = tpu.memref_slice %run_scoped3A_15[%rem3A_113] : memref<2x!tpu.dma_semaphore, #tpu.memory_space<semaphore_mem>> -> memref<1x!tpu.dma_semaphore, #tpu.memory_space<semaphore_mem>>
      %dma_wait3A_122 = tpu.memref_squeeze %dma_wait3A_121 : memref<1x!tpu.dma_semaphore, #tpu.memory_space<semaphore_mem>> -> memref<!tpu.dma_semaphore, #tpu.memory_space<semaphore_mem>>
      %dma_wait3A_123 = arith.constant 0 : i32
      %dma_wait3A_124 = tpu.memref_slice %arg4[%mul3A_115, %dma_wait3A_123] : memref<262144x128xf32, #tpu.memory_space<hbm>> -> memref<128x128xf32, #tpu.memory_space<hbm>>
      %dma_wait3A_125 = arith.constant 0 : i32
      %dma_wait3A_126 = arith.constant 0 : i32
      %dma_wait3A_127 = tpu.memref_slice %run_scoped3A_14[%rem3A_113, %dma_wait3A_125, %dma_wait3A_126] : memref<2x128x128xf32, #tpu.memory_space<vmem>> -> memref<1x128x128xf32, #tpu.memory_space<vmem>>
      %dma_wait3A_128 = tpu.memref_squeeze %dma_wait3A_127 : memref<1x128x128xf32, #tpu.memory_space<vmem>> -> memref<128x128xf32, #tpu.memory_space<vmem>>
      tpu.wait_dma2 semaphore(%dma_wait3A_122 : memref<!tpu.dma_semaphore, #tpu.memory_space<semaphore_mem>>) src(%dma_wait3A_128 : memref<128x128xf32, #tpu.memory_space<vmem>>) dst(%dma_wait3A_124 : memref<128x128xf32, #tpu.memory_space<hbm>>)
      "tpu.trace_stop"() : () -> ()
      tpu.yield
    }) : () -> ()
    return
  }
}

#map = affine_map<(d0, d1) -> (0, 0)>
#map1 = affine_map<(d0, d1) -> (0, 0, 0)>
module attributes {stable_mosaic.version = 14 : i64} {
  func.func @k(%arg0: i32, %arg1: i32, %arg2: memref<131072x128xf32, #tpu.memory_space<hbm>>, %arg3: memref<131072x128xf32, #tpu.memory_space<hbm>>, %arg4: memref<1x131072xi32, #tpu.memory_space<hbm>>, %arg5: memref<1x131072xi32, #tpu.memory_space<hbm>>, %arg6: memref<10240x128xf32, #tpu.memory_space<hbm>>, %arg7: memref<2x10240x128xf32, #tpu.memory_space<hbm>>, %arg8: memref<10240x128xf32, #tpu.memory_space<vmem_shared>>) attributes {dimension_semantics = [#tpu.dimension_semantics<core_parallel>, #tpu.dimension_semantics<subcore_parallel>], iteration_bounds = array<i64: 2, 16>, scalar_prefetch = 0 : i64, scratch_operands = 1 : i64, tpu.core_type = #tpu.core_type<sc_vector_subcore>, window_params = [{transform_indices = #map}, {transform_indices = #map}, {transform_indices = #map}, {transform_indices = #map}, {transform_indices = #map}, {transform_indices = #map1}]} {
    %eq3A = arith.constant 0 : i32
    %eq3A_0 = arith.cmpi eq, %arg1, %eq3A : i32
    %convert_element_type3A = arith.extui %eq3A_0 : i1 to i32
    %cond3A = arith.constant 0 : i32
    %cond3A_1 = arith.cmpi ne, %convert_element_type3A, %cond3A : i32
    scf.if %cond3A_1 {
      "tpu.region"() ({
        %run_scoped3A = tpu.sem_alloc : memref<!tpu.dma_semaphore, #tpu.memory_space<semaphore_mem>>
        tpu.enqueue_dma source(%arg6 : memref<10240x128xf32, #tpu.memory_space<hbm>>) target(%arg8 : memref<10240x128xf32, #tpu.memory_space<vmem_shared>>) target_semaphore(%run_scoped3A : memref<!tpu.dma_semaphore, #tpu.memory_space<semaphore_mem>>)
        tpu.wait_dma2 semaphore(%run_scoped3A : memref<!tpu.dma_semaphore, #tpu.memory_space<semaphore_mem>>) src(%arg6 : memref<10240x128xf32, #tpu.memory_space<hbm>>) dst(%arg8 : memref<10240x128xf32, #tpu.memory_space<vmem_shared>>)
        tpu.yield
      }) : () -> ()
    } else {
    }
    %barrier3A = arith.constant 0 : index
    tpu.barrier barrier_id(%barrier3A)
    %mul3A = arith.constant 1 : i32
    %mul3A_2 = arith.muli %arg1, %mul3A : i32
    %add3A = arith.constant 0 : i32
    %add3A_3 = arith.addi %add3A, %mul3A_2 : i32
    %mul3A_4 = arith.constant 16 : i32
    %mul3A_5 = arith.muli %arg0, %mul3A_4 : i32
    %add3A_6 = arith.addi %add3A_3, %mul3A_5 : i32
    %mul3A_7 = arith.constant 32 : i32
    %mul3A_8 = arith.muli %add3A_6, %mul3A_7 : i32
    "tpu.region"() ({
      %run_scoped3A = memref.alloca() : memref<2x128x128xf32, #tpu.memory_space<vmem>>
      %run_scoped3A_24 = tpu.sem_alloc : memref<2x!tpu.dma_semaphore, #tpu.memory_space<semaphore_mem>>
      %run_scoped3A_25 = memref.alloca() : memref<2x1x128xi32, #tpu.memory_space<vmem>>
      %run_scoped3A_26 = tpu.sem_alloc : memref<2x!tpu.dma_semaphore, #tpu.memory_space<semaphore_mem>>
      %add3A_27 = arith.constant 0 : i32
      %add3A_28 = arith.addi %add3A_27, %mul3A_8 : i32
      %select_n3A = arith.constant true
      %select_n3A_29 = arith.constant 0 : i32
      %select_n3A_30 = arith.constant -1 : i32
      %select_n3A_31 = arith.select %select_n3A, %select_n3A_30, %select_n3A_29 : i32
      %eq3A_32 = arith.constant -1 : i32
      %eq3A_33 = arith.cmpi eq, %select_n3A_31, %eq3A_32 : i32
      %select_n3A_34 = arith.constant 31 : i32
      %select_n3A_35 = arith.select %eq3A_33, %select_n3A_34, %select_n3A_31 : i32
      %add3A_36 = arith.addi %select_n3A_35, %mul3A_8 : i32
      %select_n3A_37 = arith.constant true
      %select_n3A_38 = arith.constant 0 : i32
      %select_n3A_39 = arith.constant 1 : i32
      %select_n3A_40 = arith.select %select_n3A_37, %select_n3A_39, %select_n3A_38 : i32
      %eq3A_41 = arith.constant 32 : i32
      %eq3A_42 = arith.cmpi eq, %select_n3A_40, %eq3A_41 : i32
      %select_n3A_43 = arith.constant 0 : i32
      %select_n3A_44 = arith.select %eq3A_42, %select_n3A_43, %select_n3A_40 : i32
      %add3A_45 = arith.addi %select_n3A_44, %mul3A_8 : i32
      %add3A_46 = arith.constant 1 : i32
      %add3A_47 = arith.addi %select_n3A_44, %add3A_46 : i32
      %select_n3A_48 = arith.constant true
      %select_n3A_49 = arith.select %select_n3A_48, %add3A_47, %select_n3A_44 : i32
      %eq3A_50 = arith.constant 32 : i32
      %eq3A_51 = arith.cmpi eq, %select_n3A_49, %eq3A_50 : i32
      %select_n3A_52 = arith.constant 0 : i32
      %select_n3A_53 = arith.select %eq3A_51, %select_n3A_52, %select_n3A_49 : i32
      %add3A_54 = arith.addi %select_n3A_53, %mul3A_8 : i32
      "tpu.trace_start"() <{level = 10 : i32, message = "ep_initialize_0"}> : () -> ()
      %rem3A = arith.constant 0 : i32
      %rem3A_55 = arith.constant 2 : i32
      %rem3A_56 = arith.remui %rem3A, %rem3A_55 : i32
      %mul3A_57 = arith.constant 128 : i32
      %mul3A_58 = arith.muli %mul3A_57, %add3A_28 : i32
      %dma_start3A = arith.constant 0 : i32
      %dma_start3A_59 = arith.constant 0 : i32
      %dma_start3A_60 = tpu.memref_slice %run_scoped3A[%rem3A_56, %dma_start3A, %dma_start3A_59] : memref<2x128x128xf32, #tpu.memory_space<vmem>> -> memref<1x128x128xf32, #tpu.memory_space<vmem>>
      %dma_start3A_61 = tpu.memref_squeeze %dma_start3A_60 : memref<1x128x128xf32, #tpu.memory_space<vmem>> -> memref<128x128xf32, #tpu.memory_space<vmem>>
      %dma_start3A_62 = arith.constant 0 : i32
      %dma_start3A_63 = tpu.memref_slice %arg2[%mul3A_58, %dma_start3A_62] : memref<131072x128xf32, #tpu.memory_space<hbm>> -> memref<128x128xf32, #tpu.memory_space<hbm>>
      %dma_start3A_64 = tpu.memref_slice %run_scoped3A_24[%rem3A_56] : memref<2x!tpu.dma_semaphore, #tpu.memory_space<semaphore_mem>> -> memref<1x!tpu.dma_semaphore, #tpu.memory_space<semaphore_mem>>
      %dma_start3A_65 = tpu.memref_squeeze %dma_start3A_64 : memref<1x!tpu.dma_semaphore, #tpu.memory_space<semaphore_mem>> -> memref<!tpu.dma_semaphore, #tpu.memory_space<semaphore_mem>>
      %dma_start3A_66 = arith.constant 0 : i32
      %dma_start3A_67 = arith.constant 0 : i32
      %dma_start3A_68 = tpu.memref_slice %run_scoped3A[%rem3A_56, %dma_start3A_66, %dma_start3A_67] : memref<2x128x128xf32, #tpu.memory_space<vmem>> -> memref<1x128x128xf32, #tpu.memory_space<vmem>>
      %dma_start3A_69 = tpu.memref_squeeze %dma_start3A_68 : memref<1x128x128xf32, #tpu.memory_space<vmem>> -> memref<128x128xf32, #tpu.memory_space<vmem>>
      %dma_start3A_70 = arith.constant 0 : i32
      %dma_start3A_71 = tpu.memref_slice %arg2[%mul3A_58, %dma_start3A_70] : memref<131072x128xf32, #tpu.memory_space<hbm>> -> memref<128x128xf32, #tpu.memory_space<hbm>>
      tpu.enqueue_dma source(%dma_start3A_71 : memref<128x128xf32, #tpu.memory_space<hbm>>) target(%dma_start3A_69 : memref<128x128xf32, #tpu.memory_space<vmem>>) target_semaphore(%dma_start3A_65 : memref<!tpu.dma_semaphore, #tpu.memory_space<semaphore_mem>>)
      %add3A_72 = arith.constant 0 : i32
      %add3A_73 = arith.constant 1 : i32
      %add3A_74 = arith.addi %add3A_72, %add3A_73 : i32
      %select_n3A_75 = arith.constant true
      %select_n3A_76 = arith.constant 0 : i32
      %select_n3A_77 = arith.select %select_n3A_75, %add3A_74, %select_n3A_76 : i32
      %rem3A_78 = arith.constant 0 : i32
      %rem3A_79 = arith.constant 2 : i32
      %rem3A_80 = arith.remui %rem3A_78, %rem3A_79 : i32
      %mul3A_81 = arith.constant 128 : i32
      %mul3A_82 = arith.muli %mul3A_81, %add3A_28 : i32
      %dma_start3A_83 = arith.constant 0 : i32
      %dma_start3A_84 = arith.constant 0 : i32
      %dma_start3A_85 = tpu.memref_slice %run_scoped3A_25[%rem3A_80, %dma_start3A_83, %dma_start3A_84] : memref<2x1x128xi32, #tpu.memory_space<vmem>> -> memref<1x1x128xi32, #tpu.memory_space<vmem>>
      %dma_start3A_86 = tpu.memref_squeeze %dma_start3A_85 : memref<1x1x128xi32, #tpu.memory_space<vmem>> -> memref<1x128xi32, #tpu.memory_space<vmem>>
      %dma_start3A_87 = arith.constant 0 : i32
      %dma_start3A_88 = tpu.memref_slice %arg4[%dma_start3A_87, %mul3A_82] : memref<1x131072xi32, #tpu.memory_space<hbm>> -> memref<1x128xi32, #tpu.memory_space<hbm>>
      %dma_start3A_89 = tpu.memref_slice %run_scoped3A_26[%rem3A_80] : memref<2x!tpu.dma_semaphore, #tpu.memory_space<semaphore_mem>> -> memref<1x!tpu.dma_semaphore, #tpu.memory_space<semaphore_mem>>
      %dma_start3A_90 = tpu.memref_squeeze %dma_start3A_89 : memref<1x!tpu.dma_semaphore, #tpu.memory_space<semaphore_mem>> -> memref<!tpu.dma_semaphore, #tpu.memory_space<semaphore_mem>>
      %dma_start3A_91 = arith.constant 0 : i32
      %dma_start3A_92 = arith.constant 0 : i32
      %dma_start3A_93 = tpu.memref_slice %run_scoped3A_25[%rem3A_80, %dma_start3A_91, %dma_start3A_92] : memref<2x1x128xi32, #tpu.memory_space<vmem>> -> memref<1x1x128xi32, #tpu.memory_space<vmem>>
      %dma_start3A_94 = tpu.memref_squeeze %dma_start3A_93 : memref<1x1x128xi32, #tpu.memory_space<vmem>> -> memref<1x128xi32, #tpu.memory_space<vmem>>
      %dma_start3A_95 = arith.constant 0 : i32
      %dma_start3A_96 = tpu.memref_slice %arg4[%dma_start3A_95, %mul3A_82] : memref<1x131072xi32, #tpu.memory_space<hbm>> -> memref<1x128xi32, #tpu.memory_space<hbm>>
      tpu.enqueue_dma source(%dma_start3A_96 : memref<1x128xi32, #tpu.memory_space<hbm>>) target(%dma_start3A_94 : memref<1x128xi32, #tpu.memory_space<vmem>>) target_semaphore(%dma_start3A_90 : memref<!tpu.dma_semaphore, #tpu.memory_space<semaphore_mem>>)
      %add3A_97 = arith.constant 0 : i32
      %add3A_98 = arith.constant 1 : i32
      %add3A_99 = arith.addi %add3A_97, %add3A_98 : i32
      %select_n3A_100 = arith.constant true
      %select_n3A_101 = arith.constant 0 : i32
      %select_n3A_102 = arith.select %select_n3A_100, %add3A_99, %select_n3A_101 : i32
      "tpu.trace_stop"() : () -> ()
      %scan3A = arith.constant 0 : i32
      %scan3A_103 = arith.constant 0 : i32
      %scan3A_104 = arith.constant 0 : i32
      %scan3A_105 = arith.constant 0 : i32
      %scan3A_106 = arith.constant 32 : i32
      %scan3A_107 = arith.addi %scan3A_105, %scan3A_106 : i32
      %scan3A_108 = arith.constant 1 : i32
      %scan3A_109:5 = scf.for %scan3A_146 = %scan3A_105 to %scan3A_107 step %scan3A_108 iter_args(%scan3A_147 = %select_n3A_77, %scan3A_148 = %scan3A, %scan3A_149 = %select_n3A_102, %scan3A_150 = %scan3A_103, %scan3A_151 = %scan3A_104) -> (i32, i32, i32, i32, i32)  : i32 {
        %eq3A_152 = arith.constant 0 : i32
        %eq3A_153 = arith.cmpi eq, %scan3A_146, %eq3A_152 : i32
        %eq3A_154 = arith.constant 31 : i32
        %eq3A_155 = arith.cmpi eq, %scan3A_146, %eq3A_154 : i32
        %add3A_156 = arith.addi %scan3A_151, %mul3A_8 : i32
        %sub3A_157 = arith.constant 1 : i32
        %sub3A_158 = arith.subi %scan3A_151, %sub3A_157 : i32
        %select_n3A_159 = arith.constant true
        %select_n3A_160 = arith.select %select_n3A_159, %sub3A_158, %scan3A_151 : i32
        %eq3A_161 = arith.constant -1 : i32
        %eq3A_162 = arith.cmpi eq, %select_n3A_160, %eq3A_161 : i32
        %select_n3A_163 = arith.constant 31 : i32
        %select_n3A_164 = arith.select %eq3A_162, %select_n3A_163, %select_n3A_160 : i32
        %add3A_165 = arith.addi %select_n3A_164, %mul3A_8 : i32
        %add3A_166 = arith.constant 1 : i32
        %add3A_167 = arith.addi %scan3A_151, %add3A_166 : i32
        %select_n3A_168 = arith.constant true
        %select_n3A_169 = arith.select %select_n3A_168, %add3A_167, %scan3A_151 : i32
        %eq3A_170 = arith.constant 32 : i32
        %eq3A_171 = arith.cmpi eq, %select_n3A_169, %eq3A_170 : i32
        %select_n3A_172 = arith.constant 0 : i32
        %select_n3A_173 = arith.select %eq3A_171, %select_n3A_172, %select_n3A_169 : i32
        %add3A_174 = arith.addi %select_n3A_173, %mul3A_8 : i32
        %add3A_175 = arith.constant 1 : i32
        %add3A_176 = arith.addi %select_n3A_173, %add3A_175 : i32
        %select_n3A_177 = arith.constant true
        %select_n3A_178 = arith.select %select_n3A_177, %add3A_176, %select_n3A_173 : i32
        %eq3A_179 = arith.constant 32 : i32
        %eq3A_180 = arith.cmpi eq, %select_n3A_178, %eq3A_179 : i32
        %select_n3A_181 = arith.constant 0 : i32
        %select_n3A_182 = arith.select %eq3A_180, %select_n3A_181, %select_n3A_178 : i32
        %add3A_183 = arith.addi %select_n3A_182, %mul3A_8 : i32
        %ne3A = arith.cmpi ne, %add3A_156, %add3A_174 : i32
        %or3A = arith.constant false
        %or3A_184 = arith.ori %or3A, %ne3A : i1
        %or3A_185 = arith.constant false
        %or3A_186 = arith.ori %or3A_184, %or3A_185 : i1
        %ge3A = arith.constant 31 : i32
        %ge3A_187 = arith.cmpi sge, %scan3A_146, %ge3A : i32
        %not3A = arith.constant true
        %not3A_188 = arith.xori %ge3A_187, %not3A : i1
        %and3A = arith.andi %or3A_186, %not3A_188 : i1
        %convert_element_type3A_189 = arith.extui %and3A : i1 to i32
        %cond3A_190 = arith.constant 0 : i32
        %cond3A_191 = arith.cmpi ne, %convert_element_type3A_189, %cond3A_190 : i32
        scf.if %cond3A_191 {
          "tpu.trace_start"() <{level = 10 : i32, message = "ep_copy_in"}> : () -> ()
          %rem3A_302 = arith.constant 2 : i32
          %rem3A_303 = arith.remui %scan3A_147, %rem3A_302 : i32
          %mul3A_304 = arith.constant 128 : i32
          %mul3A_305 = arith.muli %mul3A_304, %add3A_174 : i32
          %dma_start3A_306 = arith.constant 0 : i32
          %dma_start3A_307 = arith.constant 0 : i32
          %dma_start3A_308 = tpu.memref_slice %run_scoped3A[%rem3A_303, %dma_start3A_306, %dma_start3A_307] : memref<2x128x128xf32, #tpu.memory_space<vmem>> -> memref<1x128x128xf32, #tpu.memory_space<vmem>>
          %dma_start3A_309 = tpu.memref_squeeze %dma_start3A_308 : memref<1x128x128xf32, #tpu.memory_space<vmem>> -> memref<128x128xf32, #tpu.memory_space<vmem>>
          %dma_start3A_310 = arith.constant 0 : i32
          %dma_start3A_311 = tpu.memref_slice %arg2[%mul3A_305, %dma_start3A_310] : memref<131072x128xf32, #tpu.memory_space<hbm>> -> memref<128x128xf32, #tpu.memory_space<hbm>>
          %dma_start3A_312 = tpu.memref_slice %run_scoped3A_24[%rem3A_303] : memref<2x!tpu.dma_semaphore, #tpu.memory_space<semaphore_mem>> -> memref<1x!tpu.dma_semaphore, #tpu.memory_space<semaphore_mem>>
          %dma_start3A_313 = tpu.memref_squeeze %dma_start3A_312 : memref<1x!tpu.dma_semaphore, #tpu.memory_space<semaphore_mem>> -> memref<!tpu.dma_semaphore, #tpu.memory_space<semaphore_mem>>
          %dma_start3A_314 = arith.constant 0 : i32
          %dma_start3A_315 = arith.constant 0 : i32
          %dma_start3A_316 = tpu.memref_slice %run_scoped3A[%rem3A_303, %dma_start3A_314, %dma_start3A_315] : memref<2x128x128xf32, #tpu.memory_space<vmem>> -> memref<1x128x128xf32, #tpu.memory_space<vmem>>
          %dma_start3A_317 = tpu.memref_squeeze %dma_start3A_316 : memref<1x128x128xf32, #tpu.memory_space<vmem>> -> memref<128x128xf32, #tpu.memory_space<vmem>>
          %dma_start3A_318 = arith.constant 0 : i32
          %dma_start3A_319 = tpu.memref_slice %arg2[%mul3A_305, %dma_start3A_318] : memref<131072x128xf32, #tpu.memory_space<hbm>> -> memref<128x128xf32, #tpu.memory_space<hbm>>
          tpu.enqueue_dma source(%dma_start3A_319 : memref<128x128xf32, #tpu.memory_space<hbm>>) target(%dma_start3A_317 : memref<128x128xf32, #tpu.memory_space<vmem>>) target_semaphore(%dma_start3A_313 : memref<!tpu.dma_semaphore, #tpu.memory_space<semaphore_mem>>)
          "tpu.trace_stop"() : () -> ()
        } else {
        }
        %and3A_192 = arith.constant true
        %and3A_193 = arith.andi %and3A, %and3A_192 : i1
        %add3A_194 = arith.constant 1 : i32
        %add3A_195 = arith.addi %scan3A_147, %add3A_194 : i32
        %select_n3A_196 = arith.select %and3A_193, %add3A_195, %scan3A_147 : i32
        %ne3A_197 = arith.cmpi ne, %add3A_156, %add3A_174 : i32
        %or3A_198 = arith.constant false
        %or3A_199 = arith.ori %or3A_198, %ne3A_197 : i1
        %ge3A_200 = arith.constant 31 : i32
        %ge3A_201 = arith.cmpi sge, %scan3A_146, %ge3A_200 : i32
        %not3A_202 = arith.constant true
        %not3A_203 = arith.xori %ge3A_201, %not3A_202 : i1
        %and3A_204 = arith.andi %or3A_199, %not3A_203 : i1
        %convert_element_type3A_205 = arith.extui %and3A_204 : i1 to i32
        %cond3A_206 = arith.constant 0 : i32
        %cond3A_207 = arith.cmpi ne, %convert_element_type3A_205, %cond3A_206 : i32
        scf.if %cond3A_207 {
          "tpu.trace_start"() <{level = 10 : i32, message = "ep_copy_in"}> : () -> ()
          %rem3A_302 = arith.constant 2 : i32
          %rem3A_303 = arith.remui %scan3A_149, %rem3A_302 : i32
          %mul3A_304 = arith.constant 128 : i32
          %mul3A_305 = arith.muli %mul3A_304, %add3A_174 : i32
          %dma_start3A_306 = arith.constant 0 : i32
          %dma_start3A_307 = arith.constant 0 : i32
          %dma_start3A_308 = tpu.memref_slice %run_scoped3A_25[%rem3A_303, %dma_start3A_306, %dma_start3A_307] : memref<2x1x128xi32, #tpu.memory_space<vmem>> -> memref<1x1x128xi32, #tpu.memory_space<vmem>>
          %dma_start3A_309 = tpu.memref_squeeze %dma_start3A_308 : memref<1x1x128xi32, #tpu.memory_space<vmem>> -> memref<1x128xi32, #tpu.memory_space<vmem>>
          %dma_start3A_310 = arith.constant 0 : i32
          %dma_start3A_311 = tpu.memref_slice %arg4[%dma_start3A_310, %mul3A_305] : memref<1x131072xi32, #tpu.memory_space<hbm>> -> memref<1x128xi32, #tpu.memory_space<hbm>>
          %dma_start3A_312 = tpu.memref_slice %run_scoped3A_26[%rem3A_303] : memref<2x!tpu.dma_semaphore, #tpu.memory_space<semaphore_mem>> -> memref<1x!tpu.dma_semaphore, #tpu.memory_space<semaphore_mem>>
          %dma_start3A_313 = tpu.memref_squeeze %dma_start3A_312 : memref<1x!tpu.dma_semaphore, #tpu.memory_space<semaphore_mem>> -> memref<!tpu.dma_semaphore, #tpu.memory_space<semaphore_mem>>
          %dma_start3A_314 = arith.constant 0 : i32
          %dma_start3A_315 = arith.constant 0 : i32
          %dma_start3A_316 = tpu.memref_slice %run_scoped3A_25[%rem3A_303, %dma_start3A_314, %dma_start3A_315] : memref<2x1x128xi32, #tpu.memory_space<vmem>> -> memref<1x1x128xi32, #tpu.memory_space<vmem>>
          %dma_start3A_317 = tpu.memref_squeeze %dma_start3A_316 : memref<1x1x128xi32, #tpu.memory_space<vmem>> -> memref<1x128xi32, #tpu.memory_space<vmem>>
          %dma_start3A_318 = arith.constant 0 : i32
          %dma_start3A_319 = tpu.memref_slice %arg4[%dma_start3A_318, %mul3A_305] : memref<1x131072xi32, #tpu.memory_space<hbm>> -> memref<1x128xi32, #tpu.memory_space<hbm>>
          tpu.enqueue_dma source(%dma_start3A_319 : memref<1x128xi32, #tpu.memory_space<hbm>>) target(%dma_start3A_317 : memref<1x128xi32, #tpu.memory_space<vmem>>) target_semaphore(%dma_start3A_313 : memref<!tpu.dma_semaphore, #tpu.memory_space<semaphore_mem>>)
          "tpu.trace_stop"() : () -> ()
        } else {
        }
        %and3A_208 = arith.constant true
        %and3A_209 = arith.andi %and3A_204, %and3A_208 : i1
        %add3A_210 = arith.constant 1 : i32
        %add3A_211 = arith.addi %scan3A_149, %add3A_210 : i32
        %select_n3A_212 = arith.select %and3A_209, %add3A_211, %scan3A_149 : i32
        %ne3A_213 = arith.cmpi ne, %add3A_156, %add3A_165 : i32
        %or3A_214 = arith.constant false
        %or3A_215 = arith.ori %or3A_214, %ne3A_213 : i1
        %or3A_216 = arith.constant false
        %or3A_217 = arith.ori %or3A_215, %or3A_216 : i1
        %or3A_218 = arith.ori %or3A_217, %eq3A_153 : i1
        %convert_element_type3A_219 = arith.extui %or3A_218 : i1 to i32
        %cond3A_220 = arith.constant 0 : i32
        %cond3A_221 = arith.cmpi ne, %convert_element_type3A_219, %cond3A_220 : i32
        scf.if %cond3A_221 {
          "tpu.trace_start"() <{level = 10 : i32, message = "ep_wait_in"}> : () -> ()
          %mul3A_302 = arith.constant 128 : i32
          %mul3A_303 = arith.muli %mul3A_302, %add3A_156 : i32
          %rem3A_304 = arith.constant 2 : i32
          %rem3A_305 = arith.remui %scan3A_148, %rem3A_304 : i32
          %dma_wait3A = arith.constant 0 : i32
          %dma_wait3A_306 = arith.constant 0 : i32
          %dma_wait3A_307 = tpu.memref_slice %run_scoped3A[%rem3A_305, %dma_wait3A, %dma_wait3A_306] : memref<2x128x128xf32, #tpu.memory_space<vmem>> -> memref<1x128x128xf32, #tpu.memory_space<vmem>>
          %dma_wait3A_308 = tpu.memref_squeeze %dma_wait3A_307 : memref<1x128x128xf32, #tpu.memory_space<vmem>> -> memref<128x128xf32, #tpu.memory_space<vmem>>
          %dma_wait3A_309 = arith.constant 0 : i32
          %dma_wait3A_310 = tpu.memref_slice %arg2[%mul3A_303, %dma_wait3A_309] : memref<131072x128xf32, #tpu.memory_space<hbm>> -> memref<128x128xf32, #tpu.memory_space<hbm>>
          %dma_wait3A_311 = tpu.memref_slice %run_scoped3A_24[%rem3A_305] : memref<2x!tpu.dma_semaphore, #tpu.memory_space<semaphore_mem>> -> memref<1x!tpu.dma_semaphore, #tpu.memory_space<semaphore_mem>>
          %dma_wait3A_312 = tpu.memref_squeeze %dma_wait3A_311 : memref<1x!tpu.dma_semaphore, #tpu.memory_space<semaphore_mem>> -> memref<!tpu.dma_semaphore, #tpu.memory_space<semaphore_mem>>
          %dma_wait3A_313 = arith.constant 0 : i32
          %dma_wait3A_314 = arith.constant 0 : i32
          %dma_wait3A_315 = tpu.memref_slice %run_scoped3A[%rem3A_305, %dma_wait3A_313, %dma_wait3A_314] : memref<2x128x128xf32, #tpu.memory_space<vmem>> -> memref<1x128x128xf32, #tpu.memory_space<vmem>>
          %dma_wait3A_316 = tpu.memref_squeeze %dma_wait3A_315 : memref<1x128x128xf32, #tpu.memory_space<vmem>> -> memref<128x128xf32, #tpu.memory_space<vmem>>
          %dma_wait3A_317 = arith.constant 0 : i32
          %dma_wait3A_318 = tpu.memref_slice %arg2[%mul3A_303, %dma_wait3A_317] : memref<131072x128xf32, #tpu.memory_space<hbm>> -> memref<128x128xf32, #tpu.memory_space<hbm>>
          tpu.wait_dma2 semaphore(%dma_wait3A_312 : memref<!tpu.dma_semaphore, #tpu.memory_space<semaphore_mem>>) src(%dma_wait3A_318 : memref<128x128xf32, #tpu.memory_space<hbm>>) dst(%dma_wait3A_316 : memref<128x128xf32, #tpu.memory_space<vmem>>)
          "tpu.trace_stop"() : () -> ()
        } else {
        }
        %ne3A_222 = arith.cmpi ne, %add3A_156, %add3A_165 : i32
        %or3A_223 = arith.constant false
        %or3A_224 = arith.ori %or3A_223, %ne3A_222 : i1
        %or3A_225 = arith.ori %or3A_224, %eq3A_153 : i1
        %convert_element_type3A_226 = arith.extui %or3A_225 : i1 to i32
        %cond3A_227 = arith.constant 0 : i32
        %cond3A_228 = arith.cmpi ne, %convert_element_type3A_226, %cond3A_227 : i32
        scf.if %cond3A_228 {
          "tpu.trace_start"() <{level = 10 : i32, message = "ep_wait_in"}> : () -> ()
          %mul3A_302 = arith.constant 128 : i32
          %mul3A_303 = arith.muli %mul3A_302, %add3A_156 : i32
          %rem3A_304 = arith.constant 2 : i32
          %rem3A_305 = arith.remui %scan3A_150, %rem3A_304 : i32
          %dma_wait3A = arith.constant 0 : i32
          %dma_wait3A_306 = arith.constant 0 : i32
          %dma_wait3A_307 = tpu.memref_slice %run_scoped3A_25[%rem3A_305, %dma_wait3A, %dma_wait3A_306] : memref<2x1x128xi32, #tpu.memory_space<vmem>> -> memref<1x1x128xi32, #tpu.memory_space<vmem>>
          %dma_wait3A_308 = tpu.memref_squeeze %dma_wait3A_307 : memref<1x1x128xi32, #tpu.memory_space<vmem>> -> memref<1x128xi32, #tpu.memory_space<vmem>>
          %dma_wait3A_309 = arith.constant 0 : i32
          %dma_wait3A_310 = tpu.memref_slice %arg4[%dma_wait3A_309, %mul3A_303] : memref<1x131072xi32, #tpu.memory_space<hbm>> -> memref<1x128xi32, #tpu.memory_space<hbm>>
          %dma_wait3A_311 = tpu.memref_slice %run_scoped3A_26[%rem3A_305] : memref<2x!tpu.dma_semaphore, #tpu.memory_space<semaphore_mem>> -> memref<1x!tpu.dma_semaphore, #tpu.memory_space<semaphore_mem>>
          %dma_wait3A_312 = tpu.memref_squeeze %dma_wait3A_311 : memref<1x!tpu.dma_semaphore, #tpu.memory_space<semaphore_mem>> -> memref<!tpu.dma_semaphore, #tpu.memory_space<semaphore_mem>>
          %dma_wait3A_313 = arith.constant 0 : i32
          %dma_wait3A_314 = arith.constant 0 : i32
          %dma_wait3A_315 = tpu.memref_slice %run_scoped3A_25[%rem3A_305, %dma_wait3A_313, %dma_wait3A_314] : memref<2x1x128xi32, #tpu.memory_space<vmem>> -> memref<1x1x128xi32, #tpu.memory_space<vmem>>
          %dma_wait3A_316 = tpu.memref_squeeze %dma_wait3A_315 : memref<1x1x128xi32, #tpu.memory_space<vmem>> -> memref<1x128xi32, #tpu.memory_space<vmem>>
          %dma_wait3A_317 = arith.constant 0 : i32
          %dma_wait3A_318 = tpu.memref_slice %arg4[%dma_wait3A_317, %mul3A_303] : memref<1x131072xi32, #tpu.memory_space<hbm>> -> memref<1x128xi32, #tpu.memory_space<hbm>>
          tpu.wait_dma2 semaphore(%dma_wait3A_312 : memref<!tpu.dma_semaphore, #tpu.memory_space<semaphore_mem>>) src(%dma_wait3A_318 : memref<1x128xi32, #tpu.memory_space<hbm>>) dst(%dma_wait3A_316 : memref<1x128xi32, #tpu.memory_space<vmem>>)
          "tpu.trace_stop"() : () -> ()
        } else {
        }
        %rem3A_229 = arith.constant 2 : i32
        %rem3A_230 = arith.remui %scan3A_148, %rem3A_229 : i32
        %rem3A_231 = arith.constant 2 : i32
        %rem3A_232 = arith.remui %scan3A_150, %rem3A_231 : i32
        %run_scoped3A_233 = arith.constant 0 : i32
        "tpu.trace_start"() <{level = 10 : i32, message = "ep_run_kernel"}> : () -> ()
        "tpu.region"() ({
          %run_scoped3A_302 = tpu.sem_alloc : memref<!tpu.dma_semaphore, #tpu.memory_space<semaphore_mem>>
          %dma_start3A_303 = arith.constant 0 : i32
          %dma_start3A_304 = arith.constant 0 : i32
          %dma_start3A_305 = tpu.memref_slice %run_scoped3A[%rem3A_230, %dma_start3A_303, %dma_start3A_304] : memref<2x128x128xf32, #tpu.memory_space<vmem>> -> memref<1x128x128xf32, #tpu.memory_space<vmem>>
          %dma_start3A_306 = tpu.memref_squeeze %dma_start3A_305 : memref<1x128x128xf32, #tpu.memory_space<vmem>> -> memref<128x128xf32, #tpu.memory_space<vmem>>
          %dma_start3A_307 = arith.constant 0 : i32
          %dma_start3A_308 = arith.constant 0 : i32
          %dma_start3A_309 = tpu.memref_slice %run_scoped3A_25[%rem3A_232, %dma_start3A_307, %dma_start3A_308] : memref<2x1x128xi32, #tpu.memory_space<vmem>> -> memref<1x1x128xi32, #tpu.memory_space<vmem>>
          %dma_start3A_310 = tpu.memref_squeeze %dma_start3A_309 : memref<1x1x128xi32, #tpu.memory_space<vmem>> -> memref<1x128xi32, #tpu.memory_space<vmem>>
          %dma_start3A_311 = arith.constant 0 : i32
          %dma_start3A_312 = tpu.memref_slice %dma_start3A_310[%run_scoped3A_233, %dma_start3A_311] : memref<1x128xi32, #tpu.memory_space<vmem>> -> memref<1x128xi32, #tpu.memory_space<vmem>>
          %dma_start3A_313 = tpu.memref_squeeze %dma_start3A_312 : memref<1x128xi32, #tpu.memory_space<vmem>> -> memref<128xi32, #tpu.memory_space<vmem>>
          %dma_start3A_314 = arith.constant 0 : i32
          %dma_start3A_315 = arith.constant 0 : i32
          %dma_start3A_316 = tpu.memref_slice %arg8[%dma_start3A_314, %dma_start3A_315] : memref<10240x128xf32, #tpu.memory_space<vmem_shared>> -> memref<10240x128xf32, #tpu.memory_space<vmem_shared>>
          tpu.enqueue_indirect_dma source(%dma_start3A_306 : memref<128x128xf32, #tpu.memory_space<vmem>>) target(%dma_start3A_316 : memref<10240x128xf32, #tpu.memory_space<vmem_shared>>) offsets(%dma_start3A_313 : memref<128xi32, #tpu.memory_space<vmem>>) semaphore(%run_scoped3A_302 : memref<!tpu.dma_semaphore, #tpu.memory_space<semaphore_mem>>) {add = true}
          %dma_wait3A = arith.constant 0 : i32
          %dma_wait3A_317 = arith.constant 0 : i32
          %dma_wait3A_318 = tpu.memref_slice %run_scoped3A[%rem3A_230, %dma_wait3A, %dma_wait3A_317] : memref<2x128x128xf32, #tpu.memory_space<vmem>> -> memref<1x128x128xf32, #tpu.memory_space<vmem>>
          %dma_wait3A_319 = tpu.memref_squeeze %dma_wait3A_318 : memref<1x128x128xf32, #tpu.memory_space<vmem>> -> memref<128x128xf32, #tpu.memory_space<vmem>>
          %dma_wait3A_320 = arith.constant 0 : i32
          %dma_wait3A_321 = arith.constant 0 : i32
          %dma_wait3A_322 = tpu.memref_slice %run_scoped3A_25[%rem3A_232, %dma_wait3A_320, %dma_wait3A_321] : memref<2x1x128xi32, #tpu.memory_space<vmem>> -> memref<1x1x128xi32, #tpu.memory_space<vmem>>
          %dma_wait3A_323 = tpu.memref_squeeze %dma_wait3A_322 : memref<1x1x128xi32, #tpu.memory_space<vmem>> -> memref<1x128xi32, #tpu.memory_space<vmem>>
          %dma_wait3A_324 = arith.constant 0 : i32
          %dma_wait3A_325 = tpu.memref_slice %dma_wait3A_323[%run_scoped3A_233, %dma_wait3A_324] : memref<1x128xi32, #tpu.memory_space<vmem>> -> memref<1x128xi32, #tpu.memory_space<vmem>>
          %dma_wait3A_326 = tpu.memref_squeeze %dma_wait3A_325 : memref<1x128xi32, #tpu.memory_space<vmem>> -> memref<128xi32, #tpu.memory_space<vmem>>
          %dma_wait3A_327 = arith.constant 0 : i32
          %dma_wait3A_328 = arith.constant 0 : i32
          %dma_wait3A_329 = tpu.memref_slice %arg8[%dma_wait3A_327, %dma_wait3A_328] : memref<10240x128xf32, #tpu.memory_space<vmem_shared>> -> memref<10240x128xf32, #tpu.memory_space<vmem_shared>>
          tpu.wait_indirect_dma semaphore(%run_scoped3A_302 : memref<!tpu.dma_semaphore, #tpu.memory_space<semaphore_mem>>) src(%dma_wait3A_319 : memref<128x128xf32, #tpu.memory_space<vmem>>) dst(%dma_wait3A_329 : memref<10240x128xf32, #tpu.memory_space<vmem_shared>>)
          tpu.yield
        }) : () -> ()
        "tpu.trace_stop"() : () -> ()
        %ne3A_234 = arith.cmpi ne, %add3A_156, %add3A_174 : i32
        %or3A_235 = arith.constant false
        %or3A_236 = arith.ori %or3A_235, %ne3A_234 : i1
        %or3A_237 = arith.constant false
        %or3A_238 = arith.ori %or3A_236, %or3A_237 : i1
        %or3A_239 = arith.ori %or3A_238, %eq3A_155 : i1
        %convert_element_type3A_240 = arith.extui %or3A_239 : i1 to i32
        %cond3A_241 = arith.constant 0 : i32
        %cond3A_242 = arith.cmpi ne, %convert_element_type3A_240, %cond3A_241 : i32
        scf.if %cond3A_242 {
        } else {
        }
        %and3A_243 = arith.constant false
        %and3A_244 = arith.andi %or3A_239, %and3A_243 : i1
        %ne3A_245 = arith.cmpi ne, %add3A_156, %add3A_174 : i32
        %or3A_246 = arith.constant false
        %or3A_247 = arith.ori %or3A_246, %ne3A_245 : i1
        %or3A_248 = arith.ori %or3A_247, %eq3A_155 : i1
        %convert_element_type3A_249 = arith.extui %or3A_248 : i1 to i32
        %cond3A_250 = arith.constant 0 : i32
        %cond3A_251 = arith.cmpi ne, %convert_element_type3A_249, %cond3A_250 : i32
        scf.if %cond3A_251 {
        } else {
        }
        %and3A_252 = arith.constant false
        %and3A_253 = arith.andi %or3A_248, %and3A_252 : i1
        %ne3A_254 = arith.cmpi ne, %add3A_156, %add3A_165 : i32
        %or3A_255 = arith.constant false
        %or3A_256 = arith.ori %or3A_255, %ne3A_254 : i1
        %or3A_257 = arith.constant false
        %or3A_258 = arith.ori %or3A_256, %or3A_257 : i1
        %not3A_259 = arith.constant true
        %not3A_260 = arith.xori %eq3A_153, %not3A_259 : i1
        %and3A_261 = arith.andi %or3A_258, %not3A_260 : i1
        %convert_element_type3A_262 = arith.extui %and3A_261 : i1 to i32
        %cond3A_263 = arith.constant 0 : i32
        %cond3A_264 = arith.cmpi ne, %convert_element_type3A_262, %cond3A_263 : i32
        scf.if %cond3A_264 {
        } else {
        }
        %and3A_265 = arith.constant false
        %and3A_266 = arith.andi %and3A_261, %and3A_265 : i1
        %ne3A_267 = arith.cmpi ne, %add3A_156, %add3A_165 : i32
        %or3A_268 = arith.constant false
        %or3A_269 = arith.ori %or3A_268, %ne3A_267 : i1
        %not3A_270 = arith.constant true
        %not3A_271 = arith.xori %eq3A_153, %not3A_270 : i1
        %and3A_272 = arith.andi %or3A_269, %not3A_271 : i1
        %convert_element_type3A_273 = arith.extui %and3A_272 : i1 to i32
        %cond3A_274 = arith.constant 0 : i32
        %cond3A_275 = arith.cmpi ne, %convert_element_type3A_273, %cond3A_274 : i32
        scf.if %cond3A_275 {
        } else {
        }
        %and3A_276 = arith.constant false
        %and3A_277 = arith.andi %and3A_272, %and3A_276 : i1
        %ne3A_278 = arith.cmpi ne, %add3A_156, %add3A_174 : i32
        %or3A_279 = arith.constant false
        %or3A_280 = arith.ori %or3A_279, %ne3A_278 : i1
        %or3A_281 = arith.constant false
        %or3A_282 = arith.ori %or3A_280, %or3A_281 : i1
        %or3A_283 = arith.ori %or3A_282, %eq3A_155 : i1
        %add3A_284 = arith.constant 1 : i32
        %add3A_285 = arith.addi %scan3A_148, %add3A_284 : i32
        %select_n3A_286 = arith.select %or3A_283, %add3A_285, %scan3A_148 : i32
        %ne3A_287 = arith.cmpi ne, %add3A_156, %add3A_174 : i32
        %or3A_288 = arith.constant false
        %or3A_289 = arith.ori %or3A_288, %ne3A_287 : i1
        %or3A_290 = arith.ori %or3A_289, %eq3A_155 : i1
        %add3A_291 = arith.constant 1 : i32
        %add3A_292 = arith.addi %scan3A_150, %add3A_291 : i32
        %select_n3A_293 = arith.select %or3A_290, %add3A_292, %scan3A_150 : i32
        %add3A_294 = arith.constant 1 : i32
        %add3A_295 = arith.addi %scan3A_151, %add3A_294 : i32
        %select_n3A_296 = arith.constant true
        %select_n3A_297 = arith.select %select_n3A_296, %add3A_295, %scan3A_151 : i32
        %eq3A_298 = arith.constant 32 : i32
        %eq3A_299 = arith.cmpi eq, %select_n3A_297, %eq3A_298 : i32
        %select_n3A_300 = arith.constant 0 : i32
        %select_n3A_301 = arith.select %eq3A_299, %select_n3A_300, %select_n3A_297 : i32
        scf.yield %select_n3A_196, %select_n3A_286, %select_n3A_212, %select_n3A_293, %select_n3A_301 : i32, i32, i32, i32, i32
      }
      %scan3A_110 = arith.constant 32 : i32
      %sub3A = arith.constant 1 : i32
      %sub3A_111 = arith.subi %scan3A_109#4, %sub3A : i32
      %select_n3A_112 = arith.constant true
      %select_n3A_113 = arith.select %select_n3A_112, %sub3A_111, %scan3A_109#4 : i32
      %eq3A_114 = arith.constant -1 : i32
      %eq3A_115 = arith.cmpi eq, %select_n3A_113, %eq3A_114 : i32
      %select_n3A_116 = arith.constant 31 : i32
      %select_n3A_117 = arith.select %eq3A_115, %select_n3A_116, %select_n3A_113 : i32
      %add3A_118 = arith.addi %select_n3A_117, %mul3A_8 : i32
      %sub3A_119 = arith.constant 1 : i32
      %sub3A_120 = arith.subi %select_n3A_117, %sub3A_119 : i32
      %select_n3A_121 = arith.constant true
      %select_n3A_122 = arith.select %select_n3A_121, %sub3A_120, %select_n3A_117 : i32
      %eq3A_123 = arith.constant -1 : i32
      %eq3A_124 = arith.cmpi eq, %select_n3A_122, %eq3A_123 : i32
      %select_n3A_125 = arith.constant 31 : i32
      %select_n3A_126 = arith.select %eq3A_124, %select_n3A_125, %select_n3A_122 : i32
      %add3A_127 = arith.addi %select_n3A_126, %mul3A_8 : i32
      %add3A_128 = arith.constant 1 : i32
      %add3A_129 = arith.addi %select_n3A_117, %add3A_128 : i32
      %select_n3A_130 = arith.constant true
      %select_n3A_131 = arith.select %select_n3A_130, %add3A_129, %select_n3A_117 : i32
      %eq3A_132 = arith.constant 32 : i32
      %eq3A_133 = arith.cmpi eq, %select_n3A_131, %eq3A_132 : i32
      %select_n3A_134 = arith.constant 0 : i32
      %select_n3A_135 = arith.select %eq3A_133, %select_n3A_134, %select_n3A_131 : i32
      %add3A_136 = arith.addi %select_n3A_135, %mul3A_8 : i32
      %add3A_137 = arith.constant 1 : i32
      %add3A_138 = arith.addi %select_n3A_135, %add3A_137 : i32
      %select_n3A_139 = arith.constant true
      %select_n3A_140 = arith.select %select_n3A_139, %add3A_138, %select_n3A_135 : i32
      %eq3A_141 = arith.constant 32 : i32
      %eq3A_142 = arith.cmpi eq, %select_n3A_140, %eq3A_141 : i32
      %select_n3A_143 = arith.constant 0 : i32
      %select_n3A_144 = arith.select %eq3A_142, %select_n3A_143, %select_n3A_140 : i32
      %add3A_145 = arith.addi %select_n3A_144, %mul3A_8 : i32
      tpu.yield
    }) : () -> ()
    %mul3A_9 = arith.constant 1 : i32
    %mul3A_10 = arith.muli %arg1, %mul3A_9 : i32
    %add3A_11 = arith.constant 0 : i32
    %add3A_12 = arith.addi %add3A_11, %mul3A_10 : i32
    %mul3A_13 = arith.constant 16 : i32
    %mul3A_14 = arith.muli %arg0, %mul3A_13 : i32
    %add3A_15 = arith.addi %add3A_12, %mul3A_14 : i32
    %mul3A_16 = arith.constant 32 : i32
    %mul3A_17 = arith.muli %add3A_15, %mul3A_16 : i32
    "tpu.region"() ({
      %run_scoped3A = memref.alloca() : memref<2x128x128xf32, #tpu.memory_space<vmem>>
      %run_scoped3A_24 = tpu.sem_alloc : memref<2x!tpu.dma_semaphore, #tpu.memory_space<semaphore_mem>>
      %run_scoped3A_25 = memref.alloca() : memref<2x1x128xi32, #tpu.memory_space<vmem>>
      %run_scoped3A_26 = tpu.sem_alloc : memref<2x!tpu.dma_semaphore, #tpu.memory_space<semaphore_mem>>
      %add3A_27 = arith.constant 0 : i32
      %add3A_28 = arith.addi %add3A_27, %mul3A_17 : i32
      %select_n3A = arith.constant true
      %select_n3A_29 = arith.constant 0 : i32
      %select_n3A_30 = arith.constant -1 : i32
      %select_n3A_31 = arith.select %select_n3A, %select_n3A_30, %select_n3A_29 : i32
      %eq3A_32 = arith.constant -1 : i32
      %eq3A_33 = arith.cmpi eq, %select_n3A_31, %eq3A_32 : i32
      %select_n3A_34 = arith.constant 31 : i32
      %select_n3A_35 = arith.select %eq3A_33, %select_n3A_34, %select_n3A_31 : i32
      %add3A_36 = arith.addi %select_n3A_35, %mul3A_17 : i32
      %select_n3A_37 = arith.constant true
      %select_n3A_38 = arith.constant 0 : i32
      %select_n3A_39 = arith.constant 1 : i32
      %select_n3A_40 = arith.select %select_n3A_37, %select_n3A_39, %select_n3A_38 : i32
      %eq3A_41 = arith.constant 32 : i32
      %eq3A_42 = arith.cmpi eq, %select_n3A_40, %eq3A_41 : i32
      %select_n3A_43 = arith.constant 0 : i32
      %select_n3A_44 = arith.select %eq3A_42, %select_n3A_43, %select_n3A_40 : i32
      %add3A_45 = arith.addi %select_n3A_44, %mul3A_17 : i32
      %add3A_46 = arith.constant 1 : i32
      %add3A_47 = arith.addi %select_n3A_44, %add3A_46 : i32
      %select_n3A_48 = arith.constant true
      %select_n3A_49 = arith.select %select_n3A_48, %add3A_47, %select_n3A_44 : i32
      %eq3A_50 = arith.constant 32 : i32
      %eq3A_51 = arith.cmpi eq, %select_n3A_49, %eq3A_50 : i32
      %select_n3A_52 = arith.constant 0 : i32
      %select_n3A_53 = arith.select %eq3A_51, %select_n3A_52, %select_n3A_49 : i32
      %add3A_54 = arith.addi %select_n3A_53, %mul3A_17 : i32
      "tpu.trace_start"() <{level = 10 : i32, message = "ep_initialize_0"}> : () -> ()
      %rem3A = arith.constant 0 : i32
      %rem3A_55 = arith.constant 2 : i32
      %rem3A_56 = arith.remui %rem3A, %rem3A_55 : i32
      %mul3A_57 = arith.constant 128 : i32
      %mul3A_58 = arith.muli %mul3A_57, %add3A_28 : i32
      %dma_start3A = arith.constant 0 : i32
      %dma_start3A_59 = arith.constant 0 : i32
      %dma_start3A_60 = tpu.memref_slice %run_scoped3A[%rem3A_56, %dma_start3A, %dma_start3A_59] : memref<2x128x128xf32, #tpu.memory_space<vmem>> -> memref<1x128x128xf32, #tpu.memory_space<vmem>>
      %dma_start3A_61 = tpu.memref_squeeze %dma_start3A_60 : memref<1x128x128xf32, #tpu.memory_space<vmem>> -> memref<128x128xf32, #tpu.memory_space<vmem>>
      %dma_start3A_62 = arith.constant 0 : i32
      %dma_start3A_63 = tpu.memref_slice %arg3[%mul3A_58, %dma_start3A_62] : memref<131072x128xf32, #tpu.memory_space<hbm>> -> memref<128x128xf32, #tpu.memory_space<hbm>>
      %dma_start3A_64 = tpu.memref_slice %run_scoped3A_24[%rem3A_56] : memref<2x!tpu.dma_semaphore, #tpu.memory_space<semaphore_mem>> -> memref<1x!tpu.dma_semaphore, #tpu.memory_space<semaphore_mem>>
      %dma_start3A_65 = tpu.memref_squeeze %dma_start3A_64 : memref<1x!tpu.dma_semaphore, #tpu.memory_space<semaphore_mem>> -> memref<!tpu.dma_semaphore, #tpu.memory_space<semaphore_mem>>
      %dma_start3A_66 = arith.constant 0 : i32
      %dma_start3A_67 = arith.constant 0 : i32
      %dma_start3A_68 = tpu.memref_slice %run_scoped3A[%rem3A_56, %dma_start3A_66, %dma_start3A_67] : memref<2x128x128xf32, #tpu.memory_space<vmem>> -> memref<1x128x128xf32, #tpu.memory_space<vmem>>
      %dma_start3A_69 = tpu.memref_squeeze %dma_start3A_68 : memref<1x128x128xf32, #tpu.memory_space<vmem>> -> memref<128x128xf32, #tpu.memory_space<vmem>>
      %dma_start3A_70 = arith.constant 0 : i32
      %dma_start3A_71 = tpu.memref_slice %arg3[%mul3A_58, %dma_start3A_70] : memref<131072x128xf32, #tpu.memory_space<hbm>> -> memref<128x128xf32, #tpu.memory_space<hbm>>
      tpu.enqueue_dma source(%dma_start3A_71 : memref<128x128xf32, #tpu.memory_space<hbm>>) target(%dma_start3A_69 : memref<128x128xf32, #tpu.memory_space<vmem>>) target_semaphore(%dma_start3A_65 : memref<!tpu.dma_semaphore, #tpu.memory_space<semaphore_mem>>)
      %add3A_72 = arith.constant 0 : i32
      %add3A_73 = arith.constant 1 : i32
      %add3A_74 = arith.addi %add3A_72, %add3A_73 : i32
      %select_n3A_75 = arith.constant true
      %select_n3A_76 = arith.constant 0 : i32
      %select_n3A_77 = arith.select %select_n3A_75, %add3A_74, %select_n3A_76 : i32
      %rem3A_78 = arith.constant 0 : i32
      %rem3A_79 = arith.constant 2 : i32
      %rem3A_80 = arith.remui %rem3A_78, %rem3A_79 : i32
      %mul3A_81 = arith.constant 128 : i32
      %mul3A_82 = arith.muli %mul3A_81, %add3A_28 : i32
      %dma_start3A_83 = arith.constant 0 : i32
      %dma_start3A_84 = arith.constant 0 : i32
      %dma_start3A_85 = tpu.memref_slice %run_scoped3A_25[%rem3A_80, %dma_start3A_83, %dma_start3A_84] : memref<2x1x128xi32, #tpu.memory_space<vmem>> -> memref<1x1x128xi32, #tpu.memory_space<vmem>>
      %dma_start3A_86 = tpu.memref_squeeze %dma_start3A_85 : memref<1x1x128xi32, #tpu.memory_space<vmem>> -> memref<1x128xi32, #tpu.memory_space<vmem>>
      %dma_start3A_87 = arith.constant 0 : i32
      %dma_start3A_88 = tpu.memref_slice %arg5[%dma_start3A_87, %mul3A_82] : memref<1x131072xi32, #tpu.memory_space<hbm>> -> memref<1x128xi32, #tpu.memory_space<hbm>>
      %dma_start3A_89 = tpu.memref_slice %run_scoped3A_26[%rem3A_80] : memref<2x!tpu.dma_semaphore, #tpu.memory_space<semaphore_mem>> -> memref<1x!tpu.dma_semaphore, #tpu.memory_space<semaphore_mem>>
      %dma_start3A_90 = tpu.memref_squeeze %dma_start3A_89 : memref<1x!tpu.dma_semaphore, #tpu.memory_space<semaphore_mem>> -> memref<!tpu.dma_semaphore, #tpu.memory_space<semaphore_mem>>
      %dma_start3A_91 = arith.constant 0 : i32
      %dma_start3A_92 = arith.constant 0 : i32
      %dma_start3A_93 = tpu.memref_slice %run_scoped3A_25[%rem3A_80, %dma_start3A_91, %dma_start3A_92] : memref<2x1x128xi32, #tpu.memory_space<vmem>> -> memref<1x1x128xi32, #tpu.memory_space<vmem>>
      %dma_start3A_94 = tpu.memref_squeeze %dma_start3A_93 : memref<1x1x128xi32, #tpu.memory_space<vmem>> -> memref<1x128xi32, #tpu.memory_space<vmem>>
      %dma_start3A_95 = arith.constant 0 : i32
      %dma_start3A_96 = tpu.memref_slice %arg5[%dma_start3A_95, %mul3A_82] : memref<1x131072xi32, #tpu.memory_space<hbm>> -> memref<1x128xi32, #tpu.memory_space<hbm>>
      tpu.enqueue_dma source(%dma_start3A_96 : memref<1x128xi32, #tpu.memory_space<hbm>>) target(%dma_start3A_94 : memref<1x128xi32, #tpu.memory_space<vmem>>) target_semaphore(%dma_start3A_90 : memref<!tpu.dma_semaphore, #tpu.memory_space<semaphore_mem>>)
      %add3A_97 = arith.constant 0 : i32
      %add3A_98 = arith.constant 1 : i32
      %add3A_99 = arith.addi %add3A_97, %add3A_98 : i32
      %select_n3A_100 = arith.constant true
      %select_n3A_101 = arith.constant 0 : i32
      %select_n3A_102 = arith.select %select_n3A_100, %add3A_99, %select_n3A_101 : i32
      "tpu.trace_stop"() : () -> ()
      %scan3A = arith.constant 0 : i32
      %scan3A_103 = arith.constant 0 : i32
      %scan3A_104 = arith.constant 0 : i32
      %scan3A_105 = arith.constant 0 : i32
      %scan3A_106 = arith.constant 32 : i32
      %scan3A_107 = arith.addi %scan3A_105, %scan3A_106 : i32
      %scan3A_108 = arith.constant 1 : i32
      %scan3A_109:5 = scf.for %scan3A_146 = %scan3A_105 to %scan3A_107 step %scan3A_108 iter_args(%scan3A_147 = %select_n3A_77, %scan3A_148 = %scan3A, %scan3A_149 = %select_n3A_102, %scan3A_150 = %scan3A_103, %scan3A_151 = %scan3A_104) -> (i32, i32, i32, i32, i32)  : i32 {
        %eq3A_152 = arith.constant 0 : i32
        %eq3A_153 = arith.cmpi eq, %scan3A_146, %eq3A_152 : i32
        %eq3A_154 = arith.constant 31 : i32
        %eq3A_155 = arith.cmpi eq, %scan3A_146, %eq3A_154 : i32
        %add3A_156 = arith.addi %scan3A_151, %mul3A_17 : i32
        %sub3A_157 = arith.constant 1 : i32
        %sub3A_158 = arith.subi %scan3A_151, %sub3A_157 : i32
        %select_n3A_159 = arith.constant true
        %select_n3A_160 = arith.select %select_n3A_159, %sub3A_158, %scan3A_151 : i32
        %eq3A_161 = arith.constant -1 : i32
        %eq3A_162 = arith.cmpi eq, %select_n3A_160, %eq3A_161 : i32
        %select_n3A_163 = arith.constant 31 : i32
        %select_n3A_164 = arith.select %eq3A_162, %select_n3A_163, %select_n3A_160 : i32
        %add3A_165 = arith.addi %select_n3A_164, %mul3A_17 : i32
        %add3A_166 = arith.constant 1 : i32
        %add3A_167 = arith.addi %scan3A_151, %add3A_166 : i32
        %select_n3A_168 = arith.constant true
        %select_n3A_169 = arith.select %select_n3A_168, %add3A_167, %scan3A_151 : i32
        %eq3A_170 = arith.constant 32 : i32
        %eq3A_171 = arith.cmpi eq, %select_n3A_169, %eq3A_170 : i32
        %select_n3A_172 = arith.constant 0 : i32
        %select_n3A_173 = arith.select %eq3A_171, %select_n3A_172, %select_n3A_169 : i32
        %add3A_174 = arith.addi %select_n3A_173, %mul3A_17 : i32
        %add3A_175 = arith.constant 1 : i32
        %add3A_176 = arith.addi %select_n3A_173, %add3A_175 : i32
        %select_n3A_177 = arith.constant true
        %select_n3A_178 = arith.select %select_n3A_177, %add3A_176, %select_n3A_173 : i32
        %eq3A_179 = arith.constant 32 : i32
        %eq3A_180 = arith.cmpi eq, %select_n3A_178, %eq3A_179 : i32
        %select_n3A_181 = arith.constant 0 : i32
        %select_n3A_182 = arith.select %eq3A_180, %select_n3A_181, %select_n3A_178 : i32
        %add3A_183 = arith.addi %select_n3A_182, %mul3A_17 : i32
        %ne3A = arith.cmpi ne, %add3A_156, %add3A_174 : i32
        %or3A = arith.constant false
        %or3A_184 = arith.ori %or3A, %ne3A : i1
        %or3A_185 = arith.constant false
        %or3A_186 = arith.ori %or3A_184, %or3A_185 : i1
        %ge3A = arith.constant 31 : i32
        %ge3A_187 = arith.cmpi sge, %scan3A_146, %ge3A : i32
        %not3A = arith.constant true
        %not3A_188 = arith.xori %ge3A_187, %not3A : i1
        %and3A = arith.andi %or3A_186, %not3A_188 : i1
        %convert_element_type3A_189 = arith.extui %and3A : i1 to i32
        %cond3A_190 = arith.constant 0 : i32
        %cond3A_191 = arith.cmpi ne, %convert_element_type3A_189, %cond3A_190 : i32
        scf.if %cond3A_191 {
          "tpu.trace_start"() <{level = 10 : i32, message = "ep_copy_in"}> : () -> ()
          %rem3A_302 = arith.constant 2 : i32
          %rem3A_303 = arith.remui %scan3A_147, %rem3A_302 : i32
          %mul3A_304 = arith.constant 128 : i32
          %mul3A_305 = arith.muli %mul3A_304, %add3A_174 : i32
          %dma_start3A_306 = arith.constant 0 : i32
          %dma_start3A_307 = arith.constant 0 : i32
          %dma_start3A_308 = tpu.memref_slice %run_scoped3A[%rem3A_303, %dma_start3A_306, %dma_start3A_307] : memref<2x128x128xf32, #tpu.memory_space<vmem>> -> memref<1x128x128xf32, #tpu.memory_space<vmem>>
          %dma_start3A_309 = tpu.memref_squeeze %dma_start3A_308 : memref<1x128x128xf32, #tpu.memory_space<vmem>> -> memref<128x128xf32, #tpu.memory_space<vmem>>
          %dma_start3A_310 = arith.constant 0 : i32
          %dma_start3A_311 = tpu.memref_slice %arg3[%mul3A_305, %dma_start3A_310] : memref<131072x128xf32, #tpu.memory_space<hbm>> -> memref<128x128xf32, #tpu.memory_space<hbm>>
          %dma_start3A_312 = tpu.memref_slice %run_scoped3A_24[%rem3A_303] : memref<2x!tpu.dma_semaphore, #tpu.memory_space<semaphore_mem>> -> memref<1x!tpu.dma_semaphore, #tpu.memory_space<semaphore_mem>>
          %dma_start3A_313 = tpu.memref_squeeze %dma_start3A_312 : memref<1x!tpu.dma_semaphore, #tpu.memory_space<semaphore_mem>> -> memref<!tpu.dma_semaphore, #tpu.memory_space<semaphore_mem>>
          %dma_start3A_314 = arith.constant 0 : i32
          %dma_start3A_315 = arith.constant 0 : i32
          %dma_start3A_316 = tpu.memref_slice %run_scoped3A[%rem3A_303, %dma_start3A_314, %dma_start3A_315] : memref<2x128x128xf32, #tpu.memory_space<vmem>> -> memref<1x128x128xf32, #tpu.memory_space<vmem>>
          %dma_start3A_317 = tpu.memref_squeeze %dma_start3A_316 : memref<1x128x128xf32, #tpu.memory_space<vmem>> -> memref<128x128xf32, #tpu.memory_space<vmem>>
          %dma_start3A_318 = arith.constant 0 : i32
          %dma_start3A_319 = tpu.memref_slice %arg3[%mul3A_305, %dma_start3A_318] : memref<131072x128xf32, #tpu.memory_space<hbm>> -> memref<128x128xf32, #tpu.memory_space<hbm>>
          tpu.enqueue_dma source(%dma_start3A_319 : memref<128x128xf32, #tpu.memory_space<hbm>>) target(%dma_start3A_317 : memref<128x128xf32, #tpu.memory_space<vmem>>) target_semaphore(%dma_start3A_313 : memref<!tpu.dma_semaphore, #tpu.memory_space<semaphore_mem>>)
          "tpu.trace_stop"() : () -> ()
        } else {
        }
        %and3A_192 = arith.constant true
        %and3A_193 = arith.andi %and3A, %and3A_192 : i1
        %add3A_194 = arith.constant 1 : i32
        %add3A_195 = arith.addi %scan3A_147, %add3A_194 : i32
        %select_n3A_196 = arith.select %and3A_193, %add3A_195, %scan3A_147 : i32
        %ne3A_197 = arith.cmpi ne, %add3A_156, %add3A_174 : i32
        %or3A_198 = arith.constant false
        %or3A_199 = arith.ori %or3A_198, %ne3A_197 : i1
        %ge3A_200 = arith.constant 31 : i32
        %ge3A_201 = arith.cmpi sge, %scan3A_146, %ge3A_200 : i32
        %not3A_202 = arith.constant true
        %not3A_203 = arith.xori %ge3A_201, %not3A_202 : i1
        %and3A_204 = arith.andi %or3A_199, %not3A_203 : i1
        %convert_element_type3A_205 = arith.extui %and3A_204 : i1 to i32
        %cond3A_206 = arith.constant 0 : i32
        %cond3A_207 = arith.cmpi ne, %convert_element_type3A_205, %cond3A_206 : i32
        scf.if %cond3A_207 {
          "tpu.trace_start"() <{level = 10 : i32, message = "ep_copy_in"}> : () -> ()
          %rem3A_302 = arith.constant 2 : i32
          %rem3A_303 = arith.remui %scan3A_149, %rem3A_302 : i32
          %mul3A_304 = arith.constant 128 : i32
          %mul3A_305 = arith.muli %mul3A_304, %add3A_174 : i32
          %dma_start3A_306 = arith.constant 0 : i32
          %dma_start3A_307 = arith.constant 0 : i32
          %dma_start3A_308 = tpu.memref_slice %run_scoped3A_25[%rem3A_303, %dma_start3A_306, %dma_start3A_307] : memref<2x1x128xi32, #tpu.memory_space<vmem>> -> memref<1x1x128xi32, #tpu.memory_space<vmem>>
          %dma_start3A_309 = tpu.memref_squeeze %dma_start3A_308 : memref<1x1x128xi32, #tpu.memory_space<vmem>> -> memref<1x128xi32, #tpu.memory_space<vmem>>
          %dma_start3A_310 = arith.constant 0 : i32
          %dma_start3A_311 = tpu.memref_slice %arg5[%dma_start3A_310, %mul3A_305] : memref<1x131072xi32, #tpu.memory_space<hbm>> -> memref<1x128xi32, #tpu.memory_space<hbm>>
          %dma_start3A_312 = tpu.memref_slice %run_scoped3A_26[%rem3A_303] : memref<2x!tpu.dma_semaphore, #tpu.memory_space<semaphore_mem>> -> memref<1x!tpu.dma_semaphore, #tpu.memory_space<semaphore_mem>>
          %dma_start3A_313 = tpu.memref_squeeze %dma_start3A_312 : memref<1x!tpu.dma_semaphore, #tpu.memory_space<semaphore_mem>> -> memref<!tpu.dma_semaphore, #tpu.memory_space<semaphore_mem>>
          %dma_start3A_314 = arith.constant 0 : i32
          %dma_start3A_315 = arith.constant 0 : i32
          %dma_start3A_316 = tpu.memref_slice %run_scoped3A_25[%rem3A_303, %dma_start3A_314, %dma_start3A_315] : memref<2x1x128xi32, #tpu.memory_space<vmem>> -> memref<1x1x128xi32, #tpu.memory_space<vmem>>
          %dma_start3A_317 = tpu.memref_squeeze %dma_start3A_316 : memref<1x1x128xi32, #tpu.memory_space<vmem>> -> memref<1x128xi32, #tpu.memory_space<vmem>>
          %dma_start3A_318 = arith.constant 0 : i32
          %dma_start3A_319 = tpu.memref_slice %arg5[%dma_start3A_318, %mul3A_305] : memref<1x131072xi32, #tpu.memory_space<hbm>> -> memref<1x128xi32, #tpu.memory_space<hbm>>
          tpu.enqueue_dma source(%dma_start3A_319 : memref<1x128xi32, #tpu.memory_space<hbm>>) target(%dma_start3A_317 : memref<1x128xi32, #tpu.memory_space<vmem>>) target_semaphore(%dma_start3A_313 : memref<!tpu.dma_semaphore, #tpu.memory_space<semaphore_mem>>)
          "tpu.trace_stop"() : () -> ()
        } else {
        }
        %and3A_208 = arith.constant true
        %and3A_209 = arith.andi %and3A_204, %and3A_208 : i1
        %add3A_210 = arith.constant 1 : i32
        %add3A_211 = arith.addi %scan3A_149, %add3A_210 : i32
        %select_n3A_212 = arith.select %and3A_209, %add3A_211, %scan3A_149 : i32
        %ne3A_213 = arith.cmpi ne, %add3A_156, %add3A_165 : i32
        %or3A_214 = arith.constant false
        %or3A_215 = arith.ori %or3A_214, %ne3A_213 : i1
        %or3A_216 = arith.constant false
        %or3A_217 = arith.ori %or3A_215, %or3A_216 : i1
        %or3A_218 = arith.ori %or3A_217, %eq3A_153 : i1
        %convert_element_type3A_219 = arith.extui %or3A_218 : i1 to i32
        %cond3A_220 = arith.constant 0 : i32
        %cond3A_221 = arith.cmpi ne, %convert_element_type3A_219, %cond3A_220 : i32
        scf.if %cond3A_221 {
          "tpu.trace_start"() <{level = 10 : i32, message = "ep_wait_in"}> : () -> ()
          %mul3A_302 = arith.constant 128 : i32
          %mul3A_303 = arith.muli %mul3A_302, %add3A_156 : i32
          %rem3A_304 = arith.constant 2 : i32
          %rem3A_305 = arith.remui %scan3A_148, %rem3A_304 : i32
          %dma_wait3A = arith.constant 0 : i32
          %dma_wait3A_306 = arith.constant 0 : i32
          %dma_wait3A_307 = tpu.memref_slice %run_scoped3A[%rem3A_305, %dma_wait3A, %dma_wait3A_306] : memref<2x128x128xf32, #tpu.memory_space<vmem>> -> memref<1x128x128xf32, #tpu.memory_space<vmem>>
          %dma_wait3A_308 = tpu.memref_squeeze %dma_wait3A_307 : memref<1x128x128xf32, #tpu.memory_space<vmem>> -> memref<128x128xf32, #tpu.memory_space<vmem>>
          %dma_wait3A_309 = arith.constant 0 : i32
          %dma_wait3A_310 = tpu.memref_slice %arg3[%mul3A_303, %dma_wait3A_309] : memref<131072x128xf32, #tpu.memory_space<hbm>> -> memref<128x128xf32, #tpu.memory_space<hbm>>
          %dma_wait3A_311 = tpu.memref_slice %run_scoped3A_24[%rem3A_305] : memref<2x!tpu.dma_semaphore, #tpu.memory_space<semaphore_mem>> -> memref<1x!tpu.dma_semaphore, #tpu.memory_space<semaphore_mem>>
          %dma_wait3A_312 = tpu.memref_squeeze %dma_wait3A_311 : memref<1x!tpu.dma_semaphore, #tpu.memory_space<semaphore_mem>> -> memref<!tpu.dma_semaphore, #tpu.memory_space<semaphore_mem>>
          %dma_wait3A_313 = arith.constant 0 : i32
          %dma_wait3A_314 = arith.constant 0 : i32
          %dma_wait3A_315 = tpu.memref_slice %run_scoped3A[%rem3A_305, %dma_wait3A_313, %dma_wait3A_314] : memref<2x128x128xf32, #tpu.memory_space<vmem>> -> memref<1x128x128xf32, #tpu.memory_space<vmem>>
          %dma_wait3A_316 = tpu.memref_squeeze %dma_wait3A_315 : memref<1x128x128xf32, #tpu.memory_space<vmem>> -> memref<128x128xf32, #tpu.memory_space<vmem>>
          %dma_wait3A_317 = arith.constant 0 : i32
          %dma_wait3A_318 = tpu.memref_slice %arg3[%mul3A_303, %dma_wait3A_317] : memref<131072x128xf32, #tpu.memory_space<hbm>> -> memref<128x128xf32, #tpu.memory_space<hbm>>
          tpu.wait_dma2 semaphore(%dma_wait3A_312 : memref<!tpu.dma_semaphore, #tpu.memory_space<semaphore_mem>>) src(%dma_wait3A_318 : memref<128x128xf32, #tpu.memory_space<hbm>>) dst(%dma_wait3A_316 : memref<128x128xf32, #tpu.memory_space<vmem>>)
          "tpu.trace_stop"() : () -> ()
        } else {
        }
        %ne3A_222 = arith.cmpi ne, %add3A_156, %add3A_165 : i32
        %or3A_223 = arith.constant false
        %or3A_224 = arith.ori %or3A_223, %ne3A_222 : i1
        %or3A_225 = arith.ori %or3A_224, %eq3A_153 : i1
        %convert_element_type3A_226 = arith.extui %or3A_225 : i1 to i32
        %cond3A_227 = arith.constant 0 : i32
        %cond3A_228 = arith.cmpi ne, %convert_element_type3A_226, %cond3A_227 : i32
        scf.if %cond3A_228 {
          "tpu.trace_start"() <{level = 10 : i32, message = "ep_wait_in"}> : () -> ()
          %mul3A_302 = arith.constant 128 : i32
          %mul3A_303 = arith.muli %mul3A_302, %add3A_156 : i32
          %rem3A_304 = arith.constant 2 : i32
          %rem3A_305 = arith.remui %scan3A_150, %rem3A_304 : i32
          %dma_wait3A = arith.constant 0 : i32
          %dma_wait3A_306 = arith.constant 0 : i32
          %dma_wait3A_307 = tpu.memref_slice %run_scoped3A_25[%rem3A_305, %dma_wait3A, %dma_wait3A_306] : memref<2x1x128xi32, #tpu.memory_space<vmem>> -> memref<1x1x128xi32, #tpu.memory_space<vmem>>
          %dma_wait3A_308 = tpu.memref_squeeze %dma_wait3A_307 : memref<1x1x128xi32, #tpu.memory_space<vmem>> -> memref<1x128xi32, #tpu.memory_space<vmem>>
          %dma_wait3A_309 = arith.constant 0 : i32
          %dma_wait3A_310 = tpu.memref_slice %arg5[%dma_wait3A_309, %mul3A_303] : memref<1x131072xi32, #tpu.memory_space<hbm>> -> memref<1x128xi32, #tpu.memory_space<hbm>>
          %dma_wait3A_311 = tpu.memref_slice %run_scoped3A_26[%rem3A_305] : memref<2x!tpu.dma_semaphore, #tpu.memory_space<semaphore_mem>> -> memref<1x!tpu.dma_semaphore, #tpu.memory_space<semaphore_mem>>
          %dma_wait3A_312 = tpu.memref_squeeze %dma_wait3A_311 : memref<1x!tpu.dma_semaphore, #tpu.memory_space<semaphore_mem>> -> memref<!tpu.dma_semaphore, #tpu.memory_space<semaphore_mem>>
          %dma_wait3A_313 = arith.constant 0 : i32
          %dma_wait3A_314 = arith.constant 0 : i32
          %dma_wait3A_315 = tpu.memref_slice %run_scoped3A_25[%rem3A_305, %dma_wait3A_313, %dma_wait3A_314] : memref<2x1x128xi32, #tpu.memory_space<vmem>> -> memref<1x1x128xi32, #tpu.memory_space<vmem>>
          %dma_wait3A_316 = tpu.memref_squeeze %dma_wait3A_315 : memref<1x1x128xi32, #tpu.memory_space<vmem>> -> memref<1x128xi32, #tpu.memory_space<vmem>>
          %dma_wait3A_317 = arith.constant 0 : i32
          %dma_wait3A_318 = tpu.memref_slice %arg5[%dma_wait3A_317, %mul3A_303] : memref<1x131072xi32, #tpu.memory_space<hbm>> -> memref<1x128xi32, #tpu.memory_space<hbm>>
          tpu.wait_dma2 semaphore(%dma_wait3A_312 : memref<!tpu.dma_semaphore, #tpu.memory_space<semaphore_mem>>) src(%dma_wait3A_318 : memref<1x128xi32, #tpu.memory_space<hbm>>) dst(%dma_wait3A_316 : memref<1x128xi32, #tpu.memory_space<vmem>>)
          "tpu.trace_stop"() : () -> ()
        } else {
        }
        %rem3A_229 = arith.constant 2 : i32
        %rem3A_230 = arith.remui %scan3A_148, %rem3A_229 : i32
        %rem3A_231 = arith.constant 2 : i32
        %rem3A_232 = arith.remui %scan3A_150, %rem3A_231 : i32
        %run_scoped3A_233 = arith.constant 0 : i32
        "tpu.trace_start"() <{level = 10 : i32, message = "ep_run_kernel"}> : () -> ()
        "tpu.region"() ({
          %run_scoped3A_302 = tpu.sem_alloc : memref<!tpu.dma_semaphore, #tpu.memory_space<semaphore_mem>>
          %dma_start3A_303 = arith.constant 0 : i32
          %dma_start3A_304 = arith.constant 0 : i32
          %dma_start3A_305 = tpu.memref_slice %run_scoped3A[%rem3A_230, %dma_start3A_303, %dma_start3A_304] : memref<2x128x128xf32, #tpu.memory_space<vmem>> -> memref<1x128x128xf32, #tpu.memory_space<vmem>>
          %dma_start3A_306 = tpu.memref_squeeze %dma_start3A_305 : memref<1x128x128xf32, #tpu.memory_space<vmem>> -> memref<128x128xf32, #tpu.memory_space<vmem>>
          %dma_start3A_307 = arith.constant 0 : i32
          %dma_start3A_308 = arith.constant 0 : i32
          %dma_start3A_309 = tpu.memref_slice %run_scoped3A_25[%rem3A_232, %dma_start3A_307, %dma_start3A_308] : memref<2x1x128xi32, #tpu.memory_space<vmem>> -> memref<1x1x128xi32, #tpu.memory_space<vmem>>
          %dma_start3A_310 = tpu.memref_squeeze %dma_start3A_309 : memref<1x1x128xi32, #tpu.memory_space<vmem>> -> memref<1x128xi32, #tpu.memory_space<vmem>>
          %dma_start3A_311 = arith.constant 0 : i32
          %dma_start3A_312 = tpu.memref_slice %dma_start3A_310[%run_scoped3A_233, %dma_start3A_311] : memref<1x128xi32, #tpu.memory_space<vmem>> -> memref<1x128xi32, #tpu.memory_space<vmem>>
          %dma_start3A_313 = tpu.memref_squeeze %dma_start3A_312 : memref<1x128xi32, #tpu.memory_space<vmem>> -> memref<128xi32, #tpu.memory_space<vmem>>
          %dma_start3A_314 = arith.constant 0 : i32
          %dma_start3A_315 = arith.constant 0 : i32
          %dma_start3A_316 = tpu.memref_slice %arg8[%dma_start3A_314, %dma_start3A_315] : memref<10240x128xf32, #tpu.memory_space<vmem_shared>> -> memref<10240x128xf32, #tpu.memory_space<vmem_shared>>
          tpu.enqueue_indirect_dma source(%dma_start3A_306 : memref<128x128xf32, #tpu.memory_space<vmem>>) target(%dma_start3A_316 : memref<10240x128xf32, #tpu.memory_space<vmem_shared>>) offsets(%dma_start3A_313 : memref<128xi32, #tpu.memory_space<vmem>>) semaphore(%run_scoped3A_302 : memref<!tpu.dma_semaphore, #tpu.memory_space<semaphore_mem>>) {add = true}
          %dma_wait3A = arith.constant 0 : i32
          %dma_wait3A_317 = arith.constant 0 : i32
          %dma_wait3A_318 = tpu.memref_slice %run_scoped3A[%rem3A_230, %dma_wait3A, %dma_wait3A_317] : memref<2x128x128xf32, #tpu.memory_space<vmem>> -> memref<1x128x128xf32, #tpu.memory_space<vmem>>
          %dma_wait3A_319 = tpu.memref_squeeze %dma_wait3A_318 : memref<1x128x128xf32, #tpu.memory_space<vmem>> -> memref<128x128xf32, #tpu.memory_space<vmem>>
          %dma_wait3A_320 = arith.constant 0 : i32
          %dma_wait3A_321 = arith.constant 0 : i32
          %dma_wait3A_322 = tpu.memref_slice %run_scoped3A_25[%rem3A_232, %dma_wait3A_320, %dma_wait3A_321] : memref<2x1x128xi32, #tpu.memory_space<vmem>> -> memref<1x1x128xi32, #tpu.memory_space<vmem>>
          %dma_wait3A_323 = tpu.memref_squeeze %dma_wait3A_322 : memref<1x1x128xi32, #tpu.memory_space<vmem>> -> memref<1x128xi32, #tpu.memory_space<vmem>>
          %dma_wait3A_324 = arith.constant 0 : i32
          %dma_wait3A_325 = tpu.memref_slice %dma_wait3A_323[%run_scoped3A_233, %dma_wait3A_324] : memref<1x128xi32, #tpu.memory_space<vmem>> -> memref<1x128xi32, #tpu.memory_space<vmem>>
          %dma_wait3A_326 = tpu.memref_squeeze %dma_wait3A_325 : memref<1x128xi32, #tpu.memory_space<vmem>> -> memref<128xi32, #tpu.memory_space<vmem>>
          %dma_wait3A_327 = arith.constant 0 : i32
          %dma_wait3A_328 = arith.constant 0 : i32
          %dma_wait3A_329 = tpu.memref_slice %arg8[%dma_wait3A_327, %dma_wait3A_328] : memref<10240x128xf32, #tpu.memory_space<vmem_shared>> -> memref<10240x128xf32, #tpu.memory_space<vmem_shared>>
          tpu.wait_indirect_dma semaphore(%run_scoped3A_302 : memref<!tpu.dma_semaphore, #tpu.memory_space<semaphore_mem>>) src(%dma_wait3A_319 : memref<128x128xf32, #tpu.memory_space<vmem>>) dst(%dma_wait3A_329 : memref<10240x128xf32, #tpu.memory_space<vmem_shared>>)
          tpu.yield
        }) : () -> ()
        "tpu.trace_stop"() : () -> ()
        %ne3A_234 = arith.cmpi ne, %add3A_156, %add3A_174 : i32
        %or3A_235 = arith.constant false
        %or3A_236 = arith.ori %or3A_235, %ne3A_234 : i1
        %or3A_237 = arith.constant false
        %or3A_238 = arith.ori %or3A_236, %or3A_237 : i1
        %or3A_239 = arith.ori %or3A_238, %eq3A_155 : i1
        %convert_element_type3A_240 = arith.extui %or3A_239 : i1 to i32
        %cond3A_241 = arith.constant 0 : i32
        %cond3A_242 = arith.cmpi ne, %convert_element_type3A_240, %cond3A_241 : i32
        scf.if %cond3A_242 {
        } else {
        }
        %and3A_243 = arith.constant false
        %and3A_244 = arith.andi %or3A_239, %and3A_243 : i1
        %ne3A_245 = arith.cmpi ne, %add3A_156, %add3A_174 : i32
        %or3A_246 = arith.constant false
        %or3A_247 = arith.ori %or3A_246, %ne3A_245 : i1
        %or3A_248 = arith.ori %or3A_247, %eq3A_155 : i1
        %convert_element_type3A_249 = arith.extui %or3A_248 : i1 to i32
        %cond3A_250 = arith.constant 0 : i32
        %cond3A_251 = arith.cmpi ne, %convert_element_type3A_249, %cond3A_250 : i32
        scf.if %cond3A_251 {
        } else {
        }
        %and3A_252 = arith.constant false
        %and3A_253 = arith.andi %or3A_248, %and3A_252 : i1
        %ne3A_254 = arith.cmpi ne, %add3A_156, %add3A_165 : i32
        %or3A_255 = arith.constant false
        %or3A_256 = arith.ori %or3A_255, %ne3A_254 : i1
        %or3A_257 = arith.constant false
        %or3A_258 = arith.ori %or3A_256, %or3A_257 : i1
        %not3A_259 = arith.constant true
        %not3A_260 = arith.xori %eq3A_153, %not3A_259 : i1
        %and3A_261 = arith.andi %or3A_258, %not3A_260 : i1
        %convert_element_type3A_262 = arith.extui %and3A_261 : i1 to i32
        %cond3A_263 = arith.constant 0 : i32
        %cond3A_264 = arith.cmpi ne, %convert_element_type3A_262, %cond3A_263 : i32
        scf.if %cond3A_264 {
        } else {
        }
        %and3A_265 = arith.constant false
        %and3A_266 = arith.andi %and3A_261, %and3A_265 : i1
        %ne3A_267 = arith.cmpi ne, %add3A_156, %add3A_165 : i32
        %or3A_268 = arith.constant false
        %or3A_269 = arith.ori %or3A_268, %ne3A_267 : i1
        %not3A_270 = arith.constant true
        %not3A_271 = arith.xori %eq3A_153, %not3A_270 : i1
        %and3A_272 = arith.andi %or3A_269, %not3A_271 : i1
        %convert_element_type3A_273 = arith.extui %and3A_272 : i1 to i32
        %cond3A_274 = arith.constant 0 : i32
        %cond3A_275 = arith.cmpi ne, %convert_element_type3A_273, %cond3A_274 : i32
        scf.if %cond3A_275 {
        } else {
        }
        %and3A_276 = arith.constant false
        %and3A_277 = arith.andi %and3A_272, %and3A_276 : i1
        %ne3A_278 = arith.cmpi ne, %add3A_156, %add3A_174 : i32
        %or3A_279 = arith.constant false
        %or3A_280 = arith.ori %or3A_279, %ne3A_278 : i1
        %or3A_281 = arith.constant false
        %or3A_282 = arith.ori %or3A_280, %or3A_281 : i1
        %or3A_283 = arith.ori %or3A_282, %eq3A_155 : i1
        %add3A_284 = arith.constant 1 : i32
        %add3A_285 = arith.addi %scan3A_148, %add3A_284 : i32
        %select_n3A_286 = arith.select %or3A_283, %add3A_285, %scan3A_148 : i32
        %ne3A_287 = arith.cmpi ne, %add3A_156, %add3A_174 : i32
        %or3A_288 = arith.constant false
        %or3A_289 = arith.ori %or3A_288, %ne3A_287 : i1
        %or3A_290 = arith.ori %or3A_289, %eq3A_155 : i1
        %add3A_291 = arith.constant 1 : i32
        %add3A_292 = arith.addi %scan3A_150, %add3A_291 : i32
        %select_n3A_293 = arith.select %or3A_290, %add3A_292, %scan3A_150 : i32
        %add3A_294 = arith.constant 1 : i32
        %add3A_295 = arith.addi %scan3A_151, %add3A_294 : i32
        %select_n3A_296 = arith.constant true
        %select_n3A_297 = arith.select %select_n3A_296, %add3A_295, %scan3A_151 : i32
        %eq3A_298 = arith.constant 32 : i32
        %eq3A_299 = arith.cmpi eq, %select_n3A_297, %eq3A_298 : i32
        %select_n3A_300 = arith.constant 0 : i32
        %select_n3A_301 = arith.select %eq3A_299, %select_n3A_300, %select_n3A_297 : i32
        scf.yield %select_n3A_196, %select_n3A_286, %select_n3A_212, %select_n3A_293, %select_n3A_301 : i32, i32, i32, i32, i32
      }
      %scan3A_110 = arith.constant 32 : i32
      %sub3A = arith.constant 1 : i32
      %sub3A_111 = arith.subi %scan3A_109#4, %sub3A : i32
      %select_n3A_112 = arith.constant true
      %select_n3A_113 = arith.select %select_n3A_112, %sub3A_111, %scan3A_109#4 : i32
      %eq3A_114 = arith.constant -1 : i32
      %eq3A_115 = arith.cmpi eq, %select_n3A_113, %eq3A_114 : i32
      %select_n3A_116 = arith.constant 31 : i32
      %select_n3A_117 = arith.select %eq3A_115, %select_n3A_116, %select_n3A_113 : i32
      %add3A_118 = arith.addi %select_n3A_117, %mul3A_17 : i32
      %sub3A_119 = arith.constant 1 : i32
      %sub3A_120 = arith.subi %select_n3A_117, %sub3A_119 : i32
      %select_n3A_121 = arith.constant true
      %select_n3A_122 = arith.select %select_n3A_121, %sub3A_120, %select_n3A_117 : i32
      %eq3A_123 = arith.constant -1 : i32
      %eq3A_124 = arith.cmpi eq, %select_n3A_122, %eq3A_123 : i32
      %select_n3A_125 = arith.constant 31 : i32
      %select_n3A_126 = arith.select %eq3A_124, %select_n3A_125, %select_n3A_122 : i32
      %add3A_127 = arith.addi %select_n3A_126, %mul3A_17 : i32
      %add3A_128 = arith.constant 1 : i32
      %add3A_129 = arith.addi %select_n3A_117, %add3A_128 : i32
      %select_n3A_130 = arith.constant true
      %select_n3A_131 = arith.select %select_n3A_130, %add3A_129, %select_n3A_117 : i32
      %eq3A_132 = arith.constant 32 : i32
      %eq3A_133 = arith.cmpi eq, %select_n3A_131, %eq3A_132 : i32
      %select_n3A_134 = arith.constant 0 : i32
      %select_n3A_135 = arith.select %eq3A_133, %select_n3A_134, %select_n3A_131 : i32
      %add3A_136 = arith.addi %select_n3A_135, %mul3A_17 : i32
      %add3A_137 = arith.constant 1 : i32
      %add3A_138 = arith.addi %select_n3A_135, %add3A_137 : i32
      %select_n3A_139 = arith.constant true
      %select_n3A_140 = arith.select %select_n3A_139, %add3A_138, %select_n3A_135 : i32
      %eq3A_141 = arith.constant 32 : i32
      %eq3A_142 = arith.cmpi eq, %select_n3A_140, %eq3A_141 : i32
      %select_n3A_143 = arith.constant 0 : i32
      %select_n3A_144 = arith.select %eq3A_142, %select_n3A_143, %select_n3A_140 : i32
      %add3A_145 = arith.addi %select_n3A_144, %mul3A_17 : i32
      tpu.yield
    }) : () -> ()
    %barrier3A_18 = arith.constant 0 : index
    tpu.barrier barrier_id(%barrier3A_18)
    %eq3A_19 = arith.constant 0 : i32
    %eq3A_20 = arith.cmpi eq, %arg1, %eq3A_19 : i32
    %convert_element_type3A_21 = arith.extui %eq3A_20 : i1 to i32
    %cond3A_22 = arith.constant 0 : i32
    %cond3A_23 = arith.cmpi ne, %convert_element_type3A_21, %cond3A_22 : i32
    scf.if %cond3A_23 {
      "tpu.region"() ({
        %run_scoped3A = tpu.sem_alloc : memref<!tpu.dma_semaphore, #tpu.memory_space<semaphore_mem>>
        %dma_start3A = arith.constant 0 : i32
        %dma_start3A_24 = arith.constant 0 : i32
        %dma_start3A_25 = tpu.memref_slice %arg7[%arg0, %dma_start3A, %dma_start3A_24] : memref<2x10240x128xf32, #tpu.memory_space<hbm>> -> memref<1x10240x128xf32, #tpu.memory_space<hbm>>
        %dma_start3A_26 = tpu.memref_squeeze %dma_start3A_25 : memref<1x10240x128xf32, #tpu.memory_space<hbm>> -> memref<10240x128xf32, #tpu.memory_space<hbm>>
        tpu.enqueue_dma source(%arg8 : memref<10240x128xf32, #tpu.memory_space<vmem_shared>>) target(%dma_start3A_26 : memref<10240x128xf32, #tpu.memory_space<hbm>>) target_semaphore(%run_scoped3A : memref<!tpu.dma_semaphore, #tpu.memory_space<semaphore_mem>>)
        %dma_wait3A = arith.constant 0 : i32
        %dma_wait3A_27 = arith.constant 0 : i32
        %dma_wait3A_28 = tpu.memref_slice %arg7[%arg0, %dma_wait3A, %dma_wait3A_27] : memref<2x10240x128xf32, #tpu.memory_space<hbm>> -> memref<1x10240x128xf32, #tpu.memory_space<hbm>>
        %dma_wait3A_29 = tpu.memref_squeeze %dma_wait3A_28 : memref<1x10240x128xf32, #tpu.memory_space<hbm>> -> memref<10240x128xf32, #tpu.memory_space<hbm>>
        tpu.wait_dma2 semaphore(%run_scoped3A : memref<!tpu.dma_semaphore, #tpu.memory_space<semaphore_mem>>) src(%arg8 : memref<10240x128xf32, #tpu.memory_space<vmem_shared>>) dst(%dma_wait3A_29 : memref<10240x128xf32, #tpu.memory_space<hbm>>)
        tpu.yield
      }) : () -> ()
    } else {
    }
    return
  }
}

#map = affine_map<(d0, d1) -> (0, 0)>
#map1 = affine_map<(d0, d1) -> (0, 0, 0)>
module attributes {stable_mosaic.version = 14 : i64} {
  func.func @k(%arg0: i32, %arg1: i32, %arg2: memref<131072x128xf32, #tpu.memory_space<hbm>>, %arg3: memref<131072x128xf32, #tpu.memory_space<hbm>>, %arg4: memref<1x131072xi32, #tpu.memory_space<hbm>>, %arg5: memref<1x131072xi32, #tpu.memory_space<hbm>>, %arg6: memref<10240x128xf32, #tpu.memory_space<hbm>>, %arg7: memref<2x10240x128xf32, #tpu.memory_space<hbm>>, %arg8: memref<10240x128xf32, #tpu.memory_space<vmem_shared>>) attributes {dimension_semantics = [#tpu.dimension_semantics<core_parallel>, #tpu.dimension_semantics<subcore_parallel>], iteration_bounds = array<i64: 2, 16>, scalar_prefetch = 0 : i64, scratch_operands = 1 : i64, tpu.core_type = #tpu.core_type<sc_vector_subcore>, window_params = [{transform_indices = #map}, {transform_indices = #map}, {transform_indices = #map}, {transform_indices = #map}, {transform_indices = #map}, {transform_indices = #map1}]} {
    %eq3A = arith.constant 0 : i32
    %eq3A_0 = arith.cmpi eq, %arg1, %eq3A : i32
    %convert_element_type3A = arith.extui %eq3A_0 : i1 to i32
    %cond3A = arith.constant 0 : i32
    %cond3A_1 = arith.cmpi ne, %convert_element_type3A, %cond3A : i32
    scf.if %cond3A_1 {
      "tpu.region"() ({
        %run_scoped3A = tpu.sem_alloc : memref<!tpu.dma_semaphore, #tpu.memory_space<semaphore_mem>>
        tpu.enqueue_dma source(%arg6 : memref<10240x128xf32, #tpu.memory_space<hbm>>) target(%arg8 : memref<10240x128xf32, #tpu.memory_space<vmem_shared>>) target_semaphore(%run_scoped3A : memref<!tpu.dma_semaphore, #tpu.memory_space<semaphore_mem>>)
        tpu.wait_dma2 semaphore(%run_scoped3A : memref<!tpu.dma_semaphore, #tpu.memory_space<semaphore_mem>>) src(%arg6 : memref<10240x128xf32, #tpu.memory_space<hbm>>) dst(%arg8 : memref<10240x128xf32, #tpu.memory_space<vmem_shared>>)
        tpu.yield
      }) : () -> ()
    } else {
    }
    %barrier3A = arith.constant 0 : index
    tpu.barrier barrier_id(%barrier3A)
    %mul3A = arith.constant 1 : i32
    %mul3A_2 = arith.muli %arg1, %mul3A : i32
    %add3A = arith.constant 0 : i32
    %add3A_3 = arith.addi %add3A, %mul3A_2 : i32
    %mul3A_4 = arith.constant 16 : i32
    %mul3A_5 = arith.muli %arg0, %mul3A_4 : i32
    %add3A_6 = arith.addi %add3A_3, %mul3A_5 : i32
    %mul3A_7 = arith.constant 32 : i32
    %mul3A_8 = arith.muli %add3A_6, %mul3A_7 : i32
    "tpu.region"() ({
      %run_scoped3A = memref.alloca() : memref<2x128x128xf32, #tpu.memory_space<vmem>>
      %run_scoped3A_24 = tpu.sem_alloc : memref<2x!tpu.dma_semaphore, #tpu.memory_space<semaphore_mem>>
      %run_scoped3A_25 = memref.alloca() : memref<2x1x128xi32, #tpu.memory_space<vmem>>
      %run_scoped3A_26 = tpu.sem_alloc : memref<2x!tpu.dma_semaphore, #tpu.memory_space<semaphore_mem>>
      %add3A_27 = arith.constant 0 : i32
      %add3A_28 = arith.addi %add3A_27, %mul3A_8 : i32
      %select_n3A = arith.constant true
      %select_n3A_29 = arith.constant 0 : i32
      %select_n3A_30 = arith.constant -1 : i32
      %select_n3A_31 = arith.select %select_n3A, %select_n3A_30, %select_n3A_29 : i32
      %eq3A_32 = arith.constant -1 : i32
      %eq3A_33 = arith.cmpi eq, %select_n3A_31, %eq3A_32 : i32
      %select_n3A_34 = arith.constant 31 : i32
      %select_n3A_35 = arith.select %eq3A_33, %select_n3A_34, %select_n3A_31 : i32
      %add3A_36 = arith.addi %select_n3A_35, %mul3A_8 : i32
      %select_n3A_37 = arith.constant true
      %select_n3A_38 = arith.constant 0 : i32
      %select_n3A_39 = arith.constant 1 : i32
      %select_n3A_40 = arith.select %select_n3A_37, %select_n3A_39, %select_n3A_38 : i32
      %eq3A_41 = arith.constant 32 : i32
      %eq3A_42 = arith.cmpi eq, %select_n3A_40, %eq3A_41 : i32
      %select_n3A_43 = arith.constant 0 : i32
      %select_n3A_44 = arith.select %eq3A_42, %select_n3A_43, %select_n3A_40 : i32
      %add3A_45 = arith.addi %select_n3A_44, %mul3A_8 : i32
      %add3A_46 = arith.constant 1 : i32
      %add3A_47 = arith.addi %select_n3A_44, %add3A_46 : i32
      %select_n3A_48 = arith.constant true
      %select_n3A_49 = arith.select %select_n3A_48, %add3A_47, %select_n3A_44 : i32
      %eq3A_50 = arith.constant 32 : i32
      %eq3A_51 = arith.cmpi eq, %select_n3A_49, %eq3A_50 : i32
      %select_n3A_52 = arith.constant 0 : i32
      %select_n3A_53 = arith.select %eq3A_51, %select_n3A_52, %select_n3A_49 : i32
      %add3A_54 = arith.addi %select_n3A_53, %mul3A_8 : i32
      "tpu.trace_start"() <{level = 10 : i32, message = "ep_initialize_0"}> : () -> ()
      %rem3A = arith.constant 0 : i32
      %rem3A_55 = arith.constant 2 : i32
      %rem3A_56 = arith.remui %rem3A, %rem3A_55 : i32
      %mul3A_57 = arith.constant 128 : i32
      %mul3A_58 = arith.muli %mul3A_57, %add3A_28 : i32
      %dma_start3A = arith.constant 0 : i32
      %dma_start3A_59 = arith.constant 0 : i32
      %dma_start3A_60 = tpu.memref_slice %run_scoped3A[%rem3A_56, %dma_start3A, %dma_start3A_59] : memref<2x128x128xf32, #tpu.memory_space<vmem>> -> memref<1x128x128xf32, #tpu.memory_space<vmem>>
      %dma_start3A_61 = tpu.memref_squeeze %dma_start3A_60 : memref<1x128x128xf32, #tpu.memory_space<vmem>> -> memref<128x128xf32, #tpu.memory_space<vmem>>
      %dma_start3A_62 = arith.constant 0 : i32
      %dma_start3A_63 = tpu.memref_slice %arg2[%mul3A_58, %dma_start3A_62] : memref<131072x128xf32, #tpu.memory_space<hbm>> -> memref<128x128xf32, #tpu.memory_space<hbm>>
      %dma_start3A_64 = tpu.memref_slice %run_scoped3A_24[%rem3A_56] : memref<2x!tpu.dma_semaphore, #tpu.memory_space<semaphore_mem>> -> memref<1x!tpu.dma_semaphore, #tpu.memory_space<semaphore_mem>>
      %dma_start3A_65 = tpu.memref_squeeze %dma_start3A_64 : memref<1x!tpu.dma_semaphore, #tpu.memory_space<semaphore_mem>> -> memref<!tpu.dma_semaphore, #tpu.memory_space<semaphore_mem>>
      %dma_start3A_66 = arith.constant 0 : i32
      %dma_start3A_67 = arith.constant 0 : i32
      %dma_start3A_68 = tpu.memref_slice %run_scoped3A[%rem3A_56, %dma_start3A_66, %dma_start3A_67] : memref<2x128x128xf32, #tpu.memory_space<vmem>> -> memref<1x128x128xf32, #tpu.memory_space<vmem>>
      %dma_start3A_69 = tpu.memref_squeeze %dma_start3A_68 : memref<1x128x128xf32, #tpu.memory_space<vmem>> -> memref<128x128xf32, #tpu.memory_space<vmem>>
      %dma_start3A_70 = arith.constant 0 : i32
      %dma_start3A_71 = tpu.memref_slice %arg2[%mul3A_58, %dma_start3A_70] : memref<131072x128xf32, #tpu.memory_space<hbm>> -> memref<128x128xf32, #tpu.memory_space<hbm>>
      tpu.enqueue_dma source(%dma_start3A_71 : memref<128x128xf32, #tpu.memory_space<hbm>>) target(%dma_start3A_69 : memref<128x128xf32, #tpu.memory_space<vmem>>) target_semaphore(%dma_start3A_65 : memref<!tpu.dma_semaphore, #tpu.memory_space<semaphore_mem>>)
      %add3A_72 = arith.constant 0 : i32
      %add3A_73 = arith.constant 1 : i32
      %add3A_74 = arith.addi %add3A_72, %add3A_73 : i32
      %select_n3A_75 = arith.constant true
      %select_n3A_76 = arith.constant 0 : i32
      %select_n3A_77 = arith.select %select_n3A_75, %add3A_74, %select_n3A_76 : i32
      %rem3A_78 = arith.constant 0 : i32
      %rem3A_79 = arith.constant 2 : i32
      %rem3A_80 = arith.remui %rem3A_78, %rem3A_79 : i32
      %mul3A_81 = arith.constant 128 : i32
      %mul3A_82 = arith.muli %mul3A_81, %add3A_28 : i32
      %dma_start3A_83 = arith.constant 0 : i32
      %dma_start3A_84 = arith.constant 0 : i32
      %dma_start3A_85 = tpu.memref_slice %run_scoped3A_25[%rem3A_80, %dma_start3A_83, %dma_start3A_84] : memref<2x1x128xi32, #tpu.memory_space<vmem>> -> memref<1x1x128xi32, #tpu.memory_space<vmem>>
      %dma_start3A_86 = tpu.memref_squeeze %dma_start3A_85 : memref<1x1x128xi32, #tpu.memory_space<vmem>> -> memref<1x128xi32, #tpu.memory_space<vmem>>
      %dma_start3A_87 = arith.constant 0 : i32
      %dma_start3A_88 = tpu.memref_slice %arg4[%dma_start3A_87, %mul3A_82] : memref<1x131072xi32, #tpu.memory_space<hbm>> -> memref<1x128xi32, #tpu.memory_space<hbm>>
      %dma_start3A_89 = tpu.memref_slice %run_scoped3A_26[%rem3A_80] : memref<2x!tpu.dma_semaphore, #tpu.memory_space<semaphore_mem>> -> memref<1x!tpu.dma_semaphore, #tpu.memory_space<semaphore_mem>>
      %dma_start3A_90 = tpu.memref_squeeze %dma_start3A_89 : memref<1x!tpu.dma_semaphore, #tpu.memory_space<semaphore_mem>> -> memref<!tpu.dma_semaphore, #tpu.memory_space<semaphore_mem>>
      %dma_start3A_91 = arith.constant 0 : i32
      %dma_start3A_92 = arith.constant 0 : i32
      %dma_start3A_93 = tpu.memref_slice %run_scoped3A_25[%rem3A_80, %dma_start3A_91, %dma_start3A_92] : memref<2x1x128xi32, #tpu.memory_space<vmem>> -> memref<1x1x128xi32, #tpu.memory_space<vmem>>
      %dma_start3A_94 = tpu.memref_squeeze %dma_start3A_93 : memref<1x1x128xi32, #tpu.memory_space<vmem>> -> memref<1x128xi32, #tpu.memory_space<vmem>>
      %dma_start3A_95 = arith.constant 0 : i32
      %dma_start3A_96 = tpu.memref_slice %arg4[%dma_start3A_95, %mul3A_82] : memref<1x131072xi32, #tpu.memory_space<hbm>> -> memref<1x128xi32, #tpu.memory_space<hbm>>
      tpu.enqueue_dma source(%dma_start3A_96 : memref<1x128xi32, #tpu.memory_space<hbm>>) target(%dma_start3A_94 : memref<1x128xi32, #tpu.memory_space<vmem>>) target_semaphore(%dma_start3A_90 : memref<!tpu.dma_semaphore, #tpu.memory_space<semaphore_mem>>)
      %add3A_97 = arith.constant 0 : i32
      %add3A_98 = arith.constant 1 : i32
      %add3A_99 = arith.addi %add3A_97, %add3A_98 : i32
      %select_n3A_100 = arith.constant true
      %select_n3A_101 = arith.constant 0 : i32
      %select_n3A_102 = arith.select %select_n3A_100, %add3A_99, %select_n3A_101 : i32
      "tpu.trace_stop"() : () -> ()
      %scan3A = arith.constant 0 : i32
      %scan3A_103 = arith.constant 0 : i32
      %scan3A_104 = arith.constant 0 : i32
      %scan3A_105 = arith.constant 0 : i32
      %scan3A_106 = arith.constant 32 : i32
      %scan3A_107 = arith.addi %scan3A_105, %scan3A_106 : i32
      %scan3A_108 = arith.constant 1 : i32
      %scan3A_109:5 = scf.for %scan3A_146 = %scan3A_105 to %scan3A_107 step %scan3A_108 iter_args(%scan3A_147 = %select_n3A_77, %scan3A_148 = %scan3A, %scan3A_149 = %select_n3A_102, %scan3A_150 = %scan3A_103, %scan3A_151 = %scan3A_104) -> (i32, i32, i32, i32, i32)  : i32 {
        %eq3A_152 = arith.constant 0 : i32
        %eq3A_153 = arith.cmpi eq, %scan3A_146, %eq3A_152 : i32
        %eq3A_154 = arith.constant 31 : i32
        %eq3A_155 = arith.cmpi eq, %scan3A_146, %eq3A_154 : i32
        %add3A_156 = arith.addi %scan3A_151, %mul3A_8 : i32
        %sub3A_157 = arith.constant 1 : i32
        %sub3A_158 = arith.subi %scan3A_151, %sub3A_157 : i32
        %select_n3A_159 = arith.constant true
        %select_n3A_160 = arith.select %select_n3A_159, %sub3A_158, %scan3A_151 : i32
        %eq3A_161 = arith.constant -1 : i32
        %eq3A_162 = arith.cmpi eq, %select_n3A_160, %eq3A_161 : i32
        %select_n3A_163 = arith.constant 31 : i32
        %select_n3A_164 = arith.select %eq3A_162, %select_n3A_163, %select_n3A_160 : i32
        %add3A_165 = arith.addi %select_n3A_164, %mul3A_8 : i32
        %add3A_166 = arith.constant 1 : i32
        %add3A_167 = arith.addi %scan3A_151, %add3A_166 : i32
        %select_n3A_168 = arith.constant true
        %select_n3A_169 = arith.select %select_n3A_168, %add3A_167, %scan3A_151 : i32
        %eq3A_170 = arith.constant 32 : i32
        %eq3A_171 = arith.cmpi eq, %select_n3A_169, %eq3A_170 : i32
        %select_n3A_172 = arith.constant 0 : i32
        %select_n3A_173 = arith.select %eq3A_171, %select_n3A_172, %select_n3A_169 : i32
        %add3A_174 = arith.addi %select_n3A_173, %mul3A_8 : i32
        %add3A_175 = arith.constant 1 : i32
        %add3A_176 = arith.addi %select_n3A_173, %add3A_175 : i32
        %select_n3A_177 = arith.constant true
        %select_n3A_178 = arith.select %select_n3A_177, %add3A_176, %select_n3A_173 : i32
        %eq3A_179 = arith.constant 32 : i32
        %eq3A_180 = arith.cmpi eq, %select_n3A_178, %eq3A_179 : i32
        %select_n3A_181 = arith.constant 0 : i32
        %select_n3A_182 = arith.select %eq3A_180, %select_n3A_181, %select_n3A_178 : i32
        %add3A_183 = arith.addi %select_n3A_182, %mul3A_8 : i32
        %ne3A = arith.cmpi ne, %add3A_156, %add3A_174 : i32
        %or3A = arith.constant false
        %or3A_184 = arith.ori %or3A, %ne3A : i1
        %or3A_185 = arith.constant false
        %or3A_186 = arith.ori %or3A_184, %or3A_185 : i1
        %ge3A = arith.constant 31 : i32
        %ge3A_187 = arith.cmpi sge, %scan3A_146, %ge3A : i32
        %not3A = arith.constant true
        %not3A_188 = arith.xori %ge3A_187, %not3A : i1
        %and3A = arith.andi %or3A_186, %not3A_188 : i1
        %convert_element_type3A_189 = arith.extui %and3A : i1 to i32
        %cond3A_190 = arith.constant 0 : i32
        %cond3A_191 = arith.cmpi ne, %convert_element_type3A_189, %cond3A_190 : i32
        scf.if %cond3A_191 {
          "tpu.trace_start"() <{level = 10 : i32, message = "ep_copy_in"}> : () -> ()
          %rem3A_302 = arith.constant 2 : i32
          %rem3A_303 = arith.remui %scan3A_147, %rem3A_302 : i32
          %mul3A_304 = arith.constant 128 : i32
          %mul3A_305 = arith.muli %mul3A_304, %add3A_174 : i32
          %dma_start3A_306 = arith.constant 0 : i32
          %dma_start3A_307 = arith.constant 0 : i32
          %dma_start3A_308 = tpu.memref_slice %run_scoped3A[%rem3A_303, %dma_start3A_306, %dma_start3A_307] : memref<2x128x128xf32, #tpu.memory_space<vmem>> -> memref<1x128x128xf32, #tpu.memory_space<vmem>>
          %dma_start3A_309 = tpu.memref_squeeze %dma_start3A_308 : memref<1x128x128xf32, #tpu.memory_space<vmem>> -> memref<128x128xf32, #tpu.memory_space<vmem>>
          %dma_start3A_310 = arith.constant 0 : i32
          %dma_start3A_311 = tpu.memref_slice %arg2[%mul3A_305, %dma_start3A_310] : memref<131072x128xf32, #tpu.memory_space<hbm>> -> memref<128x128xf32, #tpu.memory_space<hbm>>
          %dma_start3A_312 = tpu.memref_slice %run_scoped3A_24[%rem3A_303] : memref<2x!tpu.dma_semaphore, #tpu.memory_space<semaphore_mem>> -> memref<1x!tpu.dma_semaphore, #tpu.memory_space<semaphore_mem>>
          %dma_start3A_313 = tpu.memref_squeeze %dma_start3A_312 : memref<1x!tpu.dma_semaphore, #tpu.memory_space<semaphore_mem>> -> memref<!tpu.dma_semaphore, #tpu.memory_space<semaphore_mem>>
          %dma_start3A_314 = arith.constant 0 : i32
          %dma_start3A_315 = arith.constant 0 : i32
          %dma_start3A_316 = tpu.memref_slice %run_scoped3A[%rem3A_303, %dma_start3A_314, %dma_start3A_315] : memref<2x128x128xf32, #tpu.memory_space<vmem>> -> memref<1x128x128xf32, #tpu.memory_space<vmem>>
          %dma_start3A_317 = tpu.memref_squeeze %dma_start3A_316 : memref<1x128x128xf32, #tpu.memory_space<vmem>> -> memref<128x128xf32, #tpu.memory_space<vmem>>
          %dma_start3A_318 = arith.constant 0 : i32
          %dma_start3A_319 = tpu.memref_slice %arg2[%mul3A_305, %dma_start3A_318] : memref<131072x128xf32, #tpu.memory_space<hbm>> -> memref<128x128xf32, #tpu.memory_space<hbm>>
          tpu.enqueue_dma source(%dma_start3A_319 : memref<128x128xf32, #tpu.memory_space<hbm>>) target(%dma_start3A_317 : memref<128x128xf32, #tpu.memory_space<vmem>>) target_semaphore(%dma_start3A_313 : memref<!tpu.dma_semaphore, #tpu.memory_space<semaphore_mem>>)
          "tpu.trace_stop"() : () -> ()
        } else {
        }
        %and3A_192 = arith.constant true
        %and3A_193 = arith.andi %and3A, %and3A_192 : i1
        %add3A_194 = arith.constant 1 : i32
        %add3A_195 = arith.addi %scan3A_147, %add3A_194 : i32
        %select_n3A_196 = arith.select %and3A_193, %add3A_195, %scan3A_147 : i32
        %ne3A_197 = arith.cmpi ne, %add3A_156, %add3A_174 : i32
        %or3A_198 = arith.constant false
        %or3A_199 = arith.ori %or3A_198, %ne3A_197 : i1
        %ge3A_200 = arith.constant 31 : i32
        %ge3A_201 = arith.cmpi sge, %scan3A_146, %ge3A_200 : i32
        %not3A_202 = arith.constant true
        %not3A_203 = arith.xori %ge3A_201, %not3A_202 : i1
        %and3A_204 = arith.andi %or3A_199, %not3A_203 : i1
        %convert_element_type3A_205 = arith.extui %and3A_204 : i1 to i32
        %cond3A_206 = arith.constant 0 : i32
        %cond3A_207 = arith.cmpi ne, %convert_element_type3A_205, %cond3A_206 : i32
        scf.if %cond3A_207 {
          "tpu.trace_start"() <{level = 10 : i32, message = "ep_copy_in"}> : () -> ()
          %rem3A_302 = arith.constant 2 : i32
          %rem3A_303 = arith.remui %scan3A_149, %rem3A_302 : i32
          %mul3A_304 = arith.constant 128 : i32
          %mul3A_305 = arith.muli %mul3A_304, %add3A_174 : i32
          %dma_start3A_306 = arith.constant 0 : i32
          %dma_start3A_307 = arith.constant 0 : i32
          %dma_start3A_308 = tpu.memref_slice %run_scoped3A_25[%rem3A_303, %dma_start3A_306, %dma_start3A_307] : memref<2x1x128xi32, #tpu.memory_space<vmem>> -> memref<1x1x128xi32, #tpu.memory_space<vmem>>
          %dma_start3A_309 = tpu.memref_squeeze %dma_start3A_308 : memref<1x1x128xi32, #tpu.memory_space<vmem>> -> memref<1x128xi32, #tpu.memory_space<vmem>>
          %dma_start3A_310 = arith.constant 0 : i32
          %dma_start3A_311 = tpu.memref_slice %arg4[%dma_start3A_310, %mul3A_305] : memref<1x131072xi32, #tpu.memory_space<hbm>> -> memref<1x128xi32, #tpu.memory_space<hbm>>
          %dma_start3A_312 = tpu.memref_slice %run_scoped3A_26[%rem3A_303] : memref<2x!tpu.dma_semaphore, #tpu.memory_space<semaphore_mem>> -> memref<1x!tpu.dma_semaphore, #tpu.memory_space<semaphore_mem>>
          %dma_start3A_313 = tpu.memref_squeeze %dma_start3A_312 : memref<1x!tpu.dma_semaphore, #tpu.memory_space<semaphore_mem>> -> memref<!tpu.dma_semaphore, #tpu.memory_space<semaphore_mem>>
          %dma_start3A_314 = arith.constant 0 : i32
          %dma_start3A_315 = arith.constant 0 : i32
          %dma_start3A_316 = tpu.memref_slice %run_scoped3A_25[%rem3A_303, %dma_start3A_314, %dma_start3A_315] : memref<2x1x128xi32, #tpu.memory_space<vmem>> -> memref<1x1x128xi32, #tpu.memory_space<vmem>>
          %dma_start3A_317 = tpu.memref_squeeze %dma_start3A_316 : memref<1x1x128xi32, #tpu.memory_space<vmem>> -> memref<1x128xi32, #tpu.memory_space<vmem>>
          %dma_start3A_318 = arith.constant 0 : i32
          %dma_start3A_319 = tpu.memref_slice %arg4[%dma_start3A_318, %mul3A_305] : memref<1x131072xi32, #tpu.memory_space<hbm>> -> memref<1x128xi32, #tpu.memory_space<hbm>>
          tpu.enqueue_dma source(%dma_start3A_319 : memref<1x128xi32, #tpu.memory_space<hbm>>) target(%dma_start3A_317 : memref<1x128xi32, #tpu.memory_space<vmem>>) target_semaphore(%dma_start3A_313 : memref<!tpu.dma_semaphore, #tpu.memory_space<semaphore_mem>>)
          "tpu.trace_stop"() : () -> ()
        } else {
        }
        %and3A_208 = arith.constant true
        %and3A_209 = arith.andi %and3A_204, %and3A_208 : i1
        %add3A_210 = arith.constant 1 : i32
        %add3A_211 = arith.addi %scan3A_149, %add3A_210 : i32
        %select_n3A_212 = arith.select %and3A_209, %add3A_211, %scan3A_149 : i32
        %ne3A_213 = arith.cmpi ne, %add3A_156, %add3A_165 : i32
        %or3A_214 = arith.constant false
        %or3A_215 = arith.ori %or3A_214, %ne3A_213 : i1
        %or3A_216 = arith.constant false
        %or3A_217 = arith.ori %or3A_215, %or3A_216 : i1
        %or3A_218 = arith.ori %or3A_217, %eq3A_153 : i1
        %convert_element_type3A_219 = arith.extui %or3A_218 : i1 to i32
        %cond3A_220 = arith.constant 0 : i32
        %cond3A_221 = arith.cmpi ne, %convert_element_type3A_219, %cond3A_220 : i32
        scf.if %cond3A_221 {
          "tpu.trace_start"() <{level = 10 : i32, message = "ep_wait_in"}> : () -> ()
          %mul3A_302 = arith.constant 128 : i32
          %mul3A_303 = arith.muli %mul3A_302, %add3A_156 : i32
          %rem3A_304 = arith.constant 2 : i32
          %rem3A_305 = arith.remui %scan3A_148, %rem3A_304 : i32
          %dma_wait3A = arith.constant 0 : i32
          %dma_wait3A_306 = arith.constant 0 : i32
          %dma_wait3A_307 = tpu.memref_slice %run_scoped3A[%rem3A_305, %dma_wait3A, %dma_wait3A_306] : memref<2x128x128xf32, #tpu.memory_space<vmem>> -> memref<1x128x128xf32, #tpu.memory_space<vmem>>
          %dma_wait3A_308 = tpu.memref_squeeze %dma_wait3A_307 : memref<1x128x128xf32, #tpu.memory_space<vmem>> -> memref<128x128xf32, #tpu.memory_space<vmem>>
          %dma_wait3A_309 = arith.constant 0 : i32
          %dma_wait3A_310 = tpu.memref_slice %arg2[%mul3A_303, %dma_wait3A_309] : memref<131072x128xf32, #tpu.memory_space<hbm>> -> memref<128x128xf32, #tpu.memory_space<hbm>>
          %dma_wait3A_311 = tpu.memref_slice %run_scoped3A_24[%rem3A_305] : memref<2x!tpu.dma_semaphore, #tpu.memory_space<semaphore_mem>> -> memref<1x!tpu.dma_semaphore, #tpu.memory_space<semaphore_mem>>
          %dma_wait3A_312 = tpu.memref_squeeze %dma_wait3A_311 : memref<1x!tpu.dma_semaphore, #tpu.memory_space<semaphore_mem>> -> memref<!tpu.dma_semaphore, #tpu.memory_space<semaphore_mem>>
          %dma_wait3A_313 = arith.constant 0 : i32
          %dma_wait3A_314 = arith.constant 0 : i32
          %dma_wait3A_315 = tpu.memref_slice %run_scoped3A[%rem3A_305, %dma_wait3A_313, %dma_wait3A_314] : memref<2x128x128xf32, #tpu.memory_space<vmem>> -> memref<1x128x128xf32, #tpu.memory_space<vmem>>
          %dma_wait3A_316 = tpu.memref_squeeze %dma_wait3A_315 : memref<1x128x128xf32, #tpu.memory_space<vmem>> -> memref<128x128xf32, #tpu.memory_space<vmem>>
          %dma_wait3A_317 = arith.constant 0 : i32
          %dma_wait3A_318 = tpu.memref_slice %arg2[%mul3A_303, %dma_wait3A_317] : memref<131072x128xf32, #tpu.memory_space<hbm>> -> memref<128x128xf32, #tpu.memory_space<hbm>>
          tpu.wait_dma2 semaphore(%dma_wait3A_312 : memref<!tpu.dma_semaphore, #tpu.memory_space<semaphore_mem>>) src(%dma_wait3A_318 : memref<128x128xf32, #tpu.memory_space<hbm>>) dst(%dma_wait3A_316 : memref<128x128xf32, #tpu.memory_space<vmem>>)
          "tpu.trace_stop"() : () -> ()
        } else {
        }
        %ne3A_222 = arith.cmpi ne, %add3A_156, %add3A_165 : i32
        %or3A_223 = arith.constant false
        %or3A_224 = arith.ori %or3A_223, %ne3A_222 : i1
        %or3A_225 = arith.ori %or3A_224, %eq3A_153 : i1
        %convert_element_type3A_226 = arith.extui %or3A_225 : i1 to i32
        %cond3A_227 = arith.constant 0 : i32
        %cond3A_228 = arith.cmpi ne, %convert_element_type3A_226, %cond3A_227 : i32
        scf.if %cond3A_228 {
          "tpu.trace_start"() <{level = 10 : i32, message = "ep_wait_in"}> : () -> ()
          %mul3A_302 = arith.constant 128 : i32
          %mul3A_303 = arith.muli %mul3A_302, %add3A_156 : i32
          %rem3A_304 = arith.constant 2 : i32
          %rem3A_305 = arith.remui %scan3A_150, %rem3A_304 : i32
          %dma_wait3A = arith.constant 0 : i32
          %dma_wait3A_306 = arith.constant 0 : i32
          %dma_wait3A_307 = tpu.memref_slice %run_scoped3A_25[%rem3A_305, %dma_wait3A, %dma_wait3A_306] : memref<2x1x128xi32, #tpu.memory_space<vmem>> -> memref<1x1x128xi32, #tpu.memory_space<vmem>>
          %dma_wait3A_308 = tpu.memref_squeeze %dma_wait3A_307 : memref<1x1x128xi32, #tpu.memory_space<vmem>> -> memref<1x128xi32, #tpu.memory_space<vmem>>
          %dma_wait3A_309 = arith.constant 0 : i32
          %dma_wait3A_310 = tpu.memref_slice %arg4[%dma_wait3A_309, %mul3A_303] : memref<1x131072xi32, #tpu.memory_space<hbm>> -> memref<1x128xi32, #tpu.memory_space<hbm>>
          %dma_wait3A_311 = tpu.memref_slice %run_scoped3A_26[%rem3A_305] : memref<2x!tpu.dma_semaphore, #tpu.memory_space<semaphore_mem>> -> memref<1x!tpu.dma_semaphore, #tpu.memory_space<semaphore_mem>>
          %dma_wait3A_312 = tpu.memref_squeeze %dma_wait3A_311 : memref<1x!tpu.dma_semaphore, #tpu.memory_space<semaphore_mem>> -> memref<!tpu.dma_semaphore, #tpu.memory_space<semaphore_mem>>
          %dma_wait3A_313 = arith.constant 0 : i32
          %dma_wait3A_314 = arith.constant 0 : i32
          %dma_wait3A_315 = tpu.memref_slice %run_scoped3A_25[%rem3A_305, %dma_wait3A_313, %dma_wait3A_314] : memref<2x1x128xi32, #tpu.memory_space<vmem>> -> memref<1x1x128xi32, #tpu.memory_space<vmem>>
          %dma_wait3A_316 = tpu.memref_squeeze %dma_wait3A_315 : memref<1x1x128xi32, #tpu.memory_space<vmem>> -> memref<1x128xi32, #tpu.memory_space<vmem>>
          %dma_wait3A_317 = arith.constant 0 : i32
          %dma_wait3A_318 = tpu.memref_slice %arg4[%dma_wait3A_317, %mul3A_303] : memref<1x131072xi32, #tpu.memory_space<hbm>> -> memref<1x128xi32, #tpu.memory_space<hbm>>
          tpu.wait_dma2 semaphore(%dma_wait3A_312 : memref<!tpu.dma_semaphore, #tpu.memory_space<semaphore_mem>>) src(%dma_wait3A_318 : memref<1x128xi32, #tpu.memory_space<hbm>>) dst(%dma_wait3A_316 : memref<1x128xi32, #tpu.memory_space<vmem>>)
          "tpu.trace_stop"() : () -> ()
        } else {
        }
        %rem3A_229 = arith.constant 2 : i32
        %rem3A_230 = arith.remui %scan3A_148, %rem3A_229 : i32
        %rem3A_231 = arith.constant 2 : i32
        %rem3A_232 = arith.remui %scan3A_150, %rem3A_231 : i32
        %run_scoped3A_233 = arith.constant 0 : i32
        "tpu.trace_start"() <{level = 10 : i32, message = "ep_run_kernel"}> : () -> ()
        "tpu.region"() ({
          %run_scoped3A_302 = tpu.sem_alloc : memref<!tpu.dma_semaphore, #tpu.memory_space<semaphore_mem>>
          %dma_start3A_303 = arith.constant 0 : i32
          %dma_start3A_304 = arith.constant 0 : i32
          %dma_start3A_305 = tpu.memref_slice %run_scoped3A[%rem3A_230, %dma_start3A_303, %dma_start3A_304] : memref<2x128x128xf32, #tpu.memory_space<vmem>> -> memref<1x128x128xf32, #tpu.memory_space<vmem>>
          %dma_start3A_306 = tpu.memref_squeeze %dma_start3A_305 : memref<1x128x128xf32, #tpu.memory_space<vmem>> -> memref<128x128xf32, #tpu.memory_space<vmem>>
          %dma_start3A_307 = arith.constant 0 : i32
          %dma_start3A_308 = arith.constant 0 : i32
          %dma_start3A_309 = tpu.memref_slice %run_scoped3A_25[%rem3A_232, %dma_start3A_307, %dma_start3A_308] : memref<2x1x128xi32, #tpu.memory_space<vmem>> -> memref<1x1x128xi32, #tpu.memory_space<vmem>>
          %dma_start3A_310 = tpu.memref_squeeze %dma_start3A_309 : memref<1x1x128xi32, #tpu.memory_space<vmem>> -> memref<1x128xi32, #tpu.memory_space<vmem>>
          %dma_start3A_311 = arith.constant 0 : i32
          %dma_start3A_312 = tpu.memref_slice %dma_start3A_310[%run_scoped3A_233, %dma_start3A_311] : memref<1x128xi32, #tpu.memory_space<vmem>> -> memref<1x128xi32, #tpu.memory_space<vmem>>
          %dma_start3A_313 = tpu.memref_squeeze %dma_start3A_312 : memref<1x128xi32, #tpu.memory_space<vmem>> -> memref<128xi32, #tpu.memory_space<vmem>>
          %dma_start3A_314 = arith.constant 0 : i32
          %dma_start3A_315 = arith.constant 0 : i32
          %dma_start3A_316 = tpu.memref_slice %arg8[%dma_start3A_314, %dma_start3A_315] : memref<10240x128xf32, #tpu.memory_space<vmem_shared>> -> memref<10240x128xf32, #tpu.memory_space<vmem_shared>>
          tpu.enqueue_indirect_dma source(%dma_start3A_306 : memref<128x128xf32, #tpu.memory_space<vmem>>) target(%dma_start3A_316 : memref<10240x128xf32, #tpu.memory_space<vmem_shared>>) offsets(%dma_start3A_313 : memref<128xi32, #tpu.memory_space<vmem>>) semaphore(%run_scoped3A_302 : memref<!tpu.dma_semaphore, #tpu.memory_space<semaphore_mem>>) {add = true}
          %dma_wait3A = arith.constant 0 : i32
          %dma_wait3A_317 = arith.constant 0 : i32
          %dma_wait3A_318 = tpu.memref_slice %run_scoped3A[%rem3A_230, %dma_wait3A, %dma_wait3A_317] : memref<2x128x128xf32, #tpu.memory_space<vmem>> -> memref<1x128x128xf32, #tpu.memory_space<vmem>>
          %dma_wait3A_319 = tpu.memref_squeeze %dma_wait3A_318 : memref<1x128x128xf32, #tpu.memory_space<vmem>> -> memref<128x128xf32, #tpu.memory_space<vmem>>
          %dma_wait3A_320 = arith.constant 0 : i32
          %dma_wait3A_321 = arith.constant 0 : i32
          %dma_wait3A_322 = tpu.memref_slice %run_scoped3A_25[%rem3A_232, %dma_wait3A_320, %dma_wait3A_321] : memref<2x1x128xi32, #tpu.memory_space<vmem>> -> memref<1x1x128xi32, #tpu.memory_space<vmem>>
          %dma_wait3A_323 = tpu.memref_squeeze %dma_wait3A_322 : memref<1x1x128xi32, #tpu.memory_space<vmem>> -> memref<1x128xi32, #tpu.memory_space<vmem>>
          %dma_wait3A_324 = arith.constant 0 : i32
          %dma_wait3A_325 = tpu.memref_slice %dma_wait3A_323[%run_scoped3A_233, %dma_wait3A_324] : memref<1x128xi32, #tpu.memory_space<vmem>> -> memref<1x128xi32, #tpu.memory_space<vmem>>
          %dma_wait3A_326 = tpu.memref_squeeze %dma_wait3A_325 : memref<1x128xi32, #tpu.memory_space<vmem>> -> memref<128xi32, #tpu.memory_space<vmem>>
          %dma_wait3A_327 = arith.constant 0 : i32
          %dma_wait3A_328 = arith.constant 0 : i32
          %dma_wait3A_329 = tpu.memref_slice %arg8[%dma_wait3A_327, %dma_wait3A_328] : memref<10240x128xf32, #tpu.memory_space<vmem_shared>> -> memref<10240x128xf32, #tpu.memory_space<vmem_shared>>
          tpu.wait_indirect_dma semaphore(%run_scoped3A_302 : memref<!tpu.dma_semaphore, #tpu.memory_space<semaphore_mem>>) src(%dma_wait3A_319 : memref<128x128xf32, #tpu.memory_space<vmem>>) dst(%dma_wait3A_329 : memref<10240x128xf32, #tpu.memory_space<vmem_shared>>)
          tpu.yield
        }) : () -> ()
        "tpu.trace_stop"() : () -> ()
        %ne3A_234 = arith.cmpi ne, %add3A_156, %add3A_174 : i32
        %or3A_235 = arith.constant false
        %or3A_236 = arith.ori %or3A_235, %ne3A_234 : i1
        %or3A_237 = arith.constant false
        %or3A_238 = arith.ori %or3A_236, %or3A_237 : i1
        %or3A_239 = arith.ori %or3A_238, %eq3A_155 : i1
        %convert_element_type3A_240 = arith.extui %or3A_239 : i1 to i32
        %cond3A_241 = arith.constant 0 : i32
        %cond3A_242 = arith.cmpi ne, %convert_element_type3A_240, %cond3A_241 : i32
        scf.if %cond3A_242 {
        } else {
        }
        %and3A_243 = arith.constant false
        %and3A_244 = arith.andi %or3A_239, %and3A_243 : i1
        %ne3A_245 = arith.cmpi ne, %add3A_156, %add3A_174 : i32
        %or3A_246 = arith.constant false
        %or3A_247 = arith.ori %or3A_246, %ne3A_245 : i1
        %or3A_248 = arith.ori %or3A_247, %eq3A_155 : i1
        %convert_element_type3A_249 = arith.extui %or3A_248 : i1 to i32
        %cond3A_250 = arith.constant 0 : i32
        %cond3A_251 = arith.cmpi ne, %convert_element_type3A_249, %cond3A_250 : i32
        scf.if %cond3A_251 {
        } else {
        }
        %and3A_252 = arith.constant false
        %and3A_253 = arith.andi %or3A_248, %and3A_252 : i1
        %ne3A_254 = arith.cmpi ne, %add3A_156, %add3A_165 : i32
        %or3A_255 = arith.constant false
        %or3A_256 = arith.ori %or3A_255, %ne3A_254 : i1
        %or3A_257 = arith.constant false
        %or3A_258 = arith.ori %or3A_256, %or3A_257 : i1
        %not3A_259 = arith.constant true
        %not3A_260 = arith.xori %eq3A_153, %not3A_259 : i1
        %and3A_261 = arith.andi %or3A_258, %not3A_260 : i1
        %convert_element_type3A_262 = arith.extui %and3A_261 : i1 to i32
        %cond3A_263 = arith.constant 0 : i32
        %cond3A_264 = arith.cmpi ne, %convert_element_type3A_262, %cond3A_263 : i32
        scf.if %cond3A_264 {
        } else {
        }
        %and3A_265 = arith.constant false
        %and3A_266 = arith.andi %and3A_261, %and3A_265 : i1
        %ne3A_267 = arith.cmpi ne, %add3A_156, %add3A_165 : i32
        %or3A_268 = arith.constant false
        %or3A_269 = arith.ori %or3A_268, %ne3A_267 : i1
        %not3A_270 = arith.constant true
        %not3A_271 = arith.xori %eq3A_153, %not3A_270 : i1
        %and3A_272 = arith.andi %or3A_269, %not3A_271 : i1
        %convert_element_type3A_273 = arith.extui %and3A_272 : i1 to i32
        %cond3A_274 = arith.constant 0 : i32
        %cond3A_275 = arith.cmpi ne, %convert_element_type3A_273, %cond3A_274 : i32
        scf.if %cond3A_275 {
        } else {
        }
        %and3A_276 = arith.constant false
        %and3A_277 = arith.andi %and3A_272, %and3A_276 : i1
        %ne3A_278 = arith.cmpi ne, %add3A_156, %add3A_174 : i32
        %or3A_279 = arith.constant false
        %or3A_280 = arith.ori %or3A_279, %ne3A_278 : i1
        %or3A_281 = arith.constant false
        %or3A_282 = arith.ori %or3A_280, %or3A_281 : i1
        %or3A_283 = arith.ori %or3A_282, %eq3A_155 : i1
        %add3A_284 = arith.constant 1 : i32
        %add3A_285 = arith.addi %scan3A_148, %add3A_284 : i32
        %select_n3A_286 = arith.select %or3A_283, %add3A_285, %scan3A_148 : i32
        %ne3A_287 = arith.cmpi ne, %add3A_156, %add3A_174 : i32
        %or3A_288 = arith.constant false
        %or3A_289 = arith.ori %or3A_288, %ne3A_287 : i1
        %or3A_290 = arith.ori %or3A_289, %eq3A_155 : i1
        %add3A_291 = arith.constant 1 : i32
        %add3A_292 = arith.addi %scan3A_150, %add3A_291 : i32
        %select_n3A_293 = arith.select %or3A_290, %add3A_292, %scan3A_150 : i32
        %add3A_294 = arith.constant 1 : i32
        %add3A_295 = arith.addi %scan3A_151, %add3A_294 : i32
        %select_n3A_296 = arith.constant true
        %select_n3A_297 = arith.select %select_n3A_296, %add3A_295, %scan3A_151 : i32
        %eq3A_298 = arith.constant 32 : i32
        %eq3A_299 = arith.cmpi eq, %select_n3A_297, %eq3A_298 : i32
        %select_n3A_300 = arith.constant 0 : i32
        %select_n3A_301 = arith.select %eq3A_299, %select_n3A_300, %select_n3A_297 : i32
        scf.yield %select_n3A_196, %select_n3A_286, %select_n3A_212, %select_n3A_293, %select_n3A_301 : i32, i32, i32, i32, i32
      }
      %scan3A_110 = arith.constant 32 : i32
      %sub3A = arith.constant 1 : i32
      %sub3A_111 = arith.subi %scan3A_109#4, %sub3A : i32
      %select_n3A_112 = arith.constant true
      %select_n3A_113 = arith.select %select_n3A_112, %sub3A_111, %scan3A_109#4 : i32
      %eq3A_114 = arith.constant -1 : i32
      %eq3A_115 = arith.cmpi eq, %select_n3A_113, %eq3A_114 : i32
      %select_n3A_116 = arith.constant 31 : i32
      %select_n3A_117 = arith.select %eq3A_115, %select_n3A_116, %select_n3A_113 : i32
      %add3A_118 = arith.addi %select_n3A_117, %mul3A_8 : i32
      %sub3A_119 = arith.constant 1 : i32
      %sub3A_120 = arith.subi %select_n3A_117, %sub3A_119 : i32
      %select_n3A_121 = arith.constant true
      %select_n3A_122 = arith.select %select_n3A_121, %sub3A_120, %select_n3A_117 : i32
      %eq3A_123 = arith.constant -1 : i32
      %eq3A_124 = arith.cmpi eq, %select_n3A_122, %eq3A_123 : i32
      %select_n3A_125 = arith.constant 31 : i32
      %select_n3A_126 = arith.select %eq3A_124, %select_n3A_125, %select_n3A_122 : i32
      %add3A_127 = arith.addi %select_n3A_126, %mul3A_8 : i32
      %add3A_128 = arith.constant 1 : i32
      %add3A_129 = arith.addi %select_n3A_117, %add3A_128 : i32
      %select_n3A_130 = arith.constant true
      %select_n3A_131 = arith.select %select_n3A_130, %add3A_129, %select_n3A_117 : i32
      %eq3A_132 = arith.constant 32 : i32
      %eq3A_133 = arith.cmpi eq, %select_n3A_131, %eq3A_132 : i32
      %select_n3A_134 = arith.constant 0 : i32
      %select_n3A_135 = arith.select %eq3A_133, %select_n3A_134, %select_n3A_131 : i32
      %add3A_136 = arith.addi %select_n3A_135, %mul3A_8 : i32
      %add3A_137 = arith.constant 1 : i32
      %add3A_138 = arith.addi %select_n3A_135, %add3A_137 : i32
      %select_n3A_139 = arith.constant true
      %select_n3A_140 = arith.select %select_n3A_139, %add3A_138, %select_n3A_135 : i32
      %eq3A_141 = arith.constant 32 : i32
      %eq3A_142 = arith.cmpi eq, %select_n3A_140, %eq3A_141 : i32
      %select_n3A_143 = arith.constant 0 : i32
      %select_n3A_144 = arith.select %eq3A_142, %select_n3A_143, %select_n3A_140 : i32
      %add3A_145 = arith.addi %select_n3A_144, %mul3A_8 : i32
      tpu.yield
    }) : () -> ()
    %mul3A_9 = arith.constant 1 : i32
    %mul3A_10 = arith.muli %arg1, %mul3A_9 : i32
    %add3A_11 = arith.constant 0 : i32
    %add3A_12 = arith.addi %add3A_11, %mul3A_10 : i32
    %mul3A_13 = arith.constant 16 : i32
    %mul3A_14 = arith.muli %arg0, %mul3A_13 : i32
    %add3A_15 = arith.addi %add3A_12, %mul3A_14 : i32
    %mul3A_16 = arith.constant 32 : i32
    %mul3A_17 = arith.muli %add3A_15, %mul3A_16 : i32
    "tpu.region"() ({
      %run_scoped3A = memref.alloca() : memref<2x128x128xf32, #tpu.memory_space<vmem>>
      %run_scoped3A_24 = tpu.sem_alloc : memref<2x!tpu.dma_semaphore, #tpu.memory_space<semaphore_mem>>
      %run_scoped3A_25 = memref.alloca() : memref<2x1x128xi32, #tpu.memory_space<vmem>>
      %run_scoped3A_26 = tpu.sem_alloc : memref<2x!tpu.dma_semaphore, #tpu.memory_space<semaphore_mem>>
      %add3A_27 = arith.constant 0 : i32
      %add3A_28 = arith.addi %add3A_27, %mul3A_17 : i32
      %select_n3A = arith.constant true
      %select_n3A_29 = arith.constant 0 : i32
      %select_n3A_30 = arith.constant -1 : i32
      %select_n3A_31 = arith.select %select_n3A, %select_n3A_30, %select_n3A_29 : i32
      %eq3A_32 = arith.constant -1 : i32
      %eq3A_33 = arith.cmpi eq, %select_n3A_31, %eq3A_32 : i32
      %select_n3A_34 = arith.constant 31 : i32
      %select_n3A_35 = arith.select %eq3A_33, %select_n3A_34, %select_n3A_31 : i32
      %add3A_36 = arith.addi %select_n3A_35, %mul3A_17 : i32
      %select_n3A_37 = arith.constant true
      %select_n3A_38 = arith.constant 0 : i32
      %select_n3A_39 = arith.constant 1 : i32
      %select_n3A_40 = arith.select %select_n3A_37, %select_n3A_39, %select_n3A_38 : i32
      %eq3A_41 = arith.constant 32 : i32
      %eq3A_42 = arith.cmpi eq, %select_n3A_40, %eq3A_41 : i32
      %select_n3A_43 = arith.constant 0 : i32
      %select_n3A_44 = arith.select %eq3A_42, %select_n3A_43, %select_n3A_40 : i32
      %add3A_45 = arith.addi %select_n3A_44, %mul3A_17 : i32
      %add3A_46 = arith.constant 1 : i32
      %add3A_47 = arith.addi %select_n3A_44, %add3A_46 : i32
      %select_n3A_48 = arith.constant true
      %select_n3A_49 = arith.select %select_n3A_48, %add3A_47, %select_n3A_44 : i32
      %eq3A_50 = arith.constant 32 : i32
      %eq3A_51 = arith.cmpi eq, %select_n3A_49, %eq3A_50 : i32
      %select_n3A_52 = arith.constant 0 : i32
      %select_n3A_53 = arith.select %eq3A_51, %select_n3A_52, %select_n3A_49 : i32
      %add3A_54 = arith.addi %select_n3A_53, %mul3A_17 : i32
      "tpu.trace_start"() <{level = 10 : i32, message = "ep_initialize_0"}> : () -> ()
      %rem3A = arith.constant 0 : i32
      %rem3A_55 = arith.constant 2 : i32
      %rem3A_56 = arith.remui %rem3A, %rem3A_55 : i32
      %mul3A_57 = arith.constant 128 : i32
      %mul3A_58 = arith.muli %mul3A_57, %add3A_28 : i32
      %dma_start3A = arith.constant 0 : i32
      %dma_start3A_59 = arith.constant 0 : i32
      %dma_start3A_60 = tpu.memref_slice %run_scoped3A[%rem3A_56, %dma_start3A, %dma_start3A_59] : memref<2x128x128xf32, #tpu.memory_space<vmem>> -> memref<1x128x128xf32, #tpu.memory_space<vmem>>
      %dma_start3A_61 = tpu.memref_squeeze %dma_start3A_60 : memref<1x128x128xf32, #tpu.memory_space<vmem>> -> memref<128x128xf32, #tpu.memory_space<vmem>>
      %dma_start3A_62 = arith.constant 0 : i32
      %dma_start3A_63 = tpu.memref_slice %arg3[%mul3A_58, %dma_start3A_62] : memref<131072x128xf32, #tpu.memory_space<hbm>> -> memref<128x128xf32, #tpu.memory_space<hbm>>
      %dma_start3A_64 = tpu.memref_slice %run_scoped3A_24[%rem3A_56] : memref<2x!tpu.dma_semaphore, #tpu.memory_space<semaphore_mem>> -> memref<1x!tpu.dma_semaphore, #tpu.memory_space<semaphore_mem>>
      %dma_start3A_65 = tpu.memref_squeeze %dma_start3A_64 : memref<1x!tpu.dma_semaphore, #tpu.memory_space<semaphore_mem>> -> memref<!tpu.dma_semaphore, #tpu.memory_space<semaphore_mem>>
      %dma_start3A_66 = arith.constant 0 : i32
      %dma_start3A_67 = arith.constant 0 : i32
      %dma_start3A_68 = tpu.memref_slice %run_scoped3A[%rem3A_56, %dma_start3A_66, %dma_start3A_67] : memref<2x128x128xf32, #tpu.memory_space<vmem>> -> memref<1x128x128xf32, #tpu.memory_space<vmem>>
      %dma_start3A_69 = tpu.memref_squeeze %dma_start3A_68 : memref<1x128x128xf32, #tpu.memory_space<vmem>> -> memref<128x128xf32, #tpu.memory_space<vmem>>
      %dma_start3A_70 = arith.constant 0 : i32
      %dma_start3A_71 = tpu.memref_slice %arg3[%mul3A_58, %dma_start3A_70] : memref<131072x128xf32, #tpu.memory_space<hbm>> -> memref<128x128xf32, #tpu.memory_space<hbm>>
      tpu.enqueue_dma source(%dma_start3A_71 : memref<128x128xf32, #tpu.memory_space<hbm>>) target(%dma_start3A_69 : memref<128x128xf32, #tpu.memory_space<vmem>>) target_semaphore(%dma_start3A_65 : memref<!tpu.dma_semaphore, #tpu.memory_space<semaphore_mem>>)
      %add3A_72 = arith.constant 0 : i32
      %add3A_73 = arith.constant 1 : i32
      %add3A_74 = arith.addi %add3A_72, %add3A_73 : i32
      %select_n3A_75 = arith.constant true
      %select_n3A_76 = arith.constant 0 : i32
      %select_n3A_77 = arith.select %select_n3A_75, %add3A_74, %select_n3A_76 : i32
      %rem3A_78 = arith.constant 0 : i32
      %rem3A_79 = arith.constant 2 : i32
      %rem3A_80 = arith.remui %rem3A_78, %rem3A_79 : i32
      %mul3A_81 = arith.constant 128 : i32
      %mul3A_82 = arith.muli %mul3A_81, %add3A_28 : i32
      %dma_start3A_83 = arith.constant 0 : i32
      %dma_start3A_84 = arith.constant 0 : i32
      %dma_start3A_85 = tpu.memref_slice %run_scoped3A_25[%rem3A_80, %dma_start3A_83, %dma_start3A_84] : memref<2x1x128xi32, #tpu.memory_space<vmem>> -> memref<1x1x128xi32, #tpu.memory_space<vmem>>
      %dma_start3A_86 = tpu.memref_squeeze %dma_start3A_85 : memref<1x1x128xi32, #tpu.memory_space<vmem>> -> memref<1x128xi32, #tpu.memory_space<vmem>>
      %dma_start3A_87 = arith.constant 0 : i32
      %dma_start3A_88 = tpu.memref_slice %arg5[%dma_start3A_87, %mul3A_82] : memref<1x131072xi32, #tpu.memory_space<hbm>> -> memref<1x128xi32, #tpu.memory_space<hbm>>
      %dma_start3A_89 = tpu.memref_slice %run_scoped3A_26[%rem3A_80] : memref<2x!tpu.dma_semaphore, #tpu.memory_space<semaphore_mem>> -> memref<1x!tpu.dma_semaphore, #tpu.memory_space<semaphore_mem>>
      %dma_start3A_90 = tpu.memref_squeeze %dma_start3A_89 : memref<1x!tpu.dma_semaphore, #tpu.memory_space<semaphore_mem>> -> memref<!tpu.dma_semaphore, #tpu.memory_space<semaphore_mem>>
      %dma_start3A_91 = arith.constant 0 : i32
      %dma_start3A_92 = arith.constant 0 : i32
      %dma_start3A_93 = tpu.memref_slice %run_scoped3A_25[%rem3A_80, %dma_start3A_91, %dma_start3A_92] : memref<2x1x128xi32, #tpu.memory_space<vmem>> -> memref<1x1x128xi32, #tpu.memory_space<vmem>>
      %dma_start3A_94 = tpu.memref_squeeze %dma_start3A_93 : memref<1x1x128xi32, #tpu.memory_space<vmem>> -> memref<1x128xi32, #tpu.memory_space<vmem>>
      %dma_start3A_95 = arith.constant 0 : i32
      %dma_start3A_96 = tpu.memref_slice %arg5[%dma_start3A_95, %mul3A_82] : memref<1x131072xi32, #tpu.memory_space<hbm>> -> memref<1x128xi32, #tpu.memory_space<hbm>>
      tpu.enqueue_dma source(%dma_start3A_96 : memref<1x128xi32, #tpu.memory_space<hbm>>) target(%dma_start3A_94 : memref<1x128xi32, #tpu.memory_space<vmem>>) target_semaphore(%dma_start3A_90 : memref<!tpu.dma_semaphore, #tpu.memory_space<semaphore_mem>>)
      %add3A_97 = arith.constant 0 : i32
      %add3A_98 = arith.constant 1 : i32
      %add3A_99 = arith.addi %add3A_97, %add3A_98 : i32
      %select_n3A_100 = arith.constant true
      %select_n3A_101 = arith.constant 0 : i32
      %select_n3A_102 = arith.select %select_n3A_100, %add3A_99, %select_n3A_101 : i32
      "tpu.trace_stop"() : () -> ()
      %scan3A = arith.constant 0 : i32
      %scan3A_103 = arith.constant 0 : i32
      %scan3A_104 = arith.constant 0 : i32
      %scan3A_105 = arith.constant 0 : i32
      %scan3A_106 = arith.constant 32 : i32
      %scan3A_107 = arith.addi %scan3A_105, %scan3A_106 : i32
      %scan3A_108 = arith.constant 1 : i32
      %scan3A_109:5 = scf.for %scan3A_146 = %scan3A_105 to %scan3A_107 step %scan3A_108 iter_args(%scan3A_147 = %select_n3A_77, %scan3A_148 = %scan3A, %scan3A_149 = %select_n3A_102, %scan3A_150 = %scan3A_103, %scan3A_151 = %scan3A_104) -> (i32, i32, i32, i32, i32)  : i32 {
        %eq3A_152 = arith.constant 0 : i32
        %eq3A_153 = arith.cmpi eq, %scan3A_146, %eq3A_152 : i32
        %eq3A_154 = arith.constant 31 : i32
        %eq3A_155 = arith.cmpi eq, %scan3A_146, %eq3A_154 : i32
        %add3A_156 = arith.addi %scan3A_151, %mul3A_17 : i32
        %sub3A_157 = arith.constant 1 : i32
        %sub3A_158 = arith.subi %scan3A_151, %sub3A_157 : i32
        %select_n3A_159 = arith.constant true
        %select_n3A_160 = arith.select %select_n3A_159, %sub3A_158, %scan3A_151 : i32
        %eq3A_161 = arith.constant -1 : i32
        %eq3A_162 = arith.cmpi eq, %select_n3A_160, %eq3A_161 : i32
        %select_n3A_163 = arith.constant 31 : i32
        %select_n3A_164 = arith.select %eq3A_162, %select_n3A_163, %select_n3A_160 : i32
        %add3A_165 = arith.addi %select_n3A_164, %mul3A_17 : i32
        %add3A_166 = arith.constant 1 : i32
        %add3A_167 = arith.addi %scan3A_151, %add3A_166 : i32
        %select_n3A_168 = arith.constant true
        %select_n3A_169 = arith.select %select_n3A_168, %add3A_167, %scan3A_151 : i32
        %eq3A_170 = arith.constant 32 : i32
        %eq3A_171 = arith.cmpi eq, %select_n3A_169, %eq3A_170 : i32
        %select_n3A_172 = arith.constant 0 : i32
        %select_n3A_173 = arith.select %eq3A_171, %select_n3A_172, %select_n3A_169 : i32
        %add3A_174 = arith.addi %select_n3A_173, %mul3A_17 : i32
        %add3A_175 = arith.constant 1 : i32
        %add3A_176 = arith.addi %select_n3A_173, %add3A_175 : i32
        %select_n3A_177 = arith.constant true
        %select_n3A_178 = arith.select %select_n3A_177, %add3A_176, %select_n3A_173 : i32
        %eq3A_179 = arith.constant 32 : i32
        %eq3A_180 = arith.cmpi eq, %select_n3A_178, %eq3A_179 : i32
        %select_n3A_181 = arith.constant 0 : i32
        %select_n3A_182 = arith.select %eq3A_180, %select_n3A_181, %select_n3A_178 : i32
        %add3A_183 = arith.addi %select_n3A_182, %mul3A_17 : i32
        %ne3A = arith.cmpi ne, %add3A_156, %add3A_174 : i32
        %or3A = arith.constant false
        %or3A_184 = arith.ori %or3A, %ne3A : i1
        %or3A_185 = arith.constant false
        %or3A_186 = arith.ori %or3A_184, %or3A_185 : i1
        %ge3A = arith.constant 31 : i32
        %ge3A_187 = arith.cmpi sge, %scan3A_146, %ge3A : i32
        %not3A = arith.constant true
        %not3A_188 = arith.xori %ge3A_187, %not3A : i1
        %and3A = arith.andi %or3A_186, %not3A_188 : i1
        %convert_element_type3A_189 = arith.extui %and3A : i1 to i32
        %cond3A_190 = arith.constant 0 : i32
        %cond3A_191 = arith.cmpi ne, %convert_element_type3A_189, %cond3A_190 : i32
        scf.if %cond3A_191 {
          "tpu.trace_start"() <{level = 10 : i32, message = "ep_copy_in"}> : () -> ()
          %rem3A_302 = arith.constant 2 : i32
          %rem3A_303 = arith.remui %scan3A_147, %rem3A_302 : i32
          %mul3A_304 = arith.constant 128 : i32
          %mul3A_305 = arith.muli %mul3A_304, %add3A_174 : i32
          %dma_start3A_306 = arith.constant 0 : i32
          %dma_start3A_307 = arith.constant 0 : i32
          %dma_start3A_308 = tpu.memref_slice %run_scoped3A[%rem3A_303, %dma_start3A_306, %dma_start3A_307] : memref<2x128x128xf32, #tpu.memory_space<vmem>> -> memref<1x128x128xf32, #tpu.memory_space<vmem>>
          %dma_start3A_309 = tpu.memref_squeeze %dma_start3A_308 : memref<1x128x128xf32, #tpu.memory_space<vmem>> -> memref<128x128xf32, #tpu.memory_space<vmem>>
          %dma_start3A_310 = arith.constant 0 : i32
          %dma_start3A_311 = tpu.memref_slice %arg3[%mul3A_305, %dma_start3A_310] : memref<131072x128xf32, #tpu.memory_space<hbm>> -> memref<128x128xf32, #tpu.memory_space<hbm>>
          %dma_start3A_312 = tpu.memref_slice %run_scoped3A_24[%rem3A_303] : memref<2x!tpu.dma_semaphore, #tpu.memory_space<semaphore_mem>> -> memref<1x!tpu.dma_semaphore, #tpu.memory_space<semaphore_mem>>
          %dma_start3A_313 = tpu.memref_squeeze %dma_start3A_312 : memref<1x!tpu.dma_semaphore, #tpu.memory_space<semaphore_mem>> -> memref<!tpu.dma_semaphore, #tpu.memory_space<semaphore_mem>>
          %dma_start3A_314 = arith.constant 0 : i32
          %dma_start3A_315 = arith.constant 0 : i32
          %dma_start3A_316 = tpu.memref_slice %run_scoped3A[%rem3A_303, %dma_start3A_314, %dma_start3A_315] : memref<2x128x128xf32, #tpu.memory_space<vmem>> -> memref<1x128x128xf32, #tpu.memory_space<vmem>>
          %dma_start3A_317 = tpu.memref_squeeze %dma_start3A_316 : memref<1x128x128xf32, #tpu.memory_space<vmem>> -> memref<128x128xf32, #tpu.memory_space<vmem>>
          %dma_start3A_318 = arith.constant 0 : i32
          %dma_start3A_319 = tpu.memref_slice %arg3[%mul3A_305, %dma_start3A_318] : memref<131072x128xf32, #tpu.memory_space<hbm>> -> memref<128x128xf32, #tpu.memory_space<hbm>>
          tpu.enqueue_dma source(%dma_start3A_319 : memref<128x128xf32, #tpu.memory_space<hbm>>) target(%dma_start3A_317 : memref<128x128xf32, #tpu.memory_space<vmem>>) target_semaphore(%dma_start3A_313 : memref<!tpu.dma_semaphore, #tpu.memory_space<semaphore_mem>>)
          "tpu.trace_stop"() : () -> ()
        } else {
        }
        %and3A_192 = arith.constant true
        %and3A_193 = arith.andi %and3A, %and3A_192 : i1
        %add3A_194 = arith.constant 1 : i32
        %add3A_195 = arith.addi %scan3A_147, %add3A_194 : i32
        %select_n3A_196 = arith.select %and3A_193, %add3A_195, %scan3A_147 : i32
        %ne3A_197 = arith.cmpi ne, %add3A_156, %add3A_174 : i32
        %or3A_198 = arith.constant false
        %or3A_199 = arith.ori %or3A_198, %ne3A_197 : i1
        %ge3A_200 = arith.constant 31 : i32
        %ge3A_201 = arith.cmpi sge, %scan3A_146, %ge3A_200 : i32
        %not3A_202 = arith.constant true
        %not3A_203 = arith.xori %ge3A_201, %not3A_202 : i1
        %and3A_204 = arith.andi %or3A_199, %not3A_203 : i1
        %convert_element_type3A_205 = arith.extui %and3A_204 : i1 to i32
        %cond3A_206 = arith.constant 0 : i32
        %cond3A_207 = arith.cmpi ne, %convert_element_type3A_205, %cond3A_206 : i32
        scf.if %cond3A_207 {
          "tpu.trace_start"() <{level = 10 : i32, message = "ep_copy_in"}> : () -> ()
          %rem3A_302 = arith.constant 2 : i32
          %rem3A_303 = arith.remui %scan3A_149, %rem3A_302 : i32
          %mul3A_304 = arith.constant 128 : i32
          %mul3A_305 = arith.muli %mul3A_304, %add3A_174 : i32
          %dma_start3A_306 = arith.constant 0 : i32
          %dma_start3A_307 = arith.constant 0 : i32
          %dma_start3A_308 = tpu.memref_slice %run_scoped3A_25[%rem3A_303, %dma_start3A_306, %dma_start3A_307] : memref<2x1x128xi32, #tpu.memory_space<vmem>> -> memref<1x1x128xi32, #tpu.memory_space<vmem>>
          %dma_start3A_309 = tpu.memref_squeeze %dma_start3A_308 : memref<1x1x128xi32, #tpu.memory_space<vmem>> -> memref<1x128xi32, #tpu.memory_space<vmem>>
          %dma_start3A_310 = arith.constant 0 : i32
          %dma_start3A_311 = tpu.memref_slice %arg5[%dma_start3A_310, %mul3A_305] : memref<1x131072xi32, #tpu.memory_space<hbm>> -> memref<1x128xi32, #tpu.memory_space<hbm>>
          %dma_start3A_312 = tpu.memref_slice %run_scoped3A_26[%rem3A_303] : memref<2x!tpu.dma_semaphore, #tpu.memory_space<semaphore_mem>> -> memref<1x!tpu.dma_semaphore, #tpu.memory_space<semaphore_mem>>
          %dma_start3A_313 = tpu.memref_squeeze %dma_start3A_312 : memref<1x!tpu.dma_semaphore, #tpu.memory_space<semaphore_mem>> -> memref<!tpu.dma_semaphore, #tpu.memory_space<semaphore_mem>>
          %dma_start3A_314 = arith.constant 0 : i32
          %dma_start3A_315 = arith.constant 0 : i32
          %dma_start3A_316 = tpu.memref_slice %run_scoped3A_25[%rem3A_303, %dma_start3A_314, %dma_start3A_315] : memref<2x1x128xi32, #tpu.memory_space<vmem>> -> memref<1x1x128xi32, #tpu.memory_space<vmem>>
          %dma_start3A_317 = tpu.memref_squeeze %dma_start3A_316 : memref<1x1x128xi32, #tpu.memory_space<vmem>> -> memref<1x128xi32, #tpu.memory_space<vmem>>
          %dma_start3A_318 = arith.constant 0 : i32
          %dma_start3A_319 = tpu.memref_slice %arg5[%dma_start3A_318, %mul3A_305] : memref<1x131072xi32, #tpu.memory_space<hbm>> -> memref<1x128xi32, #tpu.memory_space<hbm>>
          tpu.enqueue_dma source(%dma_start3A_319 : memref<1x128xi32, #tpu.memory_space<hbm>>) target(%dma_start3A_317 : memref<1x128xi32, #tpu.memory_space<vmem>>) target_semaphore(%dma_start3A_313 : memref<!tpu.dma_semaphore, #tpu.memory_space<semaphore_mem>>)
          "tpu.trace_stop"() : () -> ()
        } else {
        }
        %and3A_208 = arith.constant true
        %and3A_209 = arith.andi %and3A_204, %and3A_208 : i1
        %add3A_210 = arith.constant 1 : i32
        %add3A_211 = arith.addi %scan3A_149, %add3A_210 : i32
        %select_n3A_212 = arith.select %and3A_209, %add3A_211, %scan3A_149 : i32
        %ne3A_213 = arith.cmpi ne, %add3A_156, %add3A_165 : i32
        %or3A_214 = arith.constant false
        %or3A_215 = arith.ori %or3A_214, %ne3A_213 : i1
        %or3A_216 = arith.constant false
        %or3A_217 = arith.ori %or3A_215, %or3A_216 : i1
        %or3A_218 = arith.ori %or3A_217, %eq3A_153 : i1
        %convert_element_type3A_219 = arith.extui %or3A_218 : i1 to i32
        %cond3A_220 = arith.constant 0 : i32
        %cond3A_221 = arith.cmpi ne, %convert_element_type3A_219, %cond3A_220 : i32
        scf.if %cond3A_221 {
          "tpu.trace_start"() <{level = 10 : i32, message = "ep_wait_in"}> : () -> ()
          %mul3A_302 = arith.constant 128 : i32
          %mul3A_303 = arith.muli %mul3A_302, %add3A_156 : i32
          %rem3A_304 = arith.constant 2 : i32
          %rem3A_305 = arith.remui %scan3A_148, %rem3A_304 : i32
          %dma_wait3A = arith.constant 0 : i32
          %dma_wait3A_306 = arith.constant 0 : i32
          %dma_wait3A_307 = tpu.memref_slice %run_scoped3A[%rem3A_305, %dma_wait3A, %dma_wait3A_306] : memref<2x128x128xf32, #tpu.memory_space<vmem>> -> memref<1x128x128xf32, #tpu.memory_space<vmem>>
          %dma_wait3A_308 = tpu.memref_squeeze %dma_wait3A_307 : memref<1x128x128xf32, #tpu.memory_space<vmem>> -> memref<128x128xf32, #tpu.memory_space<vmem>>
          %dma_wait3A_309 = arith.constant 0 : i32
          %dma_wait3A_310 = tpu.memref_slice %arg3[%mul3A_303, %dma_wait3A_309] : memref<131072x128xf32, #tpu.memory_space<hbm>> -> memref<128x128xf32, #tpu.memory_space<hbm>>
          %dma_wait3A_311 = tpu.memref_slice %run_scoped3A_24[%rem3A_305] : memref<2x!tpu.dma_semaphore, #tpu.memory_space<semaphore_mem>> -> memref<1x!tpu.dma_semaphore, #tpu.memory_space<semaphore_mem>>
          %dma_wait3A_312 = tpu.memref_squeeze %dma_wait3A_311 : memref<1x!tpu.dma_semaphore, #tpu.memory_space<semaphore_mem>> -> memref<!tpu.dma_semaphore, #tpu.memory_space<semaphore_mem>>
          %dma_wait3A_313 = arith.constant 0 : i32
          %dma_wait3A_314 = arith.constant 0 : i32
          %dma_wait3A_315 = tpu.memref_slice %run_scoped3A[%rem3A_305, %dma_wait3A_313, %dma_wait3A_314] : memref<2x128x128xf32, #tpu.memory_space<vmem>> -> memref<1x128x128xf32, #tpu.memory_space<vmem>>
          %dma_wait3A_316 = tpu.memref_squeeze %dma_wait3A_315 : memref<1x128x128xf32, #tpu.memory_space<vmem>> -> memref<128x128xf32, #tpu.memory_space<vmem>>
          %dma_wait3A_317 = arith.constant 0 : i32
          %dma_wait3A_318 = tpu.memref_slice %arg3[%mul3A_303, %dma_wait3A_317] : memref<131072x128xf32, #tpu.memory_space<hbm>> -> memref<128x128xf32, #tpu.memory_space<hbm>>
          tpu.wait_dma2 semaphore(%dma_wait3A_312 : memref<!tpu.dma_semaphore, #tpu.memory_space<semaphore_mem>>) src(%dma_wait3A_318 : memref<128x128xf32, #tpu.memory_space<hbm>>) dst(%dma_wait3A_316 : memref<128x128xf32, #tpu.memory_space<vmem>>)
          "tpu.trace_stop"() : () -> ()
        } else {
        }
        %ne3A_222 = arith.cmpi ne, %add3A_156, %add3A_165 : i32
        %or3A_223 = arith.constant false
        %or3A_224 = arith.ori %or3A_223, %ne3A_222 : i1
        %or3A_225 = arith.ori %or3A_224, %eq3A_153 : i1
        %convert_element_type3A_226 = arith.extui %or3A_225 : i1 to i32
        %cond3A_227 = arith.constant 0 : i32
        %cond3A_228 = arith.cmpi ne, %convert_element_type3A_226, %cond3A_227 : i32
        scf.if %cond3A_228 {
          "tpu.trace_start"() <{level = 10 : i32, message = "ep_wait_in"}> : () -> ()
          %mul3A_302 = arith.constant 128 : i32
          %mul3A_303 = arith.muli %mul3A_302, %add3A_156 : i32
          %rem3A_304 = arith.constant 2 : i32
          %rem3A_305 = arith.remui %scan3A_150, %rem3A_304 : i32
          %dma_wait3A = arith.constant 0 : i32
          %dma_wait3A_306 = arith.constant 0 : i32
          %dma_wait3A_307 = tpu.memref_slice %run_scoped3A_25[%rem3A_305, %dma_wait3A, %dma_wait3A_306] : memref<2x1x128xi32, #tpu.memory_space<vmem>> -> memref<1x1x128xi32, #tpu.memory_space<vmem>>
          %dma_wait3A_308 = tpu.memref_squeeze %dma_wait3A_307 : memref<1x1x128xi32, #tpu.memory_space<vmem>> -> memref<1x128xi32, #tpu.memory_space<vmem>>
          %dma_wait3A_309 = arith.constant 0 : i32
          %dma_wait3A_310 = tpu.memref_slice %arg5[%dma_wait3A_309, %mul3A_303] : memref<1x131072xi32, #tpu.memory_space<hbm>> -> memref<1x128xi32, #tpu.memory_space<hbm>>
          %dma_wait3A_311 = tpu.memref_slice %run_scoped3A_26[%rem3A_305] : memref<2x!tpu.dma_semaphore, #tpu.memory_space<semaphore_mem>> -> memref<1x!tpu.dma_semaphore, #tpu.memory_space<semaphore_mem>>
          %dma_wait3A_312 = tpu.memref_squeeze %dma_wait3A_311 : memref<1x!tpu.dma_semaphore, #tpu.memory_space<semaphore_mem>> -> memref<!tpu.dma_semaphore, #tpu.memory_space<semaphore_mem>>
          %dma_wait3A_313 = arith.constant 0 : i32
          %dma_wait3A_314 = arith.constant 0 : i32
          %dma_wait3A_315 = tpu.memref_slice %run_scoped3A_25[%rem3A_305, %dma_wait3A_313, %dma_wait3A_314] : memref<2x1x128xi32, #tpu.memory_space<vmem>> -> memref<1x1x128xi32, #tpu.memory_space<vmem>>
          %dma_wait3A_316 = tpu.memref_squeeze %dma_wait3A_315 : memref<1x1x128xi32, #tpu.memory_space<vmem>> -> memref<1x128xi32, #tpu.memory_space<vmem>>
          %dma_wait3A_317 = arith.constant 0 : i32
          %dma_wait3A_318 = tpu.memref_slice %arg5[%dma_wait3A_317, %mul3A_303] : memref<1x131072xi32, #tpu.memory_space<hbm>> -> memref<1x128xi32, #tpu.memory_space<hbm>>
          tpu.wait_dma2 semaphore(%dma_wait3A_312 : memref<!tpu.dma_semaphore, #tpu.memory_space<semaphore_mem>>) src(%dma_wait3A_318 : memref<1x128xi32, #tpu.memory_space<hbm>>) dst(%dma_wait3A_316 : memref<1x128xi32, #tpu.memory_space<vmem>>)
          "tpu.trace_stop"() : () -> ()
        } else {
        }
        %rem3A_229 = arith.constant 2 : i32
        %rem3A_230 = arith.remui %scan3A_148, %rem3A_229 : i32
        %rem3A_231 = arith.constant 2 : i32
        %rem3A_232 = arith.remui %scan3A_150, %rem3A_231 : i32
        %run_scoped3A_233 = arith.constant 0 : i32
        "tpu.trace_start"() <{level = 10 : i32, message = "ep_run_kernel"}> : () -> ()
        "tpu.region"() ({
          %run_scoped3A_302 = tpu.sem_alloc : memref<!tpu.dma_semaphore, #tpu.memory_space<semaphore_mem>>
          %dma_start3A_303 = arith.constant 0 : i32
          %dma_start3A_304 = arith.constant 0 : i32
          %dma_start3A_305 = tpu.memref_slice %run_scoped3A[%rem3A_230, %dma_start3A_303, %dma_start3A_304] : memref<2x128x128xf32, #tpu.memory_space<vmem>> -> memref<1x128x128xf32, #tpu.memory_space<vmem>>
          %dma_start3A_306 = tpu.memref_squeeze %dma_start3A_305 : memref<1x128x128xf32, #tpu.memory_space<vmem>> -> memref<128x128xf32, #tpu.memory_space<vmem>>
          %dma_start3A_307 = arith.constant 0 : i32
          %dma_start3A_308 = arith.constant 0 : i32
          %dma_start3A_309 = tpu.memref_slice %run_scoped3A_25[%rem3A_232, %dma_start3A_307, %dma_start3A_308] : memref<2x1x128xi32, #tpu.memory_space<vmem>> -> memref<1x1x128xi32, #tpu.memory_space<vmem>>
          %dma_start3A_310 = tpu.memref_squeeze %dma_start3A_309 : memref<1x1x128xi32, #tpu.memory_space<vmem>> -> memref<1x128xi32, #tpu.memory_space<vmem>>
          %dma_start3A_311 = arith.constant 0 : i32
          %dma_start3A_312 = tpu.memref_slice %dma_start3A_310[%run_scoped3A_233, %dma_start3A_311] : memref<1x128xi32, #tpu.memory_space<vmem>> -> memref<1x128xi32, #tpu.memory_space<vmem>>
          %dma_start3A_313 = tpu.memref_squeeze %dma_start3A_312 : memref<1x128xi32, #tpu.memory_space<vmem>> -> memref<128xi32, #tpu.memory_space<vmem>>
          %dma_start3A_314 = arith.constant 0 : i32
          %dma_start3A_315 = arith.constant 0 : i32
          %dma_start3A_316 = tpu.memref_slice %arg8[%dma_start3A_314, %dma_start3A_315] : memref<10240x128xf32, #tpu.memory_space<vmem_shared>> -> memref<10240x128xf32, #tpu.memory_space<vmem_shared>>
          tpu.enqueue_indirect_dma source(%dma_start3A_306 : memref<128x128xf32, #tpu.memory_space<vmem>>) target(%dma_start3A_316 : memref<10240x128xf32, #tpu.memory_space<vmem_shared>>) offsets(%dma_start3A_313 : memref<128xi32, #tpu.memory_space<vmem>>) semaphore(%run_scoped3A_302 : memref<!tpu.dma_semaphore, #tpu.memory_space<semaphore_mem>>) {add = true}
          %dma_wait3A = arith.constant 0 : i32
          %dma_wait3A_317 = arith.constant 0 : i32
          %dma_wait3A_318 = tpu.memref_slice %run_scoped3A[%rem3A_230, %dma_wait3A, %dma_wait3A_317] : memref<2x128x128xf32, #tpu.memory_space<vmem>> -> memref<1x128x128xf32, #tpu.memory_space<vmem>>
          %dma_wait3A_319 = tpu.memref_squeeze %dma_wait3A_318 : memref<1x128x128xf32, #tpu.memory_space<vmem>> -> memref<128x128xf32, #tpu.memory_space<vmem>>
          %dma_wait3A_320 = arith.constant 0 : i32
          %dma_wait3A_321 = arith.constant 0 : i32
          %dma_wait3A_322 = tpu.memref_slice %run_scoped3A_25[%rem3A_232, %dma_wait3A_320, %dma_wait3A_321] : memref<2x1x128xi32, #tpu.memory_space<vmem>> -> memref<1x1x128xi32, #tpu.memory_space<vmem>>
          %dma_wait3A_323 = tpu.memref_squeeze %dma_wait3A_322 : memref<1x1x128xi32, #tpu.memory_space<vmem>> -> memref<1x128xi32, #tpu.memory_space<vmem>>
          %dma_wait3A_324 = arith.constant 0 : i32
          %dma_wait3A_325 = tpu.memref_slice %dma_wait3A_323[%run_scoped3A_233, %dma_wait3A_324] : memref<1x128xi32, #tpu.memory_space<vmem>> -> memref<1x128xi32, #tpu.memory_space<vmem>>
          %dma_wait3A_326 = tpu.memref_squeeze %dma_wait3A_325 : memref<1x128xi32, #tpu.memory_space<vmem>> -> memref<128xi32, #tpu.memory_space<vmem>>
          %dma_wait3A_327 = arith.constant 0 : i32
          %dma_wait3A_328 = arith.constant 0 : i32
          %dma_wait3A_329 = tpu.memref_slice %arg8[%dma_wait3A_327, %dma_wait3A_328] : memref<10240x128xf32, #tpu.memory_space<vmem_shared>> -> memref<10240x128xf32, #tpu.memory_space<vmem_shared>>
          tpu.wait_indirect_dma semaphore(%run_scoped3A_302 : memref<!tpu.dma_semaphore, #tpu.memory_space<semaphore_mem>>) src(%dma_wait3A_319 : memref<128x128xf32, #tpu.memory_space<vmem>>) dst(%dma_wait3A_329 : memref<10240x128xf32, #tpu.memory_space<vmem_shared>>)
          tpu.yield
        }) : () -> ()
        "tpu.trace_stop"() : () -> ()
        %ne3A_234 = arith.cmpi ne, %add3A_156, %add3A_174 : i32
        %or3A_235 = arith.constant false
        %or3A_236 = arith.ori %or3A_235, %ne3A_234 : i1
        %or3A_237 = arith.constant false
        %or3A_238 = arith.ori %or3A_236, %or3A_237 : i1
        %or3A_239 = arith.ori %or3A_238, %eq3A_155 : i1
        %convert_element_type3A_240 = arith.extui %or3A_239 : i1 to i32
        %cond3A_241 = arith.constant 0 : i32
        %cond3A_242 = arith.cmpi ne, %convert_element_type3A_240, %cond3A_241 : i32
        scf.if %cond3A_242 {
        } else {
        }
        %and3A_243 = arith.constant false
        %and3A_244 = arith.andi %or3A_239, %and3A_243 : i1
        %ne3A_245 = arith.cmpi ne, %add3A_156, %add3A_174 : i32
        %or3A_246 = arith.constant false
        %or3A_247 = arith.ori %or3A_246, %ne3A_245 : i1
        %or3A_248 = arith.ori %or3A_247, %eq3A_155 : i1
        %convert_element_type3A_249 = arith.extui %or3A_248 : i1 to i32
        %cond3A_250 = arith.constant 0 : i32
        %cond3A_251 = arith.cmpi ne, %convert_element_type3A_249, %cond3A_250 : i32
        scf.if %cond3A_251 {
        } else {
        }
        %and3A_252 = arith.constant false
        %and3A_253 = arith.andi %or3A_248, %and3A_252 : i1
        %ne3A_254 = arith.cmpi ne, %add3A_156, %add3A_165 : i32
        %or3A_255 = arith.constant false
        %or3A_256 = arith.ori %or3A_255, %ne3A_254 : i1
        %or3A_257 = arith.constant false
        %or3A_258 = arith.ori %or3A_256, %or3A_257 : i1
        %not3A_259 = arith.constant true
        %not3A_260 = arith.xori %eq3A_153, %not3A_259 : i1
        %and3A_261 = arith.andi %or3A_258, %not3A_260 : i1
        %convert_element_type3A_262 = arith.extui %and3A_261 : i1 to i32
        %cond3A_263 = arith.constant 0 : i32
        %cond3A_264 = arith.cmpi ne, %convert_element_type3A_262, %cond3A_263 : i32
        scf.if %cond3A_264 {
        } else {
        }
        %and3A_265 = arith.constant false
        %and3A_266 = arith.andi %and3A_261, %and3A_265 : i1
        %ne3A_267 = arith.cmpi ne, %add3A_156, %add3A_165 : i32
        %or3A_268 = arith.constant false
        %or3A_269 = arith.ori %or3A_268, %ne3A_267 : i1
        %not3A_270 = arith.constant true
        %not3A_271 = arith.xori %eq3A_153, %not3A_270 : i1
        %and3A_272 = arith.andi %or3A_269, %not3A_271 : i1
        %convert_element_type3A_273 = arith.extui %and3A_272 : i1 to i32
        %cond3A_274 = arith.constant 0 : i32
        %cond3A_275 = arith.cmpi ne, %convert_element_type3A_273, %cond3A_274 : i32
        scf.if %cond3A_275 {
        } else {
        }
        %and3A_276 = arith.constant false
        %and3A_277 = arith.andi %and3A_272, %and3A_276 : i1
        %ne3A_278 = arith.cmpi ne, %add3A_156, %add3A_174 : i32
        %or3A_279 = arith.constant false
        %or3A_280 = arith.ori %or3A_279, %ne3A_278 : i1
        %or3A_281 = arith.constant false
        %or3A_282 = arith.ori %or3A_280, %or3A_281 : i1
        %or3A_283 = arith.ori %or3A_282, %eq3A_155 : i1
        %add3A_284 = arith.constant 1 : i32
        %add3A_285 = arith.addi %scan3A_148, %add3A_284 : i32
        %select_n3A_286 = arith.select %or3A_283, %add3A_285, %scan3A_148 : i32
        %ne3A_287 = arith.cmpi ne, %add3A_156, %add3A_174 : i32
        %or3A_288 = arith.constant false
        %or3A_289 = arith.ori %or3A_288, %ne3A_287 : i1
        %or3A_290 = arith.ori %or3A_289, %eq3A_155 : i1
        %add3A_291 = arith.constant 1 : i32
        %add3A_292 = arith.addi %scan3A_150, %add3A_291 : i32
        %select_n3A_293 = arith.select %or3A_290, %add3A_292, %scan3A_150 : i32
        %add3A_294 = arith.constant 1 : i32
        %add3A_295 = arith.addi %scan3A_151, %add3A_294 : i32
        %select_n3A_296 = arith.constant true
        %select_n3A_297 = arith.select %select_n3A_296, %add3A_295, %scan3A_151 : i32
        %eq3A_298 = arith.constant 32 : i32
        %eq3A_299 = arith.cmpi eq, %select_n3A_297, %eq3A_298 : i32
        %select_n3A_300 = arith.constant 0 : i32
        %select_n3A_301 = arith.select %eq3A_299, %select_n3A_300, %select_n3A_297 : i32
        scf.yield %select_n3A_196, %select_n3A_286, %select_n3A_212, %select_n3A_293, %select_n3A_301 : i32, i32, i32, i32, i32
      }
      %scan3A_110 = arith.constant 32 : i32
      %sub3A = arith.constant 1 : i32
      %sub3A_111 = arith.subi %scan3A_109#4, %sub3A : i32
      %select_n3A_112 = arith.constant true
      %select_n3A_113 = arith.select %select_n3A_112, %sub3A_111, %scan3A_109#4 : i32
      %eq3A_114 = arith.constant -1 : i32
      %eq3A_115 = arith.cmpi eq, %select_n3A_113, %eq3A_114 : i32
      %select_n3A_116 = arith.constant 31 : i32
      %select_n3A_117 = arith.select %eq3A_115, %select_n3A_116, %select_n3A_113 : i32
      %add3A_118 = arith.addi %select_n3A_117, %mul3A_17 : i32
      %sub3A_119 = arith.constant 1 : i32
      %sub3A_120 = arith.subi %select_n3A_117, %sub3A_119 : i32
      %select_n3A_121 = arith.constant true
      %select_n3A_122 = arith.select %select_n3A_121, %sub3A_120, %select_n3A_117 : i32
      %eq3A_123 = arith.constant -1 : i32
      %eq3A_124 = arith.cmpi eq, %select_n3A_122, %eq3A_123 : i32
      %select_n3A_125 = arith.constant 31 : i32
      %select_n3A_126 = arith.select %eq3A_124, %select_n3A_125, %select_n3A_122 : i32
      %add3A_127 = arith.addi %select_n3A_126, %mul3A_17 : i32
      %add3A_128 = arith.constant 1 : i32
      %add3A_129 = arith.addi %select_n3A_117, %add3A_128 : i32
      %select_n3A_130 = arith.constant true
      %select_n3A_131 = arith.select %select_n3A_130, %add3A_129, %select_n3A_117 : i32
      %eq3A_132 = arith.constant 32 : i32
      %eq3A_133 = arith.cmpi eq, %select_n3A_131, %eq3A_132 : i32
      %select_n3A_134 = arith.constant 0 : i32
      %select_n3A_135 = arith.select %eq3A_133, %select_n3A_134, %select_n3A_131 : i32
      %add3A_136 = arith.addi %select_n3A_135, %mul3A_17 : i32
      %add3A_137 = arith.constant 1 : i32
      %add3A_138 = arith.addi %select_n3A_135, %add3A_137 : i32
      %select_n3A_139 = arith.constant true
      %select_n3A_140 = arith.select %select_n3A_139, %add3A_138, %select_n3A_135 : i32
      %eq3A_141 = arith.constant 32 : i32
      %eq3A_142 = arith.cmpi eq, %select_n3A_140, %eq3A_141 : i32
      %select_n3A_143 = arith.constant 0 : i32
      %select_n3A_144 = arith.select %eq3A_142, %select_n3A_143, %select_n3A_140 : i32
      %add3A_145 = arith.addi %select_n3A_144, %mul3A_17 : i32
      tpu.yield
    }) : () -> ()
    %barrier3A_18 = arith.constant 0 : index
    tpu.barrier barrier_id(%barrier3A_18)
    %eq3A_19 = arith.constant 0 : i32
    %eq3A_20 = arith.cmpi eq, %arg1, %eq3A_19 : i32
    %convert_element_type3A_21 = arith.extui %eq3A_20 : i1 to i32
    %cond3A_22 = arith.constant 0 : i32
    %cond3A_23 = arith.cmpi ne, %convert_element_type3A_21, %cond3A_22 : i32
    scf.if %cond3A_23 {
      "tpu.region"() ({
        %run_scoped3A = tpu.sem_alloc : memref<!tpu.dma_semaphore, #tpu.memory_space<semaphore_mem>>
        %dma_start3A = arith.constant 0 : i32
        %dma_start3A_24 = arith.constant 0 : i32
        %dma_start3A_25 = tpu.memref_slice %arg7[%arg0, %dma_start3A, %dma_start3A_24] : memref<2x10240x128xf32, #tpu.memory_space<hbm>> -> memref<1x10240x128xf32, #tpu.memory_space<hbm>>
        %dma_start3A_26 = tpu.memref_squeeze %dma_start3A_25 : memref<1x10240x128xf32, #tpu.memory_space<hbm>> -> memref<10240x128xf32, #tpu.memory_space<hbm>>
        tpu.enqueue_dma source(%arg8 : memref<10240x128xf32, #tpu.memory_space<vmem_shared>>) target(%dma_start3A_26 : memref<10240x128xf32, #tpu.memory_space<hbm>>) target_semaphore(%run_scoped3A : memref<!tpu.dma_semaphore, #tpu.memory_space<semaphore_mem>>)
        %dma_wait3A = arith.constant 0 : i32
        %dma_wait3A_27 = arith.constant 0 : i32
        %dma_wait3A_28 = tpu.memref_slice %arg7[%arg0, %dma_wait3A, %dma_wait3A_27] : memref<2x10240x128xf32, #tpu.memory_space<hbm>> -> memref<1x10240x128xf32, #tpu.memory_space<hbm>>
        %dma_wait3A_29 = tpu.memref_squeeze %dma_wait3A_28 : memref<1x10240x128xf32, #tpu.memory_space<hbm>> -> memref<10240x128xf32, #tpu.memory_space<hbm>>
        tpu.wait_dma2 semaphore(%run_scoped3A : memref<!tpu.dma_semaphore, #tpu.memory_space<semaphore_mem>>) src(%arg8 : memref<10240x128xf32, #tpu.memory_space<vmem_shared>>) dst(%dma_wait3A_29 : memref<10240x128xf32, #tpu.memory_space<hbm>>)
        tpu.yield
      }) : () -> ()
    } else {
    }
    return
  }
}

#map = affine_map<(d0, d1) -> (0, 0)>
#map1 = affine_map<(d0, d1) -> (0, 0, 0)>
module attributes {stable_mosaic.version = 14 : i64} {
  func.func @k(%arg0: i32, %arg1: i32, %arg2: memref<102400x128xf32, #tpu.memory_space<hbm>>, %arg3: memref<1x102400xi32, #tpu.memory_space<hbm>>, %arg4: memref<10240x128xf32, #tpu.memory_space<hbm>>, %arg5: memref<2x10240x128xf32, #tpu.memory_space<hbm>>, %arg6: memref<10240x128xf32, #tpu.memory_space<vmem_shared>>) attributes {dimension_semantics = [#tpu.dimension_semantics<core_parallel>, #tpu.dimension_semantics<subcore_parallel>], iteration_bounds = array<i64: 2, 16>, scalar_prefetch = 0 : i64, scratch_operands = 1 : i64, tpu.core_type = #tpu.core_type<sc_vector_subcore>, window_params = [{transform_indices = #map}, {transform_indices = #map}, {transform_indices = #map}, {transform_indices = #map1}]} {
    %eq3A = arith.constant 0 : i32
    %eq3A_0 = arith.cmpi eq, %arg1, %eq3A : i32
    %convert_element_type3A = arith.extui %eq3A_0 : i1 to i32
    %cond3A = arith.constant 0 : i32
    %cond3A_1 = arith.cmpi ne, %convert_element_type3A, %cond3A : i32
    scf.if %cond3A_1 {
      "tpu.region"() ({
        %run_scoped3A = tpu.sem_alloc : memref<!tpu.dma_semaphore, #tpu.memory_space<semaphore_mem>>
        tpu.enqueue_dma source(%arg4 : memref<10240x128xf32, #tpu.memory_space<hbm>>) target(%arg6 : memref<10240x128xf32, #tpu.memory_space<vmem_shared>>) target_semaphore(%run_scoped3A : memref<!tpu.dma_semaphore, #tpu.memory_space<semaphore_mem>>)
        tpu.wait_dma2 semaphore(%run_scoped3A : memref<!tpu.dma_semaphore, #tpu.memory_space<semaphore_mem>>) src(%arg4 : memref<10240x128xf32, #tpu.memory_space<hbm>>) dst(%arg6 : memref<10240x128xf32, #tpu.memory_space<vmem_shared>>)
        tpu.yield
      }) : () -> ()
    } else {
    }
    %barrier3A = arith.constant 0 : index
    tpu.barrier barrier_id(%barrier3A)
    %mul3A = arith.constant 1 : i32
    %mul3A_2 = arith.muli %arg1, %mul3A : i32
    %add3A = arith.constant 0 : i32
    %add3A_3 = arith.addi %add3A, %mul3A_2 : i32
    %mul3A_4 = arith.constant 16 : i32
    %mul3A_5 = arith.muli %arg0, %mul3A_4 : i32
    %add3A_6 = arith.addi %add3A_3, %mul3A_5 : i32
    %mul3A_7 = arith.constant 25 : i32
    %mul3A_8 = arith.muli %add3A_6, %mul3A_7 : i32
    "tpu.region"() ({
      %run_scoped3A = memref.alloca() : memref<2x128x128xf32, #tpu.memory_space<vmem>>
      %run_scoped3A_15 = tpu.sem_alloc : memref<2x!tpu.dma_semaphore, #tpu.memory_space<semaphore_mem>>
      %run_scoped3A_16 = memref.alloca() : memref<2x1x128xi32, #tpu.memory_space<vmem>>
      %run_scoped3A_17 = tpu.sem_alloc : memref<2x!tpu.dma_semaphore, #tpu.memory_space<semaphore_mem>>
      %add3A_18 = arith.constant 0 : i32
      %add3A_19 = arith.addi %add3A_18, %mul3A_8 : i32
      %select_n3A = arith.constant true
      %select_n3A_20 = arith.constant 0 : i32
      %select_n3A_21 = arith.constant -1 : i32
      %select_n3A_22 = arith.select %select_n3A, %select_n3A_21, %select_n3A_20 : i32
      %eq3A_23 = arith.constant -1 : i32
      %eq3A_24 = arith.cmpi eq, %select_n3A_22, %eq3A_23 : i32
      %select_n3A_25 = arith.constant 24 : i32
      %select_n3A_26 = arith.select %eq3A_24, %select_n3A_25, %select_n3A_22 : i32
      %add3A_27 = arith.addi %select_n3A_26, %mul3A_8 : i32
      %select_n3A_28 = arith.constant true
      %select_n3A_29 = arith.constant 0 : i32
      %select_n3A_30 = arith.constant 1 : i32
      %select_n3A_31 = arith.select %select_n3A_28, %select_n3A_30, %select_n3A_29 : i32
      %eq3A_32 = arith.constant 25 : i32
      %eq3A_33 = arith.cmpi eq, %select_n3A_31, %eq3A_32 : i32
      %select_n3A_34 = arith.constant 0 : i32
      %select_n3A_35 = arith.select %eq3A_33, %select_n3A_34, %select_n3A_31 : i32
      %add3A_36 = arith.addi %select_n3A_35, %mul3A_8 : i32
      %add3A_37 = arith.constant 1 : i32
      %add3A_38 = arith.addi %select_n3A_35, %add3A_37 : i32
      %select_n3A_39 = arith.constant true
      %select_n3A_40 = arith.select %select_n3A_39, %add3A_38, %select_n3A_35 : i32
      %eq3A_41 = arith.constant 25 : i32
      %eq3A_42 = arith.cmpi eq, %select_n3A_40, %eq3A_41 : i32
      %select_n3A_43 = arith.constant 0 : i32
      %select_n3A_44 = arith.select %eq3A_42, %select_n3A_43, %select_n3A_40 : i32
      %add3A_45 = arith.addi %select_n3A_44, %mul3A_8 : i32
      "tpu.trace_start"() <{level = 10 : i32, message = "ep_initialize_0"}> : () -> ()
      %rem3A = arith.constant 0 : i32
      %rem3A_46 = arith.constant 2 : i32
      %rem3A_47 = arith.remui %rem3A, %rem3A_46 : i32
      %mul3A_48 = arith.constant 128 : i32
      %mul3A_49 = arith.muli %mul3A_48, %add3A_19 : i32
      %dma_start3A = arith.constant 0 : i32
      %dma_start3A_50 = arith.constant 0 : i32
      %dma_start3A_51 = tpu.memref_slice %run_scoped3A[%rem3A_47, %dma_start3A, %dma_start3A_50] : memref<2x128x128xf32, #tpu.memory_space<vmem>> -> memref<1x128x128xf32, #tpu.memory_space<vmem>>
      %dma_start3A_52 = tpu.memref_squeeze %dma_start3A_51 : memref<1x128x128xf32, #tpu.memory_space<vmem>> -> memref<128x128xf32, #tpu.memory_space<vmem>>
      %dma_start3A_53 = arith.constant 0 : i32
      %dma_start3A_54 = tpu.memref_slice %arg2[%mul3A_49, %dma_start3A_53] : memref<102400x128xf32, #tpu.memory_space<hbm>> -> memref<128x128xf32, #tpu.memory_space<hbm>>
      %dma_start3A_55 = tpu.memref_slice %run_scoped3A_15[%rem3A_47] : memref<2x!tpu.dma_semaphore, #tpu.memory_space<semaphore_mem>> -> memref<1x!tpu.dma_semaphore, #tpu.memory_space<semaphore_mem>>
      %dma_start3A_56 = tpu.memref_squeeze %dma_start3A_55 : memref<1x!tpu.dma_semaphore, #tpu.memory_space<semaphore_mem>> -> memref<!tpu.dma_semaphore, #tpu.memory_space<semaphore_mem>>
      %dma_start3A_57 = arith.constant 0 : i32
      %dma_start3A_58 = arith.constant 0 : i32
      %dma_start3A_59 = tpu.memref_slice %run_scoped3A[%rem3A_47, %dma_start3A_57, %dma_start3A_58] : memref<2x128x128xf32, #tpu.memory_space<vmem>> -> memref<1x128x128xf32, #tpu.memory_space<vmem>>
      %dma_start3A_60 = tpu.memref_squeeze %dma_start3A_59 : memref<1x128x128xf32, #tpu.memory_space<vmem>> -> memref<128x128xf32, #tpu.memory_space<vmem>>
      %dma_start3A_61 = arith.constant 0 : i32
      %dma_start3A_62 = tpu.memref_slice %arg2[%mul3A_49, %dma_start3A_61] : memref<102400x128xf32, #tpu.memory_space<hbm>> -> memref<128x128xf32, #tpu.memory_space<hbm>>
      tpu.enqueue_dma source(%dma_start3A_62 : memref<128x128xf32, #tpu.memory_space<hbm>>) target(%dma_start3A_60 : memref<128x128xf32, #tpu.memory_space<vmem>>) target_semaphore(%dma_start3A_56 : memref<!tpu.dma_semaphore, #tpu.memory_space<semaphore_mem>>)
      %add3A_63 = arith.constant 0 : i32
      %add3A_64 = arith.constant 1 : i32
      %add3A_65 = arith.addi %add3A_63, %add3A_64 : i32
      %select_n3A_66 = arith.constant true
      %select_n3A_67 = arith.constant 0 : i32
      %select_n3A_68 = arith.select %select_n3A_66, %add3A_65, %select_n3A_67 : i32
      %rem3A_69 = arith.constant 0 : i32
      %rem3A_70 = arith.constant 2 : i32
      %rem3A_71 = arith.remui %rem3A_69, %rem3A_70 : i32
      %mul3A_72 = arith.constant 128 : i32
      %mul3A_73 = arith.muli %mul3A_72, %add3A_19 : i32
      %dma_start3A_74 = arith.constant 0 : i32
      %dma_start3A_75 = arith.constant 0 : i32
      %dma_start3A_76 = tpu.memref_slice %run_scoped3A_16[%rem3A_71, %dma_start3A_74, %dma_start3A_75] : memref<2x1x128xi32, #tpu.memory_space<vmem>> -> memref<1x1x128xi32, #tpu.memory_space<vmem>>
      %dma_start3A_77 = tpu.memref_squeeze %dma_start3A_76 : memref<1x1x128xi32, #tpu.memory_space<vmem>> -> memref<1x128xi32, #tpu.memory_space<vmem>>
      %dma_start3A_78 = arith.constant 0 : i32
      %dma_start3A_79 = tpu.memref_slice %arg3[%dma_start3A_78, %mul3A_73] : memref<1x102400xi32, #tpu.memory_space<hbm>> -> memref<1x128xi32, #tpu.memory_space<hbm>>
      %dma_start3A_80 = tpu.memref_slice %run_scoped3A_17[%rem3A_71] : memref<2x!tpu.dma_semaphore, #tpu.memory_space<semaphore_mem>> -> memref<1x!tpu.dma_semaphore, #tpu.memory_space<semaphore_mem>>
      %dma_start3A_81 = tpu.memref_squeeze %dma_start3A_80 : memref<1x!tpu.dma_semaphore, #tpu.memory_space<semaphore_mem>> -> memref<!tpu.dma_semaphore, #tpu.memory_space<semaphore_mem>>
      %dma_start3A_82 = arith.constant 0 : i32
      %dma_start3A_83 = arith.constant 0 : i32
      %dma_start3A_84 = tpu.memref_slice %run_scoped3A_16[%rem3A_71, %dma_start3A_82, %dma_start3A_83] : memref<2x1x128xi32, #tpu.memory_space<vmem>> -> memref<1x1x128xi32, #tpu.memory_space<vmem>>
      %dma_start3A_85 = tpu.memref_squeeze %dma_start3A_84 : memref<1x1x128xi32, #tpu.memory_space<vmem>> -> memref<1x128xi32, #tpu.memory_space<vmem>>
      %dma_start3A_86 = arith.constant 0 : i32
      %dma_start3A_87 = tpu.memref_slice %arg3[%dma_start3A_86, %mul3A_73] : memref<1x102400xi32, #tpu.memory_space<hbm>> -> memref<1x128xi32, #tpu.memory_space<hbm>>
      tpu.enqueue_dma source(%dma_start3A_87 : memref<1x128xi32, #tpu.memory_space<hbm>>) target(%dma_start3A_85 : memref<1x128xi32, #tpu.memory_space<vmem>>) target_semaphore(%dma_start3A_81 : memref<!tpu.dma_semaphore, #tpu.memory_space<semaphore_mem>>)
      %add3A_88 = arith.constant 0 : i32
      %add3A_89 = arith.constant 1 : i32
      %add3A_90 = arith.addi %add3A_88, %add3A_89 : i32
      %select_n3A_91 = arith.constant true
      %select_n3A_92 = arith.constant 0 : i32
      %select_n3A_93 = arith.select %select_n3A_91, %add3A_90, %select_n3A_92 : i32
      "tpu.trace_stop"() : () -> ()
      %scan3A = arith.constant 0 : i32
      %scan3A_94 = arith.constant 0 : i32
      %scan3A_95 = arith.constant 0 : i32
      %scan3A_96 = arith.constant 0 : i32
      %scan3A_97 = arith.constant 25 : i32
      %scan3A_98 = arith.addi %scan3A_96, %scan3A_97 : i32
      %scan3A_99 = arith.constant 1 : i32
      %scan3A_100:5 = scf.for %scan3A_137 = %scan3A_96 to %scan3A_98 step %scan3A_99 iter_args(%scan3A_138 = %select_n3A_68, %scan3A_139 = %scan3A, %scan3A_140 = %select_n3A_93, %scan3A_141 = %scan3A_94, %scan3A_142 = %scan3A_95) -> (i32, i32, i32, i32, i32)  : i32 {
        %eq3A_143 = arith.constant 0 : i32
        %eq3A_144 = arith.cmpi eq, %scan3A_137, %eq3A_143 : i32
        %eq3A_145 = arith.constant 24 : i32
        %eq3A_146 = arith.cmpi eq, %scan3A_137, %eq3A_145 : i32
        %add3A_147 = arith.addi %scan3A_142, %mul3A_8 : i32
        %sub3A_148 = arith.constant 1 : i32
        %sub3A_149 = arith.subi %scan3A_142, %sub3A_148 : i32
        %select_n3A_150 = arith.constant true
        %select_n3A_151 = arith.select %select_n3A_150, %sub3A_149, %scan3A_142 : i32
        %eq3A_152 = arith.constant -1 : i32
        %eq3A_153 = arith.cmpi eq, %select_n3A_151, %eq3A_152 : i32
        %select_n3A_154 = arith.constant 24 : i32
        %select_n3A_155 = arith.select %eq3A_153, %select_n3A_154, %select_n3A_151 : i32
        %add3A_156 = arith.addi %select_n3A_155, %mul3A_8 : i32
        %add3A_157 = arith.constant 1 : i32
        %add3A_158 = arith.addi %scan3A_142, %add3A_157 : i32
        %select_n3A_159 = arith.constant true
        %select_n3A_160 = arith.select %select_n3A_159, %add3A_158, %scan3A_142 : i32
        %eq3A_161 = arith.constant 25 : i32
        %eq3A_162 = arith.cmpi eq, %select_n3A_160, %eq3A_161 : i32
        %select_n3A_163 = arith.constant 0 : i32
        %select_n3A_164 = arith.select %eq3A_162, %select_n3A_163, %select_n3A_160 : i32
        %add3A_165 = arith.addi %select_n3A_164, %mul3A_8 : i32
        %add3A_166 = arith.constant 1 : i32
        %add3A_167 = arith.addi %select_n3A_164, %add3A_166 : i32
        %select_n3A_168 = arith.constant true
        %select_n3A_169 = arith.select %select_n3A_168, %add3A_167, %select_n3A_164 : i32
        %eq3A_170 = arith.constant 25 : i32
        %eq3A_171 = arith.cmpi eq, %select_n3A_169, %eq3A_170 : i32
        %select_n3A_172 = arith.constant 0 : i32
        %select_n3A_173 = arith.select %eq3A_171, %select_n3A_172, %select_n3A_169 : i32
        %add3A_174 = arith.addi %select_n3A_173, %mul3A_8 : i32
        %ne3A = arith.cmpi ne, %add3A_147, %add3A_165 : i32
        %or3A = arith.constant false
        %or3A_175 = arith.ori %or3A, %ne3A : i1
        %or3A_176 = arith.constant false
        %or3A_177 = arith.ori %or3A_175, %or3A_176 : i1
        %ge3A = arith.constant 24 : i32
        %ge3A_178 = arith.cmpi sge, %scan3A_137, %ge3A : i32
        %not3A = arith.constant true
        %not3A_179 = arith.xori %ge3A_178, %not3A : i1
        %and3A = arith.andi %or3A_177, %not3A_179 : i1
        %convert_element_type3A_180 = arith.extui %and3A : i1 to i32
        %cond3A_181 = arith.constant 0 : i32
        %cond3A_182 = arith.cmpi ne, %convert_element_type3A_180, %cond3A_181 : i32
        scf.if %cond3A_182 {
          "tpu.trace_start"() <{level = 10 : i32, message = "ep_copy_in"}> : () -> ()
          %rem3A_293 = arith.constant 2 : i32
          %rem3A_294 = arith.remui %scan3A_138, %rem3A_293 : i32
          %mul3A_295 = arith.constant 128 : i32
          %mul3A_296 = arith.muli %mul3A_295, %add3A_165 : i32
          %dma_start3A_297 = arith.constant 0 : i32
          %dma_start3A_298 = arith.constant 0 : i32
          %dma_start3A_299 = tpu.memref_slice %run_scoped3A[%rem3A_294, %dma_start3A_297, %dma_start3A_298] : memref<2x128x128xf32, #tpu.memory_space<vmem>> -> memref<1x128x128xf32, #tpu.memory_space<vmem>>
          %dma_start3A_300 = tpu.memref_squeeze %dma_start3A_299 : memref<1x128x128xf32, #tpu.memory_space<vmem>> -> memref<128x128xf32, #tpu.memory_space<vmem>>
          %dma_start3A_301 = arith.constant 0 : i32
          %dma_start3A_302 = tpu.memref_slice %arg2[%mul3A_296, %dma_start3A_301] : memref<102400x128xf32, #tpu.memory_space<hbm>> -> memref<128x128xf32, #tpu.memory_space<hbm>>
          %dma_start3A_303 = tpu.memref_slice %run_scoped3A_15[%rem3A_294] : memref<2x!tpu.dma_semaphore, #tpu.memory_space<semaphore_mem>> -> memref<1x!tpu.dma_semaphore, #tpu.memory_space<semaphore_mem>>
          %dma_start3A_304 = tpu.memref_squeeze %dma_start3A_303 : memref<1x!tpu.dma_semaphore, #tpu.memory_space<semaphore_mem>> -> memref<!tpu.dma_semaphore, #tpu.memory_space<semaphore_mem>>
          %dma_start3A_305 = arith.constant 0 : i32
          %dma_start3A_306 = arith.constant 0 : i32
          %dma_start3A_307 = tpu.memref_slice %run_scoped3A[%rem3A_294, %dma_start3A_305, %dma_start3A_306] : memref<2x128x128xf32, #tpu.memory_space<vmem>> -> memref<1x128x128xf32, #tpu.memory_space<vmem>>
          %dma_start3A_308 = tpu.memref_squeeze %dma_start3A_307 : memref<1x128x128xf32, #tpu.memory_space<vmem>> -> memref<128x128xf32, #tpu.memory_space<vmem>>
          %dma_start3A_309 = arith.constant 0 : i32
          %dma_start3A_310 = tpu.memref_slice %arg2[%mul3A_296, %dma_start3A_309] : memref<102400x128xf32, #tpu.memory_space<hbm>> -> memref<128x128xf32, #tpu.memory_space<hbm>>
          tpu.enqueue_dma source(%dma_start3A_310 : memref<128x128xf32, #tpu.memory_space<hbm>>) target(%dma_start3A_308 : memref<128x128xf32, #tpu.memory_space<vmem>>) target_semaphore(%dma_start3A_304 : memref<!tpu.dma_semaphore, #tpu.memory_space<semaphore_mem>>)
          "tpu.trace_stop"() : () -> ()
        } else {
        }
        %and3A_183 = arith.constant true
        %and3A_184 = arith.andi %and3A, %and3A_183 : i1
        %add3A_185 = arith.constant 1 : i32
        %add3A_186 = arith.addi %scan3A_138, %add3A_185 : i32
        %select_n3A_187 = arith.select %and3A_184, %add3A_186, %scan3A_138 : i32
        %ne3A_188 = arith.cmpi ne, %add3A_147, %add3A_165 : i32
        %or3A_189 = arith.constant false
        %or3A_190 = arith.ori %or3A_189, %ne3A_188 : i1
        %ge3A_191 = arith.constant 24 : i32
        %ge3A_192 = arith.cmpi sge, %scan3A_137, %ge3A_191 : i32
        %not3A_193 = arith.constant true
        %not3A_194 = arith.xori %ge3A_192, %not3A_193 : i1
        %and3A_195 = arith.andi %or3A_190, %not3A_194 : i1
        %convert_element_type3A_196 = arith.extui %and3A_195 : i1 to i32
        %cond3A_197 = arith.constant 0 : i32
        %cond3A_198 = arith.cmpi ne, %convert_element_type3A_196, %cond3A_197 : i32
        scf.if %cond3A_198 {
          "tpu.trace_start"() <{level = 10 : i32, message = "ep_copy_in"}> : () -> ()
          %rem3A_293 = arith.constant 2 : i32
          %rem3A_294 = arith.remui %scan3A_140, %rem3A_293 : i32
          %mul3A_295 = arith.constant 128 : i32
          %mul3A_296 = arith.muli %mul3A_295, %add3A_165 : i32
          %dma_start3A_297 = arith.constant 0 : i32
          %dma_start3A_298 = arith.constant 0 : i32
          %dma_start3A_299 = tpu.memref_slice %run_scoped3A_16[%rem3A_294, %dma_start3A_297, %dma_start3A_298] : memref<2x1x128xi32, #tpu.memory_space<vmem>> -> memref<1x1x128xi32, #tpu.memory_space<vmem>>
          %dma_start3A_300 = tpu.memref_squeeze %dma_start3A_299 : memref<1x1x128xi32, #tpu.memory_space<vmem>> -> memref<1x128xi32, #tpu.memory_space<vmem>>
          %dma_start3A_301 = arith.constant 0 : i32
          %dma_start3A_302 = tpu.memref_slice %arg3[%dma_start3A_301, %mul3A_296] : memref<1x102400xi32, #tpu.memory_space<hbm>> -> memref<1x128xi32, #tpu.memory_space<hbm>>
          %dma_start3A_303 = tpu.memref_slice %run_scoped3A_17[%rem3A_294] : memref<2x!tpu.dma_semaphore, #tpu.memory_space<semaphore_mem>> -> memref<1x!tpu.dma_semaphore, #tpu.memory_space<semaphore_mem>>
          %dma_start3A_304 = tpu.memref_squeeze %dma_start3A_303 : memref<1x!tpu.dma_semaphore, #tpu.memory_space<semaphore_mem>> -> memref<!tpu.dma_semaphore, #tpu.memory_space<semaphore_mem>>
          %dma_start3A_305 = arith.constant 0 : i32
          %dma_start3A_306 = arith.constant 0 : i32
          %dma_start3A_307 = tpu.memref_slice %run_scoped3A_16[%rem3A_294, %dma_start3A_305, %dma_start3A_306] : memref<2x1x128xi32, #tpu.memory_space<vmem>> -> memref<1x1x128xi32, #tpu.memory_space<vmem>>
          %dma_start3A_308 = tpu.memref_squeeze %dma_start3A_307 : memref<1x1x128xi32, #tpu.memory_space<vmem>> -> memref<1x128xi32, #tpu.memory_space<vmem>>
          %dma_start3A_309 = arith.constant 0 : i32
          %dma_start3A_310 = tpu.memref_slice %arg3[%dma_start3A_309, %mul3A_296] : memref<1x102400xi32, #tpu.memory_space<hbm>> -> memref<1x128xi32, #tpu.memory_space<hbm>>
          tpu.enqueue_dma source(%dma_start3A_310 : memref<1x128xi32, #tpu.memory_space<hbm>>) target(%dma_start3A_308 : memref<1x128xi32, #tpu.memory_space<vmem>>) target_semaphore(%dma_start3A_304 : memref<!tpu.dma_semaphore, #tpu.memory_space<semaphore_mem>>)
          "tpu.trace_stop"() : () -> ()
        } else {
        }
        %and3A_199 = arith.constant true
        %and3A_200 = arith.andi %and3A_195, %and3A_199 : i1
        %add3A_201 = arith.constant 1 : i32
        %add3A_202 = arith.addi %scan3A_140, %add3A_201 : i32
        %select_n3A_203 = arith.select %and3A_200, %add3A_202, %scan3A_140 : i32
        %ne3A_204 = arith.cmpi ne, %add3A_147, %add3A_156 : i32
        %or3A_205 = arith.constant false
        %or3A_206 = arith.ori %or3A_205, %ne3A_204 : i1
        %or3A_207 = arith.constant false
        %or3A_208 = arith.ori %or3A_206, %or3A_207 : i1
        %or3A_209 = arith.ori %or3A_208, %eq3A_144 : i1
        %convert_element_type3A_210 = arith.extui %or3A_209 : i1 to i32
        %cond3A_211 = arith.constant 0 : i32
        %cond3A_212 = arith.cmpi ne, %convert_element_type3A_210, %cond3A_211 : i32
        scf.if %cond3A_212 {
          "tpu.trace_start"() <{level = 10 : i32, message = "ep_wait_in"}> : () -> ()
          %mul3A_293 = arith.constant 128 : i32
          %mul3A_294 = arith.muli %mul3A_293, %add3A_147 : i32
          %rem3A_295 = arith.constant 2 : i32
          %rem3A_296 = arith.remui %scan3A_139, %rem3A_295 : i32
          %dma_wait3A = arith.constant 0 : i32
          %dma_wait3A_297 = arith.constant 0 : i32
          %dma_wait3A_298 = tpu.memref_slice %run_scoped3A[%rem3A_296, %dma_wait3A, %dma_wait3A_297] : memref<2x128x128xf32, #tpu.memory_space<vmem>> -> memref<1x128x128xf32, #tpu.memory_space<vmem>>
          %dma_wait3A_299 = tpu.memref_squeeze %dma_wait3A_298 : memref<1x128x128xf32, #tpu.memory_space<vmem>> -> memref<128x128xf32, #tpu.memory_space<vmem>>
          %dma_wait3A_300 = arith.constant 0 : i32
          %dma_wait3A_301 = tpu.memref_slice %arg2[%mul3A_294, %dma_wait3A_300] : memref<102400x128xf32, #tpu.memory_space<hbm>> -> memref<128x128xf32, #tpu.memory_space<hbm>>
          %dma_wait3A_302 = tpu.memref_slice %run_scoped3A_15[%rem3A_296] : memref<2x!tpu.dma_semaphore, #tpu.memory_space<semaphore_mem>> -> memref<1x!tpu.dma_semaphore, #tpu.memory_space<semaphore_mem>>
          %dma_wait3A_303 = tpu.memref_squeeze %dma_wait3A_302 : memref<1x!tpu.dma_semaphore, #tpu.memory_space<semaphore_mem>> -> memref<!tpu.dma_semaphore, #tpu.memory_space<semaphore_mem>>
          %dma_wait3A_304 = arith.constant 0 : i32
          %dma_wait3A_305 = arith.constant 0 : i32
          %dma_wait3A_306 = tpu.memref_slice %run_scoped3A[%rem3A_296, %dma_wait3A_304, %dma_wait3A_305] : memref<2x128x128xf32, #tpu.memory_space<vmem>> -> memref<1x128x128xf32, #tpu.memory_space<vmem>>
          %dma_wait3A_307 = tpu.memref_squeeze %dma_wait3A_306 : memref<1x128x128xf32, #tpu.memory_space<vmem>> -> memref<128x128xf32, #tpu.memory_space<vmem>>
          %dma_wait3A_308 = arith.constant 0 : i32
          %dma_wait3A_309 = tpu.memref_slice %arg2[%mul3A_294, %dma_wait3A_308] : memref<102400x128xf32, #tpu.memory_space<hbm>> -> memref<128x128xf32, #tpu.memory_space<hbm>>
          tpu.wait_dma2 semaphore(%dma_wait3A_303 : memref<!tpu.dma_semaphore, #tpu.memory_space<semaphore_mem>>) src(%dma_wait3A_309 : memref<128x128xf32, #tpu.memory_space<hbm>>) dst(%dma_wait3A_307 : memref<128x128xf32, #tpu.memory_space<vmem>>)
          "tpu.trace_stop"() : () -> ()
        } else {
        }
        %ne3A_213 = arith.cmpi ne, %add3A_147, %add3A_156 : i32
        %or3A_214 = arith.constant false
        %or3A_215 = arith.ori %or3A_214, %ne3A_213 : i1
        %or3A_216 = arith.ori %or3A_215, %eq3A_144 : i1
        %convert_element_type3A_217 = arith.extui %or3A_216 : i1 to i32
        %cond3A_218 = arith.constant 0 : i32
        %cond3A_219 = arith.cmpi ne, %convert_element_type3A_217, %cond3A_218 : i32
        scf.if %cond3A_219 {
          "tpu.trace_start"() <{level = 10 : i32, message = "ep_wait_in"}> : () -> ()
          %mul3A_293 = arith.constant 128 : i32
          %mul3A_294 = arith.muli %mul3A_293, %add3A_147 : i32
          %rem3A_295 = arith.constant 2 : i32
          %rem3A_296 = arith.remui %scan3A_141, %rem3A_295 : i32
          %dma_wait3A = arith.constant 0 : i32
          %dma_wait3A_297 = arith.constant 0 : i32
          %dma_wait3A_298 = tpu.memref_slice %run_scoped3A_16[%rem3A_296, %dma_wait3A, %dma_wait3A_297] : memref<2x1x128xi32, #tpu.memory_space<vmem>> -> memref<1x1x128xi32, #tpu.memory_space<vmem>>
          %dma_wait3A_299 = tpu.memref_squeeze %dma_wait3A_298 : memref<1x1x128xi32, #tpu.memory_space<vmem>> -> memref<1x128xi32, #tpu.memory_space<vmem>>
          %dma_wait3A_300 = arith.constant 0 : i32
          %dma_wait3A_301 = tpu.memref_slice %arg3[%dma_wait3A_300, %mul3A_294] : memref<1x102400xi32, #tpu.memory_space<hbm>> -> memref<1x128xi32, #tpu.memory_space<hbm>>
          %dma_wait3A_302 = tpu.memref_slice %run_scoped3A_17[%rem3A_296] : memref<2x!tpu.dma_semaphore, #tpu.memory_space<semaphore_mem>> -> memref<1x!tpu.dma_semaphore, #tpu.memory_space<semaphore_mem>>
          %dma_wait3A_303 = tpu.memref_squeeze %dma_wait3A_302 : memref<1x!tpu.dma_semaphore, #tpu.memory_space<semaphore_mem>> -> memref<!tpu.dma_semaphore, #tpu.memory_space<semaphore_mem>>
          %dma_wait3A_304 = arith.constant 0 : i32
          %dma_wait3A_305 = arith.constant 0 : i32
          %dma_wait3A_306 = tpu.memref_slice %run_scoped3A_16[%rem3A_296, %dma_wait3A_304, %dma_wait3A_305] : memref<2x1x128xi32, #tpu.memory_space<vmem>> -> memref<1x1x128xi32, #tpu.memory_space<vmem>>
          %dma_wait3A_307 = tpu.memref_squeeze %dma_wait3A_306 : memref<1x1x128xi32, #tpu.memory_space<vmem>> -> memref<1x128xi32, #tpu.memory_space<vmem>>
          %dma_wait3A_308 = arith.constant 0 : i32
          %dma_wait3A_309 = tpu.memref_slice %arg3[%dma_wait3A_308, %mul3A_294] : memref<1x102400xi32, #tpu.memory_space<hbm>> -> memref<1x128xi32, #tpu.memory_space<hbm>>
          tpu.wait_dma2 semaphore(%dma_wait3A_303 : memref<!tpu.dma_semaphore, #tpu.memory_space<semaphore_mem>>) src(%dma_wait3A_309 : memref<1x128xi32, #tpu.memory_space<hbm>>) dst(%dma_wait3A_307 : memref<1x128xi32, #tpu.memory_space<vmem>>)
          "tpu.trace_stop"() : () -> ()
        } else {
        }
        %rem3A_220 = arith.constant 2 : i32
        %rem3A_221 = arith.remui %scan3A_139, %rem3A_220 : i32
        %rem3A_222 = arith.constant 2 : i32
        %rem3A_223 = arith.remui %scan3A_141, %rem3A_222 : i32
        %run_scoped3A_224 = arith.constant 0 : i32
        "tpu.trace_start"() <{level = 10 : i32, message = "ep_run_kernel"}> : () -> ()
        "tpu.region"() ({
          %run_scoped3A_293 = tpu.sem_alloc : memref<!tpu.dma_semaphore, #tpu.memory_space<semaphore_mem>>
          %dma_start3A_294 = arith.constant 0 : i32
          %dma_start3A_295 = arith.constant 0 : i32
          %dma_start3A_296 = tpu.memref_slice %run_scoped3A[%rem3A_221, %dma_start3A_294, %dma_start3A_295] : memref<2x128x128xf32, #tpu.memory_space<vmem>> -> memref<1x128x128xf32, #tpu.memory_space<vmem>>
          %dma_start3A_297 = tpu.memref_squeeze %dma_start3A_296 : memref<1x128x128xf32, #tpu.memory_space<vmem>> -> memref<128x128xf32, #tpu.memory_space<vmem>>
          %dma_start3A_298 = arith.constant 0 : i32
          %dma_start3A_299 = arith.constant 0 : i32
          %dma_start3A_300 = tpu.memref_slice %run_scoped3A_16[%rem3A_223, %dma_start3A_298, %dma_start3A_299] : memref<2x1x128xi32, #tpu.memory_space<vmem>> -> memref<1x1x128xi32, #tpu.memory_space<vmem>>
          %dma_start3A_301 = tpu.memref_squeeze %dma_start3A_300 : memref<1x1x128xi32, #tpu.memory_space<vmem>> -> memref<1x128xi32, #tpu.memory_space<vmem>>
          %dma_start3A_302 = arith.constant 0 : i32
          %dma_start3A_303 = tpu.memref_slice %dma_start3A_301[%run_scoped3A_224, %dma_start3A_302] : memref<1x128xi32, #tpu.memory_space<vmem>> -> memref<1x128xi32, #tpu.memory_space<vmem>>
          %dma_start3A_304 = tpu.memref_squeeze %dma_start3A_303 : memref<1x128xi32, #tpu.memory_space<vmem>> -> memref<128xi32, #tpu.memory_space<vmem>>
          %dma_start3A_305 = arith.constant 0 : i32
          %dma_start3A_306 = arith.constant 0 : i32
          %dma_start3A_307 = tpu.memref_slice %arg6[%dma_start3A_305, %dma_start3A_306] : memref<10240x128xf32, #tpu.memory_space<vmem_shared>> -> memref<10240x128xf32, #tpu.memory_space<vmem_shared>>
          tpu.enqueue_indirect_dma source(%dma_start3A_297 : memref<128x128xf32, #tpu.memory_space<vmem>>) target(%dma_start3A_307 : memref<10240x128xf32, #tpu.memory_space<vmem_shared>>) offsets(%dma_start3A_304 : memref<128xi32, #tpu.memory_space<vmem>>) semaphore(%run_scoped3A_293 : memref<!tpu.dma_semaphore, #tpu.memory_space<semaphore_mem>>) {add = true}
          %dma_wait3A = arith.constant 0 : i32
          %dma_wait3A_308 = arith.constant 0 : i32
          %dma_wait3A_309 = tpu.memref_slice %run_scoped3A[%rem3A_221, %dma_wait3A, %dma_wait3A_308] : memref<2x128x128xf32, #tpu.memory_space<vmem>> -> memref<1x128x128xf32, #tpu.memory_space<vmem>>
          %dma_wait3A_310 = tpu.memref_squeeze %dma_wait3A_309 : memref<1x128x128xf32, #tpu.memory_space<vmem>> -> memref<128x128xf32, #tpu.memory_space<vmem>>
          %dma_wait3A_311 = arith.constant 0 : i32
          %dma_wait3A_312 = arith.constant 0 : i32
          %dma_wait3A_313 = tpu.memref_slice %run_scoped3A_16[%rem3A_223, %dma_wait3A_311, %dma_wait3A_312] : memref<2x1x128xi32, #tpu.memory_space<vmem>> -> memref<1x1x128xi32, #tpu.memory_space<vmem>>
          %dma_wait3A_314 = tpu.memref_squeeze %dma_wait3A_313 : memref<1x1x128xi32, #tpu.memory_space<vmem>> -> memref<1x128xi32, #tpu.memory_space<vmem>>
          %dma_wait3A_315 = arith.constant 0 : i32
          %dma_wait3A_316 = tpu.memref_slice %dma_wait3A_314[%run_scoped3A_224, %dma_wait3A_315] : memref<1x128xi32, #tpu.memory_space<vmem>> -> memref<1x128xi32, #tpu.memory_space<vmem>>
          %dma_wait3A_317 = tpu.memref_squeeze %dma_wait3A_316 : memref<1x128xi32, #tpu.memory_space<vmem>> -> memref<128xi32, #tpu.memory_space<vmem>>
          %dma_wait3A_318 = arith.constant 0 : i32
          %dma_wait3A_319 = arith.constant 0 : i32
          %dma_wait3A_320 = tpu.memref_slice %arg6[%dma_wait3A_318, %dma_wait3A_319] : memref<10240x128xf32, #tpu.memory_space<vmem_shared>> -> memref<10240x128xf32, #tpu.memory_space<vmem_shared>>
          tpu.wait_indirect_dma semaphore(%run_scoped3A_293 : memref<!tpu.dma_semaphore, #tpu.memory_space<semaphore_mem>>) src(%dma_wait3A_310 : memref<128x128xf32, #tpu.memory_space<vmem>>) dst(%dma_wait3A_320 : memref<10240x128xf32, #tpu.memory_space<vmem_shared>>)
          tpu.yield
        }) : () -> ()
        "tpu.trace_stop"() : () -> ()
        %ne3A_225 = arith.cmpi ne, %add3A_147, %add3A_165 : i32
        %or3A_226 = arith.constant false
        %or3A_227 = arith.ori %or3A_226, %ne3A_225 : i1
        %or3A_228 = arith.constant false
        %or3A_229 = arith.ori %or3A_227, %or3A_228 : i1
        %or3A_230 = arith.ori %or3A_229, %eq3A_146 : i1
        %convert_element_type3A_231 = arith.extui %or3A_230 : i1 to i32
        %cond3A_232 = arith.constant 0 : i32
        %cond3A_233 = arith.cmpi ne, %convert_element_type3A_231, %cond3A_232 : i32
        scf.if %cond3A_233 {
        } else {
        }
        %and3A_234 = arith.constant false
        %and3A_235 = arith.andi %or3A_230, %and3A_234 : i1
        %ne3A_236 = arith.cmpi ne, %add3A_147, %add3A_165 : i32
        %or3A_237 = arith.constant false
        %or3A_238 = arith.ori %or3A_237, %ne3A_236 : i1
        %or3A_239 = arith.ori %or3A_238, %eq3A_146 : i1
        %convert_element_type3A_240 = arith.extui %or3A_239 : i1 to i32
        %cond3A_241 = arith.constant 0 : i32
        %cond3A_242 = arith.cmpi ne, %convert_element_type3A_240, %cond3A_241 : i32
        scf.if %cond3A_242 {
        } else {
        }
        %and3A_243 = arith.constant false
        %and3A_244 = arith.andi %or3A_239, %and3A_243 : i1
        %ne3A_245 = arith.cmpi ne, %add3A_147, %add3A_156 : i32
        %or3A_246 = arith.constant false
        %or3A_247 = arith.ori %or3A_246, %ne3A_245 : i1
        %or3A_248 = arith.constant false
        %or3A_249 = arith.ori %or3A_247, %or3A_248 : i1
        %not3A_250 = arith.constant true
        %not3A_251 = arith.xori %eq3A_144, %not3A_250 : i1
        %and3A_252 = arith.andi %or3A_249, %not3A_251 : i1
        %convert_element_type3A_253 = arith.extui %and3A_252 : i1 to i32
        %cond3A_254 = arith.constant 0 : i32
        %cond3A_255 = arith.cmpi ne, %convert_element_type3A_253, %cond3A_254 : i32
        scf.if %cond3A_255 {
        } else {
        }
        %and3A_256 = arith.constant false
        %and3A_257 = arith.andi %and3A_252, %and3A_256 : i1
        %ne3A_258 = arith.cmpi ne, %add3A_147, %add3A_156 : i32
        %or3A_259 = arith.constant false
        %or3A_260 = arith.ori %or3A_259, %ne3A_258 : i1
        %not3A_261 = arith.constant true
        %not3A_262 = arith.xori %eq3A_144, %not3A_261 : i1
        %and3A_263 = arith.andi %or3A_260, %not3A_262 : i1
        %convert_element_type3A_264 = arith.extui %and3A_263 : i1 to i32
        %cond3A_265 = arith.constant 0 : i32
        %cond3A_266 = arith.cmpi ne, %convert_element_type3A_264, %cond3A_265 : i32
        scf.if %cond3A_266 {
        } else {
        }
        %and3A_267 = arith.constant false
        %and3A_268 = arith.andi %and3A_263, %and3A_267 : i1
        %ne3A_269 = arith.cmpi ne, %add3A_147, %add3A_165 : i32
        %or3A_270 = arith.constant false
        %or3A_271 = arith.ori %or3A_270, %ne3A_269 : i1
        %or3A_272 = arith.constant false
        %or3A_273 = arith.ori %or3A_271, %or3A_272 : i1
        %or3A_274 = arith.ori %or3A_273, %eq3A_146 : i1
        %add3A_275 = arith.constant 1 : i32
        %add3A_276 = arith.addi %scan3A_139, %add3A_275 : i32
        %select_n3A_277 = arith.select %or3A_274, %add3A_276, %scan3A_139 : i32
        %ne3A_278 = arith.cmpi ne, %add3A_147, %add3A_165 : i32
        %or3A_279 = arith.constant false
        %or3A_280 = arith.ori %or3A_279, %ne3A_278 : i1
        %or3A_281 = arith.ori %or3A_280, %eq3A_146 : i1
        %add3A_282 = arith.constant 1 : i32
        %add3A_283 = arith.addi %scan3A_141, %add3A_282 : i32
        %select_n3A_284 = arith.select %or3A_281, %add3A_283, %scan3A_141 : i32
        %add3A_285 = arith.constant 1 : i32
        %add3A_286 = arith.addi %scan3A_142, %add3A_285 : i32
        %select_n3A_287 = arith.constant true
        %select_n3A_288 = arith.select %select_n3A_287, %add3A_286, %scan3A_142 : i32
        %eq3A_289 = arith.constant 25 : i32
        %eq3A_290 = arith.cmpi eq, %select_n3A_288, %eq3A_289 : i32
        %select_n3A_291 = arith.constant 0 : i32
        %select_n3A_292 = arith.select %eq3A_290, %select_n3A_291, %select_n3A_288 : i32
        scf.yield %select_n3A_187, %select_n3A_277, %select_n3A_203, %select_n3A_284, %select_n3A_292 : i32, i32, i32, i32, i32
      }
      %scan3A_101 = arith.constant 25 : i32
      %sub3A = arith.constant 1 : i32
      %sub3A_102 = arith.subi %scan3A_100#4, %sub3A : i32
      %select_n3A_103 = arith.constant true
      %select_n3A_104 = arith.select %select_n3A_103, %sub3A_102, %scan3A_100#4 : i32
      %eq3A_105 = arith.constant -1 : i32
      %eq3A_106 = arith.cmpi eq, %select_n3A_104, %eq3A_105 : i32
      %select_n3A_107 = arith.constant 24 : i32
      %select_n3A_108 = arith.select %eq3A_106, %select_n3A_107, %select_n3A_104 : i32
      %add3A_109 = arith.addi %select_n3A_108, %mul3A_8 : i32
      %sub3A_110 = arith.constant 1 : i32
      %sub3A_111 = arith.subi %select_n3A_108, %sub3A_110 : i32
      %select_n3A_112 = arith.constant true
      %select_n3A_113 = arith.select %select_n3A_112, %sub3A_111, %select_n3A_108 : i32
      %eq3A_114 = arith.constant -1 : i32
      %eq3A_115 = arith.cmpi eq, %select_n3A_113, %eq3A_114 : i32
      %select_n3A_116 = arith.constant 24 : i32
      %select_n3A_117 = arith.select %eq3A_115, %select_n3A_116, %select_n3A_113 : i32
      %add3A_118 = arith.addi %select_n3A_117, %mul3A_8 : i32
      %add3A_119 = arith.constant 1 : i32
      %add3A_120 = arith.addi %select_n3A_108, %add3A_119 : i32
      %select_n3A_121 = arith.constant true
      %select_n3A_122 = arith.select %select_n3A_121, %add3A_120, %select_n3A_108 : i32
      %eq3A_123 = arith.constant 25 : i32
      %eq3A_124 = arith.cmpi eq, %select_n3A_122, %eq3A_123 : i32
      %select_n3A_125 = arith.constant 0 : i32
      %select_n3A_126 = arith.select %eq3A_124, %select_n3A_125, %select_n3A_122 : i32
      %add3A_127 = arith.addi %select_n3A_126, %mul3A_8 : i32
      %add3A_128 = arith.constant 1 : i32
      %add3A_129 = arith.addi %select_n3A_126, %add3A_128 : i32
      %select_n3A_130 = arith.constant true
      %select_n3A_131 = arith.select %select_n3A_130, %add3A_129, %select_n3A_126 : i32
      %eq3A_132 = arith.constant 25 : i32
      %eq3A_133 = arith.cmpi eq, %select_n3A_131, %eq3A_132 : i32
      %select_n3A_134 = arith.constant 0 : i32
      %select_n3A_135 = arith.select %eq3A_133, %select_n3A_134, %select_n3A_131 : i32
      %add3A_136 = arith.addi %select_n3A_135, %mul3A_8 : i32
      tpu.yield
    }) : () -> ()
    %barrier3A_9 = arith.constant 0 : index
    tpu.barrier barrier_id(%barrier3A_9)
    %eq3A_10 = arith.constant 0 : i32
    %eq3A_11 = arith.cmpi eq, %arg1, %eq3A_10 : i32
    %convert_element_type3A_12 = arith.extui %eq3A_11 : i1 to i32
    %cond3A_13 = arith.constant 0 : i32
    %cond3A_14 = arith.cmpi ne, %convert_element_type3A_12, %cond3A_13 : i32
    scf.if %cond3A_14 {
      "tpu.region"() ({
        %run_scoped3A = tpu.sem_alloc : memref<!tpu.dma_semaphore, #tpu.memory_space<semaphore_mem>>
        %dma_start3A = arith.constant 0 : i32
        %dma_start3A_15 = arith.constant 0 : i32
        %dma_start3A_16 = tpu.memref_slice %arg5[%arg0, %dma_start3A, %dma_start3A_15] : memref<2x10240x128xf32, #tpu.memory_space<hbm>> -> memref<1x10240x128xf32, #tpu.memory_space<hbm>>
        %dma_start3A_17 = tpu.memref_squeeze %dma_start3A_16 : memref<1x10240x128xf32, #tpu.memory_space<hbm>> -> memref<10240x128xf32, #tpu.memory_space<hbm>>
        tpu.enqueue_dma source(%arg6 : memref<10240x128xf32, #tpu.memory_space<vmem_shared>>) target(%dma_start3A_17 : memref<10240x128xf32, #tpu.memory_space<hbm>>) target_semaphore(%run_scoped3A : memref<!tpu.dma_semaphore, #tpu.memory_space<semaphore_mem>>)
        %dma_wait3A = arith.constant 0 : i32
        %dma_wait3A_18 = arith.constant 0 : i32
        %dma_wait3A_19 = tpu.memref_slice %arg5[%arg0, %dma_wait3A, %dma_wait3A_18] : memref<2x10240x128xf32, #tpu.memory_space<hbm>> -> memref<1x10240x128xf32, #tpu.memory_space<hbm>>
        %dma_wait3A_20 = tpu.memref_squeeze %dma_wait3A_19 : memref<1x10240x128xf32, #tpu.memory_space<hbm>> -> memref<10240x128xf32, #tpu.memory_space<hbm>>
        tpu.wait_dma2 semaphore(%run_scoped3A : memref<!tpu.dma_semaphore, #tpu.memory_space<semaphore_mem>>) src(%arg6 : memref<10240x128xf32, #tpu.memory_space<vmem_shared>>) dst(%dma_wait3A_20 : memref<10240x128xf32, #tpu.memory_space<hbm>>)
        tpu.yield
      }) : () -> ()
    } else {
    }
    return
  }
}

module attributes {stable_mosaic.version = 14 : i64} {
  func.func @body(%arg0: i32, %arg1: memref<2048x128xf32, #tpu.memory_space<vmem>>, %arg2: memref<2048x128xf32, #tpu.memory_space<vmem>>, %arg3: memref<128x256xbf16, #tpu.memory_space<vmem>>, %arg4: memref<128x256xbf16, #tpu.memory_space<vmem>>, %arg5: memref<1x256xf32, #tpu.memory_space<vmem>>, %arg6: memref<256x256xbf16, #tpu.memory_space<vmem>>, %arg7: memref<1x256xf32, #tpu.memory_space<vmem>>, %arg8: memref<2048x128xf32, #tpu.memory_space<vmem>>, %arg9: memref<2048x128xf32, #tpu.memory_space<vmem>>) attributes {dimension_semantics = [#tpu.dimension_semantics<arbitrary>], iteration_bounds = array<i64: 64>, scalar_prefetch = 0 : i64, scratch_operands = 0 : i64, tpu.core_type = #tpu.core_type<tc>, window_params = [{transform_indices = @transform_0, window_bounds = array<i64: 2048, 128>}, {transform_indices = @transform_1, window_bounds = array<i64: 2048, 128>}, {pipeline_mode = #tpu.pipeline_mode<synchronous>, transform_indices = @transform_2, window_bounds = array<i64: 128, 256>}, {pipeline_mode = #tpu.pipeline_mode<synchronous>, transform_indices = @transform_3, window_bounds = array<i64: 128, 256>}, {pipeline_mode = #tpu.pipeline_mode<synchronous>, transform_indices = @transform_4, window_bounds = array<i64: 1, 256>}, {pipeline_mode = #tpu.pipeline_mode<synchronous>, transform_indices = @transform_5, window_bounds = array<i64: 256, 256>}, {pipeline_mode = #tpu.pipeline_mode<synchronous>, transform_indices = @transform_6, window_bounds = array<i64: 1, 256>}, {transform_indices = @transform_7, window_bounds = array<i64: 2048, 128>}, {transform_indices = @transform_8, window_bounds = array<i64: 2048, 128>}]} {
    %get3A = arith.constant 0 : index
    %get3A_0 = arith.constant 0 : index
    %get3A_1 = vector.load %arg1[%get3A, %get3A_0] : memref<2048x128xf32, #tpu.memory_space<vmem>>, vector<2048x128xf32>
    %get3A_2 = arith.constant 0 : index
    %get3A_3 = arith.constant 0 : index
    %get3A_4 = vector.load %arg2[%get3A_2, %get3A_3] : memref<2048x128xf32, #tpu.memory_space<vmem>>, vector<2048x128xf32>
    %convert_element_type3A = arith.truncf %get3A_1 : vector<2048x128xf32> to vector<2048x128xbf16>
    %get3A_5 = arith.constant 0 : index
    %get3A_6 = arith.constant 0 : index
    %get3A_7 = vector.load %arg3[%get3A_5, %get3A_6] : memref<128x256xbf16, #tpu.memory_space<vmem>>, vector<128x256xbf16>
    %dot_general3A = arith.constant dense<0.000000e+00> : vector<2048x256xf32>
    %dot_general3A_8 = tpu.matmul %convert_element_type3A, %get3A_7, %dot_general3A {dimension_numbers = #tpu.dot_dimension_numbers<[1], [0], [0], [1], [0, 0, 1, 1], [], []>, transpose_lhs_hint = false} : vector<2048x128xbf16>, vector<128x256xbf16>, vector<2048x256xf32> -> vector<2048x256xf32>
    %convert_element_type3A_9 = arith.truncf %get3A_4 : vector<2048x128xf32> to vector<2048x128xbf16>
    %get3A_10 = arith.constant 0 : index
    %get3A_11 = arith.constant 0 : index
    %get3A_12 = vector.load %arg4[%get3A_10, %get3A_11] : memref<128x256xbf16, #tpu.memory_space<vmem>>, vector<128x256xbf16>
    %dot_general3A_13 = arith.constant dense<0.000000e+00> : vector<2048x256xf32>
    %dot_general3A_14 = tpu.matmul %convert_element_type3A_9, %get3A_12, %dot_general3A_13 {dimension_numbers = #tpu.dot_dimension_numbers<[1], [0], [0], [1], [0, 0, 1, 1], [], []>, transpose_lhs_hint = false} : vector<2048x128xbf16>, vector<128x256xbf16>, vector<2048x256xf32> -> vector<2048x256xf32>
    %add3A = arith.addf %dot_general3A_8, %dot_general3A_14 : vector<2048x256xf32>
    %get3A_15 = arith.constant 0 : index
    %get3A_16 = arith.constant 0 : index
    %get3A_17 = vector.load %arg5[%get3A_15, %get3A_16] : memref<1x256xf32, #tpu.memory_space<vmem>>, vector<1x256xf32>
    %add3A_18 = vector.broadcast %get3A_17 : vector<1x256xf32> to vector<2048x256xf32>
    %add3A_19 = arith.addf %add3A, %add3A_18 : vector<2048x256xf32>
    %max3A = arith.constant 0.000000e+00 : f32
    %max3A_20 = vector.broadcast %max3A : f32 to vector<2048x256xf32>
    %max3A_21 = arith.maximumf %add3A_19, %max3A_20 : vector<2048x256xf32>
    %convert_element_type3A_22 = arith.truncf %max3A_21 : vector<2048x256xf32> to vector<2048x256xbf16>
    %get3A_23 = arith.constant 0 : index
    %get3A_24 = arith.constant 0 : index
    %get3A_25 = vector.load %arg6[%get3A_23, %get3A_24] : memref<256x256xbf16, #tpu.memory_space<vmem>>, vector<256x256xbf16>
    %dot_general3A_26 = arith.constant dense<0.000000e+00> : vector<2048x256xf32>
    %dot_general3A_27 = tpu.matmul %convert_element_type3A_22, %get3A_25, %dot_general3A_26 {dimension_numbers = #tpu.dot_dimension_numbers<[1], [0], [0], [1], [0, 0, 1, 1], [], []>, transpose_lhs_hint = false} : vector<2048x256xbf16>, vector<256x256xbf16>, vector<2048x256xf32> -> vector<2048x256xf32>
    %get3A_28 = arith.constant 0 : index
    %get3A_29 = arith.constant 0 : index
    %get3A_30 = vector.load %arg7[%get3A_28, %get3A_29] : memref<1x256xf32, #tpu.memory_space<vmem>>, vector<1x256xf32>
    %add3A_31 = vector.broadcast %get3A_30 : vector<1x256xf32> to vector<2048x256xf32>
    %add3A_32 = arith.addf %dot_general3A_27, %add3A_31 : vector<2048x256xf32>
    %slice3A = vector.extract_strided_slice %add3A_32 {offsets = [0, 0], sizes = [2048, 128], strides = [1, 1]} : vector<2048x256xf32> to vector<2048x128xf32>
    %add3A_33 = arith.addf %get3A_1, %slice3A : vector<2048x128xf32>
    %swap3A = arith.constant 0 : index
    %swap3A_34 = arith.constant 0 : index
    %swap3A_35 = vector.load %arg8[%swap3A, %swap3A_34] : memref<2048x128xf32, #tpu.memory_space<vmem>>, vector<2048x128xf32>
    tpu.vector_store %arg8[%swap3A, %swap3A_34], %add3A_33 {strides = array<i32>} : memref<2048x128xf32, #tpu.memory_space<vmem>>, vector<2048x128xf32>,
    %slice3A_36 = vector.extract_strided_slice %add3A_32 {offsets = [0, 128], sizes = [2048, 128], strides = [1, 1]} : vector<2048x256xf32> to vector<2048x128xf32>
    %add3A_37 = arith.addf %get3A_4, %slice3A_36 : vector<2048x128xf32>
    %swap3A_38 = arith.constant 0 : index
    %swap3A_39 = arith.constant 0 : index
    %swap3A_40 = vector.load %arg9[%swap3A_38, %swap3A_39] : memref<2048x128xf32, #tpu.memory_space<vmem>>, vector<2048x128xf32>
    tpu.vector_store %arg9[%swap3A_38, %swap3A_39], %add3A_37 {strides = array<i32>} : memref<2048x128xf32, #tpu.memory_space<vmem>>, vector<2048x128xf32>,
    return
  }
  func.func @transform_0(%arg0: i32) -> (i32, i32) {
    %add3A = arith.constant 0 : i32
    %add3A_0 = arith.addi %arg0, %add3A : i32
    %c0_i32 = arith.constant 0 : i32
    %c0_i32_1 = arith.constant 0 : i32
    return %add3A_0, %c0_i32 : i32, i32
  }
  func.func @transform_1(%arg0: i32) -> (i32, i32) {
    %add3A = arith.constant 64 : i32
    %add3A_0 = arith.addi %arg0, %add3A : i32
    %c0_i32 = arith.constant 0 : i32
    %c0_i32_1 = arith.constant 0 : i32
    return %add3A_0, %c0_i32 : i32, i32
  }
  func.func @transform_2(%arg0: i32) -> (i32, i32) {
    %c0_i32 = arith.constant 0 : i32
    %c0_i32_0 = arith.constant 0 : i32
    %c0_i32_1 = arith.constant 0 : i32
    return %c0_i32, %c0_i32_0 : i32, i32
  }
  func.func @transform_3(%arg0: i32) -> (i32, i32) {
    %c0_i32 = arith.constant 0 : i32
    %c0_i32_0 = arith.constant 0 : i32
    %c0_i32_1 = arith.constant 0 : i32
    return %c0_i32, %c0_i32_0 : i32, i32
  }
  func.func @transform_4(%arg0: i32) -> (i32, i32) {
    %c0_i32 = arith.constant 0 : i32
    %c0_i32_0 = arith.constant 0 : i32
    %c0_i32_1 = arith.constant 0 : i32
    return %c0_i32, %c0_i32_0 : i32, i32
  }
  func.func @transform_5(%arg0: i32) -> (i32, i32) {
    %c0_i32 = arith.constant 0 : i32
    %c0_i32_0 = arith.constant 0 : i32
    %c0_i32_1 = arith.constant 0 : i32
    return %c0_i32, %c0_i32_0 : i32, i32
  }
  func.func @transform_6(%arg0: i32) -> (i32, i32) {
    %c0_i32 = arith.constant 0 : i32
    %c0_i32_0 = arith.constant 0 : i32
    %c0_i32_1 = arith.constant 0 : i32
    return %c0_i32, %c0_i32_0 : i32, i32
  }
  func.func @transform_7(%arg0: i32) -> (i32, i32) {
    %c0_i32 = arith.constant 0 : i32
    %c0_i32_0 = arith.constant 0 : i32
    return %arg0, %c0_i32 : i32, i32
  }
  func.func @transform_8(%arg0: i32) -> (i32, i32) {
    %c0_i32 = arith.constant 0 : i32
    %c0_i32_0 = arith.constant 0 : i32
    return %arg0, %c0_i32 : i32, i32
  }
}

module attributes {stable_mosaic.version = 14 : i64} {
  func.func @body(%arg0: i32, %arg1: memref<2048x128xf32, #tpu.memory_space<vmem>>, %arg2: memref<128x128xbf16, #tpu.memory_space<vmem>>, %arg3: memref<1x128xf32, #tpu.memory_space<vmem>>, %arg4: memref<128x128xbf16, #tpu.memory_space<vmem>>, %arg5: memref<1x128xf32, #tpu.memory_space<vmem>>, %arg6: memref<2048x128xf32, #tpu.memory_space<vmem>>) attributes {dimension_semantics = [#tpu.dimension_semantics<arbitrary>], iteration_bounds = array<i64: 50>, scalar_prefetch = 0 : i64, scratch_operands = 0 : i64, tpu.core_type = #tpu.core_type<tc>, window_params = [{transform_indices = @transform_0, window_bounds = array<i64: 2048, 128>}, {pipeline_mode = #tpu.pipeline_mode<synchronous>, transform_indices = @transform_1, window_bounds = array<i64: 128, 128>}, {pipeline_mode = #tpu.pipeline_mode<synchronous>, transform_indices = @transform_2, window_bounds = array<i64: 1, 128>}, {pipeline_mode = #tpu.pipeline_mode<synchronous>, transform_indices = @transform_3, window_bounds = array<i64: 128, 128>}, {pipeline_mode = #tpu.pipeline_mode<synchronous>, transform_indices = @transform_4, window_bounds = array<i64: 1, 128>}, {transform_indices = @transform_5, window_bounds = array<i64: 2048, 128>}]} {
    %get3A = arith.constant 0 : index
    %get3A_0 = arith.constant 0 : index
    %get3A_1 = vector.load %arg1[%get3A, %get3A_0] : memref<2048x128xf32, #tpu.memory_space<vmem>>, vector<2048x128xf32>
    %convert_element_type3A = arith.truncf %get3A_1 : vector<2048x128xf32> to vector<2048x128xbf16>
    %get3A_2 = arith.constant 0 : index
    %get3A_3 = arith.constant 0 : index
    %get3A_4 = vector.load %arg2[%get3A_2, %get3A_3] : memref<128x128xbf16, #tpu.memory_space<vmem>>, vector<128x128xbf16>
    %dot_general3A = arith.constant dense<0.000000e+00> : vector<2048x128xf32>
    %dot_general3A_5 = tpu.matmul %convert_element_type3A, %get3A_4, %dot_general3A {dimension_numbers = #tpu.dot_dimension_numbers<[1], [0], [0], [1], [0, 0, 1, 1], [], []>, transpose_lhs_hint = false} : vector<2048x128xbf16>, vector<128x128xbf16>, vector<2048x128xf32> -> vector<2048x128xf32>
    %get3A_6 = arith.constant 0 : index
    %get3A_7 = arith.constant 0 : index
    %get3A_8 = vector.load %arg3[%get3A_6, %get3A_7] : memref<1x128xf32, #tpu.memory_space<vmem>>, vector<1x128xf32>
    %add3A = vector.broadcast %get3A_8 : vector<1x128xf32> to vector<2048x128xf32>
    %add3A_9 = arith.addf %dot_general3A_5, %add3A : vector<2048x128xf32>
    %max3A = arith.constant 0.000000e+00 : f32
    %max3A_10 = vector.broadcast %max3A : f32 to vector<2048x128xf32>
    %max3A_11 = arith.maximumf %add3A_9, %max3A_10 : vector<2048x128xf32>
    %convert_element_type3A_12 = arith.truncf %max3A_11 : vector<2048x128xf32> to vector<2048x128xbf16>
    %get3A_13 = arith.constant 0 : index
    %get3A_14 = arith.constant 0 : index
    %get3A_15 = vector.load %arg4[%get3A_13, %get3A_14] : memref<128x128xbf16, #tpu.memory_space<vmem>>, vector<128x128xbf16>
    %dot_general3A_16 = arith.constant dense<0.000000e+00> : vector<2048x128xf32>
    %dot_general3A_17 = tpu.matmul %convert_element_type3A_12, %get3A_15, %dot_general3A_16 {dimension_numbers = #tpu.dot_dimension_numbers<[1], [0], [0], [1], [0, 0, 1, 1], [], []>, transpose_lhs_hint = false} : vector<2048x128xbf16>, vector<128x128xbf16>, vector<2048x128xf32> -> vector<2048x128xf32>
    %add3A_18 = arith.addf %get3A_1, %dot_general3A_17 : vector<2048x128xf32>
    %get3A_19 = arith.constant 0 : index
    %get3A_20 = arith.constant 0 : index
    %get3A_21 = vector.load %arg5[%get3A_19, %get3A_20] : memref<1x128xf32, #tpu.memory_space<vmem>>, vector<1x128xf32>
    %add3A_22 = vector.broadcast %get3A_21 : vector<1x128xf32> to vector<2048x128xf32>
    %add3A_23 = arith.addf %add3A_18, %add3A_22 : vector<2048x128xf32>
    %swap3A = arith.constant 0 : index
    %swap3A_24 = arith.constant 0 : index
    %swap3A_25 = vector.load %arg6[%swap3A, %swap3A_24] : memref<2048x128xf32, #tpu.memory_space<vmem>>, vector<2048x128xf32>
    tpu.vector_store %arg6[%swap3A, %swap3A_24], %add3A_23 {strides = array<i32>} : memref<2048x128xf32, #tpu.memory_space<vmem>>, vector<2048x128xf32>,
    return
  }
  func.func @transform_0(%arg0: i32) -> (i32, i32) {
    %c0_i32 = arith.constant 0 : i32
    %c0_i32_0 = arith.constant 0 : i32
    return %arg0, %c0_i32 : i32, i32
  }
  func.func @transform_1(%arg0: i32) -> (i32, i32) {
    %c0_i32 = arith.constant 0 : i32
    %c0_i32_0 = arith.constant 0 : i32
    %c0_i32_1 = arith.constant 0 : i32
    return %c0_i32, %c0_i32_0 : i32, i32
  }
  func.func @transform_2(%arg0: i32) -> (i32, i32) {
    %c0_i32 = arith.constant 0 : i32
    %c0_i32_0 = arith.constant 0 : i32
    %c0_i32_1 = arith.constant 0 : i32
    return %c0_i32, %c0_i32_0 : i32, i32
  }
  func.func @transform_3(%arg0: i32) -> (i32, i32) {
    %c0_i32 = arith.constant 0 : i32
    %c0_i32_0 = arith.constant 0 : i32
    %c0_i32_1 = arith.constant 0 : i32
    return %c0_i32, %c0_i32_0 : i32, i32
  }
  func.func @transform_4(%arg0: i32) -> (i32, i32) {
    %c0_i32 = arith.constant 0 : i32
    %c0_i32_0 = arith.constant 0 : i32
    %c0_i32_1 = arith.constant 0 : i32
    return %c0_i32, %c0_i32_0 : i32, i32
  }
  func.func @transform_5(%arg0: i32) -> (i32, i32) {
    %c0_i32 = arith.constant 0 : i32
    %c0_i32_0 = arith.constant 0 : i32
    return %arg0, %c0_i32 : i32, i32
  }
}

module attributes {stable_mosaic.version = 14 : i64} {
  func.func @body(%arg0: i32, %arg1: memref<1x1000x128xf32, #tpu.memory_space<vmem>>, %arg2: memref<1x1000x128xf32, #tpu.memory_space<vmem>>, %arg3: memref<1x1000x128xf32, #tpu.memory_space<vmem>>, %arg4: memref<1x1000x128xf32, #tpu.memory_space<vmem>>, %arg5: memref<1x1000x128xf32, #tpu.memory_space<vmem>>, %arg6: memref<1x1000x128xf32, #tpu.memory_space<vmem>>, %arg7: memref<1000x128xf32, #tpu.memory_space<vmem>>, %arg8: memref<256x256xbf16, #tpu.memory_space<vmem>>, %arg9: memref<1x256xf32, #tpu.memory_space<vmem>>, %arg10: memref<256x128xbf16, #tpu.memory_space<vmem>>, %arg11: memref<1x128xf32, #tpu.memory_space<vmem>>, %arg12: memref<1000x128xf32, #tpu.memory_space<vmem>>) attributes {dimension_semantics = [#tpu.dimension_semantics<arbitrary>], iteration_bounds = array<i64: 10>, scalar_prefetch = 0 : i64, scratch_operands = 0 : i64, tpu.core_type = #tpu.core_type<tc>, window_params = [{transform_indices = @transform_0, window_bounds = array<i64: 1, 1000, 128>}, {transform_indices = @transform_1, window_bounds = array<i64: 1, 1000, 128>}, {transform_indices = @transform_2, window_bounds = array<i64: 1, 1000, 128>}, {transform_indices = @transform_3, window_bounds = array<i64: 1, 1000, 128>}, {transform_indices = @transform_4, window_bounds = array<i64: 1, 1000, 128>}, {transform_indices = @transform_5, window_bounds = array<i64: 1, 1000, 128>}, {transform_indices = @transform_6, window_bounds = array<i64: 1000, 128>}, {pipeline_mode = #tpu.pipeline_mode<synchronous>, transform_indices = @transform_7, window_bounds = array<i64: 256, 256>}, {pipeline_mode = #tpu.pipeline_mode<synchronous>, transform_indices = @transform_8, window_bounds = array<i64: 1, 256>}, {pipeline_mode = #tpu.pipeline_mode<synchronous>, transform_indices = @transform_9, window_bounds = array<i64: 256, 128>}, {pipeline_mode = #tpu.pipeline_mode<synchronous>, transform_indices = @transform_10, window_bounds = array<i64: 1, 128>}, {transform_indices = @transform_11, window_bounds = array<i64: 1000, 128>}]} {
    %get3A = arith.constant 0 : index
    %get3A_0 = arith.constant 0 : index
    %get3A_1 = arith.constant 0 : index
    %get3A_2 = vector.load %arg1[%get3A, %get3A_0, %get3A_1] : memref<1x1000x128xf32, #tpu.memory_space<vmem>>, vector<1x1000x128xf32>
    %get3A_3 = vector.shape_cast %get3A_2 : vector<1x1000x128xf32> to vector<1000x128xf32>
    %get3A_4 = arith.constant 0 : index
    %get3A_5 = arith.constant 0 : index
    %get3A_6 = arith.constant 0 : index
    %get3A_7 = vector.load %arg2[%get3A_4, %get3A_5, %get3A_6] : memref<1x1000x128xf32, #tpu.memory_space<vmem>>, vector<1x1000x128xf32>
    %get3A_8 = vector.shape_cast %get3A_7 : vector<1x1000x128xf32> to vector<1000x128xf32>
    %add3A = arith.addf %get3A_3, %get3A_8 : vector<1000x128xf32>
    %get3A_9 = arith.constant 0 : index
    %get3A_10 = arith.constant 0 : index
    %get3A_11 = arith.constant 0 : index
    %get3A_12 = vector.load %arg3[%get3A_9, %get3A_10, %get3A_11] : memref<1x1000x128xf32, #tpu.memory_space<vmem>>, vector<1x1000x128xf32>
    %get3A_13 = vector.shape_cast %get3A_12 : vector<1x1000x128xf32> to vector<1000x128xf32>
    %add3A_14 = arith.addf %add3A, %get3A_13 : vector<1000x128xf32>
    %get3A_15 = arith.constant 0 : index
    %get3A_16 = arith.constant 0 : index
    %get3A_17 = arith.constant 0 : index
    %get3A_18 = vector.load %arg4[%get3A_15, %get3A_16, %get3A_17] : memref<1x1000x128xf32, #tpu.memory_space<vmem>>, vector<1x1000x128xf32>
    %get3A_19 = vector.shape_cast %get3A_18 : vector<1x1000x128xf32> to vector<1000x128xf32>
    %add3A_20 = arith.addf %add3A_14, %get3A_19 : vector<1000x128xf32>
    %get3A_21 = arith.constant 0 : index
    %get3A_22 = arith.constant 0 : index
    %get3A_23 = arith.constant 0 : index
    %get3A_24 = vector.load %arg5[%get3A_21, %get3A_22, %get3A_23] : memref<1x1000x128xf32, #tpu.memory_space<vmem>>, vector<1x1000x128xf32>
    %get3A_25 = vector.shape_cast %get3A_24 : vector<1x1000x128xf32> to vector<1000x128xf32>
    %add3A_26 = arith.addf %add3A_20, %get3A_25 : vector<1000x128xf32>
    %get3A_27 = arith.constant 0 : index
    %get3A_28 = arith.constant 0 : index
    %get3A_29 = arith.constant 0 : index
    %get3A_30 = vector.load %arg6[%get3A_27, %get3A_28, %get3A_29] : memref<1x1000x128xf32, #tpu.memory_space<vmem>>, vector<1x1000x128xf32>
    %get3A_31 = vector.shape_cast %get3A_30 : vector<1x1000x128xf32> to vector<1000x128xf32>
    %add3A_32 = arith.addf %add3A_26, %get3A_31 : vector<1000x128xf32>
    %get3A_33 = arith.constant 0 : index
    %get3A_34 = arith.constant 0 : index
    %get3A_35 = vector.load %arg7[%get3A_33, %get3A_34] : memref<1000x128xf32, #tpu.memory_space<vmem>>, vector<1000x128xf32>
    %concatenate3A = tpu.concatenate %add3A_32, %get3A_35 in 1 : vector<1000x128xf32>, vector<1000x128xf32> -> vector<1000x256xf32>
    %convert_element_type3A = arith.truncf %concatenate3A : vector<1000x256xf32> to vector<1000x256xbf16>
    %get3A_36 = arith.constant 0 : index
    %get3A_37 = arith.constant 0 : index
    %get3A_38 = vector.load %arg8[%get3A_36, %get3A_37] : memref<256x256xbf16, #tpu.memory_space<vmem>>, vector<256x256xbf16>
    %dot_general3A = arith.constant dense<0.000000e+00> : vector<1000x256xf32>
    %dot_general3A_39 = tpu.matmul %convert_element_type3A, %get3A_38, %dot_general3A {dimension_numbers = #tpu.dot_dimension_numbers<[1], [0], [0], [1], [0, 0, 1, 1], [], []>, transpose_lhs_hint = false} : vector<1000x256xbf16>, vector<256x256xbf16>, vector<1000x256xf32> -> vector<1000x256xf32>
    %get3A_40 = arith.constant 0 : index
    %get3A_41 = arith.constant 0 : index
    %get3A_42 = vector.load %arg9[%get3A_40, %get3A_41] : memref<1x256xf32, #tpu.memory_space<vmem>>, vector<1x256xf32>
    %add3A_43 = vector.broadcast %get3A_42 : vector<1x256xf32> to vector<1000x256xf32>
    %add3A_44 = arith.addf %dot_general3A_39, %add3A_43 : vector<1000x256xf32>
    %max3A = arith.constant 0.000000e+00 : f32
    %max3A_45 = vector.broadcast %max3A : f32 to vector<1000x256xf32>
    %max3A_46 = arith.maximumf %add3A_44, %max3A_45 : vector<1000x256xf32>
    %convert_element_type3A_47 = arith.truncf %max3A_46 : vector<1000x256xf32> to vector<1000x256xbf16>
    %get3A_48 = arith.constant 0 : index
    %get3A_49 = arith.constant 0 : index
    %get3A_50 = vector.load %arg10[%get3A_48, %get3A_49] : memref<256x128xbf16, #tpu.memory_space<vmem>>, vector<256x128xbf16>
    %dot_general3A_51 = arith.constant dense<0.000000e+00> : vector<1000x128xf32>
    %dot_general3A_52 = tpu.matmul %convert_element_type3A_47, %get3A_50, %dot_general3A_51 {dimension_numbers = #tpu.dot_dimension_numbers<[1], [0], [0], [1], [0, 0, 1, 1], [], []>, transpose_lhs_hint = false} : vector<1000x256xbf16>, vector<256x128xbf16>, vector<1000x128xf32> -> vector<1000x128xf32>
    %get3A_53 = arith.constant 0 : index
    %get3A_54 = arith.constant 0 : index
    %get3A_55 = vector.load %arg11[%get3A_53, %get3A_54] : memref<1x128xf32, #tpu.memory_space<vmem>>, vector<1x128xf32>
    %add3A_56 = vector.broadcast %get3A_55 : vector<1x128xf32> to vector<1000x128xf32>
    %add3A_57 = arith.addf %dot_general3A_52, %add3A_56 : vector<1000x128xf32>
    %swap3A = arith.constant 0 : index
    %swap3A_58 = arith.constant 0 : index
    %swap3A_59 = vector.load %arg12[%swap3A, %swap3A_58] : memref<1000x128xf32, #tpu.memory_space<vmem>>, vector<1000x128xf32>
    tpu.vector_store %arg12[%swap3A, %swap3A_58], %add3A_57 {strides = array<i32>} : memref<1000x128xf32, #tpu.memory_space<vmem>>, vector<1000x128xf32>,
    return
  }
  func.func @transform_0(%arg0: i32) -> (i32, i32, i32) {
    %c0_i32 = arith.constant 0 : i32
    %c0_i32_0 = arith.constant 0 : i32
    %c0_i32_1 = arith.constant 0 : i32
    return %c0_i32, %arg0, %c0_i32_0 : i32, i32, i32
  }
  func.func @transform_1(%arg0: i32) -> (i32, i32, i32) {
    %c1_i32 = arith.constant 1 : i32
    %c0_i32 = arith.constant 0 : i32
    %c0_i32_0 = arith.constant 0 : i32
    return %c1_i32, %arg0, %c0_i32 : i32, i32, i32
  }
  func.func @transform_2(%arg0: i32) -> (i32, i32, i32) {
    %c0_i32 = arith.constant 0 : i32
    %c0_i32_0 = arith.constant 0 : i32
    %c0_i32_1 = arith.constant 0 : i32
    return %c0_i32, %arg0, %c0_i32_0 : i32, i32, i32
  }
  func.func @transform_3(%arg0: i32) -> (i32, i32, i32) {
    %c1_i32 = arith.constant 1 : i32
    %c0_i32 = arith.constant 0 : i32
    %c0_i32_0 = arith.constant 0 : i32
    return %c1_i32, %arg0, %c0_i32 : i32, i32, i32
  }
  func.func @transform_4(%arg0: i32) -> (i32, i32, i32) {
    %c0_i32 = arith.constant 0 : i32
    %c0_i32_0 = arith.constant 0 : i32
    %c0_i32_1 = arith.constant 0 : i32
    return %c0_i32, %arg0, %c0_i32_0 : i32, i32, i32
  }
  func.func @transform_5(%arg0: i32) -> (i32, i32, i32) {
    %c1_i32 = arith.constant 1 : i32
    %c0_i32 = arith.constant 0 : i32
    %c0_i32_0 = arith.constant 0 : i32
    return %c1_i32, %arg0, %c0_i32 : i32, i32, i32
  }
  func.func @transform_6(%arg0: i32) -> (i32, i32) {
    %c0_i32 = arith.constant 0 : i32
    %c0_i32_0 = arith.constant 0 : i32
    return %arg0, %c0_i32 : i32, i32
  }
  func.func @transform_7(%arg0: i32) -> (i32, i32) {
    %c0_i32 = arith.constant 0 : i32
    %c0_i32_0 = arith.constant 0 : i32
    %c0_i32_1 = arith.constant 0 : i32
    return %c0_i32, %c0_i32_0 : i32, i32
  }
  func.func @transform_8(%arg0: i32) -> (i32, i32) {
    %c0_i32 = arith.constant 0 : i32
    %c0_i32_0 = arith.constant 0 : i32
    %c0_i32_1 = arith.constant 0 : i32
    return %c0_i32, %c0_i32_0 : i32, i32
  }
  func.func @transform_9(%arg0: i32) -> (i32, i32) {
    %c0_i32 = arith.constant 0 : i32
    %c0_i32_0 = arith.constant 0 : i32
    %c0_i32_1 = arith.constant 0 : i32
    return %c0_i32, %c0_i32_0 : i32, i32
  }
  func.func @transform_10(%arg0: i32) -> (i32, i32) {
    %c0_i32 = arith.constant 0 : i32
    %c0_i32_0 = arith.constant 0 : i32
    %c0_i32_1 = arith.constant 0 : i32
    return %c0_i32, %c0_i32_0 : i32, i32
  }
  func.func @transform_11(%arg0: i32) -> (i32, i32) {
    %c0_i32 = arith.constant 0 : i32
    %c0_i32_0 = arith.constant 0 : i32
    return %arg0, %c0_i32 : i32, i32
  }
}

</mosaic_0001>

<sc_bundles>
// kernel: kernel.12.cloned.1.call-start
scs
__scs_entry_jumppad:
0x0: {  	(pc) =	sbr.rel $0x88, $3  }
0x1: {  	(tag) =	ssettag $0x0;
	lr =	simm.s32 $0x1  }
0x2: {  	[smem:$0x3F92] =	sst lr;
	_ =	strace $0xD0000000  }
0x3: {  	_ = 	snop  }
0x4: {  	_ = 	snop  }
0x5: {  	_ = 	snop  }
0x6: {  	_ = 	snop  }
0x7: {  	_ = 	snop  }
__scs_overlays_trampoline_lowered:
0x8: {  	[smem:$0x3FA1] =	sst s0  }
0x9: {  	[smem:$0x3FA2] =	sst s1  }
0xa: {  	[smem:$0x3FA3] =	sst s2  }
0xb: {  	[smem:$0x3FA4] =	sst s3  }
0xc: {  	[smem:$0x3FA5] =	sst s4  }
0xd: {  	[smem:$0x3FA6] =	sst s5  }
0xe: {  	[smem:$0x3FA7] =	sst s6  }
0xf: {  	[smem:$0x3FA8] =	sst s7  }
0x10: {  	[smem:$0x3FA9] =	sst s8  }
0x11: {  	[smem:$0x3FAA] =	sst s9;
	s0 =	simm.s32 @!p0 $0x0  }
0x12: {  	s1 =	sld [smem:$0x3F90];
	s0 =	simm.s32 @p0 $0x1  }
0x13: {  	[smem:$0x3FAB] =	sst s0;
	s0 =	simm.s32 @!p1 $0x0  }
0x14: {  	s2 =	sld [smem:$0x3F8F];
	s0 =	simm.s32 @p1 $0x1  }
0x15: {  	[smem:$0x3FAC] =	sst s0;
	s0 =	simm.s32 @!p2 $0x0  }
0x16: {  	s3 =	sld [smem:$0x3FDB];
	s0 =	simm.s32 @p2 $0x1  }
0x17: {  	s4 =	simm.s32 $0x1BF5;
	[smem:$0x3FAE] =	sst s0  }
0x18: {  	s0 =	sld [smem:$0x3F91];
	_ =	swait.ge [sflag:s4], $0x0  }
0x19: {  	s7 =	sld [smem:$0x3F92]  }
0x1a: {  	s8 =	sadd.s32 $0xFFFFE003, lr  }
0x1b: {  	s9 =	sadd.s32 $0xFFFFFEF7, lr;
	s5 =	simm.s32 $0xFFFFFFFF;
	p2 =	slt.u32 s8, $0xFFFFF086  }
0x1c: {  	p1 =	slt.u32 s9, $0xF7A;
	s5 =	simm.s32 @!p2 $0x0  }
0x1d: {  	s5 =	simm.s32 @p1 $0x1;
	p0 =	seq.s32 s7, s2  }
0x1e: {  	s7 =	smul.u32 @!p0 $0xF7A, s2;
	p2 =	seq.s32 @!p0 s5, $0x0  }
0x1f: {  	s9 =	smul.u32 $0xF7A, s1;
	s8 =	simm.s32 @!p0 $0x1BF5;
	p2 =	por !p2, p0  }
0x20: {  	[sflag:s8] =	ssyncset.s32 @!p0 $0xFFFFF086;
	s6 =	sadd.s32 @!p0 s3, s7;
	s7 =	simm.s32 @!p0 $0x108  }
0x21: {  	s3 =	sadd.s32 s3, s9;
	s6 =	sadd.s32 @!p0 $0x88, s6;
	s7 =	simm.s32 @p2 $0x1082  }
0x22: {  	[simem:s7], [sflag:s8] =	dma.local @!p0 [hbm:s6], $0xF7A  }
0x23: {  	s9 =	sor.u32 $0xD0000000, s2;
	s6 =	simm.s32 $0x108;
	_ =	swait.ge @!p0 [sflag:s8], $0x0  }
0x24: {  	s3 =	sadd.s32 $0x88, s3;
	s6 =	simm.s32 @!p1 $0x1082;
	[sflag:s4] =	ssyncset.s32 $0xFFFFF086  }
0x25: {  	[simem:s6], [sflag:s4] =	dma.local [hbm:s3], $0xF7A  }
0x26: {  	[smem:$0x3F92] =	sst s1;
	(tag) =	ssettag s2;
	_ =	strace s9  }
0x27: {  	s1 =	sld [smem:$0x3FA2]  }
0x28: {  	s2 =	sld [smem:$0x3FA3]  }
0x29: {  	s4 =	sld [smem:$0x3FA5]  }
0x2a: {  	p0 =	seq.s32 s5, $0x0;
	s5 =	sld [smem:$0x3FA6]  }
0x2b: {  	s6 =	sld [smem:$0x3FA7]  }
0x2c: {  	s7 =	sld [smem:$0x3FA8]  }
0x2d: {  	s3 =	simm.s32 $0x108;
	s8 =	sld [smem:$0x3FA9]  }
0x2e: {  	s3 =	simm.s32 @!p0 $0x1082;
	s9 =	sld [smem:$0x3FAA]  }
0x2f: {  	lr =	sadd.s32 s0, s3;
	s0 =	sld [smem:$0x3FA1]  }
0x30: {  	s3 =	sld [smem:$0x3FA4]  }
0x31: {  	[smem:$0x3FAD] =	sst s10  }
0x32: {  	s10 =	sld [smem:$0x3FAB];
	_ =	sdelay $0x3  }
0x33: {  	p0 =	seq.s32 s10, $0x1;
	s10 =	sld [smem:$0x3FAD];
	_ =	sdelay $0x3  }
0x34: {  	[smem:$0x3FAD] =	sst s10  }
0x35: {  	s10 =	sld [smem:$0x3FAC];
	_ =	sdelay $0x3  }
0x36: {  	p1 =	seq.s32 s10, $0x1;
	s10 =	sld [smem:$0x3FAD];
	_ =	sdelay $0x3  }
0x37: {  	[smem:$0x3FAD] =	sst s10  }
0x38: {  	s10 =	sld [smem:$0x3FAE]  }
0x39: {  	_ = 	snop;
	(pc) =	sbr.ind lr, $3  }
0x3a: {  	_ = 	snop  }
0x3b: {  	_ = 	snop  }
0x3c: {  	p2 =	seq.s32 s10, $0x1;
	s10 =	sld [smem:$0x3FAD]  }
0x3d: {  	_ =	shalt  }
0x3e: {  	_ =	shalt  }
0x3f: {  	_ =	shalt  }
0x40: {  	_ =	shalt  }
0x41: {  	_ =	shalt  }
0x42: {  	_ =	shalt  }
0x43: {  	_ =	shalt  }
0x44: {  	_ =	shalt  }
0x45: {  	_ =	shalt  }
0x46: {  	_ =	shalt  }
0x47: {  	_ =	shalt  }
0x48: {  	_ =	shalt  }
0x49: {  	_ =	shalt  }
0x4a: {  	_ =	shalt  }
0x4b: {  	_ =	shalt  }
0x4c: {  	_ =	shalt  }
0x4d: {  	_ =	shalt  }
0x4e: {  	_ =	shalt  }
0x4f: {  	_ =	shalt  }
0x50: {  	_ =	shalt  }
0x51: {  	_ =	shalt  }
0x52: {  	_ =	shalt  }
0x53: {  	_ =	shalt  }
0x54: {  	_ =	shalt  }
0x55: {  	_ =	shalt  }
0x56: {  	_ =	shalt  }
0x57: {  	_ =	shalt  }
0x58: {  	_ =	shalt  }
0x59: {  	_ =	shalt  }
0x5a: {  	_ =	shalt  }
0x5b: {  	_ =	shalt  }
0x5c: {  	_ =	shalt  }
0x5d: {  	_ =	shalt  }
0x5e: {  	_ =	shalt  }
0x5f: {  	_ =	shalt  }
0x60: {  	_ =	shalt  }
0x61: {  	_ =	shalt  }
0x62: {  	_ =	shalt  }
0x63: {  	_ =	shalt  }
0x64: {  	_ =	shalt  }
0x65: {  	_ =	shalt  }
0x66: {  	_ =	shalt  }
0x67: {  	_ =	shalt  }
0x68: {  	_ =	shalt  }
0x69: {  	_ =	shalt  }
0x6a: {  	_ =	shalt  }
0x6b: {  	_ =	shalt  }
0x6c: {  	_ =	shalt  }
0x6d: {  	_ =	shalt  }
0x6e: {  	_ =	shalt  }
0x6f: {  	_ =	shalt  }
0x70: {  	_ =	shalt  }
0x71: {  	_ =	shalt  }
0x72: {  	_ =	shalt  }
0x73: {  	_ =	shalt  }
0x74: {  	_ =	shalt  }
0x75: {  	_ =	shalt  }
0x76: {  	_ =	shalt  }
0x77: {  	_ =	shalt  }
0x78: {  	_ =	shalt  }
0x79: {  	_ =	shalt  }
0x7a: {  	_ =	shalt  }
0x7b: {  	_ =	shalt  }
0x7c: {  	_ =	shalt  }
0x7d: {  	_ =	shalt  }
0x7e: {  	_ =	shalt  }
0x7f: {  	_ =	shalt  }
0x80: {  	_ =	shalt  }
0x81: {  	_ =	shalt  }
0x82: {  	_ =	shalt  }
0x83: {  	_ =	shalt  }
0x84: {  	_ =	shalt  }
0x85: {  	_ =	shalt  }
0x86: {  	_ =	shalt  }
0x87: {  	_ =	shalt  }
.Lfunc_end0:
.L_simem_size_0:
called_computation_lowered:
.L_overlay_start_0:
0x88: {  	s2 =	sld [smem:$0x3FD9]  }
0x89: {  	s3 =	sld [smem:$0x3FFE];
	_ =	sdelay $0x1  }
0x8a: {  	s1 =	srdreg.scid  }
0x8b: {  	s0 =	sand.u32 $0x1, s1  }
0x8c: {  	s17 =	sshll.u32 s0, $0xA;
	s2 =	sadd.s32 s3, s2  }
0x8d: {  	s2 =	sadd.s32 s2, s17  }
0x8e: {  	[smem:$0x3FB9] =	sst s2  }
0x8f: {  	_ = 	snop  }
0x90: {  	s18 =	sld [smem:$0x3FC9];
	(tm) =	ssettm $0x1  }
0x91: {  	s19 =	sld [smem:$0x3FFB];
	_ =	sdelay $0x3  }
0x92: {  	_ =	strace s19  }
0x93: {  	s2 =	sld [smem:$0x3FFC];
	_ =	sdelay $0x3  }
0x94: {  	_ =	strace s2  }
0x95: {  	s2 =	sld [smem:$0x3FFD];
	_ =	sdelay $0x3  }
0x96: {  	_ =	strace s2  }
0x97: {  	_ =	strace $0x8FFFFFFF  }
0x98: {  	s20 =	sld [smem:$0x3FDB];
	_ =	sdelay $0x1  }
0x99: {  	s4 =	simm.s32 $_scs_section_size  }
0x9a: {  	s5 =	simm.s32 $_size__tile_overlayer_lowered;
	s6 =	simm.s32 $_tile_overlayer_lowered  }
0x9b: {  	s7 =	simm.s32 $0x1BFF;
	s21 =	sshll.u32 s6, $0x1;
	s4 =	sadd.s32 s4, s20  }
0x9c: {  	s22 =	simm.s32 $0x0;
	s5 =	sshll.u32 s5, $0x1;
	s6 =	sadd.s32 s21, s4  }
0x9d: {  	[timem:s22], [sflag:s7] =	dma.local [hbm:s6], s5  }
0x9e: {  	_ =	swait.ge [sflag:s7], s5  }
0x9f: {  	s5 =	ssub.s32 $0x0, s5;
	[sflag:s7] =	ssyncset.done $0x0  }
0xa0: {  	[sflag:s7] =	ssyncadd.s32 s5;
	_ =	sdelay $0x1  }
0xa1: {  	s23 =	simm.s32 $0x1B8B  }
0xa2: {  	_ =	swait.ge [sflag:s23], $0x1  }
0xa3: {  	[sflag:s23] =	ssyncset.done $0x0  }
0xa4: {  	[sflag:s23] =	ssyncadd.s32 $0xFFFFFFFF  }
0xa5: {  	s5 =	sld [smem:$0x0]  }
0xa6: {  	s6 =	sand.u32 $0xFFFFFFFE, s1  }
0xa7: {  	p0 =	sne.s32 s1, s6  }
0xa8: {  	s6 =	sshll.u32 @p0 s6, $0xE  }
0xa9: {  	s6 =	sadd.s32 @p0 $0x11B8D, s6;
	s7 =	sshll.u32 @p0 s5, $0x11  }
0xaa: {  	s6 =	sor.u32 @p0 s7, s6  }
0xab: {  	[sflag:s6] =	ssyncadd.remote.s32 @p0 $0x1;
	_ =	sdelay $0x1  }
0xac: {  	s6 =	simm.s32 @p0 $0x1B8D  }
0xad: {  	_ =	swait.eq @p0 [sflag:s6], $0x1  }
0xae: {  	[sflag:s6] =	ssyncadd.s32 @p0 $0xFFFFFFFF  }
0xaf: {  	s7 =	sshll.u32 @!p0 s1, $0xE  }
0xb0: {  	s7 =	sor.u32 @!p0 $0x4000, s7;
	s6 =	simm.s32 @!p0 $0x1B8D  }
0xb1: {  	s5 =	sshll.u32 @!p0 s5, $0x11;
	s7 =	sadd.s32 @!p0 $0x11B8D, s7;
	_ =	swait.eq @!p0 [sflag:s6], $0x1  }
0xb2: {  	s5 =	sor.u32 @!p0 s5, s7;
	[sflag:s6] =	ssyncadd.s32 @!p0 $0xFFFFFFFF  }
0xb3: {  	s25 =	simm.s32 $0x1B8E;
	s24 =	sld [smem:$0x3FFE];
	[sflag:s5] =	ssyncadd.remote.s32 @!p0 $0x1  }
0xb4: {  	s26 =	simm.s32 $execute0_lowered;
	[smem:$0x3FD2] =	sst s25  }
0xb5: {  	s6 =	sshll.u32 s26, $0x1;
	_ =	strace $0x8000005A;
	[dreg:$0x1] =	wrdreg $0xFFFFFFFF  }
0xb6: {  	s28 =	simm.s32 $_size_execute0_lowered;
	s4 =	sadd.s32 s4, s6;
	[dreg:$0x0] =	wrdreg $0x0  }
0xb7: {  	s6 =	sshll.u32 s28, $0x1;
	[dreg:$0x2] =	wrdreg s4  }
0xb8: {  	[dreg:$0x3] =	wrdreg s6  }
0xb9: {  	[dreg:$0x4] =	wrdreg $0xC0  }
0xba: {  	_ =	task [dreg:s22], $0x5FFFF  }
0xbb: {  	[dreg:$0x1] =	wrdreg $0xFFFFFFFF  }
0xbc: {  	[dreg:$0x0] =	wrdreg $0x60  }
0xbd: {  	[dreg:$0x2] =	wrdreg s18  }
0xbe: {  	[dreg:$0x3] =	wrdreg s24  }
0xbf: {  	[dreg:$0x4] =	wrdreg $0x0  }
0xc0: {  	[dreg:$0x5] =	wrdreg $0x9  }
0xc1: {  	_ =	task.clear_ibuf [dreg:s22], $0x6FFFF;
	_ =	strace $0x9000005A  }
0xc2: {  	s29 =	simm.s32 $0x9;
	_ =	strace $0x80000063  }
0xc3: {  	_ =	swait.ge [sflag:s29], $0x1  }
0xc4: {  	[sflag:s29] =	ssyncadd.s32 $0xFFFFFFFF  }
0xc5: {  	_ =	strace $0x90000063  }
0xc6: {  	_ =	sfence  }
0xc7: {  	s30 =	sld [smem:$0x0];
	_ =	sdelay $0x2  }
0xc8: {  	s31 =	sshll.u32 s1, $0xD;
	s1 =	sshrl.u32 s1, $0x2  }
0xc9: {  	s4 =	sand.u32 $0x4000, s31;
	s1 =	sadd.s32 s1, s30  }
0xca: {  	s0 =	sor.u32 s4, s0;
	s1 =	sshll.u32 s1, $0x11  }
0xcb: {  	s0 =	sor.u32 s1, s0  }
0xcc: {  	s0 =	sadd.s32 $0x8F2B, s0  }
0xcd: {  	[sflag:s0] =	ssyncadd.remote.s32 $0x1  }
0xce: {  	_ =	sfence.sel $0xFFFF  }
0xcf: {  	[dreg:$0x0] =	wrdreg $0xFFFFFFFF;
	(pc) =	sbr.abs _section_cstart, $3  }
0xd0: {  	[dreg:$0x1] =	wrdreg $0xFFFFFFFF  }
0xd1: {  	_ =	task.clear_ibuf [dreg:s22], $0x2FFFF;
	_ =	strace $0x9FFFFFFF  }
0xd2: {  	(tm) =	ssettm $0x7FFFFFFF  }
0xd3: {  	_ =	shalt  }
tec
execute0_lowered:
.L_overlay_start_1:
0x0: {  	(tag) =	ssettag $0x1  }
0x1: {  	s0 =	rddreg [dreg:$0x0]  }
0x2: {  	s2 =	rddreg [dreg:$0x1]  }
0x3: {  	s1 =	rddreg [dreg:$0x2]  }
0x4: {  	s4 =	simm.s32 $0x0;
	s3 =	srdreg.scid;
	s17 =	simm.s32 $0x80  }
0x5: {  	s18 =	simm.s32 $0x15980;
	s19 =	simm.s32 $0x1;
	s20 =	simm.s32 $0x4  }
0x6: {  	s21 =	simm.s32 $0x0;
	[smem:$0x7FF] =	sst s4;
	s5 =	sand.u32 $0x1, s3  }
0x7: {  	s3 =	stileid.u32;
	s4 =	sadd.s32 $0xD000, s2;
	s28 =	sadd.s32 $0x27000, s0  }
0x8: {  	s9 =	sadd.s32 $0x138000, s1;
	_ =	strace $0x8000005B;
	s6 =	sshll.u32 s5, $0x4  }
0x9: {  	s7 =	ssub.s32 $0x2, s5;
	s5 =	sadd.s32 $0x825000, s2;
	[dreg:$0x4] =	wrdreg s28  }
0xa: {  	[dreg:$0x5] =	wrdreg s9;
	s30 =	sshll.u32 s3, $0xA;
	s6 =	sor.u32 s3, s6  }
0xb: {  	s31 =	sshll.u32 s3, $0xD;
	s26 =	sshrl.u32 s7, $0x1;
	s8 =	smul.u32 $0x190, s6  }
0xc: {  	p0 =	sne.s32 s3, $0xF;
	s2 =	ssub.s32 s7, s26;
	s7 =	smul.u32 $0x19, s6  }
0xd: {  	s6 =	smul.u32 $0xC800, s6;
	s2 =	smax.u32 s2, $0x1;
	s9 =	sadd.s32 s4, s8  }
0xe: {  	s13 =	sadd.s32 s30, s0;
	[dreg:$0x6] =	wrdreg s2;
	s29 =	sadd.s32 $0x10, s9  }
0xf: {  	s14 =	sadd.s32 s31, s1;
	s12 =	sadd.s32 s5, s6;
	[dreg:$0x7] =	wrdreg s29  }
.LBB2_1:
0x10: {  	s0 =	sadd.s32 $0x0, s3  }
0x11: {  	p1 =	sgt.u32 s0, $0x9B  }
0x12: {  	s0 =	simm.s32 @!p1 $0x0;
	s6 =	simm.s32 @!p1 $0x13880;
	s8 =	simm.s32 @!p1 $0x3  }
0x13: {  	[tilespmem:s6], [sflag:$0x3] =	stream.linear.gather @!p1 [hbm4b:s13+s0], $0x2000, $0x38;
	[tilespmem:$0x1D980] =	vst v63  }
0x14: {  	s2 =	simm.s32 $0x20;
	_ =	swait.ge @!p1 [sflag:s8], $0x2000  }
0x15: {  	s31 =	sadd.s32 $0x10, s3;
	[sflag:s8] =	ssyncset.done @!p1 $0x0;
	p1 =	por p1, p1  }
0x16: {  	p2 =	sgt.u32 s31, $0x9B;
	[sflag:s8] =	ssyncadd.s32 @!p1 $0xFFFFE000;
	s8 =	simm.s32 @!p1 $0x2  }
0x17: {  	[spmem:s14] =	stream.linear.scatter @!p1 [tilespmem:s6], [sflag:$0x2], $0x2000, $0x38;
	[tilespmem:$0x1D980] =	vst v63  }
0x18: {  	s0 =	sadd.s32 $0x20000, s14;
	s6 =	sadd.s32 $0x4000, s13;
	_ =	swait.ge @!p1 [sflag:s8], $0x2000  }
.LBB2_2:
0x19: {  	s10 =	simm.s32 @!p2 $0x0;
	s16 =	simm.s32 @!p2 $0x13880;
	[sflag:s8] =	ssyncset.done @!p1 $0x0  }
0x1a: {  	s22 =	smov.u32 s2;
	s23 =	smov.u32 s0;
	s2 =	sadd.s32 $0x10, s2  }
0x1b: {  	s24 =	simm.s32 @!p2 $0x3;
	[sflag:s8] =	ssyncadd.s32 @!p1 $0xFFFFE000;
	p3 =	sne.s32 s2, $0xA0  }
0x1c: {  	[tilespmem:s16], [sflag:$0x3] =	stream.linear.gather @!p2 [hbm4b:s6+s10], $0x2000, $0x38;
	[tilespmem:$0x1D980] =	vst v63  }
.Ltmp0:
0x1d: {  	_ =	swait.ge @!p2 [sflag:s24], $0x2000;
	(pc) =	sbr.rel @p3 .LBB2_2-.Ltmp0, $4  }
0x1e: {  	s0 =	sadd.s32 $0x20000, s0;
	p1 =	por p2, p2;
	[sflag:s24] =	ssyncset.done @!p2 $0x0  }
0x1f: {  	s10 =	sadd.s32 s22, s3;
	s8 =	simm.s32 @!p1 $0x2;
	[sflag:s24] =	ssyncadd.s32 @!p1 $0xFFFFE000  }
0x20: {  	[spmem:s23] =	stream.linear.scatter @!p1 [tilespmem:s16], [sflag:$0x2], $0x2000, $0x38;
	[tilespmem:$0x1D980] =	vst v63  }
0x21: {  	s6 =	sadd.s32 $0x4000, s6;
	p2 =	sgt.u32 s10, $0x9B;
	_ =	swait.ge @!p1 [sflag:s8], $0x2000  }
0x22: {  	s2 =	simm.s32 @!p2 $0x0;
	[sflag:s8] =	ssyncset.done @!p1 $0x0  }
0x23: {  	s10 =	simm.s32 @!p2 $0x13880;
	s16 =	simm.s32 @!p2 $0x3;
	[sflag:s8] =	ssyncadd.s32 @!p1 $0xFFFFE000  }
0x24: {  	[tilespmem:s10], [sflag:$0x3] =	stream.linear.gather @!p2 [hbm4b:s6+s2], $0x2000, $0x38;
	[tilespmem:$0x1D980] =	vst v63  }
0x25: {  	_ =	swait.ge @!p2 [sflag:s16], $0x2000  }
0x26: {  	p1 =	por p2, p2;
	[sflag:s16] =	ssyncset.done @!p2 $0x0  }
0x27: {  	s2 =	simm.s32 @!p1 $0x2;
	[sflag:s16] =	ssyncadd.s32 @!p1 $0xFFFFE000  }
0x28: {  	[spmem:s0] =	stream.linear.scatter @!p1 [tilespmem:s10], [sflag:$0x2], $0x2000, $0x38;
	[tilespmem:$0x1D980] =	vst v63  }
0x29: {  	_ =	swait.ge @!p1 [sflag:s2], $0x2000  }
0x2a: {  	s0 =	simm.s32 @!p0 $0x0;
	[sflag:s2] =	ssyncset.done @!p1 $0x0  }
0x2b: {  	s6 =	rddreg [dreg:$0x4];
	[sflag:s2] =	ssyncadd.s32 @!p1 $0xFFFFE000;
	s2 =	simm.s32 @!p0 $0x13880  }
0x2c: {  	[tilespmem:s2], [sflag:$0x2] =	stream.linear.gather @!p0 [hbm4b:s6+s0], $0x800, $0x38;
	[tilespmem:$0x1D980] =	vst v63  }
0x2d: {  	s0 =	simm.s32 @!p0 $0x2  }
0x2e: {  	_ =	swait.ge @!p0 [sflag:s0], $0x800  }
0x2f: {  	[sflag:s0] =	ssyncset.done @!p0 $0x0  }
0x30: {  	s6 =	rddreg [dreg:$0x5];
	[sflag:s0] =	ssyncadd.s32 @!p0 $0xFFFFF800  }
0x31: {  	[spmem:s6] =	stream.linear.scatter @!p0 [tilespmem:s2], [sflag:$0x2], $0x800, $0x38;
	[tilespmem:$0x1D980] =	vst v63  }
0x32: {  	_ =	swait.ge @!p0 [sflag:s0], $0x800  }
0x33: {  	[sflag:s0] =	ssyncset.done @!p0 $0x0  }
0x34: {  	[sflag:s0] =	ssyncadd.s32 @!p0 $0xFFFFF800  }
0x35: {  	[bflag:$0x0] =	sbarrier.arrive $0xFFFF  }
0x36: {  	s26 =	simm.s32 $0x15880;
	s0 =	simm.s32 $0x0;
	_ =	strace $0x8000005C  }
0x37: {  	[tilespmem:s26], [sflag:$0x2] =	stream.linear.gather [hbm4b:s9+s0], $0x80, $0x200038;
	[tilespmem:$0x1D980] =	vst v63  }
0x38: {  	_ =	strace $0x9000005C  }
0x39: {  	_ =	strace $0x8000005D  }
0x3a: {  	s10 =	simm.s32 $0x15900;
	s8 =	rddreg [dreg:$0x7]  }
0x3b: {  	[tilespmem:s10], [sflag:$0x3] =	stream.linear.gather [hbm4b:s8+s0], $0x80, $0x200038;
	[tilespmem:$0x1D980] =	vst v63  }
0x3c: {  	_ =	strace $0x9000005D  }
0x3d: {  	s2 =	simm.s32 $0x2;
	_ =	strace $0x8000005E  }
0x3e: {  	_ =	swait.ge [sflag:s2], $0x80  }
0x3f: {  	[sflag:s2] =	ssyncset.done $0x0  }
0x40: {  	s11 =	simm.s32 $0x1;
	s15 =	simm.s32 $0x80;
	[sflag:s2] =	ssyncadd.s32 $0xFFFFFF80  }
0x41: {  	s23 =	simm.s32 $0x1;
	s24 =	sand.u32 $0x80, s15;
	_ =	strace $0x9000005E  }
0x42: {  	p1 =	por $0x0, $0x0;
	s10 =	simm.s32 $0x2;
	_ =	strace $0x8000005F  }
0x43: {  	[tilespmem:s18], [sflag:$0x1] =	stream.indirect.gather [spmem:s1], $0x80, s26, s17, $0x2000b8;
	[tilespmem:$0x1D980] =	vst v63  }
0x44: {  	s16 =	sadd.s32 $0x1, s7;
	s10 =	simm.s32 @p1 $0x0;
	_ =	swait.ge [sflag:s11], $0x4000  }
0x45: {  	s6 =	sand.u32 $0x1, s11;
	p1 =	seq.s32 s10, $0x1;
	[sflag:s11] =	ssyncset.done $0x0  }
0x46: {  	s25 =	sshll.u32 s6, $0xE;
	s8 =	sadd.s32 @!p1 s7, s10;
	[sflag:s11] =	ssyncadd.s32 $0xFFFFC000  }
0x47: {  	s8 =	sshll.u32 @!p1 s8, $0x4;
	s2 =	sand.u32 @!p1 $0x1, s2;
	_ =	strace $0x9000005F  }
0x48: {  	s8 =	sand.u32 @!p1 $0x1FFFFFF0, s8;
	s22 =	sshll.u32 @!p1 s2, $0x7;
	_ =	strace $0x80000060  }
0x49: {  	[hbm4b:s12+s0] =	stream.linear.scatter [tilespmem:s18], [sflag:$0x4], $0x4000, $0x200038;
	[tilespmem:$0x1D980] =	vst v63  }
0x4a: {  	s8 =	sadd.s32 @!p1 s4, s8;
	s2 =	sor.u32 @!p1 $0x2, s2;
	_ =	strace $0x90000060  }
0x4b: {  	s22 =	sadd.s32 @!p1 $0x15880, s22;
	s26 =	simm.s32 @!p1 $0x0;
	_ =	strace @!p1 $0x8000005D  }
0x4c: {  	[tilespmem:s22], [sflag:s2] =	stream.linear.gather @!p1 [hbm4b:s8+s26], $0x80, $0x200038;
	[tilespmem:$0x1D980] =	vst v63  }
0x4d: {  	s15 =	sand.u32 $0x1, s0;
	s22 =	sand.u32 $0x1, s11;
	_ =	strace @!p1 $0x9000005D  }
0x4e: {  	p2 =	sne.s32 s10, $0x1;
	s2 =	sor.u32 $0x2, s22;
	_ =	strace $0x8000005E  }
0x4f: {  	s16 =	sshll.u32 @!p1 s16, $0xB;
	s6 =	sor.u32 @!p1 $0x4, s6;
	_ =	swait.ge [sflag:s2], $0x80  }
0x50: {  	s0 =	sadd.s32 s7, s10;
	s8 =	sadd.s32 $0x15880, s24;
	[sflag:s2] =	ssyncset.done $0x0  }
0x51: {  	s24 =	sadd.s32 $0x1, s10;
	s22 =	simm.s32 $0x1;
	[sflag:s2] =	ssyncadd.s32 $0xFFFFFF80  }
0x52: {  	s22 =	simm.s32 @!p2 $0x0;
	p2 =	seq.s32 s24, $0x19;
	_ =	strace $0x9000005E  }
0x53: {  	s24 =	simm.s32 @p2 $0x0;
	s2 =	sadd.s32 $0x15980, s25;
	_ =	strace $0x8000005F  }
0x54: {  	[tilespmem:s2], [sflag:$0x1] =	stream.indirect.gather [spmem:s1], $0x80, s8, s17, $0x2000b8;
	[tilespmem:$0x1D980] =	vst v63  }
0x55: {  	s29 =	sadd.s32 $0x2, s22;
	p2 =	sne.s32 s10, s24;
	_ =	swait.ge [sflag:s19], $0x4000  }
0x56: {  	s25 =	sadd.s32 $0x1, s22;
	s22 =	simm.s32 $0x2;
	[sflag:s19] =	ssyncset.done $0x0  }
0x57: {  	s11 =	sshll.u32 s25, $0x7;
	s30 =	sand.u32 $0x1, s25;
	[sflag:s19] =	ssyncadd.s32 $0xFFFFC000  }
0x58: {  	s28 =	sand.u32 $0x80, s11;
	s8 =	sand.u32 @!p1 $0x1FFFF800, s16;
	_ =	strace $0x9000005F  }
0x59: {  	s31 =	sor.u32 $0x2, s30;
	s8 =	sadd.s32 @!p1 s5, s8;
	_ =	strace @!p1 $0x80000060  }
0x5a: {  	[hbm4b:s8+s26] =	stream.linear.scatter @!p1 [tilespmem:s2], [sflag:s6], $0x4000, $0x200038;
	[tilespmem:$0x1D980] =	vst v63  }
0x5b: {  	s30 =	smov.u32 s25;
	s8 =	sor.u32 $0x4, s15;
	_ =	strace @!p1 $0x90000060  }
0x5c: {  	s26 =	smov.u32 s25;
	p1 =	seq.s32 s10, s24;
	_ =	strace $0x80000061  }
0x5d: {  	s10 =	sand.u32 @!p1 $0x1, s29;
	s2 =	sadd.s32 @!p1 s7, s24;
	_ =	swait.ge [sflag:s8], $0x4000  }
.LBB2_4:
0x5e: {  	s11 =	sshll.u32 @!p1 s2, $0x4  }
0x5f: {  	s16 =	simm.s32 @!p1 $0x0;
	[sflag:s8] =	ssyncset.done $0x0;
	s6 =	smov.u32 s23  }
0x60: {  	s23 =	smov.u32 s22;
	s2 =	smov.u32 s24;
	s15 =	sshll.u32 @!p1 s10, $0x7  }
0x61: {  	s0 =	sshll.u32 @!p1 s0, $0xB;
	s11 =	sand.u32 @!p1 $0x1FFFFFF0, s11;
	[sflag:s8] =	ssyncadd.s32 $0xFFFFC000  }
0x62: {  	s8 =	sadd.s32 @!p1 $0x15880, s15;
	s15 =	simm.s32 $0x1;
	s11 =	sadd.s32 @!p1 s4, s11  }
0x63: {  	s10 =	sor.u32 @!p1 $0x2, s10;
	s15 =	simm.s32 @!p2 $0x0;
	_ =	strace $0x90000061  }
0x64: {  	s0 =	sand.u32 @!p1 $0x1FFFF800, s0;
	s29 =	sadd.s32 s15, s29;
	_ =	strace @!p1 $0x8000005D  }
0x65: {  	[tilespmem:s8], [sflag:s10] =	stream.linear.gather @!p1 [hbm4b:s11+s16], $0x80, $0x200038;
	[tilespmem:$0x1D980] =	vst v63  }
0x66: {  	s25 =	sadd.s32 s15, s25;
	s10 =	sadd.s32 @!p1 s5, s0;
	_ =	strace @!p1 $0x9000005D  }
0x67: {  	s26 =	sadd.s32 s15, s26;
	s8 =	sand.u32 $0x1, s30;
	_ =	strace $0x8000005E  }
0x68: {  	s11 =	sand.u32 $0x1, s26;
	s0 =	sshll.u32 s26, $0x7;
	_ =	swait.ge [sflag:s31], $0x80  }
0x69: {  	s0 =	sand.u32 $0x80, s0;
	s15 =	sshll.u32 s8, $0xE;
	[sflag:s31] =	ssyncset.done $0x0  }
0x6a: {  	s15 =	sadd.s32 $0x15980, s15;
	[sflag:s31] =	ssyncadd.s32 $0xFFFFFF80;
	s31 =	sadd.s32 $0x15880, s28  }
0x6b: {  	s22 =	sadd.s32 $0x1, s22;
	s30 =	smov.u32 s25;
	_ =	strace $0x9000005E  }
0x6c: {  	p3 =	sne.s32 s22, $0x17;
	s28 =	smov.u32 s0;
	_ =	strace $0x8000005F  }
0x6d: {  	[tilespmem:s15], [sflag:$0x1] =	stream.indirect.gather [spmem:s1], $0x80, s31, s17, $0x2000b8;
	[tilespmem:$0x1D980] =	vst v63  }
0x6e: {  	_ =	swait.ge [sflag:s19], $0x4000  }
0x6f: {  	s0 =	sadd.s32 s7, s24;
	[sflag:s19] =	ssyncset.done $0x0  }
0x70: {  	s24 =	sadd.s32 $0x1, s24;
	s31 =	sor.u32 @!p1 $0x4, s8;
	[sflag:s19] =	ssyncadd.s32 $0xFFFFC000  }
0x71: {  	s6 =	sand.u32 $0x1, s6;
	p2 =	seq.s32 s24, $0x19;
	_ =	strace $0x9000005F  }
.Ltmp1:
0x72: {  	s8 =	sor.u32 $0x4, s6;
	_ =	strace @!p1 $0x80000060;
	(pc) =	sbr.rel @p3 .LBB2_4-.Ltmp1, $4  }
0x73: {  	[hbm4b:s10+s16] =	stream.linear.scatter @!p1 [tilespmem:s15], [sflag:s31], $0x4000, $0x200038;
	[tilespmem:$0x1D980] =	vst v63  }
0x74: {  	s24 =	simm.s32 @p2 $0x0;
	s31 =	sor.u32 $0x2, s11;
	_ =	strace @!p1 $0x90000060  }
0x75: {  	p2 =	sne.s32 s2, s24;
	p1 =	seq.s32 s2, s24;
	_ =	strace $0x80000061  }
0x76: {  	s10 =	sand.u32 @!p1 $0x1, s29;
	s2 =	sadd.s32 @!p1 s7, s24;
	_ =	swait.ge [sflag:s8], $0x4000  }
0x77: {  	s2 =	sshll.u32 @!p1 s2, $0x4;
	[sflag:s8] =	ssyncset.done $0x0  }
0x78: {  	s6 =	sshll.u32 @!p1 s10, $0x7;
	s10 =	sor.u32 @!p1 $0x2, s10;
	[sflag:s8] =	ssyncadd.s32 $0xFFFFC000  }
0x79: {  	s2 =	sand.u32 @!p1 $0x1FFFFFF0, s2;
	s8 =	simm.s32 @!p1 $0x0;
	_ =	strace $0x90000061  }
0x7a: {  	s6 =	sadd.s32 @!p1 $0x15880, s6;
	s2 =	sadd.s32 @!p1 s4, s2;
	_ =	strace @!p1 $0x8000005D  }
0x7b: {  	[tilespmem:s6], [sflag:s10] =	stream.linear.gather @!p1 [hbm4b:s2+s8], $0x80, $0x200038;
	[tilespmem:$0x1D980] =	vst v63  }
0x7c: {  	_ =	strace @!p1 $0x9000005D  }
0x7d: {  	_ =	strace $0x8000005E  }
0x7e: {  	_ =	swait.ge [sflag:s31], $0x80  }
0x7f: {  	[sflag:s31] =	ssyncset.done $0x0  }
0x80: {  	s2 =	sand.u32 $0x1, s30;
	[sflag:s31] =	ssyncadd.s32 $0xFFFFFF80  }
0x81: {  	s30 =	sshll.u32 s2, $0xE;
	_ =	strace $0x9000005E  }
0x82: {  	s6 =	sadd.s32 $0x15980, s30;
	s31 =	sadd.s32 $0x15880, s28;
	_ =	strace $0x8000005F  }
0x83: {  	[tilespmem:s6], [sflag:$0x1] =	stream.indirect.gather [spmem:s1], $0x80, s31, s17, $0x2000b8;
	[tilespmem:$0x1D980] =	vst v63  }
0x84: {  	_ =	swait.ge [sflag:s19], $0x4000  }
0x85: {  	[sflag:s19] =	ssyncset.done $0x0  }
0x86: {  	s0 =	sshll.u32 @!p1 s0, $0xB;
	[sflag:s19] =	ssyncadd.s32 $0xFFFFC000  }
0x87: {  	s0 =	sand.u32 @!p1 $0x1FFFF800, s0;
	_ =	strace $0x9000005F  }
0x88: {  	s0 =	sadd.s32 @!p1 s5, s0;
	s2 =	sor.u32 @!p1 $0x4, s2;
	_ =	strace @!p1 $0x80000060  }
0x89: {  	[hbm4b:s0+s8] =	stream.linear.scatter @!p1 [tilespmem:s6], [sflag:s2], $0x4000, $0x200038;
	[tilespmem:$0x1D980] =	vst v63  }
0x8a: {  	s11 =	sand.u32 $0x1, s23;
	_ =	strace @!p1 $0x90000060  }
0x8b: {  	s0 =	sor.u32 $0x4, s11;
	_ =	strace $0x80000061  }
0x8c: {  	s2 =	simm.s32 $0x1;
	_ =	swait.ge [sflag:s0], $0x4000  }
0x8d: {  	s2 =	simm.s32 @!p2 $0x0;
	[sflag:s0] =	ssyncset.done $0x0  }
0x8e: {  	s15 =	sadd.s32 s2, s26;
	[sflag:s0] =	ssyncadd.s32 $0xFFFFC000  }
0x8f: {  	s16 =	sand.u32 $0x1, s15;
	_ =	strace $0x90000061  }
0x90: {  	s0 =	sor.u32 $0x2, s16;
	_ =	strace $0x8000005E  }
0x91: {  	_ =	swait.ge [sflag:s0], $0x80  }
0x92: {  	s2 =	sadd.s32 s2, s25;
	[sflag:s0] =	ssyncset.done $0x0  }
0x93: {  	s23 =	sand.u32 $0x1, s2;
	s25 =	sshll.u32 s15, $0x7;
	[sflag:s0] =	ssyncadd.s32 $0xFFFFFF80  }
0x94: {  	s26 =	sshll.u32 s23, $0xE;
	s2 =	sand.u32 $0x80, s25;
	_ =	strace $0x9000005E  }
0x95: {  	s6 =	sadd.s32 $0x15980, s26;
	s2 =	sadd.s32 $0x15880, s2;
	_ =	strace $0x8000005F  }
0x96: {  	[tilespmem:s6], [sflag:$0x1] =	stream.indirect.gather [spmem:s1], $0x80, s2, s17, $0x2000b8;
	[tilespmem:$0x1D980] =	vst v63  }
0x97: {  	_ =	swait.ge [sflag:s19], $0x4000  }
0x98: {  	s28 =	sadd.s32 s7, s24;
	[sflag:s19] =	ssyncset.done $0x0  }
0x99: {  	s2 =	sshll.u32 s28, $0xB;
	[sflag:s19] =	ssyncadd.s32 $0xFFFFC000  }
0x9a: {  	s29 =	simm.s32 $0x0;
	s2 =	sand.u32 $0x1FFFF800, s2;
	_ =	strace $0x9000005F  }
0x9b: {  	s0 =	sor.u32 $0x4, s23;
	s2 =	sadd.s32 s5, s2;
	_ =	strace $0x80000060  }
0x9c: {  	[hbm4b:s2+s29] =	stream.linear.scatter [tilespmem:s6], [sflag:s0], $0x4000, $0x200038;
	[tilespmem:$0x1D980] =	vst v63  }
0x9d: {  	s30 =	sand.u32 $0x1, s22;
	_ =	strace $0x90000060  }
0x9e: {  	s0 =	sor.u32 $0x4, s30;
	_ =	strace $0x80000061  }
0x9f: {  	_ =	swait.ge [sflag:s0], $0x4000  }
0xa0: {  	[sflag:s0] =	ssyncset.done $0x0  }
0xa1: {  	[sflag:s0] =	ssyncadd.s32 $0xFFFFC000  }
0xa2: {  	_ =	strace $0x90000061  }
0xa3: {  	_ =	strace $0x80000062  }
0xa4: {  	_ =	swait.ge [sflag:s20], $0x4000  }
0xa5: {  	s21 =	sadd.s32 $0x1, s21;
	s31 =	rddreg [dreg:$0x6]  }
0xa6: {  	p1 =	sne.s32 s21, s31  }
.Ltmp2:
0xa7: {  	_ = 	snop;
	(pc) =	sbr.rel @p1 .LBB2_1-.Ltmp2, $4  }
0xa8: {  	_ = 	snop  }
0xa9: {  	[sflag:s20] =	ssyncset.done $0x0  }
0xaa: {  	[sflag:s20] =	ssyncadd.s32 $0xFFFFC000  }
0xab: {  	_ =	strace $0x90000062  }
0xac: {  	_ =	sfence.sel $0x180000  }
0xad: {  	[bflag:$0x0] =	sbarrier.arrive $0xFFFF  }
0xae: {  	_ =	strace $0x9000005B  }
0xaf: {  	[bflag:$0x2] =	sbarrier.arrive $0xFFFF  }
0xb0: {  	p0 =	sne.s32 s3, $0x0;
	s0 =	rddreg [dreg:$0x3]  }
0xb1: {  	s0 =	sadd.s32 @!p0 $0x100000, s0  }
0xb2: {  	[sflag:s0] =	ssyncadd.tile.s32 @!p0 $0x1;
	_ =	shalt  }
.Lfunc_end2:
_tile_overlayer_lowered:
.L_overlay_start_2:
0xb3: {  	(tag) =	ssettag $0x2  }
0xb4: {  	s0 =	rddreg [dreg:$0x0];
	s2 =	stileid.u32  }
0xb5: {  	s1 =	rddreg [dreg:$0x1];
	p0 =	sne.s32 s2, $0x0  }
0xb6: {  	s3 =	rddreg [dreg:$0x2];
	[bflag:$0x3] =	sbarrier.arrive $0xFFFF;
	s2 =	simm.s32 @!p0 $0x1C02  }
0xb7: {  	[timem:s3], [sflag:s2] =	dma.local @!p0 [hbm:s0], s1  }
0xb8: {  	s0 =	simm.s32 @!p0 $0x2  }
0xb9: {  	_ =	swait.ge @!p0 [sflag:s0], s1  }
0xba: {  	s1 =	ssub.s32 @!p0 $0x0, s1;
	[sflag:s0] =	ssyncset.done @!p0 $0x0  }
0xbb: {  	[sflag:s0] =	ssyncadd.s32 @!p0 s1  }
0xbc: {  	[bflag:$0x3] =	sbarrier.arrive $0xFFFF  }
0xbd: {  	_ =	shalt  }

// kernel: kernel.15.cloned.1.call-start
scs
__scs_entry_jumppad:
0x0: {  	(pc) =	sbr.rel $0x88, $3  }
0x1: {  	(tag) =	ssettag $0x0;
	lr =	simm.s32 $0x1  }
0x2: {  	[smem:$0x3F92] =	sst lr;
	_ =	strace $0xD0000000  }
0x3: {  	_ = 	snop  }
0x4: {  	_ = 	snop  }
0x5: {  	_ = 	snop  }
0x6: {  	_ = 	snop  }
0x7: {  	_ = 	snop  }
__scs_overlays_trampoline_lowered:
0x8: {  	[smem:$0x3FA1] =	sst s0  }
0x9: {  	[smem:$0x3FA2] =	sst s1  }
0xa: {  	[smem:$0x3FA3] =	sst s2  }
0xb: {  	[smem:$0x3FA4] =	sst s3  }
0xc: {  	[smem:$0x3FA5] =	sst s4  }
0xd: {  	[smem:$0x3FA6] =	sst s5  }
0xe: {  	[smem:$0x3FA7] =	sst s6  }
0xf: {  	[smem:$0x3FA8] =	sst s7  }
0x10: {  	[smem:$0x3FA9] =	sst s8  }
0x11: {  	[smem:$0x3FAA] =	sst s9;
	s0 =	simm.s32 @!p0 $0x0  }
0x12: {  	s1 =	sld [smem:$0x3F90];
	s0 =	simm.s32 @p0 $0x1  }
0x13: {  	[smem:$0x3FAB] =	sst s0;
	s0 =	simm.s32 @!p1 $0x0  }
0x14: {  	s2 =	sld [smem:$0x3F8F];
	s0 =	simm.s32 @p1 $0x1  }
0x15: {  	[smem:$0x3FAC] =	sst s0;
	s0 =	simm.s32 @!p2 $0x0  }
0x16: {  	s3 =	sld [smem:$0x3FDB];
	s0 =	simm.s32 @p2 $0x1  }
0x17: {  	s4 =	simm.s32 $0x1BF5;
	[smem:$0x3FAE] =	sst s0  }
0x18: {  	s0 =	sld [smem:$0x3F91];
	_ =	swait.ge [sflag:s4], $0x0  }
0x19: {  	s7 =	sld [smem:$0x3F92]  }
0x1a: {  	s8 =	sadd.s32 $0xFFFFE003, lr  }
0x1b: {  	s9 =	sadd.s32 $0xFFFFFEF7, lr;
	s5 =	simm.s32 $0xFFFFFFFF;
	p2 =	slt.u32 s8, $0xFFFFF086  }
0x1c: {  	p1 =	slt.u32 s9, $0xF7A;
	s5 =	simm.s32 @!p2 $0x0  }
0x1d: {  	s5 =	simm.s32 @p1 $0x1;
	p0 =	seq.s32 s7, s2  }
0x1e: {  	s7 =	smul.u32 @!p0 $0xF7A, s2;
	p2 =	seq.s32 @!p0 s5, $0x0  }
0x1f: {  	s9 =	smul.u32 $0xF7A, s1;
	s8 =	simm.s32 @!p0 $0x1BF5;
	p2 =	por !p2, p0  }
0x20: {  	[sflag:s8] =	ssyncset.s32 @!p0 $0xFFFFF086;
	s6 =	sadd.s32 @!p0 s3, s7;
	s7 =	simm.s32 @!p0 $0x108  }
0x21: {  	s3 =	sadd.s32 s3, s9;
	s6 =	sadd.s32 @!p0 $0x88, s6;
	s7 =	simm.s32 @p2 $0x1082  }
0x22: {  	[simem:s7], [sflag:s8] =	dma.local @!p0 [hbm:s6], $0xF7A  }
0x23: {  	s9 =	sor.u32 $0xD0000000, s2;
	s6 =	simm.s32 $0x108;
	_ =	swait.ge @!p0 [sflag:s8], $0x0  }
0x24: {  	s3 =	sadd.s32 $0x88, s3;
	s6 =	simm.s32 @!p1 $0x1082;
	[sflag:s4] =	ssyncset.s32 $0xFFFFF086  }
0x25: {  	[simem:s6], [sflag:s4] =	dma.local [hbm:s3], $0xF7A  }
0x26: {  	[smem:$0x3F92] =	sst s1;
	(tag) =	ssettag s2;
	_ =	strace s9  }
0x27: {  	s1 =	sld [smem:$0x3FA2]  }
0x28: {  	s2 =	sld [smem:$0x3FA3]  }
0x29: {  	s4 =	sld [smem:$0x3FA5]  }
0x2a: {  	p0 =	seq.s32 s5, $0x0;
	s5 =	sld [smem:$0x3FA6]  }
0x2b: {  	s6 =	sld [smem:$0x3FA7]  }
0x2c: {  	s7 =	sld [smem:$0x3FA8]  }
0x2d: {  	s3 =	simm.s32 $0x108;
	s8 =	sld [smem:$0x3FA9]  }
0x2e: {  	s3 =	simm.s32 @!p0 $0x1082;
	s9 =	sld [smem:$0x3FAA]  }
0x2f: {  	lr =	sadd.s32 s0, s3;
	s0 =	sld [smem:$0x3FA1]  }
0x30: {  	s3 =	sld [smem:$0x3FA4]  }
0x31: {  	[smem:$0x3FAD] =	sst s10  }
0x32: {  	s10 =	sld [smem:$0x3FAB];
	_ =	sdelay $0x3  }
0x33: {  	p0 =	seq.s32 s10, $0x1;
	s10 =	sld [smem:$0x3FAD];
	_ =	sdelay $0x3  }
0x34: {  	[smem:$0x3FAD] =	sst s10  }
0x35: {  	s10 =	sld [smem:$0x3FAC];
	_ =	sdelay $0x3  }
0x36: {  	p1 =	seq.s32 s10, $0x1;
	s10 =	sld [smem:$0x3FAD];
	_ =	sdelay $0x3  }
0x37: {  	[smem:$0x3FAD] =	sst s10  }
0x38: {  	s10 =	sld [smem:$0x3FAE]  }
0x39: {  	_ = 	snop;
	(pc) =	sbr.ind lr, $3  }
0x3a: {  	_ = 	snop  }
0x3b: {  	_ = 	snop  }
0x3c: {  	p2 =	seq.s32 s10, $0x1;
	s10 =	sld [smem:$0x3FAD]  }
0x3d: {  	_ =	shalt  }
0x3e: {  	_ =	shalt  }
0x3f: {  	_ =	shalt  }
0x40: {  	_ =	shalt  }
0x41: {  	_ =	shalt  }
0x42: {  	_ =	shalt  }
0x43: {  	_ =	shalt  }
0x44: {  	_ =	shalt  }
0x45: {  	_ =	shalt  }
0x46: {  	_ =	shalt  }
0x47: {  	_ =	shalt  }
0x48: {  	_ =	shalt  }
0x49: {  	_ =	shalt  }
0x4a: {  	_ =	shalt  }
0x4b: {  	_ =	shalt  }
0x4c: {  	_ =	shalt  }
0x4d: {  	_ =	shalt  }
0x4e: {  	_ =	shalt  }
0x4f: {  	_ =	shalt  }
0x50: {  	_ =	shalt  }
0x51: {  	_ =	shalt  }
0x52: {  	_ =	shalt  }
0x53: {  	_ =	shalt  }
0x54: {  	_ =	shalt  }
0x55: {  	_ =	shalt  }
0x56: {  	_ =	shalt  }
0x57: {  	_ =	shalt  }
0x58: {  	_ =	shalt  }
0x59: {  	_ =	shalt  }
0x5a: {  	_ =	shalt  }
0x5b: {  	_ =	shalt  }
0x5c: {  	_ =	shalt  }
0x5d: {  	_ =	shalt  }
0x5e: {  	_ =	shalt  }
0x5f: {  	_ =	shalt  }
0x60: {  	_ =	shalt  }
0x61: {  	_ =	shalt  }
0x62: {  	_ =	shalt  }
0x63: {  	_ =	shalt  }
0x64: {  	_ =	shalt  }
0x65: {  	_ =	shalt  }
0x66: {  	_ =	shalt  }
0x67: {  	_ =	shalt  }
0x68: {  	_ =	shalt  }
0x69: {  	_ =	shalt  }
0x6a: {  	_ =	shalt  }
0x6b: {  	_ =	shalt  }
0x6c: {  	_ =	shalt  }
0x6d: {  	_ =	shalt  }
0x6e: {  	_ =	shalt  }
0x6f: {  	_ =	shalt  }
0x70: {  	_ =	shalt  }
0x71: {  	_ =	shalt  }
0x72: {  	_ =	shalt  }
0x73: {  	_ =	shalt  }
0x74: {  	_ =	shalt  }
0x75: {  	_ =	shalt  }
0x76: {  	_ =	shalt  }
0x77: {  	_ =	shalt  }
0x78: {  	_ =	shalt  }
0x79: {  	_ =	shalt  }
0x7a: {  	_ =	shalt  }
0x7b: {  	_ =	shalt  }
0x7c: {  	_ =	shalt  }
0x7d: {  	_ =	shalt  }
0x7e: {  	_ =	shalt  }
0x7f: {  	_ =	shalt  }
0x80: {  	_ =	shalt  }
0x81: {  	_ =	shalt  }
0x82: {  	_ =	shalt  }
0x83: {  	_ =	shalt  }
0x84: {  	_ =	shalt  }
0x85: {  	_ =	shalt  }
0x86: {  	_ =	shalt  }
0x87: {  	_ =	shalt  }
.Lfunc_end0:
.L_simem_size_0:
called_computation.1_lowered:
.L_overlay_start_0:
0x88: {  	s2 =	sld [smem:$0x3FD9]  }
0x89: {  	s3 =	sld [smem:$0x3FFE];
	_ =	sdelay $0x1  }
0x8a: {  	s1 =	srdreg.scid  }
0x8b: {  	s0 =	sand.u32 $0x1, s1  }
0x8c: {  	s17 =	sshll.u32 s0, $0xA;
	s2 =	sadd.s32 s3, s2  }
0x8d: {  	s2 =	sadd.s32 s2, s17  }
0x8e: {  	[smem:$0x3FB9] =	sst s2  }
0x8f: {  	_ = 	snop  }
0x90: {  	s2 =	sld [smem:$0x3FC9]  }
0x91: {  	s18 =	sld [smem:$0x3FD0];
	(tm) =	ssettm $0x1  }
0x92: {  	s4 =	sld [smem:$0x3FFB];
	_ =	sdelay $0x3  }
0x93: {  	_ =	strace s4  }
0x94: {  	s4 =	sld [smem:$0x3FFC];
	_ =	sdelay $0x3  }
0x95: {  	_ =	strace s4  }
0x96: {  	s4 =	sld [smem:$0x3FFD];
	_ =	sdelay $0x3  }
0x97: {  	_ =	strace s4  }
0x98: {  	_ =	strace $0x8FFFFFFF  }
0x99: {  	s19 =	sld [smem:$0x3FDB];
	_ =	sdelay $0x1  }
0x9a: {  	s5 =	simm.s32 $_scs_section_size  }
0x9b: {  	s6 =	simm.s32 $_size__tile_overlayer_lowered;
	s7 =	simm.s32 $_tile_overlayer_lowered  }
0x9c: {  	s22 =	simm.s32 $0x1BFF;
	s21 =	sshll.u32 s7, $0x1;
	s4 =	sadd.s32 s5, s19  }
0x9d: {  	s8 =	simm.s32 $0x0;
	s20 =	sshll.u32 s6, $0x1;
	s6 =	sadd.s32 s21, s4  }
0x9e: {  	[timem:s8], [sflag:s22] =	dma.local [hbm:s6], s20  }
0x9f: {  	_ =	swait.ge [sflag:s22], s20  }
0xa0: {  	s5 =	ssub.s32 $0x0, s20;
	[sflag:s22] =	ssyncset.done $0x0  }
0xa1: {  	[sflag:s22] =	ssyncadd.s32 s5;
	_ =	sdelay $0x1  }
0xa2: {  	s23 =	simm.s32 $0x1B8B  }
0xa3: {  	_ =	swait.ge [sflag:s23], $0x1  }
0xa4: {  	[sflag:s23] =	ssyncset.done $0x0  }
0xa5: {  	s25 =	simm.s32 $0x1B8E;
	s24 =	sld [smem:$0x3FFE];
	[sflag:s23] =	ssyncadd.s32 $0xFFFFFFFF  }
0xa6: {  	s26 =	simm.s32 $execute0_lowered;
	[smem:$0x3FD2] =	sst s25  }
0xa7: {  	s6 =	sshll.u32 s26, $0x1;
	_ =	strace $0x80000046;
	[dreg:$0x1] =	wrdreg $0xFFFFFFFF  }
0xa8: {  	s28 =	simm.s32 $_size_execute0_lowered;
	s4 =	sadd.s32 s4, s6;
	[dreg:$0x0] =	wrdreg $0x0  }
0xa9: {  	s6 =	sshll.u32 s28, $0x1;
	[dreg:$0x2] =	wrdreg s4  }
0xaa: {  	[dreg:$0x3] =	wrdreg s6  }
0xab: {  	[dreg:$0x4] =	wrdreg $0xC0  }
0xac: {  	_ =	task [dreg:s8], $0x5FFFF  }
0xad: {  	[dreg:$0x1] =	wrdreg $0xFFFFFFFF  }
0xae: {  	[dreg:$0x0] =	wrdreg $0x60  }
0xaf: {  	[dreg:$0x2] =	wrdreg s2  }
0xb0: {  	[dreg:$0x3] =	wrdreg s18  }
0xb1: {  	[dreg:$0x4] =	wrdreg s24  }
0xb2: {  	[dreg:$0x5] =	wrdreg $0x0  }
0xb3: {  	[dreg:$0x6] =	wrdreg $0xA  }
0xb4: {  	_ =	task.clear_ibuf [dreg:s8], $0x7FFFF;
	_ =	strace $0x90000046  }
0xb5: {  	s29 =	simm.s32 $0xA;
	_ =	strace $0x8000004F  }
0xb6: {  	_ =	swait.ge [sflag:s29], $0x1  }
0xb7: {  	[sflag:s29] =	ssyncadd.s32 $0xFFFFFFFF  }
0xb8: {  	_ =	strace $0x9000004F  }
0xb9: {  	_ =	sfence  }
0xba: {  	s30 =	sld [smem:$0x0];
	_ =	sdelay $0x2  }
0xbb: {  	s31 =	sshll.u32 s1, $0xD;
	s1 =	sshrl.u32 s1, $0x2  }
0xbc: {  	s3 =	sand.u32 $0x4000, s31;
	s1 =	sadd.s32 s1, s30  }
0xbd: {  	s0 =	sor.u32 s3, s0;
	s1 =	sshll.u32 s1, $0x11  }
0xbe: {  	s0 =	sor.u32 s1, s0  }
0xbf: {  	s0 =	sadd.s32 $0x8F2B, s0  }
0xc0: {  	[sflag:s0] =	ssyncadd.remote.s32 $0x1  }
0xc1: {  	_ =	sfence.sel $0xFFFF  }
0xc2: {  	[dreg:$0x0] =	wrdreg $0xFFFFFFFF;
	(pc) =	sbr.abs _section_cstart, $3  }
0xc3: {  	[dreg:$0x1] =	wrdreg $0xFFFFFFFF  }
0xc4: {  	_ =	task.clear_ibuf [dreg:s8], $0x2FFFF;
	_ =	strace $0x9FFFFFFF  }
0xc5: {  	(tm) =	ssettm $0x7FFFFFFF  }
tec
execute0_lowered:
.L_overlay_start_1:
0x0: {  	(tag) =	ssettag $0x1  }
0x1: {  	s0 =	rddreg [dreg:$0x0]  }
0x2: {  	s1 =	rddreg [dreg:$0x1]  }
0x3: {  	s3 =	rddreg [dreg:$0x2]  }
0x4: {  	s2 =	rddreg [dreg:$0x3];
	s5 =	simm.s32 $0x0;
	s4 =	srdreg.scid  }
0x5: {  	s17 =	simm.s32 $0x80;
	s18 =	simm.s32 $0x15980;
	s19 =	simm.s32 $0x1  }
0x6: {  	s20 =	simm.s32 $0x5;
	[smem:$0x7FF] =	sst s5;
	s21 =	sand.u32 $0x1, s4  }
0x7: {  	s4 =	stileid.u32;
	s5 =	sadd.s32 $0x1D000, s3;
	s24 =	sadd.s32 $0x27000, s0  }
0x8: {  	s25 =	sadd.s32 $0x138000, s2;
	_ =	strace $0x80000047;
	[dreg:$0x5] =	wrdreg s24  }
0x9: {  	s6 =	ssub.s32 $0x2, s21;
	s8 =	sshll.u32 s21, $0x4;
	[dreg:$0x6] =	wrdreg s25  }
0xa: {  	s30 =	sshll.u32 s4, $0xA;
	s31 =	sshll.u32 s4, $0xD;
	p0 =	sne.s32 s4, $0xF  }
0xb: {  	s21 =	simm.s32 $0x0;
	s7 =	sshrl.u32 s6, $0x1;
	s23 =	sor.u32 s4, s8  }
0xc: {  	s13 =	sadd.s32 s30, s0;
	s22 =	ssub.s32 s6, s7;
	s26 =	sshll.u32 s23, $0xA  }
0xd: {  	s14 =	sadd.s32 s31, s2;
	s9 =	sadd.s32 s1, s26;
	s3 =	smax.u32 s22, $0x1  }
0xe: {  	s29 =	sshll.u32 s23, $0x11;
	[dreg:$0x7] =	wrdreg s3;
	s28 =	sadd.s32 $0x10, s9  }
0xf: {  	s8 =	sshll.u32 s23, $0x6;
	s12 =	sadd.s32 s5, s29;
	[dreg:$0x8] =	wrdreg s28  }
.LBB2_1:
0x10: {  	s0 =	sadd.s32 $0x0, s4  }
0x11: {  	p1 =	sgt.u32 s0, $0x9B  }
0x12: {  	s0 =	simm.s32 @!p1 $0x0;
	s6 =	simm.s32 @!p1 $0x13880;
	s7 =	simm.s32 @!p1 $0x3  }
0x13: {  	[tilespmem:s6], [sflag:$0x3] =	stream.linear.gather @!p1 [hbm4b:s13+s0], $0x2000, $0x38;
	[tilespmem:$0x1D980] =	vst v63  }
0x14: {  	s3 =	simm.s32 $0x20;
	_ =	swait.ge @!p1 [sflag:s7], $0x2000  }
0x15: {  	s31 =	sadd.s32 $0x10, s4;
	[sflag:s7] =	ssyncset.done @!p1 $0x0;
	p1 =	por p1, p1  }
0x16: {  	p2 =	sgt.u32 s31, $0x9B;
	[sflag:s7] =	ssyncadd.s32 @!p1 $0xFFFFE000;
	s7 =	simm.s32 @!p1 $0x2  }
0x17: {  	[spmem:s14] =	stream.linear.scatter @!p1 [tilespmem:s6], [sflag:$0x2], $0x2000, $0x38;
	[tilespmem:$0x1D980] =	vst v63  }
0x18: {  	s0 =	sadd.s32 $0x20000, s14;
	s6 =	sadd.s32 $0x4000, s13;
	_ =	swait.ge @!p1 [sflag:s7], $0x2000  }
.LBB2_2:
0x19: {  	s10 =	simm.s32 @!p2 $0x0;
	s16 =	simm.s32 @!p2 $0x13880;
	[sflag:s7] =	ssyncset.done @!p1 $0x0  }
0x1a: {  	s22 =	smov.u32 s3;
	s23 =	smov.u32 s0;
	s3 =	sadd.s32 $0x10, s3  }
0x1b: {  	s24 =	simm.s32 @!p2 $0x3;
	[sflag:s7] =	ssyncadd.s32 @!p1 $0xFFFFE000;
	p3 =	sne.s32 s3, $0xA0  }
0x1c: {  	[tilespmem:s16], [sflag:$0x3] =	stream.linear.gather @!p2 [hbm4b:s6+s10], $0x2000, $0x38;
	[tilespmem:$0x1D980] =	vst v63  }
.Ltmp0:
0x1d: {  	_ =	swait.ge @!p2 [sflag:s24], $0x2000;
	(pc) =	sbr.rel @p3 .LBB2_2-.Ltmp0, $4  }
0x1e: {  	s0 =	sadd.s32 $0x20000, s0;
	p1 =	por p2, p2;
	[sflag:s24] =	ssyncset.done @!p2 $0x0  }
0x1f: {  	s10 =	sadd.s32 s22, s4;
	s7 =	simm.s32 @!p1 $0x2;
	[sflag:s24] =	ssyncadd.s32 @!p1 $0xFFFFE000  }
0x20: {  	[spmem:s23] =	stream.linear.scatter @!p1 [tilespmem:s16], [sflag:$0x2], $0x2000, $0x38;
	[tilespmem:$0x1D980] =	vst v63  }
0x21: {  	s6 =	sadd.s32 $0x4000, s6;
	p2 =	sgt.u32 s10, $0x9B;
	_ =	swait.ge @!p1 [sflag:s7], $0x2000  }
0x22: {  	s3 =	simm.s32 @!p2 $0x0;
	[sflag:s7] =	ssyncset.done @!p1 $0x0  }
0x23: {  	s10 =	simm.s32 @!p2 $0x13880;
	s16 =	simm.s32 @!p2 $0x3;
	[sflag:s7] =	ssyncadd.s32 @!p1 $0xFFFFE000  }
0x24: {  	[tilespmem:s10], [sflag:$0x3] =	stream.linear.gather @!p2 [hbm4b:s6+s3], $0x2000, $0x38;
	[tilespmem:$0x1D980] =	vst v63  }
0x25: {  	_ =	swait.ge @!p2 [sflag:s16], $0x2000  }
0x26: {  	p1 =	por p2, p2;
	[sflag:s16] =	ssyncset.done @!p2 $0x0  }
0x27: {  	s3 =	simm.s32 @!p1 $0x2;
	[sflag:s16] =	ssyncadd.s32 @!p1 $0xFFFFE000  }
0x28: {  	[spmem:s0] =	stream.linear.scatter @!p1 [tilespmem:s10], [sflag:$0x2], $0x2000, $0x38;
	[tilespmem:$0x1D980] =	vst v63  }
0x29: {  	_ =	swait.ge @!p1 [sflag:s3], $0x2000  }
0x2a: {  	s0 =	simm.s32 @!p0 $0x0;
	[sflag:s3] =	ssyncset.done @!p1 $0x0  }
0x2b: {  	s6 =	rddreg [dreg:$0x5];
	[sflag:s3] =	ssyncadd.s32 @!p1 $0xFFFFE000;
	s3 =	simm.s32 @!p0 $0x13880  }
0x2c: {  	[tilespmem:s3], [sflag:$0x2] =	stream.linear.gather @!p0 [hbm4b:s6+s0], $0x800, $0x38;
	[tilespmem:$0x1D980] =	vst v63  }
0x2d: {  	s0 =	simm.s32 @!p0 $0x2  }
0x2e: {  	_ =	swait.ge @!p0 [sflag:s0], $0x800  }
0x2f: {  	[sflag:s0] =	ssyncset.done @!p0 $0x0  }
0x30: {  	s6 =	rddreg [dreg:$0x6];
	[sflag:s0] =	ssyncadd.s32 @!p0 $0xFFFFF800  }
0x31: {  	[spmem:s6] =	stream.linear.scatter @!p0 [tilespmem:s3], [sflag:$0x2], $0x800, $0x38;
	[tilespmem:$0x1D980] =	vst v63  }
0x32: {  	_ =	swait.ge @!p0 [sflag:s0], $0x800  }
0x33: {  	[sflag:s0] =	ssyncset.done @!p0 $0x0  }
0x34: {  	[sflag:s0] =	ssyncadd.s32 @!p0 $0xFFFFF800  }
0x35: {  	[bflag:$0x0] =	sbarrier.arrive $0xFFFF  }
0x36: {  	s26 =	simm.s32 $0x15880;
	s0 =	simm.s32 $0x0;
	_ =	strace $0x80000048  }
0x37: {  	[tilespmem:s26], [sflag:$0x2] =	stream.linear.gather [hbm4b:s9+s0], $0x80, $0x200038;
	[tilespmem:$0x1D980] =	vst v63  }
0x38: {  	_ =	strace $0x90000048  }
0x39: {  	_ =	strace $0x80000049  }
0x3a: {  	s10 =	simm.s32 $0x15900;
	s7 =	rddreg [dreg:$0x8]  }
0x3b: {  	[tilespmem:s10], [sflag:$0x3] =	stream.linear.gather [hbm4b:s7+s0], $0x80, $0x200038;
	[tilespmem:$0x1D980] =	vst v63  }
0x3c: {  	_ =	strace $0x90000049  }
0x3d: {  	s3 =	simm.s32 $0x2;
	_ =	strace $0x8000004A  }
0x3e: {  	_ =	swait.ge [sflag:s3], $0x80  }
0x3f: {  	[sflag:s3] =	ssyncset.done $0x0  }
0x40: {  	s11 =	simm.s32 $0x1;
	s15 =	simm.s32 $0x80;
	[sflag:s3] =	ssyncadd.s32 $0xFFFFFF80  }
0x41: {  	s23 =	simm.s32 $0x1;
	s24 =	sand.u32 $0x80, s15;
	_ =	strace $0x9000004A  }
0x42: {  	p1 =	por $0x0, $0x0;
	s10 =	simm.s32 $0x2;
	_ =	strace $0x8000004B  }
0x43: {  	[tilespmem:s18], [sflag:$0x1] =	stream.indirect.gather [spmem:s2], $0x80, s26, s17, $0x2000b8;
	[tilespmem:$0x1D980] =	vst v63  }
0x44: {  	s16 =	sadd.s32 $0x1, s8;
	s10 =	simm.s32 @p1 $0x0;
	_ =	swait.ge [sflag:s11], $0x4000  }
0x45: {  	s6 =	sand.u32 $0x1, s11;
	p1 =	seq.s32 s10, $0x1;
	[sflag:s11] =	ssyncset.done $0x0  }
0x46: {  	s25 =	sshll.u32 s6, $0xE;
	s7 =	sadd.s32 @!p1 s8, s10;
	[sflag:s11] =	ssyncadd.s32 $0xFFFFC000  }
0x47: {  	s7 =	sshll.u32 @!p1 s7, $0x4;
	s3 =	sand.u32 @!p1 $0x1, s3;
	_ =	strace $0x9000004B  }
0x48: {  	s7 =	sand.u32 @!p1 $0x1FFFFFF0, s7;
	s22 =	sshll.u32 @!p1 s3, $0x7;
	_ =	strace $0x8000004C  }
0x49: {  	[hbm4b:s12+s0] =	stream.linear.scatter [tilespmem:s18], [sflag:$0x4], $0x4000, $0x200038;
	[tilespmem:$0x1D980] =	vst v63  }
0x4a: {  	s7 =	sadd.s32 @!p1 s1, s7;
	s3 =	sor.u32 @!p1 $0x2, s3;
	_ =	strace $0x9000004C  }
0x4b: {  	s22 =	sadd.s32 @!p1 $0x15880, s22;
	s26 =	simm.s32 @!p1 $0x0;
	_ =	strace @!p1 $0x80000049  }
0x4c: {  	[tilespmem:s22], [sflag:s3] =	stream.linear.gather @!p1 [hbm4b:s7+s26], $0x80, $0x200038;
	[tilespmem:$0x1D980] =	vst v63  }
0x4d: {  	s15 =	sand.u32 $0x1, s0;
	s22 =	sand.u32 $0x1, s11;
	_ =	strace @!p1 $0x90000049  }
0x4e: {  	p2 =	sne.s32 s10, $0x1;
	s3 =	sor.u32 $0x2, s22;
	_ =	strace $0x8000004A  }
0x4f: {  	s16 =	sshll.u32 @!p1 s16, $0xB;
	s6 =	sor.u32 @!p1 $0x4, s6;
	_ =	swait.ge [sflag:s3], $0x80  }
0x50: {  	s0 =	sadd.s32 s8, s10;
	s7 =	sadd.s32 $0x15880, s24;
	[sflag:s3] =	ssyncset.done $0x0  }
0x51: {  	s24 =	sadd.s32 $0x1, s10;
	s22 =	simm.s32 $0x1;
	[sflag:s3] =	ssyncadd.s32 $0xFFFFFF80  }
0x52: {  	s22 =	simm.s32 @!p2 $0x0;
	p2 =	seq.s32 s24, $0x40;
	_ =	strace $0x9000004A  }
0x53: {  	s24 =	simm.s32 @p2 $0x0;
	s3 =	sadd.s32 $0x15980, s25;
	_ =	strace $0x8000004B  }
0x54: {  	[tilespmem:s3], [sflag:$0x1] =	stream.indirect.gather [spmem:s2], $0x80, s7, s17, $0x2000b8;
	[tilespmem:$0x1D980] =	vst v63  }
0x55: {  	s29 =	sadd.s32 $0x2, s22;
	p2 =	sne.s32 s10, s24;
	_ =	swait.ge [sflag:s19], $0x4000  }
0x56: {  	s25 =	sadd.s32 $0x1, s22;
	s22 =	simm.s32 $0x2;
	[sflag:s19] =	ssyncset.done $0x0  }
0x57: {  	s11 =	sshll.u32 s25, $0x7;
	s30 =	sand.u32 $0x1, s25;
	[sflag:s19] =	ssyncadd.s32 $0xFFFFC000  }
0x58: {  	s28 =	sand.u32 $0x80, s11;
	s7 =	sand.u32 @!p1 $0x1FFFF800, s16;
	_ =	strace $0x9000004B  }
0x59: {  	s31 =	sor.u32 $0x2, s30;
	s7 =	sadd.s32 @!p1 s5, s7;
	_ =	strace @!p1 $0x8000004C  }
0x5a: {  	[hbm4b:s7+s26] =	stream.linear.scatter @!p1 [tilespmem:s3], [sflag:s6], $0x4000, $0x200038;
	[tilespmem:$0x1D980] =	vst v63  }
0x5b: {  	s30 =	smov.u32 s25;
	s7 =	sor.u32 $0x4, s15;
	_ =	strace @!p1 $0x9000004C  }
0x5c: {  	s26 =	smov.u32 s25;
	p1 =	seq.s32 s10, s24;
	_ =	strace $0x8000004D  }
0x5d: {  	s10 =	sand.u32 @!p1 $0x1, s29;
	s3 =	sadd.s32 @!p1 s8, s24;
	_ =	swait.ge [sflag:s7], $0x4000  }
.LBB2_4:
0x5e: {  	s11 =	sshll.u32 @!p1 s3, $0x4  }
0x5f: {  	s16 =	simm.s32 @!p1 $0x0;
	[sflag:s7] =	ssyncset.done $0x0;
	s6 =	smov.u32 s23  }
0x60: {  	s23 =	smov.u32 s22;
	s3 =	smov.u32 s24;
	s15 =	sshll.u32 @!p1 s10, $0x7  }
0x61: {  	s0 =	sshll.u32 @!p1 s0, $0xB;
	s11 =	sand.u32 @!p1 $0x1FFFFFF0, s11;
	[sflag:s7] =	ssyncadd.s32 $0xFFFFC000  }
0x62: {  	s7 =	sadd.s32 @!p1 $0x15880, s15;
	s15 =	simm.s32 $0x1;
	s11 =	sadd.s32 @!p1 s1, s11  }
0x63: {  	s10 =	sor.u32 @!p1 $0x2, s10;
	s15 =	simm.s32 @!p2 $0x0;
	_ =	strace $0x9000004D  }
0x64: {  	s0 =	sand.u32 @!p1 $0x1FFFF800, s0;
	s29 =	sadd.s32 s15, s29;
	_ =	strace @!p1 $0x80000049  }
0x65: {  	[tilespmem:s7], [sflag:s10] =	stream.linear.gather @!p1 [hbm4b:s11+s16], $0x80, $0x200038;
	[tilespmem:$0x1D980] =	vst v63  }
0x66: {  	s25 =	sadd.s32 s15, s25;
	s10 =	sadd.s32 @!p1 s5, s0;
	_ =	strace @!p1 $0x90000049  }
0x67: {  	s26 =	sadd.s32 s15, s26;
	s7 =	sand.u32 $0x1, s30;
	_ =	strace $0x8000004A  }
0x68: {  	s11 =	sand.u32 $0x1, s26;
	s0 =	sshll.u32 s26, $0x7;
	_ =	swait.ge [sflag:s31], $0x80  }
0x69: {  	s0 =	sand.u32 $0x80, s0;
	s15 =	sshll.u32 s7, $0xE;
	[sflag:s31] =	ssyncset.done $0x0  }
0x6a: {  	s15 =	sadd.s32 $0x15980, s15;
	[sflag:s31] =	ssyncadd.s32 $0xFFFFFF80;
	s31 =	sadd.s32 $0x15880, s28  }
0x6b: {  	s22 =	sadd.s32 $0x1, s22;
	s30 =	smov.u32 s25;
	_ =	strace $0x9000004A  }
0x6c: {  	p3 =	sne.s32 s22, $0x3E;
	s28 =	smov.u32 s0;
	_ =	strace $0x8000004B  }
0x6d: {  	[tilespmem:s15], [sflag:$0x1] =	stream.indirect.gather [spmem:s2], $0x80, s31, s17, $0x2000b8;
	[tilespmem:$0x1D980] =	vst v63  }
0x6e: {  	_ =	swait.ge [sflag:s19], $0x4000  }
0x6f: {  	s0 =	sadd.s32 s8, s24;
	[sflag:s19] =	ssyncset.done $0x0  }
0x70: {  	s24 =	sadd.s32 $0x1, s24;
	s31 =	sor.u32 @!p1 $0x4, s7;
	[sflag:s19] =	ssyncadd.s32 $0xFFFFC000  }
0x71: {  	s6 =	sand.u32 $0x1, s6;
	p2 =	seq.s32 s24, $0x40;
	_ =	strace $0x9000004B  }
.Ltmp1:
0x72: {  	s7 =	sor.u32 $0x4, s6;
	_ =	strace @!p1 $0x8000004C;
	(pc) =	sbr.rel @p3 .LBB2_4-.Ltmp1, $4  }
0x73: {  	[hbm4b:s10+s16] =	stream.linear.scatter @!p1 [tilespmem:s15], [sflag:s31], $0x4000, $0x200038;
	[tilespmem:$0x1D980] =	vst v63  }
0x74: {  	s24 =	simm.s32 @p2 $0x0;
	s31 =	sor.u32 $0x2, s11;
	_ =	strace @!p1 $0x9000004C  }
0x75: {  	p2 =	sne.s32 s3, s24;
	p1 =	seq.s32 s3, s24;
	_ =	strace $0x8000004D  }
0x76: {  	s10 =	sand.u32 @!p1 $0x1, s29;
	s3 =	sadd.s32 @!p1 s8, s24;
	_ =	swait.ge [sflag:s7], $0x4000  }
0x77: {  	s3 =	sshll.u32 @!p1 s3, $0x4;
	[sflag:s7] =	ssyncset.done $0x0  }
0x78: {  	s6 =	sshll.u32 @!p1 s10, $0x7;
	s10 =	sor.u32 @!p1 $0x2, s10;
	[sflag:s7] =	ssyncadd.s32 $0xFFFFC000  }
0x79: {  	s3 =	sand.u32 @!p1 $0x1FFFFFF0, s3;
	s7 =	simm.s32 @!p1 $0x0;
	_ =	strace $0x9000004D  }
0x7a: {  	s6 =	sadd.s32 @!p1 $0x15880, s6;
	s3 =	sadd.s32 @!p1 s1, s3;
	_ =	strace @!p1 $0x80000049  }
0x7b: {  	[tilespmem:s6], [sflag:s10] =	stream.linear.gather @!p1 [hbm4b:s3+s7], $0x80, $0x200038;
	[tilespmem:$0x1D980] =	vst v63  }
0x7c: {  	_ =	strace @!p1 $0x90000049  }
0x7d: {  	_ =	strace $0x8000004A  }
0x7e: {  	_ =	swait.ge [sflag:s31], $0x80  }
0x7f: {  	[sflag:s31] =	ssyncset.done $0x0  }
0x80: {  	s3 =	sand.u32 $0x1, s30;
	[sflag:s31] =	ssyncadd.s32 $0xFFFFFF80  }
0x81: {  	s30 =	sshll.u32 s3, $0xE;
	_ =	strace $0x9000004A  }
0x82: {  	s6 =	sadd.s32 $0x15980, s30;
	s31 =	sadd.s32 $0x15880, s28;
	_ =	strace $0x8000004B  }
0x83: {  	[tilespmem:s6], [sflag:$0x1] =	stream.indirect.gather [spmem:s2], $0x80, s31, s17, $0x2000b8;
	[tilespmem:$0x1D980] =	vst v63  }
0x84: {  	_ =	swait.ge [sflag:s19], $0x4000  }
0x85: {  	[sflag:s19] =	ssyncset.done $0x0  }
0x86: {  	s0 =	sshll.u32 @!p1 s0, $0xB;
	[sflag:s19] =	ssyncadd.s32 $0xFFFFC000  }
0x87: {  	s0 =	sand.u32 @!p1 $0x1FFFF800, s0;
	_ =	strace $0x9000004B  }
0x88: {  	s0 =	sadd.s32 @!p1 s5, s0;
	s3 =	sor.u32 @!p1 $0x4, s3;
	_ =	strace @!p1 $0x8000004C  }
0x89: {  	[hbm4b:s0+s7] =	stream.linear.scatter @!p1 [tilespmem:s6], [sflag:s3], $0x4000, $0x200038;
	[tilespmem:$0x1D980] =	vst v63  }
0x8a: {  	s11 =	sand.u32 $0x1, s23;
	_ =	strace @!p1 $0x9000004C  }
0x8b: {  	s0 =	sor.u32 $0x4, s11;
	_ =	strace $0x8000004D  }
0x8c: {  	s3 =	simm.s32 $0x1;
	_ =	swait.ge [sflag:s0], $0x4000  }
0x8d: {  	s3 =	simm.s32 @!p2 $0x0;
	[sflag:s0] =	ssyncset.done $0x0  }
0x8e: {  	s15 =	sadd.s32 s3, s26;
	[sflag:s0] =	ssyncadd.s32 $0xFFFFC000  }
0x8f: {  	s16 =	sand.u32 $0x1, s15;
	_ =	strace $0x9000004D  }
0x90: {  	s0 =	sor.u32 $0x2, s16;
	_ =	strace $0x8000004A  }
0x91: {  	_ =	swait.ge [sflag:s0], $0x80  }
0x92: {  	s3 =	sadd.s32 s3, s25;
	[sflag:s0] =	ssyncset.done $0x0  }
0x93: {  	s23 =	sand.u32 $0x1, s3;
	s25 =	sshll.u32 s15, $0x7;
	[sflag:s0] =	ssyncadd.s32 $0xFFFFFF80  }
0x94: {  	s26 =	sshll.u32 s23, $0xE;
	s3 =	sand.u32 $0x80, s25;
	_ =	strace $0x9000004A  }
0x95: {  	s6 =	sadd.s32 $0x15980, s26;
	s3 =	sadd.s32 $0x15880, s3;
	_ =	strace $0x8000004B  }
0x96: {  	[tilespmem:s6], [sflag:$0x1] =	stream.indirect.gather [spmem:s2], $0x80, s3, s17, $0x2000b8;
	[tilespmem:$0x1D980] =	vst v63  }
0x97: {  	_ =	swait.ge [sflag:s19], $0x4000  }
0x98: {  	s28 =	sadd.s32 s8, s24;
	[sflag:s19] =	ssyncset.done $0x0  }
0x99: {  	s3 =	sshll.u32 s28, $0xB;
	[sflag:s19] =	ssyncadd.s32 $0xFFFFC000  }
0x9a: {  	s29 =	simm.s32 $0x0;
	s3 =	sand.u32 $0x1FFFF800, s3;
	_ =	strace $0x9000004B  }
0x9b: {  	s0 =	sor.u32 $0x4, s23;
	s3 =	sadd.s32 s5, s3;
	_ =	strace $0x8000004C  }
0x9c: {  	[hbm4b:s3+s29] =	stream.linear.scatter [tilespmem:s6], [sflag:s0], $0x4000, $0x200038;
	[tilespmem:$0x1D980] =	vst v63  }
0x9d: {  	s30 =	sand.u32 $0x1, s22;
	_ =	strace $0x9000004C  }
0x9e: {  	s0 =	sor.u32 $0x4, s30;
	_ =	strace $0x8000004D  }
0x9f: {  	_ =	swait.ge [sflag:s0], $0x4000  }
0xa0: {  	[sflag:s0] =	ssyncset.done $0x0  }
0xa1: {  	[sflag:s0] =	ssyncadd.s32 $0xFFFFC000  }
0xa2: {  	_ =	strace $0x9000004D  }
0xa3: {  	_ =	strace $0x8000004E  }
0xa4: {  	_ =	swait.ge [sflag:s20], $0x4000  }
0xa5: {  	s21 =	sadd.s32 $0x1, s21;
	s31 =	rddreg [dreg:$0x7]  }
0xa6: {  	p1 =	sne.s32 s21, s31  }
.Ltmp2:
0xa7: {  	_ = 	snop;
	(pc) =	sbr.rel @p1 .LBB2_1-.Ltmp2, $4  }
0xa8: {  	_ = 	snop  }
0xa9: {  	[sflag:s20] =	ssyncset.done $0x0  }
0xaa: {  	[sflag:s20] =	ssyncadd.s32 $0xFFFFC000  }
0xab: {  	_ =	strace $0x9000004E  }
0xac: {  	_ =	sfence.sel $0x180000  }
0xad: {  	[bflag:$0x0] =	sbarrier.arrive $0xFFFF  }
0xae: {  	_ =	strace $0x90000047  }
0xaf: {  	[bflag:$0x2] =	sbarrier.arrive $0xFFFF  }
0xb0: {  	p0 =	sne.s32 s4, $0x0;
	s0 =	rddreg [dreg:$0x4]  }
0xb1: {  	s0 =	sadd.s32 @!p0 $0x100000, s0  }
0xb2: {  	[sflag:s0] =	ssyncadd.tile.s32 @!p0 $0x1;
	_ =	shalt  }
.Lfunc_end2:
_tile_overlayer_lowered:
.L_overlay_start_2:
0xb3: {  	(tag) =	ssettag $0x2  }
0xb4: {  	s0 =	rddreg [dreg:$0x0];
	s2 =	stileid.u32  }
0xb5: {  	s1 =	rddreg [dreg:$0x1];
	p0 =	sne.s32 s2, $0x0  }
0xb6: {  	s3 =	rddreg [dreg:$0x2];
	[bflag:$0x3] =	sbarrier.arrive $0xFFFF;
	s2 =	simm.s32 @!p0 $0x1C02  }
0xb7: {  	[timem:s3], [sflag:s2] =	dma.local @!p0 [hbm:s0], s1  }
0xb8: {  	s0 =	simm.s32 @!p0 $0x2  }
0xb9: {  	_ =	swait.ge @!p0 [sflag:s0], s1  }
0xba: {  	s1 =	ssub.s32 @!p0 $0x0, s1;
	[sflag:s0] =	ssyncset.done @!p0 $0x0  }
0xbb: {  	[sflag:s0] =	ssyncadd.s32 @!p0 s1  }
0xbc: {  	[bflag:$0x3] =	sbarrier.arrive $0xFFFF  }
0xbd: {  	_ =	shalt  }

// kernel: kernel.18.cloned.1.call-start
scs
__scs_entry_jumppad:
0x0: {  	(pc) =	sbr.rel $0x88, $3  }
0x1: {  	(tag) =	ssettag $0x0;
	lr =	simm.s32 $0x1  }
0x2: {  	[smem:$0x3F92] =	sst lr;
	_ =	strace $0xD0000000  }
0x3: {  	_ = 	snop  }
0x4: {  	_ = 	snop  }
0x5: {  	_ = 	snop  }
0x6: {  	_ = 	snop  }
0x7: {  	_ = 	snop  }
__scs_overlays_trampoline_lowered:
0x8: {  	[smem:$0x3FA1] =	sst s0  }
0x9: {  	[smem:$0x3FA2] =	sst s1  }
0xa: {  	[smem:$0x3FA3] =	sst s2  }
0xb: {  	[smem:$0x3FA4] =	sst s3  }
0xc: {  	[smem:$0x3FA5] =	sst s4  }
0xd: {  	[smem:$0x3FA6] =	sst s5  }
0xe: {  	[smem:$0x3FA7] =	sst s6  }
0xf: {  	[smem:$0x3FA8] =	sst s7  }
0x10: {  	[smem:$0x3FA9] =	sst s8  }
0x11: {  	[smem:$0x3FAA] =	sst s9;
	s0 =	simm.s32 @!p0 $0x0  }
0x12: {  	s1 =	sld [smem:$0x3F90];
	s0 =	simm.s32 @p0 $0x1  }
0x13: {  	[smem:$0x3FAB] =	sst s0;
	s0 =	simm.s32 @!p1 $0x0  }
0x14: {  	s2 =	sld [smem:$0x3F8F];
	s0 =	simm.s32 @p1 $0x1  }
0x15: {  	[smem:$0x3FAC] =	sst s0;
	s0 =	simm.s32 @!p2 $0x0  }
0x16: {  	s3 =	sld [smem:$0x3FDB];
	s0 =	simm.s32 @p2 $0x1  }
0x17: {  	s4 =	simm.s32 $0x1BF5;
	[smem:$0x3FAE] =	sst s0  }
0x18: {  	s0 =	sld [smem:$0x3F91];
	_ =	swait.ge [sflag:s4], $0x0  }
0x19: {  	s7 =	sld [smem:$0x3F92]  }
0x1a: {  	s8 =	sadd.s32 $0xFFFFE003, lr  }
0x1b: {  	s9 =	sadd.s32 $0xFFFFFEF7, lr;
	s5 =	simm.s32 $0xFFFFFFFF;
	p2 =	slt.u32 s8, $0xFFFFF086  }
0x1c: {  	p1 =	slt.u32 s9, $0xF7A;
	s5 =	simm.s32 @!p2 $0x0  }
0x1d: {  	s5 =	simm.s32 @p1 $0x1;
	p0 =	seq.s32 s7, s2  }
0x1e: {  	s7 =	smul.u32 @!p0 $0xF7A, s2;
	p2 =	seq.s32 @!p0 s5, $0x0  }
0x1f: {  	s9 =	smul.u32 $0xF7A, s1;
	s8 =	simm.s32 @!p0 $0x1BF5;
	p2 =	por !p2, p0  }
0x20: {  	[sflag:s8] =	ssyncset.s32 @!p0 $0xFFFFF086;
	s6 =	sadd.s32 @!p0 s3, s7;
	s7 =	simm.s32 @!p0 $0x108  }
0x21: {  	s3 =	sadd.s32 s3, s9;
	s6 =	sadd.s32 @!p0 $0x88, s6;
	s7 =	simm.s32 @p2 $0x1082  }
0x22: {  	[simem:s7], [sflag:s8] =	dma.local @!p0 [hbm:s6], $0xF7A  }
0x23: {  	s9 =	sor.u32 $0xD0000000, s2;
	s6 =	simm.s32 $0x108;
	_ =	swait.ge @!p0 [sflag:s8], $0x0  }
0x24: {  	s3 =	sadd.s32 $0x88, s3;
	s6 =	simm.s32 @!p1 $0x1082;
	[sflag:s4] =	ssyncset.s32 $0xFFFFF086  }
0x25: {  	[simem:s6], [sflag:s4] =	dma.local [hbm:s3], $0xF7A  }
0x26: {  	[smem:$0x3F92] =	sst s1;
	(tag) =	ssettag s2;
	_ =	strace s9  }
0x27: {  	s1 =	sld [smem:$0x3FA2]  }
0x28: {  	s2 =	sld [smem:$0x3FA3]  }
0x29: {  	s4 =	sld [smem:$0x3FA5]  }
0x2a: {  	p0 =	seq.s32 s5, $0x0;
	s5 =	sld [smem:$0x3FA6]  }
0x2b: {  	s6 =	sld [smem:$0x3FA7]  }
0x2c: {  	s7 =	sld [smem:$0x3FA8]  }
0x2d: {  	s3 =	simm.s32 $0x108;
	s8 =	sld [smem:$0x3FA9]  }
0x2e: {  	s3 =	simm.s32 @!p0 $0x1082;
	s9 =	sld [smem:$0x3FAA]  }
0x2f: {  	lr =	sadd.s32 s0, s3;
	s0 =	sld [smem:$0x3FA1]  }
0x30: {  	s3 =	sld [smem:$0x3FA4]  }
0x31: {  	[smem:$0x3FAD] =	sst s10  }
0x32: {  	s10 =	sld [smem:$0x3FAB];
	_ =	sdelay $0x3  }
0x33: {  	p0 =	seq.s32 s10, $0x1;
	s10 =	sld [smem:$0x3FAD];
	_ =	sdelay $0x3  }
0x34: {  	[smem:$0x3FAD] =	sst s10  }
0x35: {  	s10 =	sld [smem:$0x3FAC];
	_ =	sdelay $0x3  }
0x36: {  	p1 =	seq.s32 s10, $0x1;
	s10 =	sld [smem:$0x3FAD];
	_ =	sdelay $0x3  }
0x37: {  	[smem:$0x3FAD] =	sst s10  }
0x38: {  	s10 =	sld [smem:$0x3FAE]  }
0x39: {  	_ = 	snop;
	(pc) =	sbr.ind lr, $3  }
0x3a: {  	_ = 	snop  }
0x3b: {  	_ = 	snop  }
0x3c: {  	p2 =	seq.s32 s10, $0x1;
	s10 =	sld [smem:$0x3FAD]  }
0x3d: {  	_ =	shalt  }
0x3e: {  	_ =	shalt  }
0x3f: {  	_ =	shalt  }
0x40: {  	_ =	shalt  }
0x41: {  	_ =	shalt  }
0x42: {  	_ =	shalt  }
0x43: {  	_ =	shalt  }
0x44: {  	_ =	shalt  }
0x45: {  	_ =	shalt  }
0x46: {  	_ =	shalt  }
0x47: {  	_ =	shalt  }
0x48: {  	_ =	shalt  }
0x49: {  	_ =	shalt  }
0x4a: {  	_ =	shalt  }
0x4b: {  	_ =	shalt  }
0x4c: {  	_ =	shalt  }
0x4d: {  	_ =	shalt  }
0x4e: {  	_ =	shalt  }
0x4f: {  	_ =	shalt  }
0x50: {  	_ =	shalt  }
0x51: {  	_ =	shalt  }
0x52: {  	_ =	shalt  }
0x53: {  	_ =	shalt  }
0x54: {  	_ =	shalt  }
0x55: {  	_ =	shalt  }
0x56: {  	_ =	shalt  }
0x57: {  	_ =	shalt  }
0x58: {  	_ =	shalt  }
0x59: {  	_ =	shalt  }
0x5a: {  	_ =	shalt  }
0x5b: {  	_ =	shalt  }
0x5c: {  	_ =	shalt  }
0x5d: {  	_ =	shalt  }
0x5e: {  	_ =	shalt  }
0x5f: {  	_ =	shalt  }
0x60: {  	_ =	shalt  }
0x61: {  	_ =	shalt  }
0x62: {  	_ =	shalt  }
0x63: {  	_ =	shalt  }
0x64: {  	_ =	shalt  }
0x65: {  	_ =	shalt  }
0x66: {  	_ =	shalt  }
0x67: {  	_ =	shalt  }
0x68: {  	_ =	shalt  }
0x69: {  	_ =	shalt  }
0x6a: {  	_ =	shalt  }
0x6b: {  	_ =	shalt  }
0x6c: {  	_ =	shalt  }
0x6d: {  	_ =	shalt  }
0x6e: {  	_ =	shalt  }
0x6f: {  	_ =	shalt  }
0x70: {  	_ =	shalt  }
0x71: {  	_ =	shalt  }
0x72: {  	_ =	shalt  }
0x73: {  	_ =	shalt  }
0x74: {  	_ =	shalt  }
0x75: {  	_ =	shalt  }
0x76: {  	_ =	shalt  }
0x77: {  	_ =	shalt  }
0x78: {  	_ =	shalt  }
0x79: {  	_ =	shalt  }
0x7a: {  	_ =	shalt  }
0x7b: {  	_ =	shalt  }
0x7c: {  	_ =	shalt  }
0x7d: {  	_ =	shalt  }
0x7e: {  	_ =	shalt  }
0x7f: {  	_ =	shalt  }
0x80: {  	_ =	shalt  }
0x81: {  	_ =	shalt  }
0x82: {  	_ =	shalt  }
0x83: {  	_ =	shalt  }
0x84: {  	_ =	shalt  }
0x85: {  	_ =	shalt  }
0x86: {  	_ =	shalt  }
0x87: {  	_ =	shalt  }
.Lfunc_end0:
.L_simem_size_0:
called_computation.2_lowered:
.L_overlay_start_0:
0x88: {  	s2 =	sld [smem:$0x3FD9]  }
0x89: {  	s3 =	sld [smem:$0x3FFE];
	_ =	sdelay $0x1  }
0x8a: {  	s1 =	srdreg.scid  }
0x8b: {  	s0 =	sand.u32 $0x1, s1  }
0x8c: {  	s17 =	sshll.u32 s0, $0xA;
	s2 =	sadd.s32 s3, s2  }
0x8d: {  	s2 =	sadd.s32 s2, s17  }
0x8e: {  	[smem:$0x3FB9] =	sst s2  }
0x8f: {  	_ = 	snop  }
0x90: {  	s18 =	sld [smem:$0x3FC9];
	(tm) =	ssettm $0x1  }
0x91: {  	s19 =	sld [smem:$0x3FFB];
	_ =	sdelay $0x3  }
0x92: {  	_ =	strace s19  }
0x93: {  	s2 =	sld [smem:$0x3FFC];
	_ =	sdelay $0x3  }
0x94: {  	_ =	strace s2  }
0x95: {  	s2 =	sld [smem:$0x3FFD];
	_ =	sdelay $0x3  }
0x96: {  	_ =	strace s2  }
0x97: {  	_ =	strace $0x8FFFFFFF  }
0x98: {  	s20 =	sld [smem:$0x3FDB];
	_ =	sdelay $0x1  }
0x99: {  	s4 =	simm.s32 $_scs_section_size  }
0x9a: {  	s5 =	simm.s32 $_size__tile_overlayer_lowered;
	s6 =	simm.s32 $_tile_overlayer_lowered  }
0x9b: {  	s7 =	simm.s32 $0x1BFF;
	s21 =	sshll.u32 s6, $0x1;
	s4 =	sadd.s32 s4, s20  }
0x9c: {  	s22 =	simm.s32 $0x0;
	s5 =	sshll.u32 s5, $0x1;
	s6 =	sadd.s32 s21, s4  }
0x9d: {  	[timem:s22], [sflag:s7] =	dma.local [hbm:s6], s5  }
0x9e: {  	_ =	swait.ge [sflag:s7], s5  }
0x9f: {  	s5 =	ssub.s32 $0x0, s5;
	[sflag:s7] =	ssyncset.done $0x0  }
0xa0: {  	[sflag:s7] =	ssyncadd.s32 s5;
	_ =	sdelay $0x1  }
0xa1: {  	s23 =	simm.s32 $0x1B8B  }
0xa2: {  	_ =	swait.ge [sflag:s23], $0x1  }
0xa3: {  	[sflag:s23] =	ssyncset.done $0x0  }
0xa4: {  	[sflag:s23] =	ssyncadd.s32 $0xFFFFFFFF  }
0xa5: {  	s5 =	sld [smem:$0x0]  }
0xa6: {  	s6 =	sand.u32 $0xFFFFFFFE, s1  }
0xa7: {  	p0 =	sne.s32 s1, s6  }
0xa8: {  	s6 =	sshll.u32 @p0 s6, $0xE  }
0xa9: {  	s6 =	sadd.s32 @p0 $0x11B8D, s6;
	s7 =	sshll.u32 @p0 s5, $0x11  }
0xaa: {  	s6 =	sor.u32 @p0 s7, s6  }
0xab: {  	[sflag:s6] =	ssyncadd.remote.s32 @p0 $0x1;
	_ =	sdelay $0x1  }
0xac: {  	s6 =	simm.s32 @p0 $0x1B8D  }
0xad: {  	_ =	swait.eq @p0 [sflag:s6], $0x1  }
0xae: {  	[sflag:s6] =	ssyncadd.s32 @p0 $0xFFFFFFFF  }
0xaf: {  	s7 =	sshll.u32 @!p0 s1, $0xE  }
0xb0: {  	s7 =	sor.u32 @!p0 $0x4000, s7;
	s6 =	simm.s32 @!p0 $0x1B8D  }
0xb1: {  	s5 =	sshll.u32 @!p0 s5, $0x11;
	s7 =	sadd.s32 @!p0 $0x11B8D, s7;
	_ =	swait.eq @!p0 [sflag:s6], $0x1  }
0xb2: {  	s5 =	sor.u32 @!p0 s5, s7;
	[sflag:s6] =	ssyncadd.s32 @!p0 $0xFFFFFFFF  }
0xb3: {  	s25 =	simm.s32 $0x1B8E;
	s24 =	sld [smem:$0x3FFE];
	[sflag:s5] =	ssyncadd.remote.s32 @!p0 $0x1  }
0xb4: {  	s26 =	simm.s32 $execute0_lowered;
	[smem:$0x3FD2] =	sst s25  }
0xb5: {  	s6 =	sshll.u32 s26, $0x1;
	_ =	strace $0x80000050;
	[dreg:$0x1] =	wrdreg $0xFFFFFFFF  }
0xb6: {  	s28 =	simm.s32 $_size_execute0_lowered;
	s4 =	sadd.s32 s4, s6;
	[dreg:$0x0] =	wrdreg $0x0  }
0xb7: {  	s6 =	sshll.u32 s28, $0x1;
	[dreg:$0x2] =	wrdreg s4  }
0xb8: {  	[dreg:$0x3] =	wrdreg s6  }
0xb9: {  	[dreg:$0x4] =	wrdreg $0xC0  }
0xba: {  	_ =	task [dreg:s22], $0x5FFFF  }
0xbb: {  	[dreg:$0x1] =	wrdreg $0xFFFFFFFF  }
0xbc: {  	[dreg:$0x0] =	wrdreg $0x60  }
0xbd: {  	[dreg:$0x2] =	wrdreg s18  }
0xbe: {  	[dreg:$0x3] =	wrdreg s24  }
0xbf: {  	[dreg:$0x4] =	wrdreg $0x0  }
0xc0: {  	[dreg:$0x5] =	wrdreg $0xB  }
0xc1: {  	_ =	task.clear_ibuf [dreg:s22], $0x6FFFF;
	_ =	strace $0x90000050  }
0xc2: {  	s29 =	simm.s32 $0xB;
	_ =	strace $0x80000059  }
0xc3: {  	_ =	swait.ge [sflag:s29], $0x1  }
0xc4: {  	[sflag:s29] =	ssyncadd.s32 $0xFFFFFFFF  }
0xc5: {  	_ =	strace $0x90000059  }
0xc6: {  	_ =	sfence  }
0xc7: {  	s30 =	sld [smem:$0x0];
	_ =	sdelay $0x2  }
0xc8: {  	s31 =	sshll.u32 s1, $0xD;
	s1 =	sshrl.u32 s1, $0x2  }
0xc9: {  	s4 =	sand.u32 $0x4000, s31;
	s1 =	sadd.s32 s1, s30  }
0xca: {  	s0 =	sor.u32 s4, s0;
	s1 =	sshll.u32 s1, $0x11  }
0xcb: {  	s0 =	sor.u32 s1, s0  }
0xcc: {  	s0 =	sadd.s32 $0x8F2B, s0  }
0xcd: {  	[sflag:s0] =	ssyncadd.remote.s32 $0x1  }
0xce: {  	_ =	sfence.sel $0xFFFF  }
0xcf: {  	[dreg:$0x0] =	wrdreg $0xFFFFFFFF;
	(pc) =	sbr.abs _section_cstart, $3  }
0xd0: {  	[dreg:$0x1] =	wrdreg $0xFFFFFFFF  }
0xd1: {  	_ =	task.clear_ibuf [dreg:s22], $0x2FFFF;
	_ =	strace $0x9FFFFFFF  }
0xd2: {  	(tm) =	ssettm $0x7FFFFFFF  }
0xd3: {  	_ =	shalt  }
tec
execute0_lowered:
.L_overlay_start_1:
0x0: {  	(tag) =	ssettag $0x1  }
0x1: {  	s0 =	rddreg [dreg:$0x0]  }
0x2: {  	s2 =	rddreg [dreg:$0x1]  }
0x3: {  	s1 =	rddreg [dreg:$0x2]  }
0x4: {  	s4 =	simm.s32 $0x0;
	s3 =	srdreg.scid;
	s17 =	simm.s32 $0x80  }
0x5: {  	s18 =	simm.s32 $0x15980;
	s19 =	simm.s32 $0x1;
	s20 =	simm.s32 $0x5  }
0x6: {  	s21 =	simm.s32 $0x0;
	[smem:$0x7FF] =	sst s4;
	s5 =	sand.u32 $0x1, s3  }
0x7: {  	s4 =	sadd.s32 $0x41D000, s2;
	s3 =	stileid.u32;
	s24 =	sadd.s32 $0x27000, s0  }
0x8: {  	s25 =	sadd.s32 $0x138000, s1;
	_ =	strace $0x80000051;
	s6 =	ssub.s32 $0x2, s5  }
0x9: {  	s8 =	sshll.u32 s5, $0x4;
	s5 =	sadd.s32 $0x425000, s2;
	[dreg:$0x4] =	wrdreg s24  }
0xa: {  	[dreg:$0x5] =	wrdreg s25;
	s30 =	sshll.u32 s3, $0xA;
	s31 =	sshll.u32 s3, $0xD  }
0xb: {  	p0 =	sne.s32 s3, $0xF;
	s7 =	sshrl.u32 s6, $0x1;
	s23 =	sor.u32 s3, s8  }
0xc: {  	s13 =	sadd.s32 s30, s0;
	s22 =	ssub.s32 s6, s7;
	s26 =	sshll.u32 s23, $0xA  }
0xd: {  	s14 =	sadd.s32 s31, s1;
	s9 =	sadd.s32 s4, s26;
	s2 =	smax.u32 s22, $0x1  }
0xe: {  	s29 =	sshll.u32 s23, $0x11;
	[dreg:$0x6] =	wrdreg s2;
	s28 =	sadd.s32 $0x10, s9  }
0xf: {  	s8 =	sshll.u32 s23, $0x6;
	s12 =	sadd.s32 s5, s29;
	[dreg:$0x7] =	wrdreg s28  }
.LBB2_1:
0x10: {  	s0 =	sadd.s32 $0x0, s3  }
0x11: {  	p1 =	sgt.u32 s0, $0x9B  }
0x12: {  	s0 =	simm.s32 @!p1 $0x0;
	s6 =	simm.s32 @!p1 $0x13880;
	s7 =	simm.s32 @!p1 $0x3  }
0x13: {  	[tilespmem:s6], [sflag:$0x3] =	stream.linear.gather @!p1 [hbm4b:s13+s0], $0x2000, $0x38;
	[tilespmem:$0x1D980] =	vst v63  }
0x14: {  	s2 =	simm.s32 $0x20;
	_ =	swait.ge @!p1 [sflag:s7], $0x2000  }
0x15: {  	s31 =	sadd.s32 $0x10, s3;
	[sflag:s7] =	ssyncset.done @!p1 $0x0;
	p1 =	por p1, p1  }
0x16: {  	p2 =	sgt.u32 s31, $0x9B;
	[sflag:s7] =	ssyncadd.s32 @!p1 $0xFFFFE000;
	s7 =	simm.s32 @!p1 $0x2  }
0x17: {  	[spmem:s14] =	stream.linear.scatter @!p1 [tilespmem:s6], [sflag:$0x2], $0x2000, $0x38;
	[tilespmem:$0x1D980] =	vst v63  }
0x18: {  	s0 =	sadd.s32 $0x20000, s14;
	s6 =	sadd.s32 $0x4000, s13;
	_ =	swait.ge @!p1 [sflag:s7], $0x2000  }
.LBB2_2:
0x19: {  	s10 =	simm.s32 @!p2 $0x0;
	s16 =	simm.s32 @!p2 $0x13880;
	[sflag:s7] =	ssyncset.done @!p1 $0x0  }
0x1a: {  	s22 =	smov.u32 s2;
	s23 =	smov.u32 s0;
	s2 =	sadd.s32 $0x10, s2  }
0x1b: {  	s24 =	simm.s32 @!p2 $0x3;
	[sflag:s7] =	ssyncadd.s32 @!p1 $0xFFFFE000;
	p3 =	sne.s32 s2, $0xA0  }
0x1c: {  	[tilespmem:s16], [sflag:$0x3] =	stream.linear.gather @!p2 [hbm4b:s6+s10], $0x2000, $0x38;
	[tilespmem:$0x1D980] =	vst v63  }
.Ltmp0:
0x1d: {  	_ =	swait.ge @!p2 [sflag:s24], $0x2000;
	(pc) =	sbr.rel @p3 .LBB2_2-.Ltmp0, $4  }
0x1e: {  	s0 =	sadd.s32 $0x20000, s0;
	p1 =	por p2, p2;
	[sflag:s24] =	ssyncset.done @!p2 $0x0  }
0x1f: {  	s10 =	sadd.s32 s22, s3;
	s7 =	simm.s32 @!p1 $0x2;
	[sflag:s24] =	ssyncadd.s32 @!p1 $0xFFFFE000  }
0x20: {  	[spmem:s23] =	stream.linear.scatter @!p1 [tilespmem:s16], [sflag:$0x2], $0x2000, $0x38;
	[tilespmem:$0x1D980] =	vst v63  }
0x21: {  	s6 =	sadd.s32 $0x4000, s6;
	p2 =	sgt.u32 s10, $0x9B;
	_ =	swait.ge @!p1 [sflag:s7], $0x2000  }
0x22: {  	s2 =	simm.s32 @!p2 $0x0;
	[sflag:s7] =	ssyncset.done @!p1 $0x0  }
0x23: {  	s10 =	simm.s32 @!p2 $0x13880;
	s16 =	simm.s32 @!p2 $0x3;
	[sflag:s7] =	ssyncadd.s32 @!p1 $0xFFFFE000  }
0x24: {  	[tilespmem:s10], [sflag:$0x3] =	stream.linear.gather @!p2 [hbm4b:s6+s2], $0x2000, $0x38;
	[tilespmem:$0x1D980] =	vst v63  }
0x25: {  	_ =	swait.ge @!p2 [sflag:s16], $0x2000  }
0x26: {  	p1 =	por p2, p2;
	[sflag:s16] =	ssyncset.done @!p2 $0x0  }
0x27: {  	s2 =	simm.s32 @!p1 $0x2;
	[sflag:s16] =	ssyncadd.s32 @!p1 $0xFFFFE000  }
0x28: {  	[spmem:s0] =	stream.linear.scatter @!p1 [tilespmem:s10], [sflag:$0x2], $0x2000, $0x38;
	[tilespmem:$0x1D980] =	vst v63  }
0x29: {  	_ =	swait.ge @!p1 [sflag:s2], $0x2000  }
0x2a: {  	s0 =	simm.s32 @!p0 $0x0;
	[sflag:s2] =	ssyncset.done @!p1 $0x0  }
0x2b: {  	s6 =	rddreg [dreg:$0x4];
	[sflag:s2] =	ssyncadd.s32 @!p1 $0xFFFFE000;
	s2 =	simm.s32 @!p0 $0x13880  }
0x2c: {  	[tilespmem:s2], [sflag:$0x2] =	stream.linear.gather @!p0 [hbm4b:s6+s0], $0x800, $0x38;
	[tilespmem:$0x1D980] =	vst v63  }
0x2d: {  	s0 =	simm.s32 @!p0 $0x2  }
0x2e: {  	_ =	swait.ge @!p0 [sflag:s0], $0x800  }
0x2f: {  	[sflag:s0] =	ssyncset.done @!p0 $0x0  }
0x30: {  	s6 =	rddreg [dreg:$0x5];
	[sflag:s0] =	ssyncadd.s32 @!p0 $0xFFFFF800  }
0x31: {  	[spmem:s6] =	stream.linear.scatter @!p0 [tilespmem:s2], [sflag:$0x2], $0x800, $0x38;
	[tilespmem:$0x1D980] =	vst v63  }
0x32: {  	_ =	swait.ge @!p0 [sflag:s0], $0x800  }
0x33: {  	[sflag:s0] =	ssyncset.done @!p0 $0x0  }
0x34: {  	[sflag:s0] =	ssyncadd.s32 @!p0 $0xFFFFF800  }
0x35: {  	[bflag:$0x0] =	sbarrier.arrive $0xFFFF  }
0x36: {  	s26 =	simm.s32 $0x15880;
	s0 =	simm.s32 $0x0;
	_ =	strace $0x80000052  }
0x37: {  	[tilespmem:s26], [sflag:$0x2] =	stream.linear.gather [hbm4b:s9+s0], $0x80, $0x200038;
	[tilespmem:$0x1D980] =	vst v63  }
0x38: {  	_ =	strace $0x90000052  }
0x39: {  	_ =	strace $0x80000053  }
0x3a: {  	s10 =	simm.s32 $0x15900;
	s7 =	rddreg [dreg:$0x7]  }
0x3b: {  	[tilespmem:s10], [sflag:$0x3] =	stream.linear.gather [hbm4b:s7+s0], $0x80, $0x200038;
	[tilespmem:$0x1D980] =	vst v63  }
0x3c: {  	_ =	strace $0x90000053  }
0x3d: {  	s2 =	simm.s32 $0x2;
	_ =	strace $0x80000054  }
0x3e: {  	_ =	swait.ge [sflag:s2], $0x80  }
0x3f: {  	[sflag:s2] =	ssyncset.done $0x0  }
0x40: {  	s11 =	simm.s32 $0x1;
	s15 =	simm.s32 $0x80;
	[sflag:s2] =	ssyncadd.s32 $0xFFFFFF80  }
0x41: {  	s23 =	simm.s32 $0x1;
	s24 =	sand.u32 $0x80, s15;
	_ =	strace $0x90000054  }
0x42: {  	p1 =	por $0x0, $0x0;
	s10 =	simm.s32 $0x2;
	_ =	strace $0x80000055  }
0x43: {  	[tilespmem:s18], [sflag:$0x1] =	stream.indirect.gather [spmem:s1], $0x80, s26, s17, $0x2000b8;
	[tilespmem:$0x1D980] =	vst v63  }
0x44: {  	s16 =	sadd.s32 $0x1, s8;
	s10 =	simm.s32 @p1 $0x0;
	_ =	swait.ge [sflag:s11], $0x4000  }
0x45: {  	s6 =	sand.u32 $0x1, s11;
	p1 =	seq.s32 s10, $0x1;
	[sflag:s11] =	ssyncset.done $0x0  }
0x46: {  	s25 =	sshll.u32 s6, $0xE;
	s7 =	sadd.s32 @!p1 s8, s10;
	[sflag:s11] =	ssyncadd.s32 $0xFFFFC000  }
0x47: {  	s7 =	sshll.u32 @!p1 s7, $0x4;
	s2 =	sand.u32 @!p1 $0x1, s2;
	_ =	strace $0x90000055  }
0x48: {  	s7 =	sand.u32 @!p1 $0x1FFFFFF0, s7;
	s22 =	sshll.u32 @!p1 s2, $0x7;
	_ =	strace $0x80000056  }
0x49: {  	[hbm4b:s12+s0] =	stream.linear.scatter [tilespmem:s18], [sflag:$0x4], $0x4000, $0x200038;
	[tilespmem:$0x1D980] =	vst v63  }
0x4a: {  	s7 =	sadd.s32 @!p1 s4, s7;
	s2 =	sor.u32 @!p1 $0x2, s2;
	_ =	strace $0x90000056  }
0x4b: {  	s22 =	sadd.s32 @!p1 $0x15880, s22;
	s26 =	simm.s32 @!p1 $0x0;
	_ =	strace @!p1 $0x80000053  }
0x4c: {  	[tilespmem:s22], [sflag:s2] =	stream.linear.gather @!p1 [hbm4b:s7+s26], $0x80, $0x200038;
	[tilespmem:$0x1D980] =	vst v63  }
0x4d: {  	s15 =	sand.u32 $0x1, s0;
	s22 =	sand.u32 $0x1, s11;
	_ =	strace @!p1 $0x90000053  }
0x4e: {  	p2 =	sne.s32 s10, $0x1;
	s2 =	sor.u32 $0x2, s22;
	_ =	strace $0x80000054  }
0x4f: {  	s16 =	sshll.u32 @!p1 s16, $0xB;
	s6 =	sor.u32 @!p1 $0x4, s6;
	_ =	swait.ge [sflag:s2], $0x80  }
0x50: {  	s0 =	sadd.s32 s8, s10;
	s7 =	sadd.s32 $0x15880, s24;
	[sflag:s2] =	ssyncset.done $0x0  }
0x51: {  	s24 =	sadd.s32 $0x1, s10;
	s22 =	simm.s32 $0x1;
	[sflag:s2] =	ssyncadd.s32 $0xFFFFFF80  }
0x52: {  	s22 =	simm.s32 @!p2 $0x0;
	p2 =	seq.s32 s24, $0x40;
	_ =	strace $0x90000054  }
0x53: {  	s24 =	simm.s32 @p2 $0x0;
	s2 =	sadd.s32 $0x15980, s25;
	_ =	strace $0x80000055  }
0x54: {  	[tilespmem:s2], [sflag:$0x1] =	stream.indirect.gather [spmem:s1], $0x80, s7, s17, $0x2000b8;
	[tilespmem:$0x1D980] =	vst v63  }
0x55: {  	s29 =	sadd.s32 $0x2, s22;
	p2 =	sne.s32 s10, s24;
	_ =	swait.ge [sflag:s19], $0x4000  }
0x56: {  	s25 =	sadd.s32 $0x1, s22;
	s22 =	simm.s32 $0x2;
	[sflag:s19] =	ssyncset.done $0x0  }
0x57: {  	s11 =	sshll.u32 s25, $0x7;
	s30 =	sand.u32 $0x1, s25;
	[sflag:s19] =	ssyncadd.s32 $0xFFFFC000  }
0x58: {  	s28 =	sand.u32 $0x80, s11;
	s7 =	sand.u32 @!p1 $0x1FFFF800, s16;
	_ =	strace $0x90000055  }
0x59: {  	s31 =	sor.u32 $0x2, s30;
	s7 =	sadd.s32 @!p1 s5, s7;
	_ =	strace @!p1 $0x80000056  }
0x5a: {  	[hbm4b:s7+s26] =	stream.linear.scatter @!p1 [tilespmem:s2], [sflag:s6], $0x4000, $0x200038;
	[tilespmem:$0x1D980] =	vst v63  }
0x5b: {  	s30 =	smov.u32 s25;
	s7 =	sor.u32 $0x4, s15;
	_ =	strace @!p1 $0x90000056  }
0x5c: {  	s26 =	smov.u32 s25;
	p1 =	seq.s32 s10, s24;
	_ =	strace $0x80000057  }
0x5d: {  	s10 =	sand.u32 @!p1 $0x1, s29;
	s2 =	sadd.s32 @!p1 s8, s24;
	_ =	swait.ge [sflag:s7], $0x4000  }
.LBB2_4:
0x5e: {  	s11 =	sshll.u32 @!p1 s2, $0x4  }
0x5f: {  	s16 =	simm.s32 @!p1 $0x0;
	[sflag:s7] =	ssyncset.done $0x0;
	s6 =	smov.u32 s23  }
0x60: {  	s23 =	smov.u32 s22;
	s2 =	smov.u32 s24;
	s15 =	sshll.u32 @!p1 s10, $0x7  }
0x61: {  	s0 =	sshll.u32 @!p1 s0, $0xB;
	s11 =	sand.u32 @!p1 $0x1FFFFFF0, s11;
	[sflag:s7] =	ssyncadd.s32 $0xFFFFC000  }
0x62: {  	s7 =	sadd.s32 @!p1 $0x15880, s15;
	s15 =	simm.s32 $0x1;
	s11 =	sadd.s32 @!p1 s4, s11  }
0x63: {  	s10 =	sor.u32 @!p1 $0x2, s10;
	s15 =	simm.s32 @!p2 $0x0;
	_ =	strace $0x90000057  }
0x64: {  	s0 =	sand.u32 @!p1 $0x1FFFF800, s0;
	s29 =	sadd.s32 s15, s29;
	_ =	strace @!p1 $0x80000053  }
0x65: {  	[tilespmem:s7], [sflag:s10] =	stream.linear.gather @!p1 [hbm4b:s11+s16], $0x80, $0x200038;
	[tilespmem:$0x1D980] =	vst v63  }
0x66: {  	s25 =	sadd.s32 s15, s25;
	s10 =	sadd.s32 @!p1 s5, s0;
	_ =	strace @!p1 $0x90000053  }
0x67: {  	s26 =	sadd.s32 s15, s26;
	s7 =	sand.u32 $0x1, s30;
	_ =	strace $0x80000054  }
0x68: {  	s11 =	sand.u32 $0x1, s26;
	s0 =	sshll.u32 s26, $0x7;
	_ =	swait.ge [sflag:s31], $0x80  }
0x69: {  	s0 =	sand.u32 $0x80, s0;
	s15 =	sshll.u32 s7, $0xE;
	[sflag:s31] =	ssyncset.done $0x0  }
0x6a: {  	s15 =	sadd.s32 $0x15980, s15;
	[sflag:s31] =	ssyncadd.s32 $0xFFFFFF80;
	s31 =	sadd.s32 $0x15880, s28  }
0x6b: {  	s22 =	sadd.s32 $0x1, s22;
	s30 =	smov.u32 s25;
	_ =	strace $0x90000054  }
0x6c: {  	p3 =	sne.s32 s22, $0x3E;
	s28 =	smov.u32 s0;
	_ =	strace $0x80000055  }
0x6d: {  	[tilespmem:s15], [sflag:$0x1] =	stream.indirect.gather [spmem:s1], $0x80, s31, s17, $0x2000b8;
	[tilespmem:$0x1D980] =	vst v63  }
0x6e: {  	_ =	swait.ge [sflag:s19], $0x4000  }
0x6f: {  	s0 =	sadd.s32 s8, s24;
	[sflag:s19] =	ssyncset.done $0x0  }
0x70: {  	s24 =	sadd.s32 $0x1, s24;
	s31 =	sor.u32 @!p1 $0x4, s7;
	[sflag:s19] =	ssyncadd.s32 $0xFFFFC000  }
0x71: {  	s6 =	sand.u32 $0x1, s6;
	p2 =	seq.s32 s24, $0x40;
	_ =	strace $0x90000055  }
.Ltmp1:
0x72: {  	s7 =	sor.u32 $0x4, s6;
	_ =	strace @!p1 $0x80000056;
	(pc) =	sbr.rel @p3 .LBB2_4-.Ltmp1, $4  }
0x73: {  	[hbm4b:s10+s16] =	stream.linear.scatter @!p1 [tilespmem:s15], [sflag:s31], $0x4000, $0x200038;
	[tilespmem:$0x1D980] =	vst v63  }
0x74: {  	s24 =	simm.s32 @p2 $0x0;
	s31 =	sor.u32 $0x2, s11;
	_ =	strace @!p1 $0x90000056  }
0x75: {  	p2 =	sne.s32 s2, s24;
	p1 =	seq.s32 s2, s24;
	_ =	strace $0x80000057  }
0x76: {  	s10 =	sand.u32 @!p1 $0x1, s29;
	s2 =	sadd.s32 @!p1 s8, s24;
	_ =	swait.ge [sflag:s7], $0x4000  }
0x77: {  	s2 =	sshll.u32 @!p1 s2, $0x4;
	[sflag:s7] =	ssyncset.done $0x0  }
0x78: {  	s6 =	sshll.u32 @!p1 s10, $0x7;
	s10 =	sor.u32 @!p1 $0x2, s10;
	[sflag:s7] =	ssyncadd.s32 $0xFFFFC000  }
0x79: {  	s2 =	sand.u32 @!p1 $0x1FFFFFF0, s2;
	s7 =	simm.s32 @!p1 $0x0;
	_ =	strace $0x90000057  }
0x7a: {  	s6 =	sadd.s32 @!p1 $0x15880, s6;
	s2 =	sadd.s32 @!p1 s4, s2;
	_ =	strace @!p1 $0x80000053  }
0x7b: {  	[tilespmem:s6], [sflag:s10] =	stream.linear.gather @!p1 [hbm4b:s2+s7], $0x80, $0x200038;
	[tilespmem:$0x1D980] =	vst v63  }
0x7c: {  	_ =	strace @!p1 $0x90000053  }
0x7d: {  	_ =	strace $0x80000054  }
0x7e: {  	_ =	swait.ge [sflag:s31], $0x80  }
0x7f: {  	[sflag:s31] =	ssyncset.done $0x0  }
0x80: {  	s2 =	sand.u32 $0x1, s30;
	[sflag:s31] =	ssyncadd.s32 $0xFFFFFF80  }
0x81: {  	s30 =	sshll.u32 s2, $0xE;
	_ =	strace $0x90000054  }
0x82: {  	s6 =	sadd.s32 $0x15980, s30;
	s31 =	sadd.s32 $0x15880, s28;
	_ =	strace $0x80000055  }
0x83: {  	[tilespmem:s6], [sflag:$0x1] =	stream.indirect.gather [spmem:s1], $0x80, s31, s17, $0x2000b8;
	[tilespmem:$0x1D980] =	vst v63  }
0x84: {  	_ =	swait.ge [sflag:s19], $0x4000  }
0x85: {  	[sflag:s19] =	ssyncset.done $0x0  }
0x86: {  	s0 =	sshll.u32 @!p1 s0, $0xB;
	[sflag:s19] =	ssyncadd.s32 $0xFFFFC000  }
0x87: {  	s0 =	sand.u32 @!p1 $0x1FFFF800, s0;
	_ =	strace $0x90000055  }
0x88: {  	s0 =	sadd.s32 @!p1 s5, s0;
	s2 =	sor.u32 @!p1 $0x4, s2;
	_ =	strace @!p1 $0x80000056  }
0x89: {  	[hbm4b:s0+s7] =	stream.linear.scatter @!p1 [tilespmem:s6], [sflag:s2], $0x4000, $0x200038;
	[tilespmem:$0x1D980] =	vst v63  }
0x8a: {  	s11 =	sand.u32 $0x1, s23;
	_ =	strace @!p1 $0x90000056  }
0x8b: {  	s0 =	sor.u32 $0x4, s11;
	_ =	strace $0x80000057  }
0x8c: {  	s2 =	simm.s32 $0x1;
	_ =	swait.ge [sflag:s0], $0x4000  }
0x8d: {  	s2 =	simm.s32 @!p2 $0x0;
	[sflag:s0] =	ssyncset.done $0x0  }
0x8e: {  	s15 =	sadd.s32 s2, s26;
	[sflag:s0] =	ssyncadd.s32 $0xFFFFC000  }
0x8f: {  	s16 =	sand.u32 $0x1, s15;
	_ =	strace $0x90000057  }
0x90: {  	s0 =	sor.u32 $0x2, s16;
	_ =	strace $0x80000054  }
0x91: {  	_ =	swait.ge [sflag:s0], $0x80  }
0x92: {  	s2 =	sadd.s32 s2, s25;
	[sflag:s0] =	ssyncset.done $0x0  }
0x93: {  	s23 =	sand.u32 $0x1, s2;
	s25 =	sshll.u32 s15, $0x7;
	[sflag:s0] =	ssyncadd.s32 $0xFFFFFF80  }
0x94: {  	s26 =	sshll.u32 s23, $0xE;
	s2 =	sand.u32 $0x80, s25;
	_ =	strace $0x90000054  }
0x95: {  	s6 =	sadd.s32 $0x15980, s26;
	s2 =	sadd.s32 $0x15880, s2;
	_ =	strace $0x80000055  }
0x96: {  	[tilespmem:s6], [sflag:$0x1] =	stream.indirect.gather [spmem:s1], $0x80, s2, s17, $0x2000b8;
	[tilespmem:$0x1D980] =	vst v63  }
0x97: {  	_ =	swait.ge [sflag:s19], $0x4000  }
0x98: {  	s28 =	sadd.s32 s8, s24;
	[sflag:s19] =	ssyncset.done $0x0  }
0x99: {  	s2 =	sshll.u32 s28, $0xB;
	[sflag:s19] =	ssyncadd.s32 $0xFFFFC000  }
0x9a: {  	s29 =	simm.s32 $0x0;
	s2 =	sand.u32 $0x1FFFF800, s2;
	_ =	strace $0x90000055  }
0x9b: {  	s0 =	sor.u32 $0x4, s23;
	s2 =	sadd.s32 s5, s2;
	_ =	strace $0x80000056  }
0x9c: {  	[hbm4b:s2+s29] =	stream.linear.scatter [tilespmem:s6], [sflag:s0], $0x4000, $0x200038;
	[tilespmem:$0x1D980] =	vst v63  }
0x9d: {  	s30 =	sand.u32 $0x1, s22;
	_ =	strace $0x90000056  }
0x9e: {  	s0 =	sor.u32 $0x4, s30;
	_ =	strace $0x80000057  }
0x9f: {  	_ =	swait.ge [sflag:s0], $0x4000  }
0xa0: {  	[sflag:s0] =	ssyncset.done $0x0  }
0xa1: {  	[sflag:s0] =	ssyncadd.s32 $0xFFFFC000  }
0xa2: {  	_ =	strace $0x90000057  }
0xa3: {  	_ =	strace $0x80000058  }
0xa4: {  	_ =	swait.ge [sflag:s20], $0x4000  }
0xa5: {  	s21 =	sadd.s32 $0x1, s21;
	s31 =	rddreg [dreg:$0x6]  }
0xa6: {  	p1 =	sne.s32 s21, s31  }
.Ltmp2:
0xa7: {  	_ = 	snop;
	(pc) =	sbr.rel @p1 .LBB2_1-.Ltmp2, $4  }
0xa8: {  	_ = 	snop  }
0xa9: {  	[sflag:s20] =	ssyncset.done $0x0  }
0xaa: {  	[sflag:s20] =	ssyncadd.s32 $0xFFFFC000  }
0xab: {  	_ =	strace $0x90000058  }
0xac: {  	_ =	sfence.sel $0x180000  }
0xad: {  	[bflag:$0x0] =	sbarrier.arrive $0xFFFF  }
0xae: {  	_ =	strace $0x90000051  }
0xaf: {  	[bflag:$0x2] =	sbarrier.arrive $0xFFFF  }
0xb0: {  	p0 =	sne.s32 s3, $0x0;
	s0 =	rddreg [dreg:$0x3]  }
0xb1: {  	s0 =	sadd.s32 @!p0 $0x100000, s0  }
0xb2: {  	[sflag:s0] =	ssyncadd.tile.s32 @!p0 $0x1;
	_ =	shalt  }
.Lfunc_end2:
_tile_overlayer_lowered:
.L_overlay_start_2:
0xb3: {  	(tag) =	ssettag $0x2  }
0xb4: {  	s0 =	rddreg [dreg:$0x0];
	s2 =	stileid.u32  }
0xb5: {  	s1 =	rddreg [dreg:$0x1];
	p0 =	sne.s32 s2, $0x0  }
0xb6: {  	s3 =	rddreg [dreg:$0x2];
	[bflag:$0x3] =	sbarrier.arrive $0xFFFF;
	s2 =	simm.s32 @!p0 $0x1C02  }
0xb7: {  	[timem:s3], [sflag:s2] =	dma.local @!p0 [hbm:s0], s1  }
0xb8: {  	s0 =	simm.s32 @!p0 $0x2  }
0xb9: {  	_ =	swait.ge @!p0 [sflag:s0], s1  }
0xba: {  	s1 =	ssub.s32 @!p0 $0x0, s1;
	[sflag:s0] =	ssyncset.done @!p0 $0x0  }
0xbb: {  	[sflag:s0] =	ssyncadd.s32 @!p0 s1  }
0xbc: {  	[bflag:$0x3] =	sbarrier.arrive $0xFFFF  }
0xbd: {  	_ =	shalt  }

// kernel: kernel.21.cloned.1.call-start
scs
__scs_entry_jumppad:
0x0: {  	(pc) =	sbr.rel $0x88, $3  }
0x1: {  	(tag) =	ssettag $0x0;
	lr =	simm.s32 $0x1  }
0x2: {  	[smem:$0x3F92] =	sst lr;
	_ =	strace $0xD0000000  }
0x3: {  	_ = 	snop  }
0x4: {  	_ = 	snop  }
0x5: {  	_ = 	snop  }
0x6: {  	_ = 	snop  }
0x7: {  	_ = 	snop  }
__scs_overlays_trampoline_lowered:
0x8: {  	[smem:$0x3FA1] =	sst s0  }
0x9: {  	[smem:$0x3FA2] =	sst s1  }
0xa: {  	[smem:$0x3FA3] =	sst s2  }
0xb: {  	[smem:$0x3FA4] =	sst s3  }
0xc: {  	[smem:$0x3FA5] =	sst s4  }
0xd: {  	[smem:$0x3FA6] =	sst s5  }
0xe: {  	[smem:$0x3FA7] =	sst s6  }
0xf: {  	[smem:$0x3FA8] =	sst s7  }
0x10: {  	[smem:$0x3FA9] =	sst s8  }
0x11: {  	[smem:$0x3FAA] =	sst s9;
	s0 =	simm.s32 @!p0 $0x0  }
0x12: {  	s1 =	sld [smem:$0x3F90];
	s0 =	simm.s32 @p0 $0x1  }
0x13: {  	[smem:$0x3FAB] =	sst s0;
	s0 =	simm.s32 @!p1 $0x0  }
0x14: {  	s2 =	sld [smem:$0x3F8F];
	s0 =	simm.s32 @p1 $0x1  }
0x15: {  	[smem:$0x3FAC] =	sst s0;
	s0 =	simm.s32 @!p2 $0x0  }
0x16: {  	s3 =	sld [smem:$0x3FDB];
	s0 =	simm.s32 @p2 $0x1  }
0x17: {  	s4 =	simm.s32 $0x1BF5;
	[smem:$0x3FAE] =	sst s0  }
0x18: {  	s0 =	sld [smem:$0x3F91];
	_ =	swait.ge [sflag:s4], $0x0  }
0x19: {  	s7 =	sld [smem:$0x3F92]  }
0x1a: {  	s8 =	sadd.s32 $0xFFFFE003, lr  }
0x1b: {  	s9 =	sadd.s32 $0xFFFFFEF7, lr;
	s5 =	simm.s32 $0xFFFFFFFF;
	p2 =	slt.u32 s8, $0xFFFFF086  }
0x1c: {  	p1 =	slt.u32 s9, $0xF7A;
	s5 =	simm.s32 @!p2 $0x0  }
0x1d: {  	s5 =	simm.s32 @p1 $0x1;
	p0 =	seq.s32 s7, s2  }
0x1e: {  	s7 =	smul.u32 @!p0 $0xF7A, s2;
	p2 =	seq.s32 @!p0 s5, $0x0  }
0x1f: {  	s9 =	smul.u32 $0xF7A, s1;
	s8 =	simm.s32 @!p0 $0x1BF5;
	p2 =	por !p2, p0  }
0x20: {  	[sflag:s8] =	ssyncset.s32 @!p0 $0xFFFFF086;
	s6 =	sadd.s32 @!p0 s3, s7;
	s7 =	simm.s32 @!p0 $0x108  }
0x21: {  	s3 =	sadd.s32 s3, s9;
	s6 =	sadd.s32 @!p0 $0x88, s6;
	s7 =	simm.s32 @p2 $0x1082  }
0x22: {  	[simem:s7], [sflag:s8] =	dma.local @!p0 [hbm:s6], $0xF7A  }
0x23: {  	s9 =	sor.u32 $0xD0000000, s2;
	s6 =	simm.s32 $0x108;
	_ =	swait.ge @!p0 [sflag:s8], $0x0  }
0x24: {  	s3 =	sadd.s32 $0x88, s3;
	s6 =	simm.s32 @!p1 $0x1082;
	[sflag:s4] =	ssyncset.s32 $0xFFFFF086  }
0x25: {  	[simem:s6], [sflag:s4] =	dma.local [hbm:s3], $0xF7A  }
0x26: {  	[smem:$0x3F92] =	sst s1;
	(tag) =	ssettag s2;
	_ =	strace s9  }
0x27: {  	s1 =	sld [smem:$0x3FA2]  }
0x28: {  	s2 =	sld [smem:$0x3FA3]  }
0x29: {  	s4 =	sld [smem:$0x3FA5]  }
0x2a: {  	p0 =	seq.s32 s5, $0x0;
	s5 =	sld [smem:$0x3FA6]  }
0x2b: {  	s6 =	sld [smem:$0x3FA7]  }
0x2c: {  	s7 =	sld [smem:$0x3FA8]  }
0x2d: {  	s3 =	simm.s32 $0x108;
	s8 =	sld [smem:$0x3FA9]  }
0x2e: {  	s3 =	simm.s32 @!p0 $0x1082;
	s9 =	sld [smem:$0x3FAA]  }
0x2f: {  	lr =	sadd.s32 s0, s3;
	s0 =	sld [smem:$0x3FA1]  }
0x30: {  	s3 =	sld [smem:$0x3FA4]  }
0x31: {  	[smem:$0x3FAD] =	sst s10  }
0x32: {  	s10 =	sld [smem:$0x3FAB];
	_ =	sdelay $0x3  }
0x33: {  	p0 =	seq.s32 s10, $0x1;
	s10 =	sld [smem:$0x3FAD];
	_ =	sdelay $0x3  }
0x34: {  	[smem:$0x3FAD] =	sst s10  }
0x35: {  	s10 =	sld [smem:$0x3FAC];
	_ =	sdelay $0x3  }
0x36: {  	p1 =	seq.s32 s10, $0x1;
	s10 =	sld [smem:$0x3FAD];
	_ =	sdelay $0x3  }
0x37: {  	[smem:$0x3FAD] =	sst s10  }
0x38: {  	s10 =	sld [smem:$0x3FAE]  }
0x39: {  	_ = 	snop;
	(pc) =	sbr.ind lr, $3  }
0x3a: {  	_ = 	snop  }
0x3b: {  	_ = 	snop  }
0x3c: {  	p2 =	seq.s32 s10, $0x1;
	s10 =	sld [smem:$0x3FAD]  }
0x3d: {  	_ =	shalt  }
0x3e: {  	_ =	shalt  }
0x3f: {  	_ =	shalt  }
0x40: {  	_ =	shalt  }
0x41: {  	_ =	shalt  }
0x42: {  	_ =	shalt  }
0x43: {  	_ =	shalt  }
0x44: {  	_ =	shalt  }
0x45: {  	_ =	shalt  }
0x46: {  	_ =	shalt  }
0x47: {  	_ =	shalt  }
0x48: {  	_ =	shalt  }
0x49: {  	_ =	shalt  }
0x4a: {  	_ =	shalt  }
0x4b: {  	_ =	shalt  }
0x4c: {  	_ =	shalt  }
0x4d: {  	_ =	shalt  }
0x4e: {  	_ =	shalt  }
0x4f: {  	_ =	shalt  }
0x50: {  	_ =	shalt  }
0x51: {  	_ =	shalt  }
0x52: {  	_ =	shalt  }
0x53: {  	_ =	shalt  }
0x54: {  	_ =	shalt  }
0x55: {  	_ =	shalt  }
0x56: {  	_ =	shalt  }
0x57: {  	_ =	shalt  }
0x58: {  	_ =	shalt  }
0x59: {  	_ =	shalt  }
0x5a: {  	_ =	shalt  }
0x5b: {  	_ =	shalt  }
0x5c: {  	_ =	shalt  }
0x5d: {  	_ =	shalt  }
0x5e: {  	_ =	shalt  }
0x5f: {  	_ =	shalt  }
0x60: {  	_ =	shalt  }
0x61: {  	_ =	shalt  }
0x62: {  	_ =	shalt  }
0x63: {  	_ =	shalt  }
0x64: {  	_ =	shalt  }
0x65: {  	_ =	shalt  }
0x66: {  	_ =	shalt  }
0x67: {  	_ =	shalt  }
0x68: {  	_ =	shalt  }
0x69: {  	_ =	shalt  }
0x6a: {  	_ =	shalt  }
0x6b: {  	_ =	shalt  }
0x6c: {  	_ =	shalt  }
0x6d: {  	_ =	shalt  }
0x6e: {  	_ =	shalt  }
0x6f: {  	_ =	shalt  }
0x70: {  	_ =	shalt  }
0x71: {  	_ =	shalt  }
0x72: {  	_ =	shalt  }
0x73: {  	_ =	shalt  }
0x74: {  	_ =	shalt  }
0x75: {  	_ =	shalt  }
0x76: {  	_ =	shalt  }
0x77: {  	_ =	shalt  }
0x78: {  	_ =	shalt  }
0x79: {  	_ =	shalt  }
0x7a: {  	_ =	shalt  }
0x7b: {  	_ =	shalt  }
0x7c: {  	_ =	shalt  }
0x7d: {  	_ =	shalt  }
0x7e: {  	_ =	shalt  }
0x7f: {  	_ =	shalt  }
0x80: {  	_ =	shalt  }
0x81: {  	_ =	shalt  }
0x82: {  	_ =	shalt  }
0x83: {  	_ =	shalt  }
0x84: {  	_ =	shalt  }
0x85: {  	_ =	shalt  }
0x86: {  	_ =	shalt  }
0x87: {  	_ =	shalt  }
.Lfunc_end0:
.L_simem_size_0:
called_computation.3_lowered:
.L_overlay_start_0:
0x88: {  	s2 =	sld [smem:$0x3FD9]  }
0x89: {  	s3 =	sld [smem:$0x3FFE];
	_ =	sdelay $0x1  }
0x8a: {  	s1 =	srdreg.scid  }
0x8b: {  	s0 =	sand.u32 $0x1, s1  }
0x8c: {  	s17 =	sshll.u32 s0, $0xA;
	s2 =	sadd.s32 s3, s2  }
0x8d: {  	s2 =	sadd.s32 s2, s17  }
0x8e: {  	[smem:$0x3FB9] =	sst s2  }
0x8f: {  	_ = 	snop  }
0x90: {  	(tm) =	ssettm $0x1  }
0x91: {  	s18 =	sld [smem:$0x3FFB];
	_ =	sdelay $0x3  }
0x92: {  	_ =	strace s18  }
0x93: {  	s2 =	sld [smem:$0x3FFC];
	_ =	sdelay $0x3  }
0x94: {  	_ =	strace s2  }
0x95: {  	s2 =	sld [smem:$0x3FFD];
	_ =	sdelay $0x3  }
0x96: {  	_ =	strace s2  }
0x97: {  	_ =	strace $0x8FFFFFFF  }
0x98: {  	s19 =	sld [smem:$0x3FDB];
	_ =	sdelay $0x1  }
0x99: {  	s20 =	simm.s32 $_scs_section_size  }
0x9a: {  	s4 =	simm.s32 $_size__tile_overlayer_lowered;
	s5 =	simm.s32 $_tile_overlayer_lowered  }
0x9b: {  	s6 =	simm.s32 $0x1BFF;
	s21 =	sshll.u32 s5, $0x1;
	s3 =	sadd.s32 s20, s19  }
0x9c: {  	s22 =	simm.s32 $0x0;
	s4 =	sshll.u32 s4, $0x1;
	s5 =	sadd.s32 s21, s3  }
0x9d: {  	[timem:s22], [sflag:s6] =	dma.local [hbm:s5], s4  }
0x9e: {  	_ =	swait.ge [sflag:s6], s4  }
0x9f: {  	s4 =	ssub.s32 $0x0, s4;
	[sflag:s6] =	ssyncset.done $0x0  }
0xa0: {  	[sflag:s6] =	ssyncadd.s32 s4;
	_ =	sdelay $0x1  }
0xa1: {  	s23 =	simm.s32 $0x1B8B  }
0xa2: {  	_ =	swait.ge [sflag:s23], $0x1  }
0xa3: {  	[sflag:s23] =	ssyncset.done $0x0  }
0xa4: {  	[sflag:s23] =	ssyncadd.s32 $0xFFFFFFFF  }
0xa5: {  	s4 =	sld [smem:$0x0]  }
0xa6: {  	s5 =	sand.u32 $0xFFFFFFFE, s1  }
0xa7: {  	p0 =	sne.s32 s1, s5  }
0xa8: {  	s5 =	sshll.u32 @p0 s5, $0xE  }
0xa9: {  	s5 =	sadd.s32 @p0 $0x11B8D, s5;
	s6 =	sshll.u32 @p0 s4, $0x11  }
0xaa: {  	s5 =	sor.u32 @p0 s6, s5  }
0xab: {  	[sflag:s5] =	ssyncadd.remote.s32 @p0 $0x1;
	_ =	sdelay $0x1  }
0xac: {  	s5 =	simm.s32 @p0 $0x1B8D  }
0xad: {  	_ =	swait.eq @p0 [sflag:s5], $0x1  }
0xae: {  	[sflag:s5] =	ssyncadd.s32 @p0 $0xFFFFFFFF  }
0xaf: {  	s6 =	sshll.u32 @!p0 s1, $0xE  }
0xb0: {  	s6 =	sor.u32 @!p0 $0x4000, s6;
	s5 =	simm.s32 @!p0 $0x1B8D  }
0xb1: {  	s4 =	sshll.u32 @!p0 s4, $0x11;
	s6 =	sadd.s32 @!p0 $0x11B8D, s6;
	_ =	swait.eq @!p0 [sflag:s5], $0x1  }
0xb2: {  	s4 =	sor.u32 @!p0 s4, s6;
	[sflag:s5] =	ssyncadd.s32 @!p0 $0xFFFFFFFF  }
0xb3: {  	s25 =	simm.s32 $0x1B8E;
	s24 =	sld [smem:$0x3FFE];
	[sflag:s4] =	ssyncadd.remote.s32 @!p0 $0x1  }
0xb4: {  	s26 =	simm.s32 $execute0_lowered;
	[smem:$0x3FD2] =	sst s25  }
0xb5: {  	s5 =	sshll.u32 s26, $0x1;
	_ =	strace $0x80000082;
	[dreg:$0x1] =	wrdreg $0xFFFFFFFF  }
0xb6: {  	s28 =	simm.s32 $_size_execute0_lowered;
	s3 =	sadd.s32 s3, s5;
	[dreg:$0x0] =	wrdreg $0x0  }
0xb7: {  	s5 =	sshll.u32 s28, $0x1;
	[dreg:$0x2] =	wrdreg s3  }
0xb8: {  	[dreg:$0x3] =	wrdreg s5  }
0xb9: {  	[dreg:$0x4] =	wrdreg $0xC0  }
0xba: {  	_ =	task [dreg:s22], $0x5FFFF  }
0xbb: {  	[dreg:$0x1] =	wrdreg $0xFFFFFFFF  }
0xbc: {  	[dreg:$0x0] =	wrdreg $0x60  }
0xbd: {  	[dreg:$0x2] =	wrdreg s24  }
0xbe: {  	[dreg:$0x3] =	wrdreg $0x0  }
0xbf: {  	[dreg:$0x4] =	wrdreg $0x9  }
0xc0: {  	_ =	task.clear_ibuf [dreg:s22], $0x5FFFF;
	_ =	strace $0x90000082  }
0xc1: {  	s29 =	simm.s32 $0x9;
	_ =	strace $0x8000008A  }
0xc2: {  	_ =	swait.ge [sflag:s29], $0x1  }
0xc3: {  	[sflag:s29] =	ssyncadd.s32 $0xFFFFFFFF  }
0xc4: {  	_ =	strace $0x9000008A  }
0xc5: {  	_ =	sfence  }
0xc6: {  	s30 =	sld [smem:$0x0];
	_ =	sdelay $0x2  }
0xc7: {  	s31 =	sshll.u32 s1, $0xD;
	s1 =	sshrl.u32 s1, $0x2  }
0xc8: {  	s4 =	sand.u32 $0x4000, s31;
	s1 =	sadd.s32 s1, s30  }
0xc9: {  	s0 =	sor.u32 s4, s0;
	s1 =	sshll.u32 s1, $0x11  }
0xca: {  	s0 =	sor.u32 s1, s0  }
0xcb: {  	s0 =	sadd.s32 $0x8F2B, s0  }
0xcc: {  	[sflag:s0] =	ssyncadd.remote.s32 $0x1  }
0xcd: {  	_ =	sfence.sel $0xFFFF  }
0xce: {  	[dreg:$0x0] =	wrdreg $0xFFFFFFFF;
	(pc) =	sbr.abs _section_cstart, $3  }
0xcf: {  	[dreg:$0x1] =	wrdreg $0xFFFFFFFF  }
0xd0: {  	_ =	task.clear_ibuf [dreg:s22], $0x2FFFF;
	_ =	strace $0x9FFFFFFF  }
0xd1: {  	(tm) =	ssettm $0x7FFFFFFF  }
tec
execute0_lowered:
.L_overlay_start_1:
0x0: {  	(tag) =	ssettag $0x1  }
0x1: {  	s6 =	rddreg [dreg:$0x0]  }
0x2: {  	s1 =	rddreg [dreg:$0x1];
	s2 =	srdreg.scid  }
0x3: {  	s8 =	stileid.u32;
	s15 =	simm.s32 $0x1;
	s16 =	simm.s32 $0x0  }
0x4: {  	s5 =	sand.u32 $0x1, s2;
	s2 =	simm.s32 $0x0;
	s4 =	sadd.s32 $0x10200, s6  }
0x5: {  	s0 =	sadd.s32 $0x1D000, s6;
	p0 =	sne.s32 s8, $0x0;
	s3 =	sshll.u32 s5, $0x4  }
0x6: {  	[smem:$0x7FF] =	sst s2;
	s7 =	smul.u32 $0x28000, s5;
	s9 =	sor.u32 s8, s3  }
0x7: {  	s11 =	ssub.s32 $0x2, s5;
	_ =	strace $0x80000083;
	s10 =	smul.u32 $0x19, s9  }
0x8: {  	s3 =	sadd.s32 $0x2E5000, s6;
	[dreg:$0x4] =	wrdreg s0;
	s12 =	smul.u32 $0xC800, s9  }
0x9: {  	s13 =	sshrl.u32 s11, $0x1;
	s9 =	smul.u32 $0x190, s9;
	s14 =	sadd.s32 s7, s6  }
0xa: {  	s11 =	ssub.s32 s11, s13;
	s13 =	simm.s32 $0x80;
	s8 =	sadd.s32 $0x475000, s14  }
0xb: {  	s14 =	simm.s32 $0x5;
	[dreg:$0x3] =	wrdreg s10;
	s6 =	sadd.s32 s3, s12  }
0xc: {  	s7 =	sadd.s32 s4, s9;
	s9 =	smax.u32 s11, $0x1;
	s10 =	sshrl.u32 @!p0 s1, $0x3  }
.LBB2_1:
0xd: {  	s17 =	simm.s32 @!p0 $0x1C01;
	s0 =	rddreg [dreg:$0x4]  }
0xe: {  	[spmem:s10], [sflag:s17] =	dma.local @!p0 [hbm:s0], $0x28000  }
0xf: {  	s17 =	simm.s32 @!p0 $0x1  }
0x10: {  	_ =	swait.ge @!p0 [sflag:s17], $0x28000  }
0x11: {  	[sflag:s17] =	ssyncset.done @!p0 $0x0  }
0x12: {  	[sflag:s17] =	ssyncadd.s32 @!p0 $0xFFFD8000  }
0x13: {  	[bflag:$0x0] =	sbarrier.arrive $0xFFFF  }
0x14: {  	s5 =	simm.s32 $0x14000;
	_ =	strace $0x80000084  }
0x15: {  	[tilespmem:s5], [sflag:$0x1] =	stream.linear.gather [hbm4b:s6+s2], $0x4000, $0x200038;
	[tilespmem:$0x1C100] =	vst v63  }
0x16: {  	s11 =	simm.s32 $0x1C000;
	p1 =	por $0x0, $0x0;
	s17 =	simm.s32 $0x1  }
0x17: {  	[tilespmem:s11], [sflag:$0x3] =	stream.linear.gather [hbm4b:s7+s2], $0x80, $0x200038;
	[tilespmem:$0x1C100] =	vst v63  }
0x18: {  	s17 =	simm.s32 @p1 $0x0;
	_ =	strace $0x90000084  }
0x19: {  	p1 =	seq.s32 s17, $0x0;
	s18 =	rddreg [dreg:$0x3]  }
0x1a: {  	s19 =	sand.u32 @!p1 $0x1, s15;
	s23 =	simm.s32 @!p1 $0x0;
	s18 =	sadd.s32 @!p1 s18, s17  }
0x1b: {  	s20 =	sshll.u32 @!p1 s19, $0xE;
	s21 =	sshll.u32 @!p1 s19, $0x7;
	s22 =	sshll.u32 @!p1 s18, $0xB  }
0x1c: {  	s24 =	sadd.s32 @!p1 $0x1, s19;
	s20 =	sadd.s32 @!p1 $0x14000, s20;
	s22 =	sand.u32 @!p1 $0x1FFFF800, s22  }
0x1d: {  	_ =	strace @!p1 $0x80000085;
	s18 =	sshll.u32 @!p1 s18, $0x4;
	s22 =	sadd.s32 @!p1 s3, s22  }
0x1e: {  	[tilespmem:s20], [sflag:s24] =	stream.linear.gather @!p1 [hbm4b:s22+s23], $0x4000, $0x200038;
	[tilespmem:$0x1C100] =	vst v63  }
0x1f: {  	s19 =	sadd.s32 @!p1 $0x3, s19;
	s18 =	sand.u32 @!p1 $0x1FFFFFF0, s18;
	_ =	strace @!p1 $0x90000085  }
0x20: {  	s18 =	sadd.s32 @!p1 s4, s18;
	s20 =	sor.u32 @!p1 $0x1C000, s21;
	_ =	strace @!p1 $0x80000086  }
0x21: {  	[tilespmem:s20], [sflag:s19] =	stream.linear.gather @!p1 [hbm4b:s18+s23], $0x80, $0x200038;
	[tilespmem:$0x1C100] =	vst v63  }
0x22: {  	s12 =	sand.u32 $0x1, s2;
	_ =	strace @!p1 $0x90000086  }
0x23: {  	s25 =	sadd.s32 $0x3, s12;
	s22 =	sadd.s32 $0x1, s12;
	_ =	strace $0x80000087  }
0x24: {  	p2 =	sne.s32 s17, $0x0;
	s28 =	simm.s32 @!p1 $0x2;
	_ =	swait.ge [sflag:s22], $0x4000  }
0x25: {  	s28 =	smov.u32 @p1 s15;
	s24 =	simm.s32 $0x0;
	[sflag:s22] =	ssyncset.done $0x0  }
0x26: {  	s21 =	sand.u32 $0x80, s24;
	s24 =	simm.s32 $0x16;
	[sflag:s22] =	ssyncadd.s32 $0xFFFFC000  }
0x27: {  	s29 =	sor.u32 $0x1C000, s21;
	s23 =	simm.s32 $0x0;
	_ =	strace $0x90000087  }
0x28: {  	s19 =	simm.s32 @!p1 $0x1;
	s18 =	simm.s32 $0x1;
	_ =	strace $0x80000088  }
0x29: {  	s20 =	sand.u32 $0x4000, s23;
	s19 =	simm.s32 @p1 $0x0;
	_ =	swait.ge [sflag:s25], $0x80  }
0x2a: {  	s18 =	simm.s32 @!p2 $0x0;
	s23 =	sadd.s32 $0x1, s19;
	[sflag:s25] =	ssyncset.done $0x0  }
0x2b: {  	s18 =	sadd.s32 $0x0, s18;
	s26 =	sadd.s32 $0x14000, s20;
	[sflag:s25] =	ssyncadd.s32 $0xFFFFFF80  }
0x2c: {  	s30 =	sshll.u32 s18, $0xE;
	s31 =	sshll.u32 s18, $0x7;
	_ =	strace $0x90000088  }
0x2d: {  	s19 =	smov.u32 s18;
	s20 =	sand.u32 $0x4000, s30;
	_ =	strace $0x80000089  }
0x2e: {  	[spmem:s1] =	stream.indirect.scatter.add.f32 [tilespmem:s26], [sflag:$0x5], $0x80, s29, s13, $0x2000b8;
	[tilespmem:$0x1C100] =	vst v63  }
0x2f: {  	s21 =	sand.u32 $0x80, s31;
	s22 =	sand.u32 $0x1, s18;
	_ =	swait.ge [sflag:s14], $0x4000  }
0x30: {  	s25 =	sand.u32 $0x1, s18;
	s26 =	smov.u32 s17;
	[sflag:s14] =	ssyncset.done $0x0  }
.LBB2_2:
0x31: {  	s17 =	sadd.s32 $0x1, s17  }
0x32: {  	[sflag:s14] =	ssyncadd.s32 $0xFFFFC000;
	p2 =	seq.s32 s17, $0x19  }
0x33: {  	s29 =	smov.u32 s28;
	_ =	strace $0x90000089;
	s17 =	simm.s32 @p2 $0x0  }
0x34: {  	s28 =	rddreg [dreg:$0x3];
	p3 =	seq.s32 s26, s17;
	p2 =	sne.s32 s26, s17  }
0x35: {  	s26 =	sadd.s32 $0x1, s25;
	s25 =	sand.u32 @!p3 $0x1, s29;
	s30 =	sand.u32 @!p3 $0x1, s23  }
0x36: {  	s28 =	sadd.s32 @!p3 s28, s17;
	s5 =	simm.s32 @!p3 $0x0;
	_ =	strace @!p3 $0x80000085  }
0x37: {  	s0 =	sshll.u32 @!p3 s25, $0xE;
	s11 =	sshll.u32 @!p3 s30, $0x7;
	s12 =	sshll.u32 @!p3 s28, $0xB  }
0x38: {  	s28 =	sshll.u32 @!p3 s28, $0x4;
	s25 =	sadd.s32 @!p3 $0x1, s25;
	s12 =	sand.u32 @!p3 $0x1FFFF800, s12  }
0x39: {  	s0 =	sadd.s32 @!p3 $0x14000, s0;
	s28 =	sand.u32 @!p3 $0x1FFFFFF0, s28;
	s12 =	sadd.s32 @!p3 s3, s12  }
0x3a: {  	[tilespmem:s0], [sflag:s25] =	stream.linear.gather @!p3 [hbm4b:s12+s5], $0x4000, $0x200038;
	[tilespmem:$0x1C100] =	vst v63  }
0x3b: {  	s0 =	sor.u32 @!p3 $0x1C000, s11;
	_ =	strace @!p3 $0x90000085  }
0x3c: {  	s11 =	sadd.s32 @!p3 s4, s28;
	s12 =	sadd.s32 @!p3 $0x3, s30;
	_ =	strace @!p3 $0x80000086  }
0x3d: {  	[tilespmem:s0], [sflag:s12] =	stream.linear.gather @!p3 [hbm4b:s11+s5], $0x80, $0x200038;
	[tilespmem:$0x1C100] =	vst v63  }
0x3e: {  	_ =	strace @!p3 $0x90000086  }
0x3f: {  	s31 =	simm.s32 @!p3 $0x1;
	_ =	strace $0x80000087  }
0x40: {  	s24 =	sadd.s32 $0xFFFFFFFF, s24;
	s31 =	simm.s32 @p3 $0x0;
	_ =	swait.ge [sflag:s26], $0x4000  }
0x41: {  	p1 =	sne.s32 s24, $0x0;
	s23 =	sadd.s32 s23, s31;
	[sflag:s26] =	ssyncset.done $0x0  }
0x42: {  	s31 =	sor.u32 $0x1C000, s21;
	s28 =	sadd.s32 @!p3 $0x1, s29;
	[sflag:s26] =	ssyncadd.s32 $0xFFFFC000  }
0x43: {  	s28 =	smov.u32 @p3 s29;
	s0 =	simm.s32 $0x1;
	_ =	strace $0x90000087  }
0x44: {  	s29 =	sadd.s32 $0x3, s22;
	s0 =	simm.s32 @!p2 $0x0;
	_ =	strace $0x80000088  }
0x45: {  	s30 =	sadd.s32 $0x14000, s20;
	s18 =	sadd.s32 s0, s18;
	_ =	swait.ge [sflag:s29], $0x80  }
0x46: {  	s19 =	sadd.s32 s0, s19;
	s25 =	sand.u32 $0x1, s18;
	[sflag:s29] =	ssyncset.done $0x0  }
0x47: {  	s0 =	sand.u32 $0x1, s19;
	s11 =	sshll.u32 s18, $0xE;
	[sflag:s29] =	ssyncadd.s32 $0xFFFFFF80  }
.Ltmp0:
0x48: {  	s12 =	sshll.u32 s19, $0x7;
	_ =	strace $0x90000088;
	(pc) =	sbr.rel @p1 .LBB2_2-.Ltmp0, $4  }
0x49: {  	s5 =	sand.u32 $0x4000, s11;
	s11 =	sand.u32 $0x80, s12;
	_ =	strace $0x80000089  }
0x4a: {  	[spmem:s1] =	stream.indirect.scatter.add.f32 [tilespmem:s30], [sflag:$0x5], $0x80, s31, s13, $0x2000b8;
	[tilespmem:$0x1C100] =	vst v63  }
0x4b: {  	s22 =	smov.u32 s0;
	s26 =	smov.u32 s17;
	_ =	swait.ge [sflag:s14], $0x4000  }
0x4c: {  	s20 =	smov.u32 s5;
	s21 =	smov.u32 s11;
	[sflag:s14] =	ssyncset.done $0x0  }
0x4d: {  	s0 =	sadd.s32 $0x1, s17  }
0x4e: {  	[sflag:s14] =	ssyncadd.s32 $0xFFFFC000;
	p1 =	seq.s32 s0, $0x19  }
0x4f: {  	_ =	strace $0x90000089;
	s0 =	simm.s32 @p1 $0x0  }
0x50: {  	s5 =	rddreg [dreg:$0x3];
	p1 =	seq.s32 s26, s0  }
0x51: {  	s11 =	sand.u32 @!p1 $0x1, s28;
	s5 =	sadd.s32 @!p1 s5, s0  }
0x52: {  	s24 =	simm.s32 @!p1 $0x0;
	_ =	strace @!p1 $0x80000085;
	s17 =	sshll.u32 @!p1 s5, $0xB  }
0x53: {  	s12 =	sshll.u32 @!p1 s11, $0xE;
	s11 =	sadd.s32 @!p1 $0x1, s11;
	s17 =	sand.u32 @!p1 $0x1FFFF800, s17  }
0x54: {  	s5 =	sshll.u32 @!p1 s5, $0x4;
	s12 =	sadd.s32 @!p1 $0x14000, s12;
	s17 =	sadd.s32 @!p1 s3, s17  }
0x55: {  	[tilespmem:s12], [sflag:s11] =	stream.linear.gather @!p1 [hbm4b:s17+s24], $0x4000, $0x200038;
	[tilespmem:$0x1C100] =	vst v63  }
0x56: {  	s5 =	sand.u32 @!p1 $0x1FFFFFF0, s5;
	s11 =	sand.u32 @!p1 $0x1, s23  }
0x57: {  	s5 =	sadd.s32 @!p1 s4, s5;
	s12 =	sshll.u32 @!p1 s11, $0x7;
	_ =	strace @!p1 $0x90000085  }
0x58: {  	s11 =	sadd.s32 @!p1 $0x3, s11;
	s12 =	sor.u32 @!p1 $0x1C000, s12;
	_ =	strace @!p1 $0x80000086  }
0x59: {  	[tilespmem:s12], [sflag:s11] =	stream.linear.gather @!p1 [hbm4b:s5+s24], $0x80, $0x200038;
	[tilespmem:$0x1C100] =	vst v63  }
0x5a: {  	_ =	strace @!p1 $0x90000086  }
0x5b: {  	s23 =	sadd.s32 $0x1, s25;
	_ =	strace $0x80000087  }
0x5c: {  	_ =	swait.ge [sflag:s23], $0x4000  }
0x5d: {  	[sflag:s23] =	ssyncset.done $0x0  }
0x5e: {  	[sflag:s23] =	ssyncadd.s32 $0xFFFFC000  }
0x5f: {  	_ =	strace $0x90000087  }
0x60: {  	s24 =	sadd.s32 $0x3, s22;
	_ =	strace $0x80000088  }
0x61: {  	_ =	swait.ge [sflag:s24], $0x80  }
0x62: {  	[sflag:s24] =	ssyncset.done $0x0  }
0x63: {  	[sflag:s24] =	ssyncadd.s32 $0xFFFFFF80  }
0x64: {  	_ =	strace $0x90000088  }
0x65: {  	s28 =	sor.u32 $0x1C000, s21;
	s25 =	sadd.s32 $0x14000, s20;
	_ =	strace $0x80000089  }
0x66: {  	[spmem:s1] =	stream.indirect.scatter.add.f32 [tilespmem:s25], [sflag:$0x5], $0x80, s28, s13, $0x2000b8;
	[tilespmem:$0x1C100] =	vst v63  }
0x67: {  	p1 =	sne.s32 s26, s0;
	s0 =	simm.s32 $0x1;
	_ =	swait.ge [sflag:s14], $0x4000  }
0x68: {  	s0 =	simm.s32 @!p1 $0x0;
	[sflag:s14] =	ssyncset.done $0x0  }
0x69: {  	s29 =	sadd.s32 s0, s18;
	[sflag:s14] =	ssyncadd.s32 $0xFFFFC000  }
0x6a: {  	s30 =	sand.u32 $0x1, s29;
	_ =	strace $0x90000089  }
0x6b: {  	s11 =	sadd.s32 $0x1, s30;
	_ =	strace $0x80000087  }
0x6c: {  	_ =	swait.ge [sflag:s11], $0x4000  }
0x6d: {  	[sflag:s11] =	ssyncset.done $0x0  }
0x6e: {  	s0 =	sadd.s32 s0, s19;
	[sflag:s11] =	ssyncadd.s32 $0xFFFFC000  }
0x6f: {  	s31 =	sand.u32 $0x1, s0;
	_ =	strace $0x90000087  }
0x70: {  	s11 =	sadd.s32 $0x3, s31;
	_ =	strace $0x80000088  }
0x71: {  	_ =	swait.ge [sflag:s11], $0x80  }
0x72: {  	[sflag:s11] =	ssyncset.done $0x0  }
0x73: {  	s5 =	sshll.u32 s29, $0xE;
	s0 =	sshll.u32 s0, $0x7;
	[sflag:s11] =	ssyncadd.s32 $0xFFFFFF80  }
0x74: {  	s5 =	sand.u32 $0x4000, s5;
	s0 =	sand.u32 $0x80, s0;
	_ =	strace $0x90000088  }
0x75: {  	s5 =	sadd.s32 $0x14000, s5;
	s0 =	sor.u32 $0x1C000, s0;
	_ =	strace $0x80000089  }
0x76: {  	[spmem:s1] =	stream.indirect.scatter.add.f32 [tilespmem:s5], [sflag:$0x5], $0x80, s0, s13, $0x2000b8;
	[tilespmem:$0x1C100] =	vst v63  }
0x77: {  	_ =	swait.ge [sflag:s14], $0x4000  }
0x78: {  	[sflag:s14] =	ssyncset.done $0x0  }
0x79: {  	[sflag:s14] =	ssyncadd.s32 $0xFFFFC000  }
0x7a: {  	s16 =	sadd.s32 $0x1, s16;
	_ =	strace $0x90000089  }
0x7b: {  	p1 =	sne.s32 s16, s9;
	s0 =	simm.s32 @!p0 $0x1C01;
	[bflag:$0x0] =	sbarrier.arrive $0xFFFF  }
0x7c: {  	[hbm:s8], [sflag:s0] =	dma.local @!p0 [spmem:s10], $0x28000  }
.Ltmp1:
0x7d: {  	_ = 	snop;
	(pc) =	sbr.rel @p1 .LBB2_1-.Ltmp1, $4  }
0x7e: {  	s0 =	simm.s32 @!p0 $0x1  }
0x7f: {  	_ =	swait.ge @!p0 [sflag:s0], $0x28000  }
0x80: {  	[sflag:s0] =	ssyncset.done @!p0 $0x0  }
0x81: {  	[sflag:s0] =	ssyncadd.s32 @!p0 $0xFFFD8000  }
0x82: {  	_ =	sfence.sel $0x180000  }
0x83: {  	[bflag:$0x0] =	sbarrier.arrive $0xFFFF  }
0x84: {  	_ =	strace $0x90000083  }
0x85: {  	[bflag:$0x2] =	sbarrier.arrive $0xFFFF  }
0x86: {  	s0 =	rddreg [dreg:$0x2]  }
0x87: {  	s0 =	sadd.s32 @!p0 $0x100000, s0  }
0x88: {  	[sflag:s0] =	ssyncadd.tile.s32 @!p0 $0x1;
	_ =	shalt  }
.Lfunc_end2:
_tile_overlayer_lowered:
.L_overlay_start_2:
0x89: {  	(tag) =	ssettag $0x2  }
0x8a: {  	s0 =	rddreg [dreg:$0x0];
	s2 =	stileid.u32  }
0x8b: {  	s1 =	rddreg [dreg:$0x1];
	p0 =	sne.s32 s2, $0x0  }
0x8c: {  	s3 =	rddreg [dreg:$0x2];
	[bflag:$0x3] =	sbarrier.arrive $0xFFFF;
	s2 =	simm.s32 @!p0 $0x1C01  }
0x8d: {  	[timem:s3], [sflag:s2] =	dma.local @!p0 [hbm:s0], s1  }
0x8e: {  	s0 =	simm.s32 @!p0 $0x1  }
0x8f: {  	_ =	swait.ge @!p0 [sflag:s0], s1  }
0x90: {  	s1 =	ssub.s32 @!p0 $0x0, s1;
	[sflag:s0] =	ssyncset.done @!p0 $0x0  }
0x91: {  	[sflag:s0] =	ssyncadd.s32 @!p0 s1  }
0x92: {  	[bflag:$0x3] =	sbarrier.arrive $0xFFFF  }
0x93: {  	_ =	shalt  }

// kernel: kernel.24.cloned.1.call-start
scs
__scs_entry_jumppad:
0x0: {  	(pc) =	sbr.rel $0x88, $3  }
0x1: {  	(tag) =	ssettag $0x0;
	lr =	simm.s32 $0x1  }
0x2: {  	[smem:$0x3F92] =	sst lr;
	_ =	strace $0xD0000000  }
0x3: {  	_ = 	snop  }
0x4: {  	_ = 	snop  }
0x5: {  	_ = 	snop  }
0x6: {  	_ = 	snop  }
0x7: {  	_ = 	snop  }
__scs_overlays_trampoline_lowered:
0x8: {  	[smem:$0x3FA1] =	sst s0  }
0x9: {  	[smem:$0x3FA2] =	sst s1  }
0xa: {  	[smem:$0x3FA3] =	sst s2  }
0xb: {  	[smem:$0x3FA4] =	sst s3  }
0xc: {  	[smem:$0x3FA5] =	sst s4  }
0xd: {  	[smem:$0x3FA6] =	sst s5  }
0xe: {  	[smem:$0x3FA7] =	sst s6  }
0xf: {  	[smem:$0x3FA8] =	sst s7  }
0x10: {  	[smem:$0x3FA9] =	sst s8  }
0x11: {  	[smem:$0x3FAA] =	sst s9;
	s0 =	simm.s32 @!p0 $0x0  }
0x12: {  	s1 =	sld [smem:$0x3F90];
	s0 =	simm.s32 @p0 $0x1  }
0x13: {  	[smem:$0x3FAB] =	sst s0;
	s0 =	simm.s32 @!p1 $0x0  }
0x14: {  	s2 =	sld [smem:$0x3F8F];
	s0 =	simm.s32 @p1 $0x1  }
0x15: {  	[smem:$0x3FAC] =	sst s0;
	s0 =	simm.s32 @!p2 $0x0  }
0x16: {  	s3 =	sld [smem:$0x3FDB];
	s0 =	simm.s32 @p2 $0x1  }
0x17: {  	s4 =	simm.s32 $0x1BF5;
	[smem:$0x3FAE] =	sst s0  }
0x18: {  	s0 =	sld [smem:$0x3F91];
	_ =	swait.ge [sflag:s4], $0x0  }
0x19: {  	s7 =	sld [smem:$0x3F92]  }
0x1a: {  	s8 =	sadd.s32 $0xFFFFE003, lr  }
0x1b: {  	s9 =	sadd.s32 $0xFFFFFEF7, lr;
	s5 =	simm.s32 $0xFFFFFFFF;
	p2 =	slt.u32 s8, $0xFFFFF086  }
0x1c: {  	p1 =	slt.u32 s9, $0xF7A;
	s5 =	simm.s32 @!p2 $0x0  }
0x1d: {  	s5 =	simm.s32 @p1 $0x1;
	p0 =	seq.s32 s7, s2  }
0x1e: {  	s7 =	smul.u32 @!p0 $0xF7A, s2;
	p2 =	seq.s32 @!p0 s5, $0x0  }
0x1f: {  	s9 =	smul.u32 $0xF7A, s1;
	s8 =	simm.s32 @!p0 $0x1BF5;
	p2 =	por !p2, p0  }
0x20: {  	[sflag:s8] =	ssyncset.s32 @!p0 $0xFFFFF086;
	s6 =	sadd.s32 @!p0 s3, s7;
	s7 =	simm.s32 @!p0 $0x108  }
0x21: {  	s3 =	sadd.s32 s3, s9;
	s6 =	sadd.s32 @!p0 $0x88, s6;
	s7 =	simm.s32 @p2 $0x1082  }
0x22: {  	[simem:s7], [sflag:s8] =	dma.local @!p0 [hbm:s6], $0xF7A  }
0x23: {  	s9 =	sor.u32 $0xD0000000, s2;
	s6 =	simm.s32 $0x108;
	_ =	swait.ge @!p0 [sflag:s8], $0x0  }
0x24: {  	s3 =	sadd.s32 $0x88, s3;
	s6 =	simm.s32 @!p1 $0x1082;
	[sflag:s4] =	ssyncset.s32 $0xFFFFF086  }
0x25: {  	[simem:s6], [sflag:s4] =	dma.local [hbm:s3], $0xF7A  }
0x26: {  	[smem:$0x3F92] =	sst s1;
	(tag) =	ssettag s2;
	_ =	strace s9  }
0x27: {  	s1 =	sld [smem:$0x3FA2]  }
0x28: {  	s2 =	sld [smem:$0x3FA3]  }
0x29: {  	s4 =	sld [smem:$0x3FA5]  }
0x2a: {  	p0 =	seq.s32 s5, $0x0;
	s5 =	sld [smem:$0x3FA6]  }
0x2b: {  	s6 =	sld [smem:$0x3FA7]  }
0x2c: {  	s7 =	sld [smem:$0x3FA8]  }
0x2d: {  	s3 =	simm.s32 $0x108;
	s8 =	sld [smem:$0x3FA9]  }
0x2e: {  	s3 =	simm.s32 @!p0 $0x1082;
	s9 =	sld [smem:$0x3FAA]  }
0x2f: {  	lr =	sadd.s32 s0, s3;
	s0 =	sld [smem:$0x3FA1]  }
0x30: {  	s3 =	sld [smem:$0x3FA4]  }
0x31: {  	[smem:$0x3FAD] =	sst s10  }
0x32: {  	s10 =	sld [smem:$0x3FAB];
	_ =	sdelay $0x3  }
0x33: {  	p0 =	seq.s32 s10, $0x1;
	s10 =	sld [smem:$0x3FAD];
	_ =	sdelay $0x3  }
0x34: {  	[smem:$0x3FAD] =	sst s10  }
0x35: {  	s10 =	sld [smem:$0x3FAC];
	_ =	sdelay $0x3  }
0x36: {  	p1 =	seq.s32 s10, $0x1;
	s10 =	sld [smem:$0x3FAD];
	_ =	sdelay $0x3  }
0x37: {  	[smem:$0x3FAD] =	sst s10  }
0x38: {  	s10 =	sld [smem:$0x3FAE]  }
0x39: {  	_ = 	snop;
	(pc) =	sbr.ind lr, $3  }
0x3a: {  	_ = 	snop  }
0x3b: {  	_ = 	snop  }
0x3c: {  	p2 =	seq.s32 s10, $0x1;
	s10 =	sld [smem:$0x3FAD]  }
0x3d: {  	_ =	shalt  }
0x3e: {  	_ =	shalt  }
0x3f: {  	_ =	shalt  }
0x40: {  	_ =	shalt  }
0x41: {  	_ =	shalt  }
0x42: {  	_ =	shalt  }
0x43: {  	_ =	shalt  }
0x44: {  	_ =	shalt  }
0x45: {  	_ =	shalt  }
0x46: {  	_ =	shalt  }
0x47: {  	_ =	shalt  }
0x48: {  	_ =	shalt  }
0x49: {  	_ =	shalt  }
0x4a: {  	_ =	shalt  }
0x4b: {  	_ =	shalt  }
0x4c: {  	_ =	shalt  }
0x4d: {  	_ =	shalt  }
0x4e: {  	_ =	shalt  }
0x4f: {  	_ =	shalt  }
0x50: {  	_ =	shalt  }
0x51: {  	_ =	shalt  }
0x52: {  	_ =	shalt  }
0x53: {  	_ =	shalt  }
0x54: {  	_ =	shalt  }
0x55: {  	_ =	shalt  }
0x56: {  	_ =	shalt  }
0x57: {  	_ =	shalt  }
0x58: {  	_ =	shalt  }
0x59: {  	_ =	shalt  }
0x5a: {  	_ =	shalt  }
0x5b: {  	_ =	shalt  }
0x5c: {  	_ =	shalt  }
0x5d: {  	_ =	shalt  }
0x5e: {  	_ =	shalt  }
0x5f: {  	_ =	shalt  }
0x60: {  	_ =	shalt  }
0x61: {  	_ =	shalt  }
0x62: {  	_ =	shalt  }
0x63: {  	_ =	shalt  }
0x64: {  	_ =	shalt  }
0x65: {  	_ =	shalt  }
0x66: {  	_ =	shalt  }
0x67: {  	_ =	shalt  }
0x68: {  	_ =	shalt  }
0x69: {  	_ =	shalt  }
0x6a: {  	_ =	shalt  }
0x6b: {  	_ =	shalt  }
0x6c: {  	_ =	shalt  }
0x6d: {  	_ =	shalt  }
0x6e: {  	_ =	shalt  }
0x6f: {  	_ =	shalt  }
0x70: {  	_ =	shalt  }
0x71: {  	_ =	shalt  }
0x72: {  	_ =	shalt  }
0x73: {  	_ =	shalt  }
0x74: {  	_ =	shalt  }
0x75: {  	_ =	shalt  }
0x76: {  	_ =	shalt  }
0x77: {  	_ =	shalt  }
0x78: {  	_ =	shalt  }
0x79: {  	_ =	shalt  }
0x7a: {  	_ =	shalt  }
0x7b: {  	_ =	shalt  }
0x7c: {  	_ =	shalt  }
0x7d: {  	_ =	shalt  }
0x7e: {  	_ =	shalt  }
0x7f: {  	_ =	shalt  }
0x80: {  	_ =	shalt  }
0x81: {  	_ =	shalt  }
0x82: {  	_ =	shalt  }
0x83: {  	_ =	shalt  }
0x84: {  	_ =	shalt  }
0x85: {  	_ =	shalt  }
0x86: {  	_ =	shalt  }
0x87: {  	_ =	shalt  }
.Lfunc_end0:
.L_simem_size_0:
called_computation.4_lowered:
.L_overlay_start_0:
0x88: {  	s2 =	sld [smem:$0x3FD9]  }
0x89: {  	s3 =	sld [smem:$0x3FFE];
	_ =	sdelay $0x1  }
0x8a: {  	s1 =	srdreg.scid  }
0x8b: {  	s0 =	sand.u32 $0x1, s1  }
0x8c: {  	s17 =	sshll.u32 s0, $0xA;
	s2 =	sadd.s32 s3, s2  }
0x8d: {  	s2 =	sadd.s32 s2, s17  }
0x8e: {  	[smem:$0x3FB9] =	sst s2  }
0x8f: {  	_ = 	snop  }
0x90: {  	(tm) =	ssettm $0x1  }
0x91: {  	s18 =	sld [smem:$0x3FFB];
	_ =	sdelay $0x3  }
0x92: {  	_ =	strace s18  }
0x93: {  	s2 =	sld [smem:$0x3FFC];
	_ =	sdelay $0x3  }
0x94: {  	_ =	strace s2  }
0x95: {  	s2 =	sld [smem:$0x3FFD];
	_ =	sdelay $0x3  }
0x96: {  	_ =	strace s2  }
0x97: {  	_ =	strace $0x8FFFFFFF  }
0x98: {  	s19 =	sld [smem:$0x3FDB];
	_ =	sdelay $0x1  }
0x99: {  	s20 =	simm.s32 $_scs_section_size  }
0x9a: {  	s4 =	simm.s32 $_size__tile_overlayer_lowered;
	s5 =	simm.s32 $_tile_overlayer_lowered  }
0x9b: {  	s6 =	simm.s32 $0x1BFF;
	s21 =	sshll.u32 s5, $0x1;
	s3 =	sadd.s32 s20, s19  }
0x9c: {  	s22 =	simm.s32 $0x0;
	s4 =	sshll.u32 s4, $0x1;
	s5 =	sadd.s32 s21, s3  }
0x9d: {  	[timem:s22], [sflag:s6] =	dma.local [hbm:s5], s4  }
0x9e: {  	_ =	swait.ge [sflag:s6], s4  }
0x9f: {  	s4 =	ssub.s32 $0x0, s4;
	[sflag:s6] =	ssyncset.done $0x0  }
0xa0: {  	[sflag:s6] =	ssyncadd.s32 s4;
	_ =	sdelay $0x1  }
0xa1: {  	s23 =	simm.s32 $0x1B8B  }
0xa2: {  	_ =	swait.ge [sflag:s23], $0x1  }
0xa3: {  	[sflag:s23] =	ssyncset.done $0x0  }
0xa4: {  	[sflag:s23] =	ssyncadd.s32 $0xFFFFFFFF  }
0xa5: {  	s4 =	sld [smem:$0x0]  }
0xa6: {  	s5 =	sand.u32 $0xFFFFFFFE, s1  }
0xa7: {  	p0 =	sne.s32 s1, s5  }
0xa8: {  	s5 =	sshll.u32 @p0 s5, $0xE  }
0xa9: {  	s5 =	sadd.s32 @p0 $0x11B8D, s5;
	s6 =	sshll.u32 @p0 s4, $0x11  }
0xaa: {  	s5 =	sor.u32 @p0 s6, s5  }
0xab: {  	[sflag:s5] =	ssyncadd.remote.s32 @p0 $0x1;
	_ =	sdelay $0x1  }
0xac: {  	s5 =	simm.s32 @p0 $0x1B8D  }
0xad: {  	_ =	swait.eq @p0 [sflag:s5], $0x1  }
0xae: {  	[sflag:s5] =	ssyncadd.s32 @p0 $0xFFFFFFFF  }
0xaf: {  	s6 =	sshll.u32 @!p0 s1, $0xE  }
0xb0: {  	s6 =	sor.u32 @!p0 $0x4000, s6;
	s5 =	simm.s32 @!p0 $0x1B8D  }
0xb1: {  	s4 =	sshll.u32 @!p0 s4, $0x11;
	s6 =	sadd.s32 @!p0 $0x11B8D, s6;
	_ =	swait.eq @!p0 [sflag:s5], $0x1  }
0xb2: {  	s4 =	sor.u32 @!p0 s4, s6;
	[sflag:s5] =	ssyncadd.s32 @!p0 $0xFFFFFFFF  }
0xb3: {  	s25 =	simm.s32 $0x1B8E;
	s24 =	sld [smem:$0x3FFE];
	[sflag:s4] =	ssyncadd.remote.s32 @!p0 $0x1  }
0xb4: {  	s26 =	simm.s32 $execute0_lowered;
	[smem:$0x3FD2] =	sst s25  }
0xb5: {  	s5 =	sshll.u32 s26, $0x1;
	_ =	strace $0x80000064;
	[dreg:$0x1] =	wrdreg $0xFFFFFFFF  }
0xb6: {  	s28 =	simm.s32 $_size_execute0_lowered;
	s3 =	sadd.s32 s3, s5;
	[dreg:$0x0] =	wrdreg $0x0  }
0xb7: {  	s5 =	sshll.u32 s28, $0x1;
	[dreg:$0x2] =	wrdreg s3  }
0xb8: {  	[dreg:$0x3] =	wrdreg s5  }
0xb9: {  	[dreg:$0x4] =	wrdreg $0xC0  }
0xba: {  	_ =	task [dreg:s22], $0x5FFFF  }
0xbb: {  	[dreg:$0x1] =	wrdreg $0xFFFFFFFF  }
0xbc: {  	[dreg:$0x0] =	wrdreg $0x60  }
0xbd: {  	[dreg:$0x2] =	wrdreg s24  }
0xbe: {  	[dreg:$0x3] =	wrdreg $0x0  }
0xbf: {  	[dreg:$0x4] =	wrdreg $0xA  }
0xc0: {  	_ =	task.clear_ibuf [dreg:s22], $0x5FFFF;
	_ =	strace $0x90000064  }
0xc1: {  	s29 =	simm.s32 $0xA;
	_ =	strace $0x80000072  }
0xc2: {  	_ =	swait.ge [sflag:s29], $0x1  }
0xc3: {  	[sflag:s29] =	ssyncadd.s32 $0xFFFFFFFF  }
0xc4: {  	_ =	strace $0x90000072  }
0xc5: {  	_ =	sfence  }
0xc6: {  	s30 =	sld [smem:$0x0];
	_ =	sdelay $0x2  }
0xc7: {  	s31 =	sshll.u32 s1, $0xD;
	s1 =	sshrl.u32 s1, $0x2  }
0xc8: {  	s4 =	sand.u32 $0x4000, s31;
	s1 =	sadd.s32 s1, s30  }
0xc9: {  	s0 =	sor.u32 s4, s0;
	s1 =	sshll.u32 s1, $0x11  }
0xca: {  	s0 =	sor.u32 s1, s0  }
0xcb: {  	s0 =	sadd.s32 $0x8F2B, s0  }
0xcc: {  	[sflag:s0] =	ssyncadd.remote.s32 $0x1  }
0xcd: {  	_ =	sfence.sel $0xFFFF  }
0xce: {  	[dreg:$0x0] =	wrdreg $0xFFFFFFFF;
	(pc) =	sbr.abs _section_cstart, $3  }
0xcf: {  	[dreg:$0x1] =	wrdreg $0xFFFFFFFF  }
0xd0: {  	_ =	task.clear_ibuf [dreg:s22], $0x2FFFF;
	_ =	strace $0x9FFFFFFF  }
0xd1: {  	(tm) =	ssettm $0x7FFFFFFF  }
tec
execute0_lowered:
.L_overlay_start_1:
0x0: {  	(tag) =	ssettag $0x1  }
0x1: {  	s0 =	rddreg [dreg:$0x0]  }
0x2: {  	s1 =	rddreg [dreg:$0x1];
	s2 =	simm.s32 $0x0;
	s6 =	srdreg.scid  }
0x3: {  	s13 =	stileid.u32;
	s18 =	simm.s32 $0x80;
	s19 =	simm.s32 $0x5  }
0x4: {  	s20 =	simm.s32 $0x1;
	s21 =	simm.s32 $0x0;
	[smem:$0x7FF] =	sst s2  }
0x5: {  	s3 =	sadd.s32 $0x9B5000, s0;
	s4 =	sadd.s32 $0xBB5000, s0;
	s5 =	sadd.s32 $0x19000, s0  }
0x6: {  	s7 =	sand.u32 $0x1, s6;
	s6 =	sadd.s32 $0x15000, s0;
	s8 =	sadd.s32 $0x1D000, s0  }
0x7: {  	s25 =	smul.u32 $0x28000, s7;
	s9 =	ssub.s32 $0x2, s7;
	s7 =	sshll.u32 s7, $0x4  }
0x8: {  	p0 =	sne.s32 s13, $0x0;
	_ =	strace $0x80000065;
	s7 =	sor.u32 s13, s7  }
0x9: {  	[dreg:$0x3] =	wrdreg s8;
	s15 =	sshrl.u32 @!p0 s1, $0x3;
	s11 =	sshll.u32 s7, $0x10  }
0xa: {  	s26 =	sshrl.u32 s9, $0x1;
	s12 =	sshll.u32 s7, $0x9;
	s28 =	sadd.s32 s3, s11  }
0xb: {  	s0 =	sadd.s32 s25, s0;
	s29 =	sadd.s32 s5, s12;
	[dreg:$0x4] =	wrdreg s28  }
0xc: {  	s14 =	ssub.s32 s9, s26;
	s30 =	sadd.s32 s4, s11;
	[dreg:$0x5] =	wrdreg s29  }
0xd: {  	s8 =	sshll.u32 s7, $0x5;
	s31 =	sadd.s32 s6, s12;
	[dreg:$0x6] =	wrdreg s30  }
0xe: {  	s13 =	sadd.s32 $0x45000, s0;
	s14 =	smax.u32 s14, $0x1;
	[dreg:$0x7] =	wrdreg s31  }
.LBB2_1:
0xf: {  	s0 =	simm.s32 @!p0 $0x1C01  }
0x10: {  	s7 =	rddreg [dreg:$0x3];
	s26 =	simm.s32 $0x14000;
	s10 =	simm.s32 $0x1C000  }
0x11: {  	[spmem:s15], [sflag:s0] =	dma.local @!p0 [hbm:s7], $0x28000  }
0x12: {  	s22 =	simm.s32 $0x1;
	p1 =	por $0x0, $0x0;
	s0 =	simm.s32 @!p0 $0x1  }
0x13: {  	s11 =	simm.s32 $0x0;
	s12 =	sand.u32 $0x1, s2;
	_ =	swait.ge @!p0 [sflag:s0], $0x28000  }
0x14: {  	s16 =	simm.s32 $0x0;
	s22 =	simm.s32 @p1 $0x0;
	[sflag:s0] =	ssyncset.done @!p0 $0x0  }
0x15: {  	s31 =	simm.s32 $0x1;
	p1 =	seq.s32 s22, $0x0;
	[sflag:s0] =	ssyncadd.s32 @!p0 $0xFFFD8000  }
0x16: {  	s7 =	sand.u32 @!p1 $0x1, s20;
	s28 =	simm.s32 @!p1 $0x0;
	[bflag:$0x0] =	sbarrier.arrive $0xFFFF  }
0x17: {  	s0 =	sadd.s32 @!p1 s8, s22;
	s23 =	sshll.u32 @!p1 s7, $0xE;
	_ =	strace $0x80000066  }
0x18: {  	s29 =	sshll.u32 @!p1 s7, $0x7;
	s24 =	sshll.u32 @!p1 s0, $0xB;
	s25 =	rddreg [dreg:$0x4]  }
0x19: {  	[tilespmem:s26], [sflag:$0x1] =	stream.linear.gather [hbm4b:s25+s2], $0x4000, $0x200038;
	[tilespmem:$0x1C100] =	vst v63  }
0x1a: {  	s23 =	sadd.s32 @!p1 $0x14000, s23;
	s29 =	sor.u32 @!p1 $0x1C000, s29;
	s9 =	rddreg [dreg:$0x5]  }
0x1b: {  	[tilespmem:s10], [sflag:$0x3] =	stream.linear.gather [hbm4b:s9+s2], $0x80, $0x200038;
	[tilespmem:$0x1C100] =	vst v63  }
0x1c: {  	s0 =	sshll.u32 @!p1 s0, $0x4;
	s24 =	sand.u32 @!p1 $0x1FFFF800, s24;
	_ =	strace $0x90000066  }
0x1d: {  	s24 =	sadd.s32 @!p1 s3, s24;
	s26 =	sadd.s32 @!p1 $0x1, s7;
	_ =	strace @!p1 $0x80000067  }
0x1e: {  	[tilespmem:s23], [sflag:s26] =	stream.linear.gather @!p1 [hbm4b:s24+s28], $0x4000, $0x200038;
	[tilespmem:$0x1C100] =	vst v63  }
0x1f: {  	s30 =	simm.s32 @!p1 $0x1;
	s0 =	sand.u32 @!p1 $0x1FFFFFF0, s0;
	_ =	strace @!p1 $0x90000067  }
0x20: {  	s0 =	sadd.s32 @!p1 s5, s0;
	s7 =	sadd.s32 @!p1 $0x3, s7;
	_ =	strace @!p1 $0x80000068  }
0x21: {  	[tilespmem:s29], [sflag:s7] =	stream.linear.gather @!p1 [hbm4b:s0+s28], $0x80, $0x200038;
	[tilespmem:$0x1C100] =	vst v63  }
0x22: {  	s17 =	sadd.s32 $0x1, s12;
	s30 =	simm.s32 @p1 $0x0;
	_ =	strace @!p1 $0x90000068  }
0x23: {  	s25 =	simm.s32 $0x1D;
	s26 =	sadd.s32 $0x1, s30;
	_ =	strace $0x80000069  }
0x24: {  	s30 =	sadd.s32 $0x3, s12;
	s23 =	sand.u32 $0x4000, s11;
	_ =	swait.ge [sflag:s17], $0x4000  }
0x25: {  	s24 =	sadd.s32 $0x1, s22;
	s29 =	simm.s32 @!p1 $0x2;
	[sflag:s17] =	ssyncset.done $0x0  }
0x26: {  	s7 =	sand.u32 $0x80, s16;
	s0 =	sadd.s32 $0x14000, s23;
	[sflag:s17] =	ssyncadd.s32 $0xFFFFC000  }
0x27: {  	s28 =	simm.s32 $0x0;
	s29 =	smov.u32 @p1 s20;
	_ =	strace $0x90000069  }
0x28: {  	p1 =	sne.s32 s22, $0x0;
	s7 =	sor.u32 $0x1C000, s7;
	_ =	strace $0x8000006A  }
0x29: {  	s31 =	simm.s32 @!p1 $0x0;
	p1 =	seq.s32 s24, $0x20;
	_ =	swait.ge [sflag:s30], $0x80  }
0x2a: {  	s24 =	simm.s32 @p1 $0x0;
	s23 =	sadd.s32 $0x0, s31;
	[sflag:s30] =	ssyncset.done $0x0  }
.LBB2_2:
0x2b: {  	s16 =	smov.u32 s29  }
0x2c: {  	s25 =	sadd.s32 $0xFFFFFFFF, s25;
	p1 =	seq.s32 s22, s24;
	s28 =	sadd.s32 s31, s28  }
0x2d: {  	s29 =	sadd.s32 @!p1 s8, s24;
	s31 =	sand.u32 @!p1 $0x1, s16;
	[sflag:s30] =	ssyncadd.s32 $0xFFFFFF80  }
0x2e: {  	s30 =	sshll.u32 @!p1 s31, $0xE;
	s9 =	sshll.u32 @!p1 s29, $0xB;
	_ =	strace $0x9000006A  }
0x2f: {  	s17 =	sand.u32 @!p1 $0x1, s26;
	s9 =	sand.u32 @!p1 $0x1FFFF800, s9;
	_ =	strace $0x8000006B  }
0x30: {  	[spmem:s1] =	stream.indirect.scatter.add.f32 [tilespmem:s0], [sflag:$0x5], $0x80, s7, s18, $0x2000b8;
	[tilespmem:$0x1C100] =	vst v63  }
0x31: {  	s29 =	sshll.u32 @!p1 s29, $0x4;
	s0 =	sadd.s32 @!p1 $0x1, s31;
	s7 =	simm.s32 @!p1 $0x0  }
0x32: {  	s30 =	sadd.s32 @!p1 $0x14000, s30;
	s29 =	sand.u32 @!p1 $0x1FFFFFF0, s29;
	s31 =	sshll.u32 @!p1 s17, $0x7  }
0x33: {  	s10 =	simm.s32 @!p1 $0x1;
	s31 =	sor.u32 @!p1 $0x1C000, s31;
	_ =	swait.ge [sflag:s19], $0x4000  }
0x34: {  	s9 =	sadd.s32 @!p1 s3, s9;
	s17 =	sadd.s32 @!p1 $0x3, s17;
	[sflag:s19] =	ssyncset.done $0x0  }
0x35: {  	s10 =	simm.s32 @p1 $0x0;
	s11 =	sadd.s32 @!p1 s5, s29;
	[sflag:s19] =	ssyncadd.s32 $0xFFFFC000  }
0x36: {  	s26 =	sadd.s32 s26, s10;
	s10 =	sshll.u32 s28, $0xE;
	_ =	strace $0x9000006B  }
0x37: {  	s12 =	sshll.u32 s23, $0x7;
	s29 =	sand.u32 $0x1, s28;
	_ =	strace @!p1 $0x80000067  }
0x38: {  	[tilespmem:s30], [sflag:s0] =	stream.linear.gather @!p1 [hbm4b:s9+s7], $0x4000, $0x200038;
	[tilespmem:$0x1C100] =	vst v63  }
0x39: {  	s0 =	sadd.s32 $0x1, s29;
	s9 =	sand.u32 $0x80, s12;
	_ =	strace @!p1 $0x90000067  }
0x3a: {  	s29 =	sadd.s32 @!p1 $0x1, s16;
	s12 =	sand.u32 $0x1, s23;
	_ =	strace @!p1 $0x80000068  }
0x3b: {  	[tilespmem:s31], [sflag:s17] =	stream.linear.gather @!p1 [hbm4b:s11+s7], $0x80, $0x200038;
	[tilespmem:$0x1C100] =	vst v63  }
0x3c: {  	s29 =	smov.u32 @p1 s16;
	s30 =	sadd.s32 $0x3, s12;
	_ =	strace @!p1 $0x90000068  }
0x3d: {  	p1 =	sne.s32 s25, $0x0;
	_ =	strace $0x80000069  }
0x3e: {  	p2 =	sne.s32 s22, s24;
	_ =	swait.ge [sflag:s0], $0x4000  }
0x3f: {  	s22 =	smov.u32 s24;
	s31 =	simm.s32 $0x1;
	[sflag:s0] =	ssyncset.done $0x0  }
.Ltmp0:
0x40: {  	[sflag:s0] =	ssyncadd.s32 $0xFFFFC000;
	s0 =	sand.u32 $0x4000, s10;
	(pc) =	sbr.rel @p1 .LBB2_2-.Ltmp0, $4  }
0x41: {  	s24 =	sadd.s32 $0x1, s24;
	s31 =	simm.s32 @!p2 $0x0;
	_ =	strace $0x90000069  }
0x42: {  	p2 =	seq.s32 s24, $0x20;
	s0 =	sadd.s32 $0x14000, s0;
	_ =	strace $0x8000006A  }
0x43: {  	s7 =	sor.u32 $0x1C000, s9;
	s24 =	simm.s32 @p2 $0x0;
	_ =	swait.ge [sflag:s30], $0x80  }
0x44: {  	s23 =	sadd.s32 s31, s23;
	[sflag:s30] =	ssyncset.done $0x0  }
0x45: {  	[sflag:s30] =	ssyncadd.s32 $0xFFFFFF80  }
0x46: {  	p1 =	seq.s32 s22, s24;
	_ =	strace $0x9000006A  }
0x47: {  	s9 =	sadd.s32 @!p1 s8, s24;
	_ =	strace $0x8000006B  }
0x48: {  	[spmem:s1] =	stream.indirect.scatter.add.f32 [tilespmem:s0], [sflag:$0x5], $0x80, s7, s18, $0x2000b8;
	[tilespmem:$0x1C100] =	vst v63  }
0x49: {  	s11 =	sand.u32 @!p1 $0x1, s26;
	s12 =	simm.s32 @!p1 $0x0;
	_ =	swait.ge [sflag:s19], $0x4000  }
0x4a: {  	s0 =	sand.u32 @!p1 $0x1, s29;
	s7 =	sshll.u32 @!p1 s9, $0xB;
	[sflag:s19] =	ssyncset.done $0x0  }
0x4b: {  	s9 =	sshll.u32 @!p1 s9, $0x4;
	s10 =	sshll.u32 @!p1 s0, $0xE;
	[sflag:s19] =	ssyncadd.s32 $0xFFFFC000  }
0x4c: {  	s7 =	sand.u32 @!p1 $0x1FFFF800, s7;
	s0 =	sadd.s32 @!p1 $0x1, s0;
	_ =	strace $0x9000006B  }
0x4d: {  	s10 =	sadd.s32 @!p1 $0x14000, s10;
	s7 =	sadd.s32 @!p1 s3, s7;
	_ =	strace @!p1 $0x80000067  }
0x4e: {  	[tilespmem:s10], [sflag:s0] =	stream.linear.gather @!p1 [hbm4b:s7+s12], $0x4000, $0x200038;
	[tilespmem:$0x1C100] =	vst v63  }
0x4f: {  	s0 =	sshll.u32 @!p1 s11, $0x7;
	s7 =	sand.u32 @!p1 $0x1FFFFFF0, s9  }
0x50: {  	s9 =	sadd.s32 s31, s28;
	s10 =	sadd.s32 @!p1 $0x3, s11;
	_ =	strace @!p1 $0x90000067  }
0x51: {  	s0 =	sor.u32 @!p1 $0x1C000, s0;
	s7 =	sadd.s32 @!p1 s5, s7;
	_ =	strace @!p1 $0x80000068  }
0x52: {  	[tilespmem:s0], [sflag:s10] =	stream.linear.gather @!p1 [hbm4b:s7+s12], $0x80, $0x200038;
	[tilespmem:$0x1C100] =	vst v63  }
0x53: {  	s16 =	sand.u32 $0x1, s9;
	_ =	strace @!p1 $0x90000068  }
0x54: {  	s0 =	sadd.s32 $0x1, s16;
	_ =	strace $0x80000069  }
0x55: {  	_ =	swait.ge [sflag:s0], $0x4000  }
0x56: {  	[sflag:s0] =	ssyncset.done $0x0  }
0x57: {  	[sflag:s0] =	ssyncadd.s32 $0xFFFFC000  }
0x58: {  	s17 =	sand.u32 $0x1, s23;
	_ =	strace $0x90000069  }
0x59: {  	s0 =	sadd.s32 $0x3, s17;
	_ =	strace $0x8000006A  }
0x5a: {  	_ =	swait.ge [sflag:s0], $0x80  }
0x5b: {  	[sflag:s0] =	ssyncset.done $0x0  }
0x5c: {  	s26 =	sshll.u32 s23, $0x7;
	s25 =	sshll.u32 s9, $0xE;
	[sflag:s0] =	ssyncadd.s32 $0xFFFFFF80  }
0x5d: {  	s10 =	sand.u32 $0x80, s26;
	s7 =	sand.u32 $0x4000, s25;
	_ =	strace $0x9000006A  }
0x5e: {  	s7 =	sadd.s32 $0x14000, s7;
	s0 =	sor.u32 $0x1C000, s10;
	_ =	strace $0x8000006B  }
0x5f: {  	[spmem:s1] =	stream.indirect.scatter.add.f32 [tilespmem:s7], [sflag:$0x5], $0x80, s0, s18, $0x2000b8;
	[tilespmem:$0x1C100] =	vst v63  }
0x60: {  	p1 =	sne.s32 s22, s24;
	s0 =	simm.s32 $0x1;
	_ =	swait.ge [sflag:s19], $0x4000  }
0x61: {  	s0 =	simm.s32 @!p1 $0x0;
	[sflag:s19] =	ssyncset.done $0x0  }
0x62: {  	s11 =	sadd.s32 s0, s9;
	[sflag:s19] =	ssyncadd.s32 $0xFFFFC000  }
0x63: {  	s9 =	sand.u32 $0x1, s11;
	_ =	strace $0x9000006B  }
0x64: {  	s9 =	sadd.s32 $0x1, s9;
	_ =	strace $0x80000069  }
0x65: {  	_ =	swait.ge [sflag:s9], $0x4000  }
0x66: {  	[sflag:s9] =	ssyncset.done $0x0  }
0x67: {  	s0 =	sadd.s32 s0, s23;
	[sflag:s9] =	ssyncadd.s32 $0xFFFFC000  }
0x68: {  	s12 =	sand.u32 $0x1, s0;
	_ =	strace $0x90000069  }
0x69: {  	s9 =	sadd.s32 $0x3, s12;
	_ =	strace $0x8000006A  }
0x6a: {  	_ =	swait.ge [sflag:s9], $0x80  }
0x6b: {  	[sflag:s9] =	ssyncset.done $0x0  }
0x6c: {  	s7 =	sshll.u32 s11, $0xE;
	s0 =	sshll.u32 s0, $0x7;
	[sflag:s9] =	ssyncadd.s32 $0xFFFFFF80  }
0x6d: {  	s7 =	sand.u32 $0x4000, s7;
	s0 =	sand.u32 $0x80, s0;
	_ =	strace $0x9000006A  }
0x6e: {  	s7 =	sadd.s32 $0x14000, s7;
	s0 =	sor.u32 $0x1C000, s0;
	_ =	strace $0x8000006B  }
0x6f: {  	[spmem:s1] =	stream.indirect.scatter.add.f32 [tilespmem:s7], [sflag:$0x5], $0x80, s0, s18, $0x2000b8;
	[tilespmem:$0x1C100] =	vst v63  }
0x70: {  	_ =	swait.ge [sflag:s19], $0x4000  }
0x71: {  	[sflag:s19] =	ssyncset.done $0x0  }
0x72: {  	[sflag:s19] =	ssyncadd.s32 $0xFFFFC000  }
0x73: {  	_ =	strace $0x9000006B  }
0x74: {  	_ =	strace $0x8000006C  }
0x75: {  	s17 =	simm.s32 $0x14000;
	s23 =	simm.s32 $0x0;
	s16 =	rddreg [dreg:$0x6]  }
0x76: {  	[tilespmem:s17], [sflag:$0x1] =	stream.linear.gather [hbm4b:s16+s23], $0x4000, $0x200038;
	[tilespmem:$0x1C100] =	vst v63  }
0x77: {  	s31 =	simm.s32 $0x1;
	s24 =	simm.s32 $0x1C000;
	s22 =	rddreg [dreg:$0x7]  }
0x78: {  	[tilespmem:s24], [sflag:$0x3] =	stream.linear.gather [hbm4b:s22+s23], $0x80, $0x200038;
	[tilespmem:$0x1C100] =	vst v63  }
0x79: {  	s26 =	simm.s32 $0x1D;
	p1 =	por $0x0, $0x0;
	s22 =	simm.s32 $0x1  }
0x7a: {  	s25 =	simm.s32 $0x0;
	s0 =	simm.s32 $0x1;
	s22 =	simm.s32 @p1 $0x0  }
0x7b: {  	s24 =	sand.u32 $0x4000, s25;
	_ =	strace $0x9000006C;
	p1 =	seq.s32 s22, $0x0  }
0x7c: {  	s7 =	sadd.s32 @!p1 s8, s22;
	s9 =	sand.u32 @!p1 $0x1, s0;
	s16 =	simm.s32 @!p1 $0x0  }
0x7d: {  	_ =	strace @!p1 $0x8000006D;
	s10 =	sshll.u32 @!p1 s7, $0xB;
	s11 =	sshll.u32 @!p1 s9, $0xE  }
0x7e: {  	s12 =	sadd.s32 @!p1 $0x1, s9;
	s7 =	sshll.u32 @!p1 s7, $0x4;
	s10 =	sand.u32 @!p1 $0x1FFFF800, s10  }
0x7f: {  	s17 =	sshll.u32 @!p1 s9, $0x7;
	s11 =	sadd.s32 @!p1 $0x14000, s11;
	s10 =	sadd.s32 @!p1 s4, s10  }
0x80: {  	[tilespmem:s11], [sflag:s12] =	stream.linear.gather @!p1 [hbm4b:s10+s16], $0x4000, $0x200038;
	[tilespmem:$0x1C100] =	vst v63  }
0x81: {  	s9 =	sadd.s32 @!p1 $0x3, s9;
	s7 =	sand.u32 @!p1 $0x1FFFFFF0, s7;
	_ =	strace @!p1 $0x9000006D  }
0x82: {  	s7 =	sadd.s32 @!p1 s6, s7;
	s10 =	sor.u32 @!p1 $0x1C000, s17;
	_ =	strace @!p1 $0x8000006E  }
0x83: {  	[tilespmem:s10], [sflag:s9] =	stream.linear.gather @!p1 [hbm4b:s7+s16], $0x80, $0x200038;
	[tilespmem:$0x1C100] =	vst v63  }
0x84: {  	s25 =	sadd.s32 $0x1, s22;
	s12 =	sand.u32 $0x1, s23;
	_ =	strace @!p1 $0x9000006E  }
0x85: {  	s29 =	simm.s32 @!p1 $0x2;
	s17 =	sadd.s32 $0x1, s12;
	_ =	strace $0x8000006F  }
0x86: {  	s29 =	smov.u32 @p1 s0;
	s11 =	simm.s32 @!p1 $0x1;
	_ =	swait.ge [sflag:s17], $0x4000  }
0x87: {  	s0 =	sadd.s32 $0x14000, s24;
	s11 =	simm.s32 @p1 $0x0;
	[sflag:s17] =	ssyncset.done $0x0  }
0x88: {  	s30 =	sadd.s32 $0x3, s12;
	s28 =	sadd.s32 $0x1, s11;
	[sflag:s17] =	ssyncadd.s32 $0xFFFFC000  }
0x89: {  	s16 =	simm.s32 $0x0;
	p1 =	sne.s32 s22, $0x0;
	_ =	strace $0x9000006F  }
0x8a: {  	s10 =	sand.u32 $0x80, s16;
	s31 =	simm.s32 @!p1 $0x0;
	_ =	strace $0x80000070  }
0x8b: {  	p1 =	seq.s32 s25, $0x20;
	s7 =	sor.u32 $0x1C000, s10;
	_ =	swait.ge [sflag:s30], $0x80  }
0x8c: {  	s25 =	simm.s32 @p1 $0x0;
	s24 =	sadd.s32 $0x0, s31;
	[sflag:s30] =	ssyncset.done $0x0  }
.LBB2_4:
0x8d: {  	s9 =	smov.u32 s29  }
0x8e: {  	s26 =	sadd.s32 $0xFFFFFFFF, s26;
	p1 =	seq.s32 s22, s25;
	s23 =	sadd.s32 s31, s23  }
0x8f: {  	s10 =	sadd.s32 @!p1 s8, s25;
	s11 =	sand.u32 @!p1 $0x1, s29;
	[sflag:s30] =	ssyncadd.s32 $0xFFFFFF80  }
0x90: {  	s12 =	sshll.u32 @!p1 s11, $0xE;
	s16 =	sshll.u32 @!p1 s10, $0xB;
	_ =	strace $0x90000070  }
0x91: {  	s17 =	sand.u32 @!p1 $0x1, s28;
	s16 =	sand.u32 @!p1 $0x1FFFF800, s16;
	_ =	strace $0x80000071  }
0x92: {  	[spmem:s1] =	stream.indirect.scatter.add.f32 [tilespmem:s0], [sflag:$0x5], $0x80, s7, s18, $0x2000b8;
	[tilespmem:$0x1C100] =	vst v63  }
0x93: {  	s10 =	sshll.u32 @!p1 s10, $0x4;
	s0 =	sadd.s32 @!p1 $0x1, s11;
	s7 =	simm.s32 @!p1 $0x0  }
0x94: {  	s10 =	sand.u32 @!p1 $0x1FFFFFF0, s10;
	s11 =	sadd.s32 @!p1 $0x14000, s12;
	s12 =	sshll.u32 @!p1 s17, $0x7  }
0x95: {  	s29 =	simm.s32 @!p1 $0x1;
	s12 =	sor.u32 @!p1 $0x1C000, s12;
	_ =	swait.ge [sflag:s19], $0x4000  }
0x96: {  	s16 =	sadd.s32 @!p1 s4, s16;
	s17 =	sadd.s32 @!p1 $0x3, s17;
	[sflag:s19] =	ssyncset.done $0x0  }
0x97: {  	s29 =	simm.s32 @p1 $0x0;
	s10 =	sadd.s32 @!p1 s6, s10;
	[sflag:s19] =	ssyncadd.s32 $0xFFFFC000  }
0x98: {  	s31 =	sshll.u32 s23, $0xE;
	s28 =	sadd.s32 s28, s29;
	_ =	strace $0x90000071  }
0x99: {  	s30 =	sshll.u32 s24, $0x7;
	s29 =	sand.u32 $0x1, s23;
	_ =	strace @!p1 $0x8000006D  }
0x9a: {  	[tilespmem:s11], [sflag:s0] =	stream.linear.gather @!p1 [hbm4b:s16+s7], $0x4000, $0x200038;
	[tilespmem:$0x1C100] =	vst v63  }
0x9b: {  	s0 =	sadd.s32 $0x1, s29;
	s11 =	sand.u32 $0x80, s30;
	_ =	strace @!p1 $0x9000006D  }
0x9c: {  	s29 =	sadd.s32 @!p1 $0x1, s9;
	s16 =	sand.u32 $0x1, s24;
	_ =	strace @!p1 $0x8000006E  }
0x9d: {  	[tilespmem:s12], [sflag:s17] =	stream.linear.gather @!p1 [hbm4b:s10+s7], $0x80, $0x200038;
	[tilespmem:$0x1C100] =	vst v63  }
0x9e: {  	s29 =	smov.u32 @p1 s9;
	s30 =	sadd.s32 $0x3, s16;
	_ =	strace @!p1 $0x9000006E  }
0x9f: {  	p1 =	sne.s32 s26, $0x0;
	_ =	strace $0x8000006F  }
0xa0: {  	_ =	swait.ge [sflag:s0], $0x4000  }
0xa1: {  	p2 =	sne.s32 s22, s25;
	s22 =	smov.u32 s25;
	[sflag:s0] =	ssyncset.done $0x0  }
0xa2: {  	[sflag:s0] =	ssyncadd.s32 $0xFFFFC000  }
.Ltmp1:
0xa3: {  	s0 =	sand.u32 $0x4000, s31;
	s31 =	simm.s32 $0x1;
	(pc) =	sbr.rel @p1 .LBB2_4-.Ltmp1, $4  }
0xa4: {  	s25 =	sadd.s32 $0x1, s25;
	_ =	strace $0x9000006F;
	s31 =	simm.s32 @!p2 $0x0  }
0xa5: {  	p2 =	seq.s32 s25, $0x20;
	s0 =	sadd.s32 $0x14000, s0;
	_ =	strace $0x80000070  }
0xa6: {  	s7 =	sor.u32 $0x1C000, s11;
	s25 =	simm.s32 @p2 $0x0;
	_ =	swait.ge [sflag:s30], $0x80  }
0xa7: {  	s24 =	sadd.s32 s31, s24;
	[sflag:s30] =	ssyncset.done $0x0  }
0xa8: {  	[sflag:s30] =	ssyncadd.s32 $0xFFFFFF80  }
0xa9: {  	p1 =	seq.s32 s22, s25;
	s31 =	sadd.s32 s31, s23;
	_ =	strace $0x90000070  }
0xaa: {  	s9 =	sadd.s32 @!p1 s8, s25;
	s10 =	sand.u32 @!p1 $0x1, s29;
	_ =	strace $0x80000071  }
0xab: {  	[spmem:s1] =	stream.indirect.scatter.add.f32 [tilespmem:s0], [sflag:$0x5], $0x80, s7, s18, $0x2000b8;
	[tilespmem:$0x1C100] =	vst v63  }
0xac: {  	s12 =	simm.s32 @!p1 $0x0;
	s11 =	sshll.u32 @!p1 s9, $0xB;
	_ =	swait.ge [sflag:s19], $0x4000  }
0xad: {  	s9 =	sshll.u32 @!p1 s9, $0x4;
	s0 =	sshll.u32 @!p1 s10, $0xE;
	[sflag:s19] =	ssyncset.done $0x0  }
0xae: {  	s7 =	sand.u32 @!p1 $0x1FFFF800, s11;
	s11 =	sand.u32 @!p1 $0x1, s28;
	[sflag:s19] =	ssyncadd.s32 $0xFFFFC000  }
0xaf: {  	s10 =	sadd.s32 @!p1 $0x1, s10;
	s9 =	sand.u32 @!p1 $0x1FFFFFF0, s9;
	_ =	strace $0x90000071  }
0xb0: {  	s0 =	sadd.s32 @!p1 $0x14000, s0;
	s7 =	sadd.s32 @!p1 s4, s7;
	_ =	strace @!p1 $0x8000006D  }
0xb1: {  	[tilespmem:s0], [sflag:s10] =	stream.linear.gather @!p1 [hbm4b:s7+s12], $0x4000, $0x200038;
	[tilespmem:$0x1C100] =	vst v63  }
0xb2: {  	s16 =	sshll.u32 @!p1 s11, $0x7;
	s9 =	sadd.s32 @!p1 s6, s9;
	_ =	strace @!p1 $0x9000006D  }
0xb3: {  	s7 =	sor.u32 @!p1 $0x1C000, s16;
	s10 =	sadd.s32 @!p1 $0x3, s11;
	_ =	strace @!p1 $0x8000006E  }
0xb4: {  	[tilespmem:s7], [sflag:s10] =	stream.linear.gather @!p1 [hbm4b:s9+s12], $0x80, $0x200038;
	[tilespmem:$0x1C100] =	vst v63  }
0xb5: {  	s17 =	sand.u32 $0x1, s31;
	_ =	strace @!p1 $0x9000006E  }
0xb6: {  	s7 =	sadd.s32 $0x1, s17;
	_ =	strace $0x8000006F  }
0xb7: {  	_ =	swait.ge [sflag:s7], $0x4000  }
0xb8: {  	[sflag:s7] =	ssyncset.done $0x0  }
0xb9: {  	[sflag:s7] =	ssyncadd.s32 $0xFFFFC000  }
0xba: {  	s23 =	sand.u32 $0x1, s24;
	_ =	strace $0x9000006F  }
0xbb: {  	s7 =	sadd.s32 $0x3, s23;
	_ =	strace $0x80000070  }
0xbc: {  	_ =	swait.ge [sflag:s7], $0x80  }
0xbd: {  	[sflag:s7] =	ssyncset.done $0x0  }
0xbe: {  	s26 =	sshll.u32 s31, $0xE;
	s28 =	sshll.u32 s24, $0x7;
	[sflag:s7] =	ssyncadd.s32 $0xFFFFFF80  }
0xbf: {  	s29 =	sand.u32 $0x80, s28;
	s9 =	sand.u32 $0x4000, s26;
	_ =	strace $0x90000070  }
0xc0: {  	s9 =	sadd.s32 $0x14000, s9;
	s7 =	sor.u32 $0x1C000, s29;
	_ =	strace $0x80000071  }
0xc1: {  	[spmem:s1] =	stream.indirect.scatter.add.f32 [tilespmem:s9], [sflag:$0x5], $0x80, s7, s18, $0x2000b8;
	[tilespmem:$0x1C100] =	vst v63  }
0xc2: {  	p1 =	sne.s32 s22, s25;
	s7 =	simm.s32 $0x1;
	_ =	swait.ge [sflag:s19], $0x4000  }
0xc3: {  	s7 =	simm.s32 @!p1 $0x0;
	[sflag:s19] =	ssyncset.done $0x0  }
0xc4: {  	s0 =	sadd.s32 s7, s31;
	[sflag:s19] =	ssyncadd.s32 $0xFFFFC000  }
0xc5: {  	s30 =	sand.u32 $0x1, s0;
	_ =	strace $0x90000071  }
0xc6: {  	s9 =	sadd.s32 $0x1, s30;
	_ =	strace $0x8000006F  }
0xc7: {  	_ =	swait.ge [sflag:s9], $0x4000  }
0xc8: {  	[sflag:s9] =	ssyncset.done $0x0  }
0xc9: {  	s7 =	sadd.s32 s7, s24;
	[sflag:s9] =	ssyncadd.s32 $0xFFFFC000  }
0xca: {  	s31 =	sand.u32 $0x1, s7;
	_ =	strace $0x9000006F  }
0xcb: {  	s9 =	sadd.s32 $0x3, s31;
	_ =	strace $0x80000070  }
0xcc: {  	_ =	swait.ge [sflag:s9], $0x80  }
0xcd: {  	[sflag:s9] =	ssyncset.done $0x0  }
0xce: {  	s0 =	sshll.u32 s0, $0xE;
	s7 =	sshll.u32 s7, $0x7;
	[sflag:s9] =	ssyncadd.s32 $0xFFFFFF80  }
0xcf: {  	s0 =	sand.u32 $0x4000, s0;
	s7 =	sand.u32 $0x80, s7;
	_ =	strace $0x90000070  }
0xd0: {  	s0 =	sadd.s32 $0x14000, s0;
	s7 =	sor.u32 $0x1C000, s7;
	_ =	strace $0x80000071  }
0xd1: {  	[spmem:s1] =	stream.indirect.scatter.add.f32 [tilespmem:s0], [sflag:$0x5], $0x80, s7, s18, $0x2000b8;
	[tilespmem:$0x1C100] =	vst v63  }
0xd2: {  	_ =	swait.ge [sflag:s19], $0x4000  }
0xd3: {  	[sflag:s19] =	ssyncset.done $0x0  }
0xd4: {  	[sflag:s19] =	ssyncadd.s32 $0xFFFFC000  }
0xd5: {  	s21 =	sadd.s32 $0x1, s21;
	_ =	strace $0x90000071  }
0xd6: {  	p1 =	sne.s32 s21, s14;
	s0 =	simm.s32 @!p0 $0x1C01;
	[bflag:$0x0] =	sbarrier.arrive $0xFFFF  }
0xd7: {  	[hbm:s13], [sflag:s0] =	dma.local @!p0 [spmem:s15], $0x28000  }
.Ltmp2:
0xd8: {  	_ = 	snop;
	(pc) =	sbr.rel @p1 .LBB2_1-.Ltmp2, $4  }
0xd9: {  	s0 =	simm.s32 @!p0 $0x1  }
0xda: {  	_ =	swait.ge @!p0 [sflag:s0], $0x28000  }
0xdb: {  	[sflag:s0] =	ssyncset.done @!p0 $0x0  }
0xdc: {  	[sflag:s0] =	ssyncadd.s32 @!p0 $0xFFFD8000  }
0xdd: {  	_ =	sfence.sel $0x180000  }
0xde: {  	[bflag:$0x0] =	sbarrier.arrive $0xFFFF  }
0xdf: {  	_ =	strace $0x90000065  }
0xe0: {  	[bflag:$0x2] =	sbarrier.arrive $0xFFFF  }
0xe1: {  	s0 =	rddreg [dreg:$0x2]  }
0xe2: {  	s0 =	sadd.s32 @!p0 $0x100000, s0  }
0xe3: {  	[sflag:s0] =	ssyncadd.tile.s32 @!p0 $0x1;
	_ =	shalt  }
.Lfunc_end2:
_tile_overlayer_lowered:
.L_overlay_start_2:
0xe4: {  	(tag) =	ssettag $0x2  }
0xe5: {  	s0 =	rddreg [dreg:$0x0];
	s2 =	stileid.u32  }
0xe6: {  	s1 =	rddreg [dreg:$0x1];
	p0 =	sne.s32 s2, $0x0  }
0xe7: {  	s3 =	rddreg [dreg:$0x2];
	[bflag:$0x3] =	sbarrier.arrive $0xFFFF;
	s2 =	simm.s32 @!p0 $0x1C01  }
0xe8: {  	[timem:s3], [sflag:s2] =	dma.local @!p0 [hbm:s0], s1  }
0xe9: {  	s0 =	simm.s32 @!p0 $0x1  }
0xea: {  	_ =	swait.ge @!p0 [sflag:s0], s1  }
0xeb: {  	s1 =	ssub.s32 @!p0 $0x0, s1;
	[sflag:s0] =	ssyncset.done @!p0 $0x0  }
0xec: {  	[sflag:s0] =	ssyncadd.s32 @!p0 s1  }
0xed: {  	[bflag:$0x3] =	sbarrier.arrive $0xFFFF  }
0xee: {  	_ =	shalt  }

// kernel: kernel.27.cloned.1.call-start
scs
__scs_entry_jumppad:
0x0: {  	(pc) =	sbr.rel $0x88, $3  }
0x1: {  	(tag) =	ssettag $0x0;
	lr =	simm.s32 $0x1  }
0x2: {  	[smem:$0x3F92] =	sst lr;
	_ =	strace $0xD0000000  }
0x3: {  	_ = 	snop  }
0x4: {  	_ = 	snop  }
0x5: {  	_ = 	snop  }
0x6: {  	_ = 	snop  }
0x7: {  	_ = 	snop  }
__scs_overlays_trampoline_lowered:
0x8: {  	[smem:$0x3FA1] =	sst s0  }
0x9: {  	[smem:$0x3FA2] =	sst s1  }
0xa: {  	[smem:$0x3FA3] =	sst s2  }
0xb: {  	[smem:$0x3FA4] =	sst s3  }
0xc: {  	[smem:$0x3FA5] =	sst s4  }
0xd: {  	[smem:$0x3FA6] =	sst s5  }
0xe: {  	[smem:$0x3FA7] =	sst s6  }
0xf: {  	[smem:$0x3FA8] =	sst s7  }
0x10: {  	[smem:$0x3FA9] =	sst s8  }
0x11: {  	[smem:$0x3FAA] =	sst s9;
	s0 =	simm.s32 @!p0 $0x0  }
0x12: {  	s1 =	sld [smem:$0x3F90];
	s0 =	simm.s32 @p0 $0x1  }
0x13: {  	[smem:$0x3FAB] =	sst s0;
	s0 =	simm.s32 @!p1 $0x0  }
0x14: {  	s2 =	sld [smem:$0x3F8F];
	s0 =	simm.s32 @p1 $0x1  }
0x15: {  	[smem:$0x3FAC] =	sst s0;
	s0 =	simm.s32 @!p2 $0x0  }
0x16: {  	s3 =	sld [smem:$0x3FDB];
	s0 =	simm.s32 @p2 $0x1  }
0x17: {  	s4 =	simm.s32 $0x1BF5;
	[smem:$0x3FAE] =	sst s0  }
0x18: {  	s0 =	sld [smem:$0x3F91];
	_ =	swait.ge [sflag:s4], $0x0  }
0x19: {  	s7 =	sld [smem:$0x3F92]  }
0x1a: {  	s8 =	sadd.s32 $0xFFFFE003, lr  }
0x1b: {  	s9 =	sadd.s32 $0xFFFFFEF7, lr;
	s5 =	simm.s32 $0xFFFFFFFF;
	p2 =	slt.u32 s8, $0xFFFFF086  }
0x1c: {  	p1 =	slt.u32 s9, $0xF7A;
	s5 =	simm.s32 @!p2 $0x0  }
0x1d: {  	s5 =	simm.s32 @p1 $0x1;
	p0 =	seq.s32 s7, s2  }
0x1e: {  	s7 =	smul.u32 @!p0 $0xF7A, s2;
	p2 =	seq.s32 @!p0 s5, $0x0  }
0x1f: {  	s9 =	smul.u32 $0xF7A, s1;
	s8 =	simm.s32 @!p0 $0x1BF5;
	p2 =	por !p2, p0  }
0x20: {  	[sflag:s8] =	ssyncset.s32 @!p0 $0xFFFFF086;
	s6 =	sadd.s32 @!p0 s3, s7;
	s7 =	simm.s32 @!p0 $0x108  }
0x21: {  	s3 =	sadd.s32 s3, s9;
	s6 =	sadd.s32 @!p0 $0x88, s6;
	s7 =	simm.s32 @p2 $0x1082  }
0x22: {  	[simem:s7], [sflag:s8] =	dma.local @!p0 [hbm:s6], $0xF7A  }
0x23: {  	s9 =	sor.u32 $0xD0000000, s2;
	s6 =	simm.s32 $0x108;
	_ =	swait.ge @!p0 [sflag:s8], $0x0  }
0x24: {  	s3 =	sadd.s32 $0x88, s3;
	s6 =	simm.s32 @!p1 $0x1082;
	[sflag:s4] =	ssyncset.s32 $0xFFFFF086  }
0x25: {  	[simem:s6], [sflag:s4] =	dma.local [hbm:s3], $0xF7A  }
0x26: {  	[smem:$0x3F92] =	sst s1;
	(tag) =	ssettag s2;
	_ =	strace s9  }
0x27: {  	s1 =	sld [smem:$0x3FA2]  }
0x28: {  	s2 =	sld [smem:$0x3FA3]  }
0x29: {  	s4 =	sld [smem:$0x3FA5]  }
0x2a: {  	p0 =	seq.s32 s5, $0x0;
	s5 =	sld [smem:$0x3FA6]  }
0x2b: {  	s6 =	sld [smem:$0x3FA7]  }
0x2c: {  	s7 =	sld [smem:$0x3FA8]  }
0x2d: {  	s3 =	simm.s32 $0x108;
	s8 =	sld [smem:$0x3FA9]  }
0x2e: {  	s3 =	simm.s32 @!p0 $0x1082;
	s9 =	sld [smem:$0x3FAA]  }
0x2f: {  	lr =	sadd.s32 s0, s3;
	s0 =	sld [smem:$0x3FA1]  }
0x30: {  	s3 =	sld [smem:$0x3FA4]  }
0x31: {  	[smem:$0x3FAD] =	sst s10  }
0x32: {  	s10 =	sld [smem:$0x3FAB];
	_ =	sdelay $0x3  }
0x33: {  	p0 =	seq.s32 s10, $0x1;
	s10 =	sld [smem:$0x3FAD];
	_ =	sdelay $0x3  }
0x34: {  	[smem:$0x3FAD] =	sst s10  }
0x35: {  	s10 =	sld [smem:$0x3FAC];
	_ =	sdelay $0x3  }
0x36: {  	p1 =	seq.s32 s10, $0x1;
	s10 =	sld [smem:$0x3FAD];
	_ =	sdelay $0x3  }
0x37: {  	[smem:$0x3FAD] =	sst s10  }
0x38: {  	s10 =	sld [smem:$0x3FAE]  }
0x39: {  	_ = 	snop;
	(pc) =	sbr.ind lr, $3  }
0x3a: {  	_ = 	snop  }
0x3b: {  	_ = 	snop  }
0x3c: {  	p2 =	seq.s32 s10, $0x1;
	s10 =	sld [smem:$0x3FAD]  }
0x3d: {  	_ =	shalt  }
0x3e: {  	_ =	shalt  }
0x3f: {  	_ =	shalt  }
0x40: {  	_ =	shalt  }
0x41: {  	_ =	shalt  }
0x42: {  	_ =	shalt  }
0x43: {  	_ =	shalt  }
0x44: {  	_ =	shalt  }
0x45: {  	_ =	shalt  }
0x46: {  	_ =	shalt  }
0x47: {  	_ =	shalt  }
0x48: {  	_ =	shalt  }
0x49: {  	_ =	shalt  }
0x4a: {  	_ =	shalt  }
0x4b: {  	_ =	shalt  }
0x4c: {  	_ =	shalt  }
0x4d: {  	_ =	shalt  }
0x4e: {  	_ =	shalt  }
0x4f: {  	_ =	shalt  }
0x50: {  	_ =	shalt  }
0x51: {  	_ =	shalt  }
0x52: {  	_ =	shalt  }
0x53: {  	_ =	shalt  }
0x54: {  	_ =	shalt  }
0x55: {  	_ =	shalt  }
0x56: {  	_ =	shalt  }
0x57: {  	_ =	shalt  }
0x58: {  	_ =	shalt  }
0x59: {  	_ =	shalt  }
0x5a: {  	_ =	shalt  }
0x5b: {  	_ =	shalt  }
0x5c: {  	_ =	shalt  }
0x5d: {  	_ =	shalt  }
0x5e: {  	_ =	shalt  }
0x5f: {  	_ =	shalt  }
0x60: {  	_ =	shalt  }
0x61: {  	_ =	shalt  }
0x62: {  	_ =	shalt  }
0x63: {  	_ =	shalt  }
0x64: {  	_ =	shalt  }
0x65: {  	_ =	shalt  }
0x66: {  	_ =	shalt  }
0x67: {  	_ =	shalt  }
0x68: {  	_ =	shalt  }
0x69: {  	_ =	shalt  }
0x6a: {  	_ =	shalt  }
0x6b: {  	_ =	shalt  }
0x6c: {  	_ =	shalt  }
0x6d: {  	_ =	shalt  }
0x6e: {  	_ =	shalt  }
0x6f: {  	_ =	shalt  }
0x70: {  	_ =	shalt  }
0x71: {  	_ =	shalt  }
0x72: {  	_ =	shalt  }
0x73: {  	_ =	shalt  }
0x74: {  	_ =	shalt  }
0x75: {  	_ =	shalt  }
0x76: {  	_ =	shalt  }
0x77: {  	_ =	shalt  }
0x78: {  	_ =	shalt  }
0x79: {  	_ =	shalt  }
0x7a: {  	_ =	shalt  }
0x7b: {  	_ =	shalt  }
0x7c: {  	_ =	shalt  }
0x7d: {  	_ =	shalt  }
0x7e: {  	_ =	shalt  }
0x7f: {  	_ =	shalt  }
0x80: {  	_ =	shalt  }
0x81: {  	_ =	shalt  }
0x82: {  	_ =	shalt  }
0x83: {  	_ =	shalt  }
0x84: {  	_ =	shalt  }
0x85: {  	_ =	shalt  }
0x86: {  	_ =	shalt  }
0x87: {  	_ =	shalt  }
.Lfunc_end0:
.L_simem_size_0:
called_computation.5_lowered:
.L_overlay_start_0:
0x88: {  	s2 =	sld [smem:$0x3FD9]  }
0x89: {  	s3 =	sld [smem:$0x3FFE];
	_ =	sdelay $0x1  }
0x8a: {  	s1 =	srdreg.scid  }
0x8b: {  	s0 =	sand.u32 $0x1, s1  }
0x8c: {  	s17 =	sshll.u32 s0, $0xA;
	s2 =	sadd.s32 s3, s2  }
0x8d: {  	s2 =	sadd.s32 s2, s17  }
0x8e: {  	[smem:$0x3FB9] =	sst s2  }
0x8f: {  	_ = 	snop  }
0x90: {  	s18 =	sld [smem:$0x3FD0];
	(tm) =	ssettm $0x1  }
0x91: {  	s19 =	sld [smem:$0x3FFB];
	_ =	sdelay $0x3  }
0x92: {  	_ =	strace s19  }
0x93: {  	s2 =	sld [smem:$0x3FFC];
	_ =	sdelay $0x3  }
0x94: {  	_ =	strace s2  }
0x95: {  	s2 =	sld [smem:$0x3FFD];
	_ =	sdelay $0x3  }
0x96: {  	_ =	strace s2  }
0x97: {  	_ =	strace $0x8FFFFFFF  }
0x98: {  	s20 =	sld [smem:$0x3FDB];
	_ =	sdelay $0x1  }
0x99: {  	s4 =	simm.s32 $_scs_section_size  }
0x9a: {  	s5 =	simm.s32 $_size__tile_overlayer_lowered;
	s6 =	simm.s32 $_tile_overlayer_lowered  }
0x9b: {  	s7 =	simm.s32 $0x1BFF;
	s21 =	sshll.u32 s6, $0x1;
	s4 =	sadd.s32 s4, s20  }
0x9c: {  	s22 =	simm.s32 $0x0;
	s5 =	sshll.u32 s5, $0x1;
	s6 =	sadd.s32 s21, s4  }
0x9d: {  	[timem:s22], [sflag:s7] =	dma.local [hbm:s6], s5  }
0x9e: {  	_ =	swait.ge [sflag:s7], s5  }
0x9f: {  	s5 =	ssub.s32 $0x0, s5;
	[sflag:s7] =	ssyncset.done $0x0  }
0xa0: {  	[sflag:s7] =	ssyncadd.s32 s5;
	_ =	sdelay $0x1  }
0xa1: {  	s23 =	simm.s32 $0x1B8B  }
0xa2: {  	_ =	swait.ge [sflag:s23], $0x1  }
0xa3: {  	[sflag:s23] =	ssyncset.done $0x0  }
0xa4: {  	[sflag:s23] =	ssyncadd.s32 $0xFFFFFFFF  }
0xa5: {  	s5 =	sld [smem:$0x0]  }
0xa6: {  	s6 =	sand.u32 $0xFFFFFFFE, s1  }
0xa7: {  	p0 =	sne.s32 s1, s6  }
0xa8: {  	s6 =	sshll.u32 @p0 s6, $0xE  }
0xa9: {  	s6 =	sadd.s32 @p0 $0x11B8D, s6;
	s7 =	sshll.u32 @p0 s5, $0x11  }
0xaa: {  	s6 =	sor.u32 @p0 s7, s6  }
0xab: {  	[sflag:s6] =	ssyncadd.remote.s32 @p0 $0x1;
	_ =	sdelay $0x1  }
0xac: {  	s6 =	simm.s32 @p0 $0x1B8D  }
0xad: {  	_ =	swait.eq @p0 [sflag:s6], $0x1  }
0xae: {  	[sflag:s6] =	ssyncadd.s32 @p0 $0xFFFFFFFF  }
0xaf: {  	s7 =	sshll.u32 @!p0 s1, $0xE  }
0xb0: {  	s7 =	sor.u32 @!p0 $0x4000, s7;
	s6 =	simm.s32 @!p0 $0x1B8D  }
0xb1: {  	s5 =	sshll.u32 @!p0 s5, $0x11;
	s7 =	sadd.s32 @!p0 $0x11B8D, s7;
	_ =	swait.eq @!p0 [sflag:s6], $0x1  }
0xb2: {  	s5 =	sor.u32 @!p0 s5, s7;
	[sflag:s6] =	ssyncadd.s32 @!p0 $0xFFFFFFFF  }
0xb3: {  	s25 =	simm.s32 $0x1B8E;
	s24 =	sld [smem:$0x3FFE];
	[sflag:s5] =	ssyncadd.remote.s32 @!p0 $0x1  }
0xb4: {  	s26 =	simm.s32 $execute0_lowered;
	[smem:$0x3FD2] =	sst s25  }
0xb5: {  	s6 =	sshll.u32 s26, $0x1;
	_ =	strace $0x80000073;
	[dreg:$0x1] =	wrdreg $0xFFFFFFFF  }
0xb6: {  	s28 =	simm.s32 $_size_execute0_lowered;
	s4 =	sadd.s32 s4, s6;
	[dreg:$0x0] =	wrdreg $0x0  }
0xb7: {  	s6 =	sshll.u32 s28, $0x1;
	[dreg:$0x2] =	wrdreg s4  }
0xb8: {  	[dreg:$0x3] =	wrdreg s6  }
0xb9: {  	[dreg:$0x4] =	wrdreg $0xC0  }
0xba: {  	_ =	task [dreg:s22], $0x5FFFF  }
0xbb: {  	[dreg:$0x1] =	wrdreg $0xFFFFFFFF  }
0xbc: {  	[dreg:$0x0] =	wrdreg $0x60  }
0xbd: {  	[dreg:$0x2] =	wrdreg s24  }
0xbe: {  	[dreg:$0x3] =	wrdreg s18  }
0xbf: {  	[dreg:$0x4] =	wrdreg $0x0  }
0xc0: {  	[dreg:$0x5] =	wrdreg $0xB  }
0xc1: {  	_ =	task.clear_ibuf [dreg:s22], $0x6FFFF;
	_ =	strace $0x90000073  }
0xc2: {  	s29 =	simm.s32 $0xB;
	_ =	strace $0x80000081  }
0xc3: {  	_ =	swait.ge [sflag:s29], $0x1  }
0xc4: {  	[sflag:s29] =	ssyncadd.s32 $0xFFFFFFFF  }
0xc5: {  	_ =	strace $0x90000081  }
0xc6: {  	_ =	sfence  }
0xc7: {  	s30 =	sld [smem:$0x0];
	_ =	sdelay $0x2  }
0xc8: {  	s31 =	sshll.u32 s1, $0xD;
	s1 =	sshrl.u32 s1, $0x2  }
0xc9: {  	s4 =	sand.u32 $0x4000, s31;
	s1 =	sadd.s32 s1, s30  }
0xca: {  	s0 =	sor.u32 s4, s0;
	s1 =	sshll.u32 s1, $0x11  }
0xcb: {  	s0 =	sor.u32 s1, s0  }
0xcc: {  	s0 =	sadd.s32 $0x8F2B, s0  }
0xcd: {  	[sflag:s0] =	ssyncadd.remote.s32 $0x1  }
0xce: {  	_ =	sfence.sel $0xFFFF  }
0xcf: {  	[dreg:$0x0] =	wrdreg $0xFFFFFFFF;
	(pc) =	sbr.abs _section_cstart, $3  }
0xd0: {  	[dreg:$0x1] =	wrdreg $0xFFFFFFFF  }
0xd1: {  	_ =	task.clear_ibuf [dreg:s22], $0x2FFFF;
	_ =	strace $0x9FFFFFFF  }
0xd2: {  	(tm) =	ssettm $0x7FFFFFFF  }
0xd3: {  	_ =	shalt  }
tec
execute0_lowered:
.L_overlay_start_1:
0x0: {  	(tag) =	ssettag $0x1  }
0x1: {  	s0 =	rddreg [dreg:$0x0]  }
0x2: {  	s1 =	rddreg [dreg:$0x1]  }
0x3: {  	s2 =	rddreg [dreg:$0x2];
	s3 =	simm.s32 $0x0  }
0x4: {  	s6 =	srdreg.scid;
	s13 =	stileid.u32;
	s18 =	simm.s32 $0x80  }
0x5: {  	s19 =	simm.s32 $0x5;
	s20 =	simm.s32 $0x1;
	s21 =	simm.s32 $0x0  }
0x6: {  	[smem:$0x7FF] =	sst s3;
	s4 =	sadd.s32 $0x95000, s0;
	s5 =	sadd.s32 $0xDB5000, s0  }
0x7: {  	s7 =	sand.u32 $0x1, s6;
	s6 =	sadd.s32 $0x5400, s0;
	s8 =	sadd.s32 $0x1D000, s0  }
0x8: {  	s25 =	smul.u32 $0x28000, s7;
	s9 =	ssub.s32 $0x2, s7;
	s7 =	sshll.u32 s7, $0x4  }
0x9: {  	p0 =	sne.s32 s13, $0x0;
	_ =	strace $0x80000074;
	s7 =	sor.u32 s13, s7  }
0xa: {  	[dreg:$0x4] =	wrdreg s8;
	s15 =	sshrl.u32 @!p0 s2, $0x3;
	s11 =	sshll.u32 s7, $0x10  }
0xb: {  	s26 =	sshrl.u32 s9, $0x1;
	s12 =	sshll.u32 s7, $0x9;
	s28 =	sadd.s32 s4, s11  }
0xc: {  	s0 =	sadd.s32 s25, s0;
	s29 =	sadd.s32 s1, s12;
	[dreg:$0x5] =	wrdreg s28  }
0xd: {  	s14 =	ssub.s32 s9, s26;
	s30 =	sadd.s32 s5, s11;
	[dreg:$0x6] =	wrdreg s29  }
0xe: {  	s8 =	sshll.u32 s7, $0x5;
	s31 =	sadd.s32 s6, s12;
	[dreg:$0x7] =	wrdreg s30  }
0xf: {  	s13 =	sadd.s32 $0x295000, s0;
	s14 =	smax.u32 s14, $0x1;
	[dreg:$0x8] =	wrdreg s31  }
.LBB2_1:
0x10: {  	s0 =	simm.s32 @!p0 $0x1C01  }
0x11: {  	s7 =	rddreg [dreg:$0x4];
	s26 =	simm.s32 $0x14000;
	s10 =	simm.s32 $0x1C000  }
0x12: {  	[spmem:s15], [sflag:s0] =	dma.local @!p0 [hbm:s7], $0x28000  }
0x13: {  	s22 =	simm.s32 $0x1;
	p1 =	por $0x0, $0x0;
	s0 =	simm.s32 @!p0 $0x1  }
0x14: {  	s11 =	simm.s32 $0x0;
	s12 =	sand.u32 $0x1, s3;
	_ =	swait.ge @!p0 [sflag:s0], $0x28000  }
0x15: {  	s16 =	simm.s32 $0x0;
	s22 =	simm.s32 @p1 $0x0;
	[sflag:s0] =	ssyncset.done @!p0 $0x0  }
0x16: {  	s31 =	simm.s32 $0x1;
	p1 =	seq.s32 s22, $0x0;
	[sflag:s0] =	ssyncadd.s32 @!p0 $0xFFFD8000  }
0x17: {  	s7 =	sand.u32 @!p1 $0x1, s20;
	s28 =	simm.s32 @!p1 $0x0;
	[bflag:$0x0] =	sbarrier.arrive $0xFFFF  }
0x18: {  	s0 =	sadd.s32 @!p1 s8, s22;
	s23 =	sshll.u32 @!p1 s7, $0xE;
	_ =	strace $0x80000075  }
0x19: {  	s29 =	sshll.u32 @!p1 s7, $0x7;
	s24 =	sshll.u32 @!p1 s0, $0xB;
	s25 =	rddreg [dreg:$0x5]  }
0x1a: {  	[tilespmem:s26], [sflag:$0x1] =	stream.linear.gather [hbm4b:s25+s3], $0x4000, $0x200038;
	[tilespmem:$0x1C100] =	vst v63  }
0x1b: {  	s23 =	sadd.s32 @!p1 $0x14000, s23;
	s29 =	sor.u32 @!p1 $0x1C000, s29;
	s9 =	rddreg [dreg:$0x6]  }
0x1c: {  	[tilespmem:s10], [sflag:$0x3] =	stream.linear.gather [hbm4b:s9+s3], $0x80, $0x200038;
	[tilespmem:$0x1C100] =	vst v63  }
0x1d: {  	s0 =	sshll.u32 @!p1 s0, $0x4;
	s24 =	sand.u32 @!p1 $0x1FFFF800, s24;
	_ =	strace $0x90000075  }
0x1e: {  	s24 =	sadd.s32 @!p1 s4, s24;
	s26 =	sadd.s32 @!p1 $0x1, s7;
	_ =	strace @!p1 $0x80000076  }
0x1f: {  	[tilespmem:s23], [sflag:s26] =	stream.linear.gather @!p1 [hbm4b:s24+s28], $0x4000, $0x200038;
	[tilespmem:$0x1C100] =	vst v63  }
0x20: {  	s30 =	simm.s32 @!p1 $0x1;
	s0 =	sand.u32 @!p1 $0x1FFFFFF0, s0;
	_ =	strace @!p1 $0x90000076  }
0x21: {  	s0 =	sadd.s32 @!p1 s1, s0;
	s7 =	sadd.s32 @!p1 $0x3, s7;
	_ =	strace @!p1 $0x80000077  }
0x22: {  	[tilespmem:s29], [sflag:s7] =	stream.linear.gather @!p1 [hbm4b:s0+s28], $0x80, $0x200038;
	[tilespmem:$0x1C100] =	vst v63  }
0x23: {  	s17 =	sadd.s32 $0x1, s12;
	s30 =	simm.s32 @p1 $0x0;
	_ =	strace @!p1 $0x90000077  }
0x24: {  	s25 =	simm.s32 $0x1D;
	s26 =	sadd.s32 $0x1, s30;
	_ =	strace $0x80000078  }
0x25: {  	s30 =	sadd.s32 $0x3, s12;
	s23 =	sand.u32 $0x4000, s11;
	_ =	swait.ge [sflag:s17], $0x4000  }
0x26: {  	s24 =	sadd.s32 $0x1, s22;
	s29 =	simm.s32 @!p1 $0x2;
	[sflag:s17] =	ssyncset.done $0x0  }
0x27: {  	s7 =	sand.u32 $0x80, s16;
	s0 =	sadd.s32 $0x14000, s23;
	[sflag:s17] =	ssyncadd.s32 $0xFFFFC000  }
0x28: {  	s28 =	simm.s32 $0x0;
	s29 =	smov.u32 @p1 s20;
	_ =	strace $0x90000078  }
0x29: {  	p1 =	sne.s32 s22, $0x0;
	s7 =	sor.u32 $0x1C000, s7;
	_ =	strace $0x80000079  }
0x2a: {  	s31 =	simm.s32 @!p1 $0x0;
	p1 =	seq.s32 s24, $0x20;
	_ =	swait.ge [sflag:s30], $0x80  }
0x2b: {  	s24 =	simm.s32 @p1 $0x0;
	s23 =	sadd.s32 $0x0, s31;
	[sflag:s30] =	ssyncset.done $0x0  }
.LBB2_2:
0x2c: {  	s16 =	smov.u32 s29  }
0x2d: {  	s25 =	sadd.s32 $0xFFFFFFFF, s25;
	p1 =	seq.s32 s22, s24;
	s28 =	sadd.s32 s31, s28  }
0x2e: {  	s29 =	sadd.s32 @!p1 s8, s24;
	s31 =	sand.u32 @!p1 $0x1, s16;
	[sflag:s30] =	ssyncadd.s32 $0xFFFFFF80  }
0x2f: {  	s30 =	sshll.u32 @!p1 s31, $0xE;
	s9 =	sshll.u32 @!p1 s29, $0xB;
	_ =	strace $0x90000079  }
0x30: {  	s17 =	sand.u32 @!p1 $0x1, s26;
	s9 =	sand.u32 @!p1 $0x1FFFF800, s9;
	_ =	strace $0x8000007A  }
0x31: {  	[spmem:s2] =	stream.indirect.scatter.add.f32 [tilespmem:s0], [sflag:$0x5], $0x80, s7, s18, $0x2000b8;
	[tilespmem:$0x1C100] =	vst v63  }
0x32: {  	s29 =	sshll.u32 @!p1 s29, $0x4;
	s0 =	sadd.s32 @!p1 $0x1, s31;
	s7 =	simm.s32 @!p1 $0x0  }
0x33: {  	s30 =	sadd.s32 @!p1 $0x14000, s30;
	s29 =	sand.u32 @!p1 $0x1FFFFFF0, s29;
	s31 =	sshll.u32 @!p1 s17, $0x7  }
0x34: {  	s10 =	simm.s32 @!p1 $0x1;
	s31 =	sor.u32 @!p1 $0x1C000, s31;
	_ =	swait.ge [sflag:s19], $0x4000  }
0x35: {  	s9 =	sadd.s32 @!p1 s4, s9;
	s17 =	sadd.s32 @!p1 $0x3, s17;
	[sflag:s19] =	ssyncset.done $0x0  }
0x36: {  	s10 =	simm.s32 @p1 $0x0;
	s11 =	sadd.s32 @!p1 s1, s29;
	[sflag:s19] =	ssyncadd.s32 $0xFFFFC000  }
0x37: {  	s26 =	sadd.s32 s26, s10;
	s10 =	sshll.u32 s28, $0xE;
	_ =	strace $0x9000007A  }
0x38: {  	s12 =	sshll.u32 s23, $0x7;
	s29 =	sand.u32 $0x1, s28;
	_ =	strace @!p1 $0x80000076  }
0x39: {  	[tilespmem:s30], [sflag:s0] =	stream.linear.gather @!p1 [hbm4b:s9+s7], $0x4000, $0x200038;
	[tilespmem:$0x1C100] =	vst v63  }
0x3a: {  	s0 =	sadd.s32 $0x1, s29;
	s9 =	sand.u32 $0x80, s12;
	_ =	strace @!p1 $0x90000076  }
0x3b: {  	s29 =	sadd.s32 @!p1 $0x1, s16;
	s12 =	sand.u32 $0x1, s23;
	_ =	strace @!p1 $0x80000077  }
0x3c: {  	[tilespmem:s31], [sflag:s17] =	stream.linear.gather @!p1 [hbm4b:s11+s7], $0x80, $0x200038;
	[tilespmem:$0x1C100] =	vst v63  }
0x3d: {  	s29 =	smov.u32 @p1 s16;
	s30 =	sadd.s32 $0x3, s12;
	_ =	strace @!p1 $0x90000077  }
0x3e: {  	p1 =	sne.s32 s25, $0x0;
	_ =	strace $0x80000078  }
0x3f: {  	p2 =	sne.s32 s22, s24;
	_ =	swait.ge [sflag:s0], $0x4000  }
0x40: {  	s22 =	smov.u32 s24;
	s31 =	simm.s32 $0x1;
	[sflag:s0] =	ssyncset.done $0x0  }
.Ltmp0:
0x41: {  	[sflag:s0] =	ssyncadd.s32 $0xFFFFC000;
	s0 =	sand.u32 $0x4000, s10;
	(pc) =	sbr.rel @p1 .LBB2_2-.Ltmp0, $4  }
0x42: {  	s24 =	sadd.s32 $0x1, s24;
	s31 =	simm.s32 @!p2 $0x0;
	_ =	strace $0x90000078  }
0x43: {  	p2 =	seq.s32 s24, $0x20;
	s0 =	sadd.s32 $0x14000, s0;
	_ =	strace $0x80000079  }
0x44: {  	s7 =	sor.u32 $0x1C000, s9;
	s24 =	simm.s32 @p2 $0x0;
	_ =	swait.ge [sflag:s30], $0x80  }
0x45: {  	s23 =	sadd.s32 s31, s23;
	[sflag:s30] =	ssyncset.done $0x0  }
0x46: {  	[sflag:s30] =	ssyncadd.s32 $0xFFFFFF80  }
0x47: {  	p1 =	seq.s32 s22, s24;
	_ =	strace $0x90000079  }
0x48: {  	s9 =	sadd.s32 @!p1 s8, s24;
	_ =	strace $0x8000007A  }
0x49: {  	[spmem:s2] =	stream.indirect.scatter.add.f32 [tilespmem:s0], [sflag:$0x5], $0x80, s7, s18, $0x2000b8;
	[tilespmem:$0x1C100] =	vst v63  }
0x4a: {  	s11 =	sand.u32 @!p1 $0x1, s26;
	s12 =	simm.s32 @!p1 $0x0;
	_ =	swait.ge [sflag:s19], $0x4000  }
0x4b: {  	s0 =	sand.u32 @!p1 $0x1, s29;
	s7 =	sshll.u32 @!p1 s9, $0xB;
	[sflag:s19] =	ssyncset.done $0x0  }
0x4c: {  	s9 =	sshll.u32 @!p1 s9, $0x4;
	s10 =	sshll.u32 @!p1 s0, $0xE;
	[sflag:s19] =	ssyncadd.s32 $0xFFFFC000  }
0x4d: {  	s7 =	sand.u32 @!p1 $0x1FFFF800, s7;
	s0 =	sadd.s32 @!p1 $0x1, s0;
	_ =	strace $0x9000007A  }
0x4e: {  	s10 =	sadd.s32 @!p1 $0x14000, s10;
	s7 =	sadd.s32 @!p1 s4, s7;
	_ =	strace @!p1 $0x80000076  }
0x4f: {  	[tilespmem:s10], [sflag:s0] =	stream.linear.gather @!p1 [hbm4b:s7+s12], $0x4000, $0x200038;
	[tilespmem:$0x1C100] =	vst v63  }
0x50: {  	s0 =	sshll.u32 @!p1 s11, $0x7;
	s7 =	sand.u32 @!p1 $0x1FFFFFF0, s9  }
0x51: {  	s9 =	sadd.s32 s31, s28;
	s10 =	sadd.s32 @!p1 $0x3, s11;
	_ =	strace @!p1 $0x90000076  }
0x52: {  	s0 =	sor.u32 @!p1 $0x1C000, s0;
	s7 =	sadd.s32 @!p1 s1, s7;
	_ =	strace @!p1 $0x80000077  }
0x53: {  	[tilespmem:s0], [sflag:s10] =	stream.linear.gather @!p1 [hbm4b:s7+s12], $0x80, $0x200038;
	[tilespmem:$0x1C100] =	vst v63  }
0x54: {  	s16 =	sand.u32 $0x1, s9;
	_ =	strace @!p1 $0x90000077  }
0x55: {  	s0 =	sadd.s32 $0x1, s16;
	_ =	strace $0x80000078  }
0x56: {  	_ =	swait.ge [sflag:s0], $0x4000  }
0x57: {  	[sflag:s0] =	ssyncset.done $0x0  }
0x58: {  	[sflag:s0] =	ssyncadd.s32 $0xFFFFC000  }
0x59: {  	s17 =	sand.u32 $0x1, s23;
	_ =	strace $0x90000078  }
0x5a: {  	s0 =	sadd.s32 $0x3, s17;
	_ =	strace $0x80000079  }
0x5b: {  	_ =	swait.ge [sflag:s0], $0x80  }
0x5c: {  	[sflag:s0] =	ssyncset.done $0x0  }
0x5d: {  	s26 =	sshll.u32 s23, $0x7;
	s25 =	sshll.u32 s9, $0xE;
	[sflag:s0] =	ssyncadd.s32 $0xFFFFFF80  }
0x5e: {  	s10 =	sand.u32 $0x80, s26;
	s7 =	sand.u32 $0x4000, s25;
	_ =	strace $0x90000079  }
0x5f: {  	s7 =	sadd.s32 $0x14000, s7;
	s0 =	sor.u32 $0x1C000, s10;
	_ =	strace $0x8000007A  }
0x60: {  	[spmem:s2] =	stream.indirect.scatter.add.f32 [tilespmem:s7], [sflag:$0x5], $0x80, s0, s18, $0x2000b8;
	[tilespmem:$0x1C100] =	vst v63  }
0x61: {  	p1 =	sne.s32 s22, s24;
	s0 =	simm.s32 $0x1;
	_ =	swait.ge [sflag:s19], $0x4000  }
0x62: {  	s0 =	simm.s32 @!p1 $0x0;
	[sflag:s19] =	ssyncset.done $0x0  }
0x63: {  	s11 =	sadd.s32 s0, s9;
	[sflag:s19] =	ssyncadd.s32 $0xFFFFC000  }
0x64: {  	s9 =	sand.u32 $0x1, s11;
	_ =	strace $0x9000007A  }
0x65: {  	s9 =	sadd.s32 $0x1, s9;
	_ =	strace $0x80000078  }
0x66: {  	_ =	swait.ge [sflag:s9], $0x4000  }
0x67: {  	[sflag:s9] =	ssyncset.done $0x0  }
0x68: {  	s0 =	sadd.s32 s0, s23;
	[sflag:s9] =	ssyncadd.s32 $0xFFFFC000  }
0x69: {  	s12 =	sand.u32 $0x1, s0;
	_ =	strace $0x90000078  }
0x6a: {  	s9 =	sadd.s32 $0x3, s12;
	_ =	strace $0x80000079  }
0x6b: {  	_ =	swait.ge [sflag:s9], $0x80  }
0x6c: {  	[sflag:s9] =	ssyncset.done $0x0  }
0x6d: {  	s7 =	sshll.u32 s11, $0xE;
	s0 =	sshll.u32 s0, $0x7;
	[sflag:s9] =	ssyncadd.s32 $0xFFFFFF80  }
0x6e: {  	s7 =	sand.u32 $0x4000, s7;
	s0 =	sand.u32 $0x80, s0;
	_ =	strace $0x90000079  }
0x6f: {  	s7 =	sadd.s32 $0x14000, s7;
	s0 =	sor.u32 $0x1C000, s0;
	_ =	strace $0x8000007A  }
0x70: {  	[spmem:s2] =	stream.indirect.scatter.add.f32 [tilespmem:s7], [sflag:$0x5], $0x80, s0, s18, $0x2000b8;
	[tilespmem:$0x1C100] =	vst v63  }
0x71: {  	_ =	swait.ge [sflag:s19], $0x4000  }
0x72: {  	[sflag:s19] =	ssyncset.done $0x0  }
0x73: {  	[sflag:s19] =	ssyncadd.s32 $0xFFFFC000  }
0x74: {  	_ =	strace $0x9000007A  }
0x75: {  	_ =	strace $0x8000007B  }
0x76: {  	s17 =	simm.s32 $0x14000;
	s23 =	simm.s32 $0x0;
	s16 =	rddreg [dreg:$0x7]  }
0x77: {  	[tilespmem:s17], [sflag:$0x1] =	stream.linear.gather [hbm4b:s16+s23], $0x4000, $0x200038;
	[tilespmem:$0x1C100] =	vst v63  }
0x78: {  	s31 =	simm.s32 $0x1;
	s24 =	simm.s32 $0x1C000;
	s22 =	rddreg [dreg:$0x8]  }
0x79: {  	[tilespmem:s24], [sflag:$0x3] =	stream.linear.gather [hbm4b:s22+s23], $0x80, $0x200038;
	[tilespmem:$0x1C100] =	vst v63  }
0x7a: {  	s26 =	simm.s32 $0x1D;
	p1 =	por $0x0, $0x0;
	s22 =	simm.s32 $0x1  }
0x7b: {  	s25 =	simm.s32 $0x0;
	s0 =	simm.s32 $0x1;
	s22 =	simm.s32 @p1 $0x0  }
0x7c: {  	s24 =	sand.u32 $0x4000, s25;
	_ =	strace $0x9000007B;
	p1 =	seq.s32 s22, $0x0  }
0x7d: {  	s7 =	sadd.s32 @!p1 s8, s22;
	s9 =	sand.u32 @!p1 $0x1, s0;
	s16 =	simm.s32 @!p1 $0x0  }
0x7e: {  	_ =	strace @!p1 $0x8000007C;
	s10 =	sshll.u32 @!p1 s7, $0xB;
	s11 =	sshll.u32 @!p1 s9, $0xE  }
0x7f: {  	s12 =	sadd.s32 @!p1 $0x1, s9;
	s7 =	sshll.u32 @!p1 s7, $0x4;
	s10 =	sand.u32 @!p1 $0x1FFFF800, s10  }
0x80: {  	s17 =	sshll.u32 @!p1 s9, $0x7;
	s11 =	sadd.s32 @!p1 $0x14000, s11;
	s10 =	sadd.s32 @!p1 s5, s10  }
0x81: {  	[tilespmem:s11], [sflag:s12] =	stream.linear.gather @!p1 [hbm4b:s10+s16], $0x4000, $0x200038;
	[tilespmem:$0x1C100] =	vst v63  }
0x82: {  	s9 =	sadd.s32 @!p1 $0x3, s9;
	s7 =	sand.u32 @!p1 $0x1FFFFFF0, s7;
	_ =	strace @!p1 $0x9000007C  }
0x83: {  	s7 =	sadd.s32 @!p1 s6, s7;
	s10 =	sor.u32 @!p1 $0x1C000, s17;
	_ =	strace @!p1 $0x8000007D  }
0x84: {  	[tilespmem:s10], [sflag:s9] =	stream.linear.gather @!p1 [hbm4b:s7+s16], $0x80, $0x200038;
	[tilespmem:$0x1C100] =	vst v63  }
0x85: {  	s25 =	sadd.s32 $0x1, s22;
	s12 =	sand.u32 $0x1, s23;
	_ =	strace @!p1 $0x9000007D  }
0x86: {  	s29 =	simm.s32 @!p1 $0x2;
	s17 =	sadd.s32 $0x1, s12;
	_ =	strace $0x8000007E  }
0x87: {  	s29 =	smov.u32 @p1 s0;
	s11 =	simm.s32 @!p1 $0x1;
	_ =	swait.ge [sflag:s17], $0x4000  }
0x88: {  	s0 =	sadd.s32 $0x14000, s24;
	s11 =	simm.s32 @p1 $0x0;
	[sflag:s17] =	ssyncset.done $0x0  }
0x89: {  	s30 =	sadd.s32 $0x3, s12;
	s28 =	sadd.s32 $0x1, s11;
	[sflag:s17] =	ssyncadd.s32 $0xFFFFC000  }
0x8a: {  	s16 =	simm.s32 $0x0;
	p1 =	sne.s32 s22, $0x0;
	_ =	strace $0x9000007E  }
0x8b: {  	s10 =	sand.u32 $0x80, s16;
	s31 =	simm.s32 @!p1 $0x0;
	_ =	strace $0x8000007F  }
0x8c: {  	p1 =	seq.s32 s25, $0x20;
	s7 =	sor.u32 $0x1C000, s10;
	_ =	swait.ge [sflag:s30], $0x80  }
0x8d: {  	s25 =	simm.s32 @p1 $0x0;
	s24 =	sadd.s32 $0x0, s31;
	[sflag:s30] =	ssyncset.done $0x0  }
.LBB2_4:
0x8e: {  	s9 =	smov.u32 s29  }
0x8f: {  	s26 =	sadd.s32 $0xFFFFFFFF, s26;
	p1 =	seq.s32 s22, s25;
	s23 =	sadd.s32 s31, s23  }
0x90: {  	s10 =	sadd.s32 @!p1 s8, s25;
	s11 =	sand.u32 @!p1 $0x1, s29;
	[sflag:s30] =	ssyncadd.s32 $0xFFFFFF80  }
0x91: {  	s12 =	sshll.u32 @!p1 s11, $0xE;
	s16 =	sshll.u32 @!p1 s10, $0xB;
	_ =	strace $0x9000007F  }
0x92: {  	s17 =	sand.u32 @!p1 $0x1, s28;
	s16 =	sand.u32 @!p1 $0x1FFFF800, s16;
	_ =	strace $0x80000080  }
0x93: {  	[spmem:s2] =	stream.indirect.scatter.add.f32 [tilespmem:s0], [sflag:$0x5], $0x80, s7, s18, $0x2000b8;
	[tilespmem:$0x1C100] =	vst v63  }
0x94: {  	s10 =	sshll.u32 @!p1 s10, $0x4;
	s0 =	sadd.s32 @!p1 $0x1, s11;
	s7 =	simm.s32 @!p1 $0x0  }
0x95: {  	s10 =	sand.u32 @!p1 $0x1FFFFFF0, s10;
	s11 =	sadd.s32 @!p1 $0x14000, s12;
	s12 =	sshll.u32 @!p1 s17, $0x7  }
0x96: {  	s29 =	simm.s32 @!p1 $0x1;
	s12 =	sor.u32 @!p1 $0x1C000, s12;
	_ =	swait.ge [sflag:s19], $0x4000  }
0x97: {  	s16 =	sadd.s32 @!p1 s5, s16;
	s17 =	sadd.s32 @!p1 $0x3, s17;
	[sflag:s19] =	ssyncset.done $0x0  }
0x98: {  	s29 =	simm.s32 @p1 $0x0;
	s10 =	sadd.s32 @!p1 s6, s10;
	[sflag:s19] =	ssyncadd.s32 $0xFFFFC000  }
0x99: {  	s31 =	sshll.u32 s23, $0xE;
	s28 =	sadd.s32 s28, s29;
	_ =	strace $0x90000080  }
0x9a: {  	s30 =	sshll.u32 s24, $0x7;
	s29 =	sand.u32 $0x1, s23;
	_ =	strace @!p1 $0x8000007C  }
0x9b: {  	[tilespmem:s11], [sflag:s0] =	stream.linear.gather @!p1 [hbm4b:s16+s7], $0x4000, $0x200038;
	[tilespmem:$0x1C100] =	vst v63  }
0x9c: {  	s0 =	sadd.s32 $0x1, s29;
	s11 =	sand.u32 $0x80, s30;
	_ =	strace @!p1 $0x9000007C  }
0x9d: {  	s29 =	sadd.s32 @!p1 $0x1, s9;
	s16 =	sand.u32 $0x1, s24;
	_ =	strace @!p1 $0x8000007D  }
0x9e: {  	[tilespmem:s12], [sflag:s17] =	stream.linear.gather @!p1 [hbm4b:s10+s7], $0x80, $0x200038;
	[tilespmem:$0x1C100] =	vst v63  }
0x9f: {  	s29 =	smov.u32 @p1 s9;
	s30 =	sadd.s32 $0x3, s16;
	_ =	strace @!p1 $0x9000007D  }
0xa0: {  	p1 =	sne.s32 s26, $0x0;
	_ =	strace $0x8000007E  }
0xa1: {  	_ =	swait.ge [sflag:s0], $0x4000  }
0xa2: {  	p2 =	sne.s32 s22, s25;
	s22 =	smov.u32 s25;
	[sflag:s0] =	ssyncset.done $0x0  }
0xa3: {  	[sflag:s0] =	ssyncadd.s32 $0xFFFFC000  }
.Ltmp1:
0xa4: {  	s0 =	sand.u32 $0x4000, s31;
	s31 =	simm.s32 $0x1;
	(pc) =	sbr.rel @p1 .LBB2_4-.Ltmp1, $4  }
0xa5: {  	s25 =	sadd.s32 $0x1, s25;
	_ =	strace $0x9000007E;
	s31 =	simm.s32 @!p2 $0x0  }
0xa6: {  	p2 =	seq.s32 s25, $0x20;
	s0 =	sadd.s32 $0x14000, s0;
	_ =	strace $0x8000007F  }
0xa7: {  	s7 =	sor.u32 $0x1C000, s11;
	s25 =	simm.s32 @p2 $0x0;
	_ =	swait.ge [sflag:s30], $0x80  }
0xa8: {  	s24 =	sadd.s32 s31, s24;
	[sflag:s30] =	ssyncset.done $0x0  }
0xa9: {  	[sflag:s30] =	ssyncadd.s32 $0xFFFFFF80  }
0xaa: {  	p1 =	seq.s32 s22, s25;
	s31 =	sadd.s32 s31, s23;
	_ =	strace $0x9000007F  }
0xab: {  	s9 =	sadd.s32 @!p1 s8, s25;
	s10 =	sand.u32 @!p1 $0x1, s29;
	_ =	strace $0x80000080  }
0xac: {  	[spmem:s2] =	stream.indirect.scatter.add.f32 [tilespmem:s0], [sflag:$0x5], $0x80, s7, s18, $0x2000b8;
	[tilespmem:$0x1C100] =	vst v63  }
0xad: {  	s12 =	simm.s32 @!p1 $0x0;
	s11 =	sshll.u32 @!p1 s9, $0xB;
	_ =	swait.ge [sflag:s19], $0x4000  }
0xae: {  	s9 =	sshll.u32 @!p1 s9, $0x4;
	s0 =	sshll.u32 @!p1 s10, $0xE;
	[sflag:s19] =	ssyncset.done $0x0  }
0xaf: {  	s7 =	sand.u32 @!p1 $0x1FFFF800, s11;
	s11 =	sand.u32 @!p1 $0x1, s28;
	[sflag:s19] =	ssyncadd.s32 $0xFFFFC000  }
0xb0: {  	s10 =	sadd.s32 @!p1 $0x1, s10;
	s9 =	sand.u32 @!p1 $0x1FFFFFF0, s9;
	_ =	strace $0x90000080  }
0xb1: {  	s0 =	sadd.s32 @!p1 $0x14000, s0;
	s7 =	sadd.s32 @!p1 s5, s7;
	_ =	strace @!p1 $0x8000007C  }
0xb2: {  	[tilespmem:s0], [sflag:s10] =	stream.linear.gather @!p1 [hbm4b:s7+s12], $0x4000, $0x200038;
	[tilespmem:$0x1C100] =	vst v63  }
0xb3: {  	s16 =	sshll.u32 @!p1 s11, $0x7;
	s9 =	sadd.s32 @!p1 s6, s9;
	_ =	strace @!p1 $0x9000007C  }
0xb4: {  	s7 =	sor.u32 @!p1 $0x1C000, s16;
	s10 =	sadd.s32 @!p1 $0x3, s11;
	_ =	strace @!p1 $0x8000007D  }
0xb5: {  	[tilespmem:s7], [sflag:s10] =	stream.linear.gather @!p1 [hbm4b:s9+s12], $0x80, $0x200038;
	[tilespmem:$0x1C100] =	vst v63  }
0xb6: {  	s17 =	sand.u32 $0x1, s31;
	_ =	strace @!p1 $0x9000007D  }
0xb7: {  	s7 =	sadd.s32 $0x1, s17;
	_ =	strace $0x8000007E  }
0xb8: {  	_ =	swait.ge [sflag:s7], $0x4000  }
0xb9: {  	[sflag:s7] =	ssyncset.done $0x0  }
0xba: {  	[sflag:s7] =	ssyncadd.s32 $0xFFFFC000  }
0xbb: {  	s23 =	sand.u32 $0x1, s24;
	_ =	strace $0x9000007E  }
0xbc: {  	s7 =	sadd.s32 $0x3, s23;
	_ =	strace $0x8000007F  }
0xbd: {  	_ =	swait.ge [sflag:s7], $0x80  }
0xbe: {  	[sflag:s7] =	ssyncset.done $0x0  }
0xbf: {  	s26 =	sshll.u32 s31, $0xE;
	s28 =	sshll.u32 s24, $0x7;
	[sflag:s7] =	ssyncadd.s32 $0xFFFFFF80  }
0xc0: {  	s29 =	sand.u32 $0x80, s28;
	s9 =	sand.u32 $0x4000, s26;
	_ =	strace $0x9000007F  }
0xc1: {  	s9 =	sadd.s32 $0x14000, s9;
	s7 =	sor.u32 $0x1C000, s29;
	_ =	strace $0x80000080  }
0xc2: {  	[spmem:s2] =	stream.indirect.scatter.add.f32 [tilespmem:s9], [sflag:$0x5], $0x80, s7, s18, $0x2000b8;
	[tilespmem:$0x1C100] =	vst v63  }
0xc3: {  	p1 =	sne.s32 s22, s25;
	s7 =	simm.s32 $0x1;
	_ =	swait.ge [sflag:s19], $0x4000  }
0xc4: {  	s7 =	simm.s32 @!p1 $0x0;
	[sflag:s19] =	ssyncset.done $0x0  }
0xc5: {  	s0 =	sadd.s32 s7, s31;
	[sflag:s19] =	ssyncadd.s32 $0xFFFFC000  }
0xc6: {  	s30 =	sand.u32 $0x1, s0;
	_ =	strace $0x90000080  }
0xc7: {  	s9 =	sadd.s32 $0x1, s30;
	_ =	strace $0x8000007E  }
0xc8: {  	_ =	swait.ge [sflag:s9], $0x4000  }
0xc9: {  	[sflag:s9] =	ssyncset.done $0x0  }
0xca: {  	s7 =	sadd.s32 s7, s24;
	[sflag:s9] =	ssyncadd.s32 $0xFFFFC000  }
0xcb: {  	s31 =	sand.u32 $0x1, s7;
	_ =	strace $0x9000007E  }
0xcc: {  	s9 =	sadd.s32 $0x3, s31;
	_ =	strace $0x8000007F  }
0xcd: {  	_ =	swait.ge [sflag:s9], $0x80  }
0xce: {  	[sflag:s9] =	ssyncset.done $0x0  }
0xcf: {  	s0 =	sshll.u32 s0, $0xE;
	s7 =	sshll.u32 s7, $0x7;
	[sflag:s9] =	ssyncadd.s32 $0xFFFFFF80  }
0xd0: {  	s0 =	sand.u32 $0x4000, s0;
	s7 =	sand.u32 $0x80, s7;
	_ =	strace $0x9000007F  }
0xd1: {  	s0 =	sadd.s32 $0x14000, s0;
	s7 =	sor.u32 $0x1C000, s7;
	_ =	strace $0x80000080  }
0xd2: {  	[spmem:s2] =	stream.indirect.scatter.add.f32 [tilespmem:s0], [sflag:$0x5], $0x80, s7, s18, $0x2000b8;
	[tilespmem:$0x1C100] =	vst v63  }
0xd3: {  	_ =	swait.ge [sflag:s19], $0x4000  }
0xd4: {  	[sflag:s19] =	ssyncset.done $0x0  }
0xd5: {  	[sflag:s19] =	ssyncadd.s32 $0xFFFFC000  }
0xd6: {  	s21 =	sadd.s32 $0x1, s21;
	_ =	strace $0x90000080  }
0xd7: {  	p1 =	sne.s32 s21, s14;
	s0 =	simm.s32 @!p0 $0x1C01;
	[bflag:$0x0] =	sbarrier.arrive $0xFFFF  }
0xd8: {  	[hbm:s13], [sflag:s0] =	dma.local @!p0 [spmem:s15], $0x28000  }
.Ltmp2:
0xd9: {  	_ = 	snop;
	(pc) =	sbr.rel @p1 .LBB2_1-.Ltmp2, $4  }
0xda: {  	s0 =	simm.s32 @!p0 $0x1  }
0xdb: {  	_ =	swait.ge @!p0 [sflag:s0], $0x28000  }
0xdc: {  	[sflag:s0] =	ssyncset.done @!p0 $0x0  }
0xdd: {  	[sflag:s0] =	ssyncadd.s32 @!p0 $0xFFFD8000  }
0xde: {  	_ =	sfence.sel $0x180000  }
0xdf: {  	[bflag:$0x0] =	sbarrier.arrive $0xFFFF  }
0xe0: {  	_ =	strace $0x90000074  }
0xe1: {  	[bflag:$0x2] =	sbarrier.arrive $0xFFFF  }
0xe2: {  	s0 =	rddreg [dreg:$0x3]  }
0xe3: {  	s0 =	sadd.s32 @!p0 $0x100000, s0  }
0xe4: {  	[sflag:s0] =	ssyncadd.tile.s32 @!p0 $0x1;
	_ =	shalt  }
.Lfunc_end2:
_tile_overlayer_lowered:
.L_overlay_start_2:
0xe5: {  	(tag) =	ssettag $0x2  }
0xe6: {  	s0 =	rddreg [dreg:$0x0];
	s2 =	stileid.u32  }
0xe7: {  	s1 =	rddreg [dreg:$0x1];
	p0 =	sne.s32 s2, $0x0  }
0xe8: {  	s3 =	rddreg [dreg:$0x2];
	[bflag:$0x3] =	sbarrier.arrive $0xFFFF;
	s2 =	simm.s32 @!p0 $0x1C01  }
0xe9: {  	[timem:s3], [sflag:s2] =	dma.local @!p0 [hbm:s0], s1  }
0xea: {  	s0 =	simm.s32 @!p0 $0x1  }
0xeb: {  	_ =	swait.ge @!p0 [sflag:s0], s1  }
0xec: {  	s1 =	ssub.s32 @!p0 $0x0, s1;
	[sflag:s0] =	ssyncset.done @!p0 $0x0  }
0xed: {  	[sflag:s0] =	ssyncadd.s32 @!p0 s1  }
0xee: {  	[bflag:$0x3] =	sbarrier.arrive $0xFFFF  }
0xef: {  	_ =	shalt  }

</sc_bundles>
